<compile_context>
chip_gen: v7x
topology: tpu7x:2x2x1
jax: 0.10.2.dev20260603
libtpu: 0.0.44.dev20260713+nightly
codegen_flags: <defaults>
</compile_context>

<pallas_src>
import functools

import jax
import jax.numpy as jnp
from jax import lax
from jax.experimental import pallas as pl
from jax.experimental.pallas import tpu as pltpu
from jax.experimental.pallas import tpu_sc as plsc

_NE = 320000
_NN = 10000
_L = 16
_NER = _NE // 8
_BR = 2000

_C = 80
_PT = _NE // 32
_NCH = _PT // _C
_NNP = 10240
_RT = _NNP // 16


def _mlpw(p):
    return p[0]["W"], p[0]["b"], p[1]["W"], p[1]["b"]



def _enc_edges_body(x, w1, bias1, w2, bias2, e0k, c, e0, pre):
    hv = jnp.maximum(x[...] @ w1[...] + bias1[...], 0.0)
    ev = hv @ w2[...] + bias2[...]
    e0[...] = ev
    pre[...] = ev @ e0k[...] + c[...]


def _call_enc_edges(edges_r, w1, bias1, w2, bias2, e0k, c):
    return pl.pallas_call(
        _enc_edges_body,
        grid=(_NER // _BR,),
        in_specs=[
            pl.BlockSpec((_BR, 128), lambda i: (i, 0)),
            pl.BlockSpec((128, 128), lambda i: (0, 0)),
            pl.BlockSpec((1, 128), lambda i: (0, 0)),
            pl.BlockSpec((128, 128), lambda i: (0, 0)),
            pl.BlockSpec((1, 128), lambda i: (0, 0)),
            pl.BlockSpec((128, 128), lambda i: (0, 0)),
            pl.BlockSpec((1, 128), lambda i: (0, 0)),
        ],
        out_specs=[pl.BlockSpec((_BR, 128), lambda i: (i, 0)),
                   pl.BlockSpec((_BR, 128), lambda i: (i, 0))],
        out_shape=[jax.ShapeDtypeStruct((_NER, 128), jnp.float32),
                   jax.ShapeDtypeStruct((_NER, 128), jnp.float32)],
    )(edges_r, w1, bias1, w2, bias2, e0k, c)


def _pre_body(hp, e0, w2k, b2t, eak, ebk, c, out):
    ev = hp[...] @ w2k[...] + b2t[...]
    out[...] = ev @ eak[...] + e0[...] @ ebk[...] + c[...]


def _call_pre(hp_r, e0_r, w2k, b2t, eak, ebk, c):
    return pl.pallas_call(
        _pre_body,
        grid=(_NER // _BR,),
        in_specs=[
            pl.BlockSpec((_BR, 128), lambda i: (i, 0)),
            pl.BlockSpec((_BR, 128), lambda i: (i, 0)),
            pl.BlockSpec((128, 128), lambda i: (0, 0)),
            pl.BlockSpec((1, 128), lambda i: (0, 0)),
            pl.BlockSpec((128, 128), lambda i: (0, 0)),
            pl.BlockSpec((128, 128), lambda i: (0, 0)),
            pl.BlockSpec((1, 128), lambda i: (0, 0)),
        ],
        out_specs=pl.BlockSpec((_BR, 128), lambda i: (i, 0)),
        out_shape=jax.ShapeDtypeStruct((_NER, 128), jnp.float32),
    )(hp_r, e0_r, w2k, b2t, eak, ebk, c)


def _dec_edges_body(h2, w2k, b2t, d1k, d1t, d2k, d2t, ok, ot, out):
    ev = h2[...] @ w2k[...] + b2t[...]
    t = jnp.maximum(ev @ d1k[...] + d1t[...], 0.0)
    u = t @ d2k[...] + d2t[...]
    out[...] = u @ ok[...] + ot[...]


def _call_dec_edges(h2_r, w2k, b2t, d1k, d1t, d2k, d2t, ok, ot):
    return pl.pallas_call(
        _dec_edges_body,
        grid=(_NER // _BR,),
        in_specs=[
            pl.BlockSpec((_BR, 128), lambda i: (i, 0)),
            pl.BlockSpec((128, 128), lambda i: (0, 0)),
            pl.BlockSpec((1, 128), lambda i: (0, 0)),
            pl.BlockSpec((128, 128), lambda i: (0, 0)),
            pl.BlockSpec((1, 128), lambda i: (0, 0)),
            pl.BlockSpec((128, 128), lambda i: (0, 0)),
            pl.BlockSpec((1, 128), lambda i: (0, 0)),
            pl.BlockSpec((128, 8), lambda i: (0, 0)),
            pl.BlockSpec((1, 8), lambda i: (0, 0)),
        ],
        out_specs=pl.BlockSpec((_BR, 8), lambda i: (i, 0)),
        out_shape=jax.ShapeDtypeStruct((_NER, 8), jnp.float32),
    )(h2_r, w2k, b2t, d1k, d1t, d2k, d2t, ok, ot)



def _enc_nodes_body(nodes, glob, wn1, bn1, wn2, bn2, wg1, bg1, wg2, bg2,
                    s0, r0, g0w, cst0, n0, g0, ns0, nr0, c0):
    n = jnp.maximum(nodes[...] @ wn1[...] + bn1[...], 0.0) @ wn2[...] + bn2[...]
    g = jnp.maximum(glob[...] @ wg1[...] + bg1[...], 0.0) @ wg2[...] + bg2[...]
    n0[...] = n
    g0[...] = g
    ns0[...] = n @ s0[...]
    nr0[...] = n @ r0[...]
    c0[...] = g @ g0w[...] + cst0[...]


def _call_enc_nodes(nodes, glob, weights):
    return pl.pallas_call(
        _enc_nodes_body,
        out_shape=[
            jax.ShapeDtypeStruct((_NN, _L), jnp.float32),
            jax.ShapeDtypeStruct((1, _L), jnp.float32),
            jax.ShapeDtypeStruct((_NN, _L), jnp.float32),
            jax.ShapeDtypeStruct((_NN, _L), jnp.float32),
            jax.ShapeDtypeStruct((1, _L), jnp.float32),
        ],
    )(nodes, glob, *weights)


def _stage_common(hsum, cnt, n_in, g_in, w2, b2,
                  wm1, bm1, wm2, bm2, wq1, bq1, wq2, bq2):
    chat = jnp.maximum(cnt, 1.0)
    mask = (cnt > 0.0).astype(jnp.float32)
    agg = (hsum @ w2) / chat + mask * b2
    gb = jnp.broadcast_to(g_in, (_NN, g_in.shape[1]))
    x = jnp.concatenate([agg, n_in, gb], axis=1)
    n_new = jnp.maximum(x @ wm1 + bm1, 0.0) @ wm2 + bm2
    esum = jnp.sum(hsum, axis=0, keepdims=True)
    mean_e = (esum * (1.0 / _NE)) @ w2 + b2
    mean_n = jnp.sum(n_new, axis=0, keepdims=True) * (1.0 / _NN)
    gx = jnp.concatenate([mean_e, mean_n, g_in], axis=1)
    g_new = jnp.maximum(gx @ wq1 + bq1, 0.0) @ wq2 + bq2
    return n_new, g_new


def _stage01_body(is_first, *refs):
    (hsumP, cref, npv, n0, gpv, g0, w2, b2,
     wm1, bm1, wm2, bm2, wq1, bq1, wq2, bq2,
     sa, sb, ra, rb, ga, gb_, cstn,
     n_out, g_out, cnt_out, ns_out, nr_out, c_out) = refs
    hsum = (hsumP[0] + hsumP[1])[0:_NN]
    if is_first:
        cnt = (cref[0] + cref[1])[0:_NN, 0:1]
        n_in = npv[...]
        g_in = gpv[...]
    else:
        cnt = cref[...]
        n_in = jnp.concatenate([npv[...], n0[...]], axis=1)
        g_in = jnp.concatenate([gpv[...], g0[...]], axis=1)
    n_new, g_new = _stage_common(hsum, cnt, n_in, g_in, w2[...], b2[...],
                                 wm1[...], bm1[...], wm2[...], bm2[...],
                                 wq1[...], bq1[...], wq2[...], bq2[...])
    n_out[...] = n_new
    g_out[...] = g_new
    cnt_out[...] = cnt
    ns_out[...] = n_new @ sa[...] + n0[...] @ sb[...]
    nr_out[...] = n_new @ ra[...] + n0[...] @ rb[...]
    c_out[...] = g_new @ ga[...] + g0[...] @ gb_[...] + cstn[...]


def _call_stage01(is_first, args):
    return pl.pallas_call(
        functools.partial(_stage01_body, is_first),
        compiler_params=pltpu.CompilerParams(vmem_limit_bytes=100 * 1024 * 1024),
        out_shape=[
            jax.ShapeDtypeStruct((_NN, _L), jnp.float32),
            jax.ShapeDtypeStruct((1, _L), jnp.float32),
            jax.ShapeDtypeStruct((_NN, 1), jnp.float32),
            jax.ShapeDtypeStruct((_NN, _L), jnp.float32),
            jax.ShapeDtypeStruct((_NN, _L), jnp.float32),
            jax.ShapeDtypeStruct((1, _L), jnp.float32),
        ],
    )(*args)


def _stage2_body(*refs):
    (hsumP, cref, npv, n0, gpv, g0, w2, b2,
     wm1, bm1, wm2, bm2, wq1, bq1, wq2, bq2,
     dn1, dnb1, dn2, dnb2, onw, onb, dg1, dgb1, dg2, dgb2, ogw, ogb,
     nout, gout) = refs
    hsum = (hsumP[0] + hsumP[1])[0:_NN]
    cnt = cref[...]
    n_in = jnp.concatenate([npv[...], n0[...]], axis=1)
    g_in = jnp.concatenate([gpv[...], g0[...]], axis=1)
    n_new, g_new = _stage_common(hsum, cnt, n_in, g_in, w2[...], b2[...],
                                 wm1[...], bm1[...], wm2[...], bm2[...],
                                 wq1[...], bq1[...], wq2[...], bq2[...])
    tn = jnp.maximum(n_new @ dn1[...] + dnb1[...], 0.0)
    un = tn @ dn2[...] + dnb2[...]
    nout[...] = un @ onw[...] + onb[...]
    tg = jnp.maximum(g_new @ dg1[...] + dgb1[...], 0.0)
    ug = tg @ dg2[...] + dgb2[...]
    gout[...] = ug @ ogw[...] + ogb[...]


def _call_stage2(args):
    return pl.pallas_call(
        _stage2_body,
        compiler_params=pltpu.CompilerParams(vmem_limit_bytes=100 * 1024 * 1024),
        out_shape=[
            jax.ShapeDtypeStruct((_NN, 2), jnp.float32),
            jax.ShapeDtypeStruct((1, 1), jnp.float32),
        ],
    )(*args)



def _make_sc_pass(with_count):
    mesh = plsc.VectorSubcoreMesh(core_axis_name="c", subcore_axis_name="s")
    outs = [
        jax.ShapeDtypeStruct((_NE, _L), jnp.float32),
        jax.ShapeDtypeStruct((2, _NNP, _L), jnp.float32),
    ]
    scratch = [
        pltpu.VMEM((_C,), jnp.int32),
        pltpu.VMEM((_C,), jnp.int32),
        pltpu.VMEM((_C, _L), jnp.float32),
        pltpu.VMEM((_C, _L), jnp.float32),
        pltpu.VMEM((_C, _L), jnp.float32),
        pltpu.VMEM((_C, _L), jnp.float32),
        pltpu.VMEM((_RT, _L), jnp.float32),
        pltpu.VMEM_SHARED((_NNP, _L), jnp.float32),
        pltpu.VMEM_SHARED((_NN, _L), jnp.float32),
        pltpu.VMEM_SHARED((_NN, _L), jnp.float32),
        pltpu.SemaphoreType.DMA,
        pltpu.SemaphoreType.DMA,
        pltpu.SemaphoreType.DMA,
    ]
    if with_count:
        outs.append(jax.ShapeDtypeStruct((2, _NNP, _L), jnp.float32))
        scratch += [
            pltpu.VMEM((_C, _L), jnp.float32),
            pltpu.VMEM_SHARED((_NNP, _L), jnp.float32),
        ]

    def body(pre_hbm, snd_hbm, rcv_hbm, ns_hbm, nr_hbm, *rest):
        if with_count:
            (h_hbm, hsum_hbm, cnt_hbm, ids, idr, prev, srow, rrow, hv, zbuf,
             hsum_sh, ns_sh, nr_sh, sem_ld, sem1, sem2, ones_v, cnt_sh) = rest
        else:
            (h_hbm, hsum_hbm, ids, idr, prev, srow, rrow, hv, zbuf,
             hsum_sh, ns_sh, nr_sh, sem_ld, sem1, sem2) = rest
        cid = lax.axis_index("c")
        sid = lax.axis_index("s")
        wid = cid * 16 + sid

        def zrow(i, carry):
            zbuf[i] = jnp.zeros((_L,), jnp.float32)
            return carry
        lax.fori_loop(0, _RT, zrow, 0)
        pltpu.sync_copy(zbuf, hsum_sh.at[pl.ds(sid * _RT, _RT)])
        if with_count:
            pltpu.sync_copy(zbuf, cnt_sh.at[pl.ds(sid * _RT, _RT)])

            def orow(i, carry):
                ones_v[i] = jnp.ones((_L,), jnp.float32)
                return carry
            lax.fori_loop(0, _C, orow, 0)
        slab = _NN // 16
        pltpu.sync_copy(ns_hbm.at[pl.ds(sid * slab, slab)],
                        zbuf.at[pl.ds(0, slab)])
        pltpu.sync_copy(zbuf.at[pl.ds(0, slab)],
                        ns_sh.at[pl.ds(sid * slab, slab)])
        pltpu.sync_copy(nr_hbm.at[pl.ds(sid * slab, slab)],
                        zbuf.at[pl.ds(0, slab)])
        pltpu.sync_copy(zbuf.at[pl.ds(0, slab)],
                        nr_sh.at[pl.ds(sid * slab, slab)])
        plsc.subcore_barrier()

        def chunk(k, carry):
            base = wid * _PT + k * _C
            l1 = pltpu.async_copy(snd_hbm.at[pl.ds(base, _C)], ids, sem_ld)
            l2 = pltpu.async_copy(rcv_hbm.at[pl.ds(base, _C)], idr, sem_ld)
            l3 = pltpu.async_copy(pre_hbm.at[pl.ds(base, _C)], prev, sem_ld)
            l1.wait()
            l2.wait()
            l3.wait()
            g1 = pltpu.async_copy(ns_sh.at[ids], srow, sem1)
            g2 = pltpu.async_copy(nr_sh.at[idr], rrow, sem2)
            g1.wait()
            g2.wait()

            def row(i, c2):
                hv[i] = jnp.maximum(prev[i] + srow[i] + rrow[i], 0.0)
                return c2
            lax.fori_loop(0, _C, row, 0, unroll=8)
            w1 = pltpu.async_copy(hv, h_hbm.at[pl.ds(base, _C)], sem1)
            w2 = pltpu.async_copy(hv, hsum_sh.at[idr], sem2, add=True)
            if with_count:
                w3 = pltpu.async_copy(ones_v, cnt_sh.at[idr], sem_ld, add=True)
            w1.wait()
            w2.wait()
            if with_count:
                w3.wait()
            return carry
        lax.fori_loop(0, _NCH, chunk, 0)

        plsc.subcore_barrier()
        pltpu.sync_copy(hsum_sh.at[pl.ds(sid * _RT, _RT)], zbuf)
        pltpu.sync_copy(zbuf, hsum_hbm.at[cid, pl.ds(sid * _RT, _RT)])
        if with_count:
            pltpu.sync_copy(cnt_sh.at[pl.ds(sid * _RT, _RT)], zbuf)
            pltpu.sync_copy(zbuf, cnt_hbm.at[cid, pl.ds(sid * _RT, _RT)])

    return pl.kernel(body, out_type=outs, scratch_types=scratch, mesh=mesh,
                     compiler_params=pltpu.CompilerParams(
                         use_tc_tiling_on_sc=False))


@functools.lru_cache(maxsize=2)
def _sc_pass_cached(with_count):
    return _make_sc_pass(with_count)


def _sc_pass_count(*args):
    return _sc_pass_cached(True)(*args)


def _sc_pass(*args):
    return _sc_pass_cached(False)(*args)



def kernel(nodes, edges, globals_, senders, receivers, params):
    p = params
    snd = senders.astype(jnp.int32)
    rcv = receivers.astype(jnp.int32)

    We1, be1, We2, be2 = _mlpw(p["enc"]["edge"])
    Wn1, bn1, Wn2, bn2 = _mlpw(p["enc"]["node"])
    Wg1, bg1, Wg2, bg2 = _mlpw(p["enc"]["glob"])

    W1 = [p["core%d" % i]["edge"][0]["W"] for i in range(3)]
    b1 = [p["core%d" % i]["edge"][0]["b"] for i in range(3)]
    W2 = [p["core%d" % i]["edge"][1]["W"] for i in range(3)]
    b2 = [p["core%d" % i]["edge"][1]["b"] for i in range(3)]

    E0, S0, R0, G0 = W1[0][0:16], W1[0][16:32], W1[0][32:48], W1[0][48:64]
    Ea, Eb, Sa, Sb, Ra, Rb, Ga, Gb = ({} for _ in range(8))
    for i in (1, 2):
        w = W1[i]
        Ea[i], Eb[i] = w[0:16], w[16:32]
        Sa[i], Sb[i] = w[32:48], w[48:64]
        Ra[i], Rb[i] = w[64:80], w[80:96]
        Ga[i], Gb[i] = w[96:112], w[112:128]

    eye8 = jnp.eye(8, dtype=jnp.float32)
    kron = lambda w: jnp.kron(eye8, w)
    t8 = lambda v: jnp.tile(v.reshape(1, -1), (1, 8))
    r1 = lambda v: v.reshape(1, -1)

    cst0 = r1(be2 @ E0 + b1[0])
    cstn = {i: r1(b2[i - 1] @ Ea[i] + be2 @ Eb[i] + b1[i]) for i in (1, 2)}

    enc_node_w = (Wn1, r1(bn1), Wn2, r1(bn2), Wg1, r1(bg1), Wg2, r1(bg2),
                  S0, R0, G0, cst0)
    n0, g0, ns0, nr0, c0 = _call_enc_nodes(nodes, globals_, enc_node_w)

    edges_r = edges.reshape(_NER, 128)
    e0_r, pre0_r = _call_enc_edges(edges_r, kron(We1), t8(be1),
                                   kron(We2), t8(be2),
                                   kron(E0), jnp.tile(c0, (1, 8)))

    def node_mlp_w(i):
        wm1, bm1, wm2, bm2 = _mlpw(p["core%d" % i]["node"])
        wq1, bq1, wq2, bq2 = _mlpw(p["core%d" % i]["glob"])
        return (wm1, r1(bm1), wm2, r1(bm2), wq1, r1(bq1), wq2, r1(bq2))

    h0, hsumP0, cntP0 = _sc_pass_count(pre0_r.reshape(_NE, _L), snd, rcv,
                                       ns0, nr0)
    args0 = (hsumP0, cntP0, n0, n0, g0, g0, W2[0], r1(b2[0]),
             *node_mlp_w(0), Sa[1], Sb[1], Ra[1], Rb[1], Ga[1], Gb[1], cstn[1])
    n1, g1, cnt, ns1, nr1, c1 = _call_stage01(True, args0)

    pre1_r = _call_pre(h0.reshape(_NER, 128), e0_r,
                       kron(W2[0]), t8(b2[0]), kron(Ea[1]), kron(Eb[1]),
                       jnp.tile(c1, (1, 8)))
    h1, hsumP1 = _sc_pass(pre1_r.reshape(_NE, _L), snd, rcv, ns1, nr1)
    args1 = (hsumP1, cnt, n1, n0, g1, g0, W2[1], r1(b2[1]),
             *node_mlp_w(1), Sa[2], Sb[2], Ra[2], Rb[2], Ga[2], Gb[2], cstn[2])
    n2, g2, _, ns2, nr2, c2 = _call_stage01(False, args1)

    pre2_r = _call_pre(h1.reshape(_NER, 128), e0_r,
                       kron(W2[1]), t8(b2[1]), kron(Ea[2]), kron(Eb[2]),
                       jnp.tile(c2, (1, 8)))
    h2, hsumP2 = _sc_pass(pre2_r.reshape(_NE, _L), snd, rcv, ns2, nr2)

    De1, de1, De2, de2 = _mlpw(p["dec"]["edge"])
    Dn1, dn1, Dn2, dn2 = _mlpw(p["dec"]["node"])
    Dg1, dg1, Dg2, dg2 = _mlpw(p["dec"]["glob"])
    Oe, oe = p["out"]["edge"]["W"], p["out"]["edge"]["b"]
    On, on = p["out"]["node"]["W"], p["out"]["node"]["b"]
    Og, og = p["out"]["glob"]["W"], p["out"]["glob"]["b"]

    args2 = (hsumP2, cnt, n2, n0, g2, g0, W2[2], r1(b2[2]), *node_mlp_w(2),
             Dn1, r1(dn1), Dn2, r1(dn2), On, r1(on),
             Dg1, r1(dg1), Dg2, r1(dg2), Og, r1(og))
    out_n, out_g = _call_stage2(args2)

    oute_r = _call_dec_edges(h2.reshape(_NER, 128),
                             kron(W2[2]), t8(b2[2]),
                             kron(De1), t8(de1), kron(De2), t8(de2),
                             kron(Oe), t8(oe))
    out_e = oute_r.reshape(_NE, 1)

    return out_n, out_e, out_g

# --- scband reference (transcript-rebuilt; emitter-appended) ---
"""Pipeline reference for scband-encode-process-decode-non-recurrent-38912403702318 (READ-ONLY COPY).

The authoritative reference and input builder live on the scoring server;
editing this copy changes nothing except your own understanding.
"""

import jax, jax.numpy as jnp
import numpy as np

N_NODES = 10000
N_EDGES = 320000
D_FEAT = 128
D_EDGE = 16
D_GLOB = 16
LATENT = 16
NUM_CORES = 3
NODE_OUT = 2
EDGE_OUT = 1
GLOB_OUT = 1


def _dense(key, din, dout):
    return {"W": jax.random.normal(key, (din, dout), dtype=jnp.float32) * (1.0 / np.sqrt(din)),
            "b": jnp.zeros((dout,), dtype=jnp.float32)}


def _mlp(key, din, latent=LATENT):
    k1, k2 = jax.random.split(key)
    return [_dense(k1, din, latent), _dense(k2, latent, latent)]


def _mlp_apply(p, x):
    h = jax.nn.relu(x @ p[0]["W"] + p[0]["b"])
    return h @ p[1]["W"] + p[1]["b"]


def _dense_apply(p, x):
    return x @ p["W"] + p["b"]


def _segment_mean(data, ids, num):
    s = jax.ops.segment_sum(data, ids, num_segments=num)
    c = jax.ops.segment_sum(jnp.ones((data.shape[0], 1), data.dtype), ids, num_segments=num)
    return s / jnp.maximum(c, 1.0)


def make_params(key):
    keys = jax.random.split(key, 18)
    p = {}
    p["enc"] = {"edge": _mlp(keys[0], D_EDGE), "node": _mlp(keys[1], D_FEAT), "glob": _mlp(keys[2], D_GLOB)}
    idx = 3
    for i in range(NUM_CORES):
        d = LATENT if i == 0 else 2 * LATENT
        p["core%d" % i] = {
            "edge": _mlp(keys[idx], d + 2 * d + d),
            "node": _mlp(keys[idx + 1], LATENT + d + d),
            "glob": _mlp(keys[idx + 2], LATENT + LATENT + d),
        }
        idx += 3
    p["dec"] = {"edge": _mlp(keys[idx], LATENT), "node": _mlp(keys[idx + 1], LATENT), "glob": _mlp(keys[idx + 2], LATENT)}
    p["out"] = {"edge": _dense(keys[15], LATENT, EDGE_OUT), "node": _dense(keys[16], LATENT, NODE_OUT), "glob": _dense(keys[17], LATENT, GLOB_OUT)}
    return p


def setup_inputs(seed: int = 0):
    key = jax.random.key(seed)
    k = jax.random.split(key, 6)
    nodes = jax.random.normal(k[0], (N_NODES, D_FEAT), dtype=jnp.float32)
    edges = jax.random.normal(k[1], (N_EDGES, D_EDGE), dtype=jnp.float32)
    globals_ = jax.random.normal(k[2], (1, D_GLOB), dtype=jnp.float32)
    senders = jax.random.randint(k[3], (N_EDGES,), 0, N_NODES)
    receivers = jax.random.randint(k[4], (N_EDGES,), 0, N_NODES)
    params = make_params(k[5])
    return {"nodes": nodes, "edges": edges, "globals_": globals_, "senders": senders, "receivers": receivers, "params": params}


def _graph_net(p, nodes, edges, globals_, senders, receivers):
    n_e = edges.shape[0]
    g_e = jnp.broadcast_to(globals_, (n_e, globals_.shape[-1]))
    edges_new = _mlp_apply(p["edge"], jnp.concatenate([edges, nodes[senders], nodes[receivers], g_e], axis=1))
    agg = _segment_mean(edges_new, receivers, nodes.shape[0])
    g_n = jnp.broadcast_to(globals_, (nodes.shape[0], globals_.shape[-1]))
    nodes_new = _mlp_apply(p["node"], jnp.concatenate([agg, nodes, g_n], axis=1))
    glob_new = _mlp_apply(p["glob"], jnp.concatenate([jnp.mean(edges_new, axis=0, keepdims=True), jnp.mean(nodes_new, axis=0, keepdims=True), globals_], axis=1))
    return nodes_new, edges_new, glob_new


def _forward(params, nodes, edges, globals_, senders, receivers):
    n = _mlp_apply(params["enc"]["node"], nodes)
    e = _mlp_apply(params["enc"]["edge"], edges)
    g = _mlp_apply(params["enc"]["glob"], globals_)
    n0, e0, g0 = n, e, g
    for i in range(NUM_CORES):
        if i != 0:
            n_in = jnp.concatenate([n, n0], axis=1)
            e_in = jnp.concatenate([e, e0], axis=1)
            g_in = jnp.concatenate([g, g0], axis=1)
        else:
            n_in, e_in, g_in = n, e, g
        n, e, g = _graph_net(params["core%d" % i], n_in, e_in, g_in, senders, receivers)
    n = _mlp_apply(params["dec"]["node"], n)
    e = _mlp_apply(params["dec"]["edge"], e)
    g = _mlp_apply(params["dec"]["glob"], g)
    return (_dense_apply(params["out"]["node"], n),
            _dense_apply(params["out"]["edge"], e),
            _dense_apply(params["out"]["glob"], g))


def reference(nodes, edges, globals_, senders, receivers, params):
    return _forward(params, nodes, edges, globals_, senders, receivers)

if __name__ == "__main__":
    import jax
    _d = setup_inputs()
    print(jax.jit(kernel)(*tuple(_d.values())))

</pallas_src>

<mosaic_0001>
#map = affine_map<(d0, d1) -> (0, 0)>
#map1 = affine_map<(d0, d1) -> (0)>
#map2 = affine_map<(d0, d1) -> (0, 0, 0)>
module attributes {stable_mosaic.version = 14 : i64} {
  func.func @body(%arg0: i32, %arg1: i32, %arg2: memref<320000x16xf32, #tpu.memory_space<hbm>>, %arg3: memref<320000xi32, #tpu.memory_space<hbm>>, %arg4: memref<320000xi32, #tpu.memory_space<hbm>>, %arg5: memref<10000x16xf32, #tpu.memory_space<hbm>>, %arg6: memref<10000x16xf32, #tpu.memory_space<hbm>>, %arg7: memref<320000x16xf32, #tpu.memory_space<hbm>>, %arg8: memref<2x10240x16xf32, #tpu.memory_space<hbm>>, %arg9: memref<2x10240x16xf32, #tpu.memory_space<hbm>>, %arg10: memref<80xi32, #tpu.memory_space<vmem>>, %arg11: memref<80xi32, #tpu.memory_space<vmem>>, %arg12: memref<80x16xf32, #tpu.memory_space<vmem>>, %arg13: memref<80x16xf32, #tpu.memory_space<vmem>>, %arg14: memref<80x16xf32, #tpu.memory_space<vmem>>, %arg15: memref<80x16xf32, #tpu.memory_space<vmem>>, %arg16: memref<640x16xf32, #tpu.memory_space<vmem>>, %arg17: memref<10240x16xf32, #tpu.memory_space<vmem_shared>>, %arg18: memref<10000x16xf32, #tpu.memory_space<vmem_shared>>, %arg19: memref<10000x16xf32, #tpu.memory_space<vmem_shared>>, %arg20: memref<!tpu.dma_semaphore, #tpu.memory_space<semaphore_mem>>, %arg21: memref<!tpu.dma_semaphore, #tpu.memory_space<semaphore_mem>>, %arg22: memref<!tpu.dma_semaphore, #tpu.memory_space<semaphore_mem>>, %arg23: memref<80x16xf32, #tpu.memory_space<vmem>>, %arg24: memref<10240x16xf32, #tpu.memory_space<vmem_shared>>) attributes {dimension_semantics = [#tpu.dimension_semantics<core_parallel>, #tpu.dimension_semantics<subcore_parallel>], iteration_bounds = array<i64: 2, 16>, scalar_prefetch = 0 : i64, scratch_operands = 15 : i64, tpu.core_type = #tpu.core_type<sc_vector_subcore>, window_params = [{transform_indices = #map}, {transform_indices = #map1}, {transform_indices = #map1}, {transform_indices = #map}, {transform_indices = #map}, {transform_indices = #map}, {transform_indices = #map2}, {transform_indices = #map2}]} {
    %mul3A = arith.constant 16 : i32
    %mul3A_0 = arith.muli %arg0, %mul3A : i32
    %add3A = arith.addi %mul3A_0, %arg1 : i32
    %scan3A = arith.constant 0 : i32
    %scan3A_1 = arith.constant 0 : i32
    %scan3A_2 = arith.constant 640 : i32
    %scan3A_3 = arith.addi %scan3A_1, %scan3A_2 : i32
    %scan3A_4 = arith.constant 1 : i32
    scf.for %scan3A_39 = %scan3A_1 to %scan3A_3 step %scan3A_4  : i32 {
      %broadcast_in_dim3A = arith.constant 0.000000e+00 : f32
      %broadcast_in_dim3A_40 = vector.broadcast %broadcast_in_dim3A : f32 to vector<16xf32>
      %swap3A = arith.index_cast %scan3A_39 : i32 to index
      %swap3A_41 = arith.constant 0 : index
      %swap3A_42 = tpu.vector_load %arg16[%swap3A, %swap3A_41] {strides = array<i32>} : memref<640x16xf32, #tpu.memory_space<vmem>>, vector<1x16xf32>,
      %swap3A_43 = vector.shape_cast %swap3A_42 : vector<1x16xf32> to vector<16xf32>
      %swap3A_44 = vector.shape_cast %broadcast_in_dim3A_40 : vector<16xf32> to vector<1x16xf32>
      tpu.vector_store %arg16[%swap3A, %swap3A_41], %swap3A_44 {strides = array<i32>} : memref<640x16xf32, #tpu.memory_space<vmem>>, vector<1x16xf32>,
    }
    %scan3A_5 = arith.constant 640 : i32
    %mul3A_6 = arith.constant 640 : i32
    %mul3A_7 = arith.muli %arg1, %mul3A_6 : i32
    "tpu.region"() ({
      %run_scoped3A = tpu.sem_alloc : memref<!tpu.dma_semaphore, #tpu.memory_space<semaphore_mem>>
      %dma_start3A = arith.constant 0 : i32
      %dma_start3A_39 = tpu.memref_slice %arg17[%mul3A_7, %dma_start3A] : memref<10240x16xf32, #tpu.memory_space<vmem_shared>> -> memref<640x16xf32, #tpu.memory_space<vmem_shared>>
      %dma_start3A_40 = arith.constant 0 : i32
      %dma_start3A_41 = tpu.memref_slice %arg17[%mul3A_7, %dma_start3A_40] : memref<10240x16xf32, #tpu.memory_space<vmem_shared>> -> memref<640x16xf32, #tpu.memory_space<vmem_shared>>
      tpu.enqueue_dma source(%arg16 : memref<640x16xf32, #tpu.memory_space<vmem>>) target(%dma_start3A_41 : memref<640x16xf32, #tpu.memory_space<vmem_shared>>) target_semaphore(%run_scoped3A : memref<!tpu.dma_semaphore, #tpu.memory_space<semaphore_mem>>)
      %dma_wait3A = arith.constant 0 : i32
      %dma_wait3A_42 = tpu.memref_slice %arg17[%mul3A_7, %dma_wait3A] : memref<10240x16xf32, #tpu.memory_space<vmem_shared>> -> memref<640x16xf32, #tpu.memory_space<vmem_shared>>
      %dma_wait3A_43 = arith.constant 0 : i32
      %dma_wait3A_44 = tpu.memref_slice %arg17[%mul3A_7, %dma_wait3A_43] : memref<10240x16xf32, #tpu.memory_space<vmem_shared>> -> memref<640x16xf32, #tpu.memory_space<vmem_shared>>
      tpu.wait_dma2 semaphore(%run_scoped3A : memref<!tpu.dma_semaphore, #tpu.memory_space<semaphore_mem>>) src(%arg16 : memref<640x16xf32, #tpu.memory_space<vmem>>) dst(%dma_wait3A_44 : memref<640x16xf32, #tpu.memory_space<vmem_shared>>)
      tpu.yield
    }) : () -> ()
    %mul3A_8 = arith.constant 640 : i32
    %mul3A_9 = arith.muli %arg1, %mul3A_8 : i32
    "tpu.region"() ({
      %run_scoped3A = tpu.sem_alloc : memref<!tpu.dma_semaphore, #tpu.memory_space<semaphore_mem>>
      %dma_start3A = arith.constant 0 : i32
      %dma_start3A_39 = tpu.memref_slice %arg24[%mul3A_9, %dma_start3A] : memref<10240x16xf32, #tpu.memory_space<vmem_shared>> -> memref<640x16xf32, #tpu.memory_space<vmem_shared>>
      %dma_start3A_40 = arith.constant 0 : i32
      %dma_start3A_41 = tpu.memref_slice %arg24[%mul3A_9, %dma_start3A_40] : memref<10240x16xf32, #tpu.memory_space<vmem_shared>> -> memref<640x16xf32, #tpu.memory_space<vmem_shared>>
      tpu.enqueue_dma source(%arg16 : memref<640x16xf32, #tpu.memory_space<vmem>>) target(%dma_start3A_41 : memref<640x16xf32, #tpu.memory_space<vmem_shared>>) target_semaphore(%run_scoped3A : memref<!tpu.dma_semaphore, #tpu.memory_space<semaphore_mem>>)
      %dma_wait3A = arith.constant 0 : i32
      %dma_wait3A_42 = tpu.memref_slice %arg24[%mul3A_9, %dma_wait3A] : memref<10240x16xf32, #tpu.memory_space<vmem_shared>> -> memref<640x16xf32, #tpu.memory_space<vmem_shared>>
      %dma_wait3A_43 = arith.constant 0 : i32
      %dma_wait3A_44 = tpu.memref_slice %arg24[%mul3A_9, %dma_wait3A_43] : memref<10240x16xf32, #tpu.memory_space<vmem_shared>> -> memref<640x16xf32, #tpu.memory_space<vmem_shared>>
      tpu.wait_dma2 semaphore(%run_scoped3A : memref<!tpu.dma_semaphore, #tpu.memory_space<semaphore_mem>>) src(%arg16 : memref<640x16xf32, #tpu.memory_space<vmem>>) dst(%dma_wait3A_44 : memref<640x16xf32, #tpu.memory_space<vmem_shared>>)
      tpu.yield
    }) : () -> ()
    %scan3A_10 = arith.constant 0 : i32
    %scan3A_11 = arith.constant 0 : i32
    %scan3A_12 = arith.constant 80 : i32
    %scan3A_13 = arith.addi %scan3A_11, %scan3A_12 : i32
    %scan3A_14 = arith.constant 1 : i32
    scf.for %scan3A_39 = %scan3A_11 to %scan3A_13 step %scan3A_14  : i32 {
      %broadcast_in_dim3A = arith.constant 1.000000e+00 : f32
      %broadcast_in_dim3A_40 = vector.broadcast %broadcast_in_dim3A : f32 to vector<16xf32>
      %swap3A = arith.index_cast %scan3A_39 : i32 to index
      %swap3A_41 = arith.constant 0 : index
      %swap3A_42 = tpu.vector_load %arg23[%swap3A, %swap3A_41] {strides = array<i32>} : memref<80x16xf32, #tpu.memory_space<vmem>>, vector<1x16xf32>,
      %swap3A_43 = vector.shape_cast %swap3A_42 : vector<1x16xf32> to vector<16xf32>
      %swap3A_44 = vector.shape_cast %broadcast_in_dim3A_40 : vector<16xf32> to vector<1x16xf32>
      tpu.vector_store %arg23[%swap3A, %swap3A_41], %swap3A_44 {strides = array<i32>} : memref<80x16xf32, #tpu.memory_space<vmem>>, vector<1x16xf32>,
    }
    %scan3A_15 = arith.constant 80 : i32
    %mul3A_16 = arith.constant 625 : i32
    %mul3A_17 = arith.muli %arg1, %mul3A_16 : i32
    "tpu.region"() ({
      %run_scoped3A = tpu.sem_alloc : memref<!tpu.dma_semaphore, #tpu.memory_space<semaphore_mem>>
      %dma_start3A = arith.constant 0 : i32
      %dma_start3A_39 = arith.constant 0 : i32
      %dma_start3A_40 = tpu.memref_slice %arg16[%dma_start3A, %dma_start3A_39] : memref<640x16xf32, #tpu.memory_space<vmem>> -> memref<625x16xf32, #tpu.memory_space<vmem>>
      %dma_start3A_41 = arith.constant 0 : i32
      %dma_start3A_42 = tpu.memref_slice %arg5[%mul3A_17, %dma_start3A_41] : memref<10000x16xf32, #tpu.memory_space<hbm>> -> memref<625x16xf32, #tpu.memory_space<hbm>>
      %dma_start3A_43 = arith.constant 0 : i32
      %dma_start3A_44 = arith.constant 0 : i32
      %dma_start3A_45 = tpu.memref_slice %arg16[%dma_start3A_43, %dma_start3A_44] : memref<640x16xf32, #tpu.memory_space<vmem>> -> memref<625x16xf32, #tpu.memory_space<vmem>>
      %dma_start3A_46 = arith.constant 0 : i32
      %dma_start3A_47 = tpu.memref_slice %arg5[%mul3A_17, %dma_start3A_46] : memref<10000x16xf32, #tpu.memory_space<hbm>> -> memref<625x16xf32, #tpu.memory_space<hbm>>
      tpu.enqueue_dma source(%dma_start3A_47 : memref<625x16xf32, #tpu.memory_space<hbm>>) target(%dma_start3A_45 : memref<625x16xf32, #tpu.memory_space<vmem>>) target_semaphore(%run_scoped3A : memref<!tpu.dma_semaphore, #tpu.memory_space<semaphore_mem>>)
      %dma_wait3A = arith.constant 0 : i32
      %dma_wait3A_48 = arith.constant 0 : i32
      %dma_wait3A_49 = tpu.memref_slice %arg16[%dma_wait3A, %dma_wait3A_48] : memref<640x16xf32, #tpu.memory_space<vmem>> -> memref<625x16xf32, #tpu.memory_space<vmem>>
      %dma_wait3A_50 = arith.constant 0 : i32
      %dma_wait3A_51 = tpu.memref_slice %arg5[%mul3A_17, %dma_wait3A_50] : memref<10000x16xf32, #tpu.memory_space<hbm>> -> memref<625x16xf32, #tpu.memory_space<hbm>>
      %dma_wait3A_52 = arith.constant 0 : i32
      %dma_wait3A_53 = arith.constant 0 : i32
      %dma_wait3A_54 = tpu.memref_slice %arg16[%dma_wait3A_52, %dma_wait3A_53] : memref<640x16xf32, #tpu.memory_space<vmem>> -> memref<625x16xf32, #tpu.memory_space<vmem>>
      %dma_wait3A_55 = arith.constant 0 : i32
      %dma_wait3A_56 = tpu.memref_slice %arg5[%mul3A_17, %dma_wait3A_55] : memref<10000x16xf32, #tpu.memory_space<hbm>> -> memref<625x16xf32, #tpu.memory_space<hbm>>
      tpu.wait_dma2 semaphore(%run_scoped3A : memref<!tpu.dma_semaphore, #tpu.memory_space<semaphore_mem>>) src(%dma_wait3A_56 : memref<625x16xf32, #tpu.memory_space<hbm>>) dst(%dma_wait3A_54 : memref<625x16xf32, #tpu.memory_space<vmem>>)
      tpu.yield
    }) : () -> ()
    %mul3A_18 = arith.constant 625 : i32
    %mul3A_19 = arith.muli %arg1, %mul3A_18 : i32
    "tpu.region"() ({
      %run_scoped3A = tpu.sem_alloc : memref<!tpu.dma_semaphore, #tpu.memory_space<semaphore_mem>>
      %dma_start3A = arith.constant 0 : i32
      %dma_start3A_39 = arith.constant 0 : i32
      %dma_start3A_40 = tpu.memref_slice %arg16[%dma_start3A, %dma_start3A_39] : memref<640x16xf32, #tpu.memory_space<vmem>> -> memref<625x16xf32, #tpu.memory_space<vmem>>
      %dma_start3A_41 = arith.constant 0 : i32
      %dma_start3A_42 = tpu.memref_slice %arg18[%mul3A_19, %dma_start3A_41] : memref<10000x16xf32, #tpu.memory_space<vmem_shared>> -> memref<625x16xf32, #tpu.memory_space<vmem_shared>>
      %dma_start3A_43 = arith.constant 0 : i32
      %dma_start3A_44 = tpu.memref_slice %arg18[%mul3A_19, %dma_start3A_43] : memref<10000x16xf32, #tpu.memory_space<vmem_shared>> -> memref<625x16xf32, #tpu.memory_space<vmem_shared>>
      %dma_start3A_45 = arith.constant 0 : i32
      %dma_start3A_46 = arith.constant 0 : i32
      %dma_start3A_47 = tpu.memref_slice %arg16[%dma_start3A_45, %dma_start3A_46] : memref<640x16xf32, #tpu.memory_space<vmem>> -> memref<625x16xf32, #tpu.memory_space<vmem>>
      tpu.enqueue_dma source(%dma_start3A_47 : memref<625x16xf32, #tpu.memory_space<vmem>>) target(%dma_start3A_44 : memref<625x16xf32, #tpu.memory_space<vmem_shared>>) target_semaphore(%run_scoped3A : memref<!tpu.dma_semaphore, #tpu.memory_space<semaphore_mem>>)
      %dma_wait3A = arith.constant 0 : i32
      %dma_wait3A_48 = arith.constant 0 : i32
      %dma_wait3A_49 = tpu.memref_slice %arg16[%dma_wait3A, %dma_wait3A_48] : memref<640x16xf32, #tpu.memory_space<vmem>> -> memref<625x16xf32, #tpu.memory_space<vmem>>
      %dma_wait3A_50 = arith.constant 0 : i32
      %dma_wait3A_51 = tpu.memref_slice %arg18[%mul3A_19, %dma_wait3A_50] : memref<10000x16xf32, #tpu.memory_space<vmem_shared>> -> memref<625x16xf32, #tpu.memory_space<vmem_shared>>
      %dma_wait3A_52 = arith.constant 0 : i32
      %dma_wait3A_53 = tpu.memref_slice %arg18[%mul3A_19, %dma_wait3A_52] : memref<10000x16xf32, #tpu.memory_space<vmem_shared>> -> memref<625x16xf32, #tpu.memory_space<vmem_shared>>
      %dma_wait3A_54 = arith.constant 0 : i32
      %dma_wait3A_55 = arith.constant 0 : i32
      %dma_wait3A_56 = tpu.memref_slice %arg16[%dma_wait3A_54, %dma_wait3A_55] : memref<640x16xf32, #tpu.memory_space<vmem>> -> memref<625x16xf32, #tpu.memory_space<vmem>>
      tpu.wait_dma2 semaphore(%run_scoped3A : memref<!tpu.dma_semaphore, #tpu.memory_space<semaphore_mem>>) src(%dma_wait3A_56 : memref<625x16xf32, #tpu.memory_space<vmem>>) dst(%dma_wait3A_53 : memref<625x16xf32, #tpu.memory_space<vmem_shared>>)
      tpu.yield
    }) : () -> ()
    %mul3A_20 = arith.constant 625 : i32
    %mul3A_21 = arith.muli %arg1, %mul3A_20 : i32
    "tpu.region"() ({
      %run_scoped3A = tpu.sem_alloc : memref<!tpu.dma_semaphore, #tpu.memory_space<semaphore_mem>>
      %dma_start3A = arith.constant 0 : i32
      %dma_start3A_39 = arith.constant 0 : i32
      %dma_start3A_40 = tpu.memref_slice %arg16[%dma_start3A, %dma_start3A_39] : memref<640x16xf32, #tpu.memory_space<vmem>> -> memref<625x16xf32, #tpu.memory_space<vmem>>
      %dma_start3A_41 = arith.constant 0 : i32
      %dma_start3A_42 = tpu.memref_slice %arg6[%mul3A_21, %dma_start3A_41] : memref<10000x16xf32, #tpu.memory_space<hbm>> -> memref<625x16xf32, #tpu.memory_space<hbm>>
      %dma_start3A_43 = arith.constant 0 : i32
      %dma_start3A_44 = arith.constant 0 : i32
      %dma_start3A_45 = tpu.memref_slice %arg16[%dma_start3A_43, %dma_start3A_44] : memref<640x16xf32, #tpu.memory_space<vmem>> -> memref<625x16xf32, #tpu.memory_space<vmem>>
      %dma_start3A_46 = arith.constant 0 : i32
      %dma_start3A_47 = tpu.memref_slice %arg6[%mul3A_21, %dma_start3A_46] : memref<10000x16xf32, #tpu.memory_space<hbm>> -> memref<625x16xf32, #tpu.memory_space<hbm>>
      tpu.enqueue_dma source(%dma_start3A_47 : memref<625x16xf32, #tpu.memory_space<hbm>>) target(%dma_start3A_45 : memref<625x16xf32, #tpu.memory_space<vmem>>) target_semaphore(%run_scoped3A : memref<!tpu.dma_semaphore, #tpu.memory_space<semaphore_mem>>)
      %dma_wait3A = arith.constant 0 : i32
      %dma_wait3A_48 = arith.constant 0 : i32
      %dma_wait3A_49 = tpu.memref_slice %arg16[%dma_wait3A, %dma_wait3A_48] : memref<640x16xf32, #tpu.memory_space<vmem>> -> memref<625x16xf32, #tpu.memory_space<vmem>>
      %dma_wait3A_50 = arith.constant 0 : i32
      %dma_wait3A_51 = tpu.memref_slice %arg6[%mul3A_21, %dma_wait3A_50] : memref<10000x16xf32, #tpu.memory_space<hbm>> -> memref<625x16xf32, #tpu.memory_space<hbm>>
      %dma_wait3A_52 = arith.constant 0 : i32
      %dma_wait3A_53 = arith.constant 0 : i32
      %dma_wait3A_54 = tpu.memref_slice %arg16[%dma_wait3A_52, %dma_wait3A_53] : memref<640x16xf32, #tpu.memory_space<vmem>> -> memref<625x16xf32, #tpu.memory_space<vmem>>
      %dma_wait3A_55 = arith.constant 0 : i32
      %dma_wait3A_56 = tpu.memref_slice %arg6[%mul3A_21, %dma_wait3A_55] : memref<10000x16xf32, #tpu.memory_space<hbm>> -> memref<625x16xf32, #tpu.memory_space<hbm>>
      tpu.wait_dma2 semaphore(%run_scoped3A : memref<!tpu.dma_semaphore, #tpu.memory_space<semaphore_mem>>) src(%dma_wait3A_56 : memref<625x16xf32, #tpu.memory_space<hbm>>) dst(%dma_wait3A_54 : memref<625x16xf32, #tpu.memory_space<vmem>>)
      tpu.yield
    }) : () -> ()
    %mul3A_22 = arith.constant 625 : i32
    %mul3A_23 = arith.muli %arg1, %mul3A_22 : i32
    "tpu.region"() ({
      %run_scoped3A = tpu.sem_alloc : memref<!tpu.dma_semaphore, #tpu.memory_space<semaphore_mem>>
      %dma_start3A = arith.constant 0 : i32
      %dma_start3A_39 = arith.constant 0 : i32
      %dma_start3A_40 = tpu.memref_slice %arg16[%dma_start3A, %dma_start3A_39] : memref<640x16xf32, #tpu.memory_space<vmem>> -> memref<625x16xf32, #tpu.memory_space<vmem>>
      %dma_start3A_41 = arith.constant 0 : i32
      %dma_start3A_42 = tpu.memref_slice %arg19[%mul3A_23, %dma_start3A_41] : memref<10000x16xf32, #tpu.memory_space<vmem_shared>> -> memref<625x16xf32, #tpu.memory_space<vmem_shared>>
      %dma_start3A_43 = arith.constant 0 : i32
      %dma_start3A_44 = tpu.memref_slice %arg19[%mul3A_23, %dma_start3A_43] : memref<10000x16xf32, #tpu.memory_space<vmem_shared>> -> memref<625x16xf32, #tpu.memory_space<vmem_shared>>
      %dma_start3A_45 = arith.constant 0 : i32
      %dma_start3A_46 = arith.constant 0 : i32
      %dma_start3A_47 = tpu.memref_slice %arg16[%dma_start3A_45, %dma_start3A_46] : memref<640x16xf32, #tpu.memory_space<vmem>> -> memref<625x16xf32, #tpu.memory_space<vmem>>
      tpu.enqueue_dma source(%dma_start3A_47 : memref<625x16xf32, #tpu.memory_space<vmem>>) target(%dma_start3A_44 : memref<625x16xf32, #tpu.memory_space<vmem_shared>>) target_semaphore(%run_scoped3A : memref<!tpu.dma_semaphore, #tpu.memory_space<semaphore_mem>>)
      %dma_wait3A = arith.constant 0 : i32
      %dma_wait3A_48 = arith.constant 0 : i32
      %dma_wait3A_49 = tpu.memref_slice %arg16[%dma_wait3A, %dma_wait3A_48] : memref<640x16xf32, #tpu.memory_space<vmem>> -> memref<625x16xf32, #tpu.memory_space<vmem>>
      %dma_wait3A_50 = arith.constant 0 : i32
      %dma_wait3A_51 = tpu.memref_slice %arg19[%mul3A_23, %dma_wait3A_50] : memref<10000x16xf32, #tpu.memory_space<vmem_shared>> -> memref<625x16xf32, #tpu.memory_space<vmem_shared>>
      %dma_wait3A_52 = arith.constant 0 : i32
      %dma_wait3A_53 = tpu.memref_slice %arg19[%mul3A_23, %dma_wait3A_52] : memref<10000x16xf32, #tpu.memory_space<vmem_shared>> -> memref<625x16xf32, #tpu.memory_space<vmem_shared>>
      %dma_wait3A_54 = arith.constant 0 : i32
      %dma_wait3A_55 = arith.constant 0 : i32
      %dma_wait3A_56 = tpu.memref_slice %arg16[%dma_wait3A_54, %dma_wait3A_55] : memref<640x16xf32, #tpu.memory_space<vmem>> -> memref<625x16xf32, #tpu.memory_space<vmem>>
      tpu.wait_dma2 semaphore(%run_scoped3A : memref<!tpu.dma_semaphore, #tpu.memory_space<semaphore_mem>>) src(%dma_wait3A_56 : memref<625x16xf32, #tpu.memory_space<vmem>>) dst(%dma_wait3A_53 : memref<625x16xf32, #tpu.memory_space<vmem_shared>>)
      tpu.yield
    }) : () -> ()
    %barrier3A = arith.constant 0 : index
    tpu.barrier barrier_id(%barrier3A)
    %scan3A_24 = arith.constant 0 : i32
    %scan3A_25 = arith.constant 0 : i32
    %scan3A_26 = arith.constant 125 : i32
    %scan3A_27 = arith.addi %scan3A_25, %scan3A_26 : i32
    %scan3A_28 = arith.constant 1 : i32
    scf.for %scan3A_39 = %scan3A_25 to %scan3A_27 step %scan3A_28  : i32 {
      %mul3A_40 = arith.constant 10000 : i32
      %mul3A_41 = arith.muli %add3A, %mul3A_40 : i32
      %mul3A_42 = arith.constant 80 : i32
      %mul3A_43 = arith.muli %scan3A_39, %mul3A_42 : i32
      %add3A_44 = arith.addi %mul3A_41, %mul3A_43 : i32
      %dma_start3A = tpu.memref_slice %arg3[%add3A_44] : memref<320000xi32, #tpu.memory_space<hbm>> -> memref<80xi32, #tpu.memory_space<hbm>>
      %dma_start3A_45 = tpu.memref_slice %arg3[%add3A_44] : memref<320000xi32, #tpu.memory_space<hbm>> -> memref<80xi32, #tpu.memory_space<hbm>>
      tpu.enqueue_dma source(%dma_start3A_45 : memref<80xi32, #tpu.memory_space<hbm>>) target(%arg10 : memref<80xi32, #tpu.memory_space<vmem>>) target_semaphore(%arg20 : memref<!tpu.dma_semaphore, #tpu.memory_space<semaphore_mem>>)
      %dma_start3A_46 = tpu.memref_slice %arg4[%add3A_44] : memref<320000xi32, #tpu.memory_space<hbm>> -> memref<80xi32, #tpu.memory_space<hbm>>
      %dma_start3A_47 = tpu.memref_slice %arg4[%add3A_44] : memref<320000xi32, #tpu.memory_space<hbm>> -> memref<80xi32, #tpu.memory_space<hbm>>
      tpu.enqueue_dma source(%dma_start3A_47 : memref<80xi32, #tpu.memory_space<hbm>>) target(%arg11 : memref<80xi32, #tpu.memory_space<vmem>>) target_semaphore(%arg20 : memref<!tpu.dma_semaphore, #tpu.memory_space<semaphore_mem>>)
      %dma_start3A_48 = arith.constant 0 : i32
      %dma_start3A_49 = tpu.memref_slice %arg2[%add3A_44, %dma_start3A_48] : memref<320000x16xf32, #tpu.memory_space<hbm>> -> memref<80x16xf32, #tpu.memory_space<hbm>>
      %dma_start3A_50 = arith.constant 0 : i32
      %dma_start3A_51 = tpu.memref_slice %arg2[%add3A_44, %dma_start3A_50] : memref<320000x16xf32, #tpu.memory_space<hbm>> -> memref<80x16xf32, #tpu.memory_space<hbm>>
      tpu.enqueue_dma source(%dma_start3A_51 : memref<80x16xf32, #tpu.memory_space<hbm>>) target(%arg12 : memref<80x16xf32, #tpu.memory_space<vmem>>) target_semaphore(%arg20 : memref<!tpu.dma_semaphore, #tpu.memory_space<semaphore_mem>>)
      %dma_wait3A = tpu.memref_slice %arg3[%add3A_44] : memref<320000xi32, #tpu.memory_space<hbm>> -> memref<80xi32, #tpu.memory_space<hbm>>
      %dma_wait3A_52 = tpu.memref_slice %arg3[%add3A_44] : memref<320000xi32, #tpu.memory_space<hbm>> -> memref<80xi32, #tpu.memory_space<hbm>>
      tpu.wait_dma2 semaphore(%arg20 : memref<!tpu.dma_semaphore, #tpu.memory_space<semaphore_mem>>) src(%dma_wait3A_52 : memref<80xi32, #tpu.memory_space<hbm>>) dst(%arg10 : memref<80xi32, #tpu.memory_space<vmem>>)
      %dma_wait3A_53 = tpu.memref_slice %arg4[%add3A_44] : memref<320000xi32, #tpu.memory_space<hbm>> -> memref<80xi32, #tpu.memory_space<hbm>>
      %dma_wait3A_54 = tpu.memref_slice %arg4[%add3A_44] : memref<320000xi32, #tpu.memory_space<hbm>> -> memref<80xi32, #tpu.memory_space<hbm>>
      tpu.wait_dma2 semaphore(%arg20 : memref<!tpu.dma_semaphore, #tpu.memory_space<semaphore_mem>>) src(%dma_wait3A_54 : memref<80xi32, #tpu.memory_space<hbm>>) dst(%arg11 : memref<80xi32, #tpu.memory_space<vmem>>)
      %dma_wait3A_55 = arith.constant 0 : i32
      %dma_wait3A_56 = tpu.memref_slice %arg2[%add3A_44, %dma_wait3A_55] : memref<320000x16xf32, #tpu.memory_space<hbm>> -> memref<80x16xf32, #tpu.memory_space<hbm>>
      %dma_wait3A_57 = arith.constant 0 : i32
      %dma_wait3A_58 = tpu.memref_slice %arg2[%add3A_44, %dma_wait3A_57] : memref<320000x16xf32, #tpu.memory_space<hbm>> -> memref<80x16xf32, #tpu.memory_space<hbm>>
      tpu.wait_dma2 semaphore(%arg20 : memref<!tpu.dma_semaphore, #tpu.memory_space<semaphore_mem>>) src(%dma_wait3A_58 : memref<80x16xf32, #tpu.memory_space<hbm>>) dst(%arg12 : memref<80x16xf32, #tpu.memory_space<vmem>>)
      %dma_start3A_59 = arith.constant 0 : i32
      %dma_start3A_60 = arith.constant 0 : i32
      %dma_start3A_61 = tpu.memref_slice %arg18[%dma_start3A_59, %dma_start3A_60] : memref<10000x16xf32, #tpu.memory_space<vmem_shared>> -> memref<10000x16xf32, #tpu.memory_space<vmem_shared>>
      tpu.enqueue_indirect_dma source(%dma_start3A_61 : memref<10000x16xf32, #tpu.memory_space<vmem_shared>>) target(%arg13 : memref<80x16xf32, #tpu.memory_space<vmem>>) offsets(%arg10 : memref<80xi32, #tpu.memory_space<vmem>>) semaphore(%arg21 : memref<!tpu.dma_semaphore, #tpu.memory_space<semaphore_mem>>)
      %dma_start3A_62 = arith.constant 0 : i32
      %dma_start3A_63 = arith.constant 0 : i32
      %dma_start3A_64 = tpu.memref_slice %arg19[%dma_start3A_62, %dma_start3A_63] : memref<10000x16xf32, #tpu.memory_space<vmem_shared>> -> memref<10000x16xf32, #tpu.memory_space<vmem_shared>>
      tpu.enqueue_indirect_dma source(%dma_start3A_64 : memref<10000x16xf32, #tpu.memory_space<vmem_shared>>) target(%arg14 : memref<80x16xf32, #tpu.memory_space<vmem>>) offsets(%arg11 : memref<80xi32, #tpu.memory_space<vmem>>) semaphore(%arg22 : memref<!tpu.dma_semaphore, #tpu.memory_space<semaphore_mem>>)
      %dma_wait3A_65 = arith.constant 0 : i32
      %dma_wait3A_66 = arith.constant 0 : i32
      %dma_wait3A_67 = tpu.memref_slice %arg18[%dma_wait3A_65, %dma_wait3A_66] : memref<10000x16xf32, #tpu.memory_space<vmem_shared>> -> memref<10000x16xf32, #tpu.memory_space<vmem_shared>>
      tpu.wait_indirect_dma semaphore(%arg21 : memref<!tpu.dma_semaphore, #tpu.memory_space<semaphore_mem>>) src(%dma_wait3A_67 : memref<10000x16xf32, #tpu.memory_space<vmem_shared>>) dst(%arg13 : memref<80x16xf32, #tpu.memory_space<vmem>>)
      %dma_wait3A_68 = arith.constant 0 : i32
      %dma_wait3A_69 = arith.constant 0 : i32
      %dma_wait3A_70 = tpu.memref_slice %arg19[%dma_wait3A_68, %dma_wait3A_69] : memref<10000x16xf32, #tpu.memory_space<vmem_shared>> -> memref<10000x16xf32, #tpu.memory_space<vmem_shared>>
      tpu.wait_indirect_dma semaphore(%arg22 : memref<!tpu.dma_semaphore, #tpu.memory_space<semaphore_mem>>) src(%dma_wait3A_70 : memref<10000x16xf32, #tpu.memory_space<vmem_shared>>) dst(%arg14 : memref<80x16xf32, #tpu.memory_space<vmem>>)
      %scan3A_71 = arith.constant 0 : i32
      %scan3A_72 = arith.constant 0 : i32
      %scan3A_73 = arith.constant 80 : i32
      %scan3A_74 = arith.addi %scan3A_72, %scan3A_73 : i32
      %scan3A_75 = arith.constant 8 : i32
      scf.for %scan3A_97 = %scan3A_72 to %scan3A_74 step %scan3A_75  : i32 {
        %get3A = arith.index_cast %scan3A_97 : i32 to index
        %get3A_98 = arith.constant 0 : index
        %get3A_99 = tpu.vector_load %arg12[%get3A, %get3A_98] {strides = array<i32>} : memref<80x16xf32, #tpu.memory_space<vmem>>, vector<1x16xf32>,
        %get3A_100 = vector.shape_cast %get3A_99 : vector<1x16xf32> to vector<16xf32>
        %get3A_101 = arith.index_cast %scan3A_97 : i32 to index
        %get3A_102 = arith.constant 0 : index
        %get3A_103 = tpu.vector_load %arg13[%get3A_101, %get3A_102] {strides = array<i32>} : memref<80x16xf32, #tpu.memory_space<vmem>>, vector<1x16xf32>,
        %get3A_104 = vector.shape_cast %get3A_103 : vector<1x16xf32> to vector<16xf32>
        %add3A_105 = arith.addf %get3A_100, %get3A_104 : vector<16xf32>
        %get3A_106 = arith.index_cast %scan3A_97 : i32 to index
        %get3A_107 = arith.constant 0 : index
        %get3A_108 = tpu.vector_load %arg14[%get3A_106, %get3A_107] {strides = array<i32>} : memref<80x16xf32, #tpu.memory_space<vmem>>, vector<1x16xf32>,
        %get3A_109 = vector.shape_cast %get3A_108 : vector<1x16xf32> to vector<16xf32>
        %add3A_110 = arith.addf %add3A_105, %get3A_109 : vector<16xf32>
        %max3A = arith.constant 0.000000e+00 : f32
        %max3A_111 = vector.broadcast %max3A : f32 to vector<16xf32>
        %max3A_112 = arith.maximumf %add3A_110, %max3A_111 : vector<16xf32>
        %swap3A = arith.index_cast %scan3A_97 : i32 to index
        %swap3A_113 = arith.constant 0 : index
        %swap3A_114 = tpu.vector_load %arg15[%swap3A, %swap3A_113] {strides = array<i32>} : memref<80x16xf32, #tpu.memory_space<vmem>>, vector<1x16xf32>,
        %swap3A_115 = vector.shape_cast %swap3A_114 : vector<1x16xf32> to vector<16xf32>
        %swap3A_116 = vector.shape_cast %max3A_112 : vector<16xf32> to vector<1x16xf32>
        tpu.vector_store %arg15[%swap3A, %swap3A_113], %swap3A_116 {strides = array<i32>} : memref<80x16xf32, #tpu.memory_space<vmem>>, vector<1x16xf32>,
        %scan3A_117 = arith.constant 1 : i32
        %scan3A_118 = arith.addi %scan3A_97, %scan3A_117 : i32
        %get3A_119 = arith.index_cast %scan3A_118 : i32 to index
        %get3A_120 = arith.constant 0 : index
        %get3A_121 = tpu.vector_load %arg12[%get3A_119, %get3A_120] {strides = array<i32>} : memref<80x16xf32, #tpu.memory_space<vmem>>, vector<1x16xf32>,
        %get3A_122 = vector.shape_cast %get3A_121 : vector<1x16xf32> to vector<16xf32>
        %get3A_123 = arith.index_cast %scan3A_118 : i32 to index
        %get3A_124 = arith.constant 0 : index
        %get3A_125 = tpu.vector_load %arg13[%get3A_123, %get3A_124] {strides = array<i32>} : memref<80x16xf32, #tpu.memory_space<vmem>>, vector<1x16xf32>,
        %get3A_126 = vector.shape_cast %get3A_125 : vector<1x16xf32> to vector<16xf32>
        %add3A_127 = arith.addf %get3A_122, %get3A_126 : vector<16xf32>
        %get3A_128 = arith.index_cast %scan3A_118 : i32 to index
        %get3A_129 = arith.constant 0 : index
        %get3A_130 = tpu.vector_load %arg14[%get3A_128, %get3A_129] {strides = array<i32>} : memref<80x16xf32, #tpu.memory_space<vmem>>, vector<1x16xf32>,
        %get3A_131 = vector.shape_cast %get3A_130 : vector<1x16xf32> to vector<16xf32>
        %add3A_132 = arith.addf %add3A_127, %get3A_131 : vector<16xf32>
        %max3A_133 = arith.constant 0.000000e+00 : f32
        %max3A_134 = vector.broadcast %max3A_133 : f32 to vector<16xf32>
        %max3A_135 = arith.maximumf %add3A_132, %max3A_134 : vector<16xf32>
        %swap3A_136 = arith.index_cast %scan3A_118 : i32 to index
        %swap3A_137 = arith.constant 0 : index
        %swap3A_138 = tpu.vector_load %arg15[%swap3A_136, %swap3A_137] {strides = array<i32>} : memref<80x16xf32, #tpu.memory_space<vmem>>, vector<1x16xf32>,
        %swap3A_139 = vector.shape_cast %swap3A_138 : vector<1x16xf32> to vector<16xf32>
        %swap3A_140 = vector.shape_cast %max3A_135 : vector<16xf32> to vector<1x16xf32>
        tpu.vector_store %arg15[%swap3A_136, %swap3A_137], %swap3A_140 {strides = array<i32>} : memref<80x16xf32, #tpu.memory_space<vmem>>, vector<1x16xf32>,
        %scan3A_141 = arith.constant 2 : i32
        %scan3A_142 = arith.addi %scan3A_97, %scan3A_141 : i32
        %get3A_143 = arith.index_cast %scan3A_142 : i32 to index
        %get3A_144 = arith.constant 0 : index
        %get3A_145 = tpu.vector_load %arg12[%get3A_143, %get3A_144] {strides = array<i32>} : memref<80x16xf32, #tpu.memory_space<vmem>>, vector<1x16xf32>,
        %get3A_146 = vector.shape_cast %get3A_145 : vector<1x16xf32> to vector<16xf32>
        %get3A_147 = arith.index_cast %scan3A_142 : i32 to index
        %get3A_148 = arith.constant 0 : index
        %get3A_149 = tpu.vector_load %arg13[%get3A_147, %get3A_148] {strides = array<i32>} : memref<80x16xf32, #tpu.memory_space<vmem>>, vector<1x16xf32>,
        %get3A_150 = vector.shape_cast %get3A_149 : vector<1x16xf32> to vector<16xf32>
        %add3A_151 = arith.addf %get3A_146, %get3A_150 : vector<16xf32>
        %get3A_152 = arith.index_cast %scan3A_142 : i32 to index
        %get3A_153 = arith.constant 0 : index
        %get3A_154 = tpu.vector_load %arg14[%get3A_152, %get3A_153] {strides = array<i32>} : memref<80x16xf32, #tpu.memory_space<vmem>>, vector<1x16xf32>,
        %get3A_155 = vector.shape_cast %get3A_154 : vector<1x16xf32> to vector<16xf32>
        %add3A_156 = arith.addf %add3A_151, %get3A_155 : vector<16xf32>
        %max3A_157 = arith.constant 0.000000e+00 : f32
        %max3A_158 = vector.broadcast %max3A_157 : f32 to vector<16xf32>
        %max3A_159 = arith.maximumf %add3A_156, %max3A_158 : vector<16xf32>
        %swap3A_160 = arith.index_cast %scan3A_142 : i32 to index
        %swap3A_161 = arith.constant 0 : index
        %swap3A_162 = tpu.vector_load %arg15[%swap3A_160, %swap3A_161] {strides = array<i32>} : memref<80x16xf32, #tpu.memory_space<vmem>>, vector<1x16xf32>,
        %swap3A_163 = vector.shape_cast %swap3A_162 : vector<1x16xf32> to vector<16xf32>
        %swap3A_164 = vector.shape_cast %max3A_159 : vector<16xf32> to vector<1x16xf32>
        tpu.vector_store %arg15[%swap3A_160, %swap3A_161], %swap3A_164 {strides = array<i32>} : memref<80x16xf32, #tpu.memory_space<vmem>>, vector<1x16xf32>,
        %scan3A_165 = arith.constant 3 : i32
        %scan3A_166 = arith.addi %scan3A_97, %scan3A_165 : i32
        %get3A_167 = arith.index_cast %scan3A_166 : i32 to index
        %get3A_168 = arith.constant 0 : index
        %get3A_169 = tpu.vector_load %arg12[%get3A_167, %get3A_168] {strides = array<i32>} : memref<80x16xf32, #tpu.memory_space<vmem>>, vector<1x16xf32>,
        %get3A_170 = vector.shape_cast %get3A_169 : vector<1x16xf32> to vector<16xf32>
        %get3A_171 = arith.index_cast %scan3A_166 : i32 to index
        %get3A_172 = arith.constant 0 : index
        %get3A_173 = tpu.vector_load %arg13[%get3A_171, %get3A_172] {strides = array<i32>} : memref<80x16xf32, #tpu.memory_space<vmem>>, vector<1x16xf32>,
        %get3A_174 = vector.shape_cast %get3A_173 : vector<1x16xf32> to vector<16xf32>
        %add3A_175 = arith.addf %get3A_170, %get3A_174 : vector<16xf32>
        %get3A_176 = arith.index_cast %scan3A_166 : i32 to index
        %get3A_177 = arith.constant 0 : index
        %get3A_178 = tpu.vector_load %arg14[%get3A_176, %get3A_177] {strides = array<i32>} : memref<80x16xf32, #tpu.memory_space<vmem>>, vector<1x16xf32>,
        %get3A_179 = vector.shape_cast %get3A_178 : vector<1x16xf32> to vector<16xf32>
        %add3A_180 = arith.addf %add3A_175, %get3A_179 : vector<16xf32>
        %max3A_181 = arith.constant 0.000000e+00 : f32
        %max3A_182 = vector.broadcast %max3A_181 : f32 to vector<16xf32>
        %max3A_183 = arith.maximumf %add3A_180, %max3A_182 : vector<16xf32>
        %swap3A_184 = arith.index_cast %scan3A_166 : i32 to index
        %swap3A_185 = arith.constant 0 : index
        %swap3A_186 = tpu.vector_load %arg15[%swap3A_184, %swap3A_185] {strides = array<i32>} : memref<80x16xf32, #tpu.memory_space<vmem>>, vector<1x16xf32>,
        %swap3A_187 = vector.shape_cast %swap3A_186 : vector<1x16xf32> to vector<16xf32>
        %swap3A_188 = vector.shape_cast %max3A_183 : vector<16xf32> to vector<1x16xf32>
        tpu.vector_store %arg15[%swap3A_184, %swap3A_185], %swap3A_188 {strides = array<i32>} : memref<80x16xf32, #tpu.memory_space<vmem>>, vector<1x16xf32>,
        %scan3A_189 = arith.constant 4 : i32
        %scan3A_190 = arith.addi %scan3A_97, %scan3A_189 : i32
        %get3A_191 = arith.index_cast %scan3A_190 : i32 to index
        %get3A_192 = arith.constant 0 : index
        %get3A_193 = tpu.vector_load %arg12[%get3A_191, %get3A_192] {strides = array<i32>} : memref<80x16xf32, #tpu.memory_space<vmem>>, vector<1x16xf32>,
        %get3A_194 = vector.shape_cast %get3A_193 : vector<1x16xf32> to vector<16xf32>
        %get3A_195 = arith.index_cast %scan3A_190 : i32 to index
        %get3A_196 = arith.constant 0 : index
        %get3A_197 = tpu.vector_load %arg13[%get3A_195, %get3A_196] {strides = array<i32>} : memref<80x16xf32, #tpu.memory_space<vmem>>, vector<1x16xf32>,
        %get3A_198 = vector.shape_cast %get3A_197 : vector<1x16xf32> to vector<16xf32>
        %add3A_199 = arith.addf %get3A_194, %get3A_198 : vector<16xf32>
        %get3A_200 = arith.index_cast %scan3A_190 : i32 to index
        %get3A_201 = arith.constant 0 : index
        %get3A_202 = tpu.vector_load %arg14[%get3A_200, %get3A_201] {strides = array<i32>} : memref<80x16xf32, #tpu.memory_space<vmem>>, vector<1x16xf32>,
        %get3A_203 = vector.shape_cast %get3A_202 : vector<1x16xf32> to vector<16xf32>
        %add3A_204 = arith.addf %add3A_199, %get3A_203 : vector<16xf32>
        %max3A_205 = arith.constant 0.000000e+00 : f32
        %max3A_206 = vector.broadcast %max3A_205 : f32 to vector<16xf32>
        %max3A_207 = arith.maximumf %add3A_204, %max3A_206 : vector<16xf32>
        %swap3A_208 = arith.index_cast %scan3A_190 : i32 to index
        %swap3A_209 = arith.constant 0 : index
        %swap3A_210 = tpu.vector_load %arg15[%swap3A_208, %swap3A_209] {strides = array<i32>} : memref<80x16xf32, #tpu.memory_space<vmem>>, vector<1x16xf32>,
        %swap3A_211 = vector.shape_cast %swap3A_210 : vector<1x16xf32> to vector<16xf32>
        %swap3A_212 = vector.shape_cast %max3A_207 : vector<16xf32> to vector<1x16xf32>
        tpu.vector_store %arg15[%swap3A_208, %swap3A_209], %swap3A_212 {strides = array<i32>} : memref<80x16xf32, #tpu.memory_space<vmem>>, vector<1x16xf32>,
        %scan3A_213 = arith.constant 5 : i32
        %scan3A_214 = arith.addi %scan3A_97, %scan3A_213 : i32
        %get3A_215 = arith.index_cast %scan3A_214 : i32 to index
        %get3A_216 = arith.constant 0 : index
        %get3A_217 = tpu.vector_load %arg12[%get3A_215, %get3A_216] {strides = array<i32>} : memref<80x16xf32, #tpu.memory_space<vmem>>, vector<1x16xf32>,
        %get3A_218 = vector.shape_cast %get3A_217 : vector<1x16xf32> to vector<16xf32>
        %get3A_219 = arith.index_cast %scan3A_214 : i32 to index
        %get3A_220 = arith.constant 0 : index
        %get3A_221 = tpu.vector_load %arg13[%get3A_219, %get3A_220] {strides = array<i32>} : memref<80x16xf32, #tpu.memory_space<vmem>>, vector<1x16xf32>,
        %get3A_222 = vector.shape_cast %get3A_221 : vector<1x16xf32> to vector<16xf32>
        %add3A_223 = arith.addf %get3A_218, %get3A_222 : vector<16xf32>
        %get3A_224 = arith.index_cast %scan3A_214 : i32 to index
        %get3A_225 = arith.constant 0 : index
        %get3A_226 = tpu.vector_load %arg14[%get3A_224, %get3A_225] {strides = array<i32>} : memref<80x16xf32, #tpu.memory_space<vmem>>, vector<1x16xf32>,
        %get3A_227 = vector.shape_cast %get3A_226 : vector<1x16xf32> to vector<16xf32>
        %add3A_228 = arith.addf %add3A_223, %get3A_227 : vector<16xf32>
        %max3A_229 = arith.constant 0.000000e+00 : f32
        %max3A_230 = vector.broadcast %max3A_229 : f32 to vector<16xf32>
        %max3A_231 = arith.maximumf %add3A_228, %max3A_230 : vector<16xf32>
        %swap3A_232 = arith.index_cast %scan3A_214 : i32 to index
        %swap3A_233 = arith.constant 0 : index
        %swap3A_234 = tpu.vector_load %arg15[%swap3A_232, %swap3A_233] {strides = array<i32>} : memref<80x16xf32, #tpu.memory_space<vmem>>, vector<1x16xf32>,
        %swap3A_235 = vector.shape_cast %swap3A_234 : vector<1x16xf32> to vector<16xf32>
        %swap3A_236 = vector.shape_cast %max3A_231 : vector<16xf32> to vector<1x16xf32>
        tpu.vector_store %arg15[%swap3A_232, %swap3A_233], %swap3A_236 {strides = array<i32>} : memref<80x16xf32, #tpu.memory_space<vmem>>, vector<1x16xf32>,
        %scan3A_237 = arith.constant 6 : i32
        %scan3A_238 = arith.addi %scan3A_97, %scan3A_237 : i32
        %get3A_239 = arith.index_cast %scan3A_238 : i32 to index
        %get3A_240 = arith.constant 0 : index
        %get3A_241 = tpu.vector_load %arg12[%get3A_239, %get3A_240] {strides = array<i32>} : memref<80x16xf32, #tpu.memory_space<vmem>>, vector<1x16xf32>,
        %get3A_242 = vector.shape_cast %get3A_241 : vector<1x16xf32> to vector<16xf32>
        %get3A_243 = arith.index_cast %scan3A_238 : i32 to index
        %get3A_244 = arith.constant 0 : index
        %get3A_245 = tpu.vector_load %arg13[%get3A_243, %get3A_244] {strides = array<i32>} : memref<80x16xf32, #tpu.memory_space<vmem>>, vector<1x16xf32>,
        %get3A_246 = vector.shape_cast %get3A_245 : vector<1x16xf32> to vector<16xf32>
        %add3A_247 = arith.addf %get3A_242, %get3A_246 : vector<16xf32>
        %get3A_248 = arith.index_cast %scan3A_238 : i32 to index
        %get3A_249 = arith.constant 0 : index
        %get3A_250 = tpu.vector_load %arg14[%get3A_248, %get3A_249] {strides = array<i32>} : memref<80x16xf32, #tpu.memory_space<vmem>>, vector<1x16xf32>,
        %get3A_251 = vector.shape_cast %get3A_250 : vector<1x16xf32> to vector<16xf32>
        %add3A_252 = arith.addf %add3A_247, %get3A_251 : vector<16xf32>
        %max3A_253 = arith.constant 0.000000e+00 : f32
        %max3A_254 = vector.broadcast %max3A_253 : f32 to vector<16xf32>
        %max3A_255 = arith.maximumf %add3A_252, %max3A_254 : vector<16xf32>
        %swap3A_256 = arith.index_cast %scan3A_238 : i32 to index
        %swap3A_257 = arith.constant 0 : index
        %swap3A_258 = tpu.vector_load %arg15[%swap3A_256, %swap3A_257] {strides = array<i32>} : memref<80x16xf32, #tpu.memory_space<vmem>>, vector<1x16xf32>,
        %swap3A_259 = vector.shape_cast %swap3A_258 : vector<1x16xf32> to vector<16xf32>
        %swap3A_260 = vector.shape_cast %max3A_255 : vector<16xf32> to vector<1x16xf32>
        tpu.vector_store %arg15[%swap3A_256, %swap3A_257], %swap3A_260 {strides = array<i32>} : memref<80x16xf32, #tpu.memory_space<vmem>>, vector<1x16xf32>,
        %scan3A_261 = arith.constant 7 : i32
        %scan3A_262 = arith.addi %scan3A_97, %scan3A_261 : i32
        %get3A_263 = arith.index_cast %scan3A_262 : i32 to index
        %get3A_264 = arith.constant 0 : index
        %get3A_265 = tpu.vector_load %arg12[%get3A_263, %get3A_264] {strides = array<i32>} : memref<80x16xf32, #tpu.memory_space<vmem>>, vector<1x16xf32>,
        %get3A_266 = vector.shape_cast %get3A_265 : vector<1x16xf32> to vector<16xf32>
        %get3A_267 = arith.index_cast %scan3A_262 : i32 to index
        %get3A_268 = arith.constant 0 : index
        %get3A_269 = tpu.vector_load %arg13[%get3A_267, %get3A_268] {strides = array<i32>} : memref<80x16xf32, #tpu.memory_space<vmem>>, vector<1x16xf32>,
        %get3A_270 = vector.shape_cast %get3A_269 : vector<1x16xf32> to vector<16xf32>
        %add3A_271 = arith.addf %get3A_266, %get3A_270 : vector<16xf32>
        %get3A_272 = arith.index_cast %scan3A_262 : i32 to index
        %get3A_273 = arith.constant 0 : index
        %get3A_274 = tpu.vector_load %arg14[%get3A_272, %get3A_273] {strides = array<i32>} : memref<80x16xf32, #tpu.memory_space<vmem>>, vector<1x16xf32>,
        %get3A_275 = vector.shape_cast %get3A_274 : vector<1x16xf32> to vector<16xf32>
        %add3A_276 = arith.addf %add3A_271, %get3A_275 : vector<16xf32>
        %max3A_277 = arith.constant 0.000000e+00 : f32
        %max3A_278 = vector.broadcast %max3A_277 : f32 to vector<16xf32>
        %max3A_279 = arith.maximumf %add3A_276, %max3A_278 : vector<16xf32>
        %swap3A_280 = arith.index_cast %scan3A_262 : i32 to index
        %swap3A_281 = arith.constant 0 : index
        %swap3A_282 = tpu.vector_load %arg15[%swap3A_280, %swap3A_281] {strides = array<i32>} : memref<80x16xf32, #tpu.memory_space<vmem>>, vector<1x16xf32>,
        %swap3A_283 = vector.shape_cast %swap3A_282 : vector<1x16xf32> to vector<16xf32>
        %swap3A_284 = vector.shape_cast %max3A_279 : vector<16xf32> to vector<1x16xf32>
        tpu.vector_store %arg15[%swap3A_280, %swap3A_281], %swap3A_284 {strides = array<i32>} : memref<80x16xf32, #tpu.memory_space<vmem>>, vector<1x16xf32>,
      }
      %scan3A_76 = arith.constant 80 : i32
      %dma_start3A_77 = arith.constant 0 : i32
      %dma_start3A_78 = tpu.memref_slice %arg7[%add3A_44, %dma_start3A_77] : memref<320000x16xf32, #tpu.memory_space<hbm>> -> memref<80x16xf32, #tpu.memory_space<hbm>>
      %dma_start3A_79 = arith.constant 0 : i32
      %dma_start3A_80 = tpu.memref_slice %arg7[%add3A_44, %dma_start3A_79] : memref<320000x16xf32, #tpu.memory_space<hbm>> -> memref<80x16xf32, #tpu.memory_space<hbm>>
      tpu.enqueue_dma source(%arg15 : memref<80x16xf32, #tpu.memory_space<vmem>>) target(%dma_start3A_80 : memref<80x16xf32, #tpu.memory_space<hbm>>) target_semaphore(%arg21 : memref<!tpu.dma_semaphore, #tpu.memory_space<semaphore_mem>>)
      %dma_start3A_81 = arith.constant 0 : i32
      %dma_start3A_82 = arith.constant 0 : i32
      %dma_start3A_83 = tpu.memref_slice %arg17[%dma_start3A_81, %dma_start3A_82] : memref<10240x16xf32, #tpu.memory_space<vmem_shared>> -> memref<10240x16xf32, #tpu.memory_space<vmem_shared>>
      tpu.enqueue_indirect_dma source(%arg15 : memref<80x16xf32, #tpu.memory_space<vmem>>) target(%dma_start3A_83 : memref<10240x16xf32, #tpu.memory_space<vmem_shared>>) offsets(%arg11 : memref<80xi32, #tpu.memory_space<vmem>>) semaphore(%arg22 : memref<!tpu.dma_semaphore, #tpu.memory_space<semaphore_mem>>) {add = true}
      %dma_start3A_84 = arith.constant 0 : i32
      %dma_start3A_85 = arith.constant 0 : i32
      %dma_start3A_86 = tpu.memref_slice %arg24[%dma_start3A_84, %dma_start3A_85] : memref<10240x16xf32, #tpu.memory_space<vmem_shared>> -> memref<10240x16xf32, #tpu.memory_space<vmem_shared>>
      tpu.enqueue_indirect_dma source(%arg23 : memref<80x16xf32, #tpu.memory_space<vmem>>) target(%dma_start3A_86 : memref<10240x16xf32, #tpu.memory_space<vmem_shared>>) offsets(%arg11 : memref<80xi32, #tpu.memory_space<vmem>>) semaphore(%arg20 : memref<!tpu.dma_semaphore, #tpu.memory_space<semaphore_mem>>) {add = true}
      %dma_wait3A_87 = arith.constant 0 : i32
      %dma_wait3A_88 = tpu.memref_slice %arg7[%add3A_44, %dma_wait3A_87] : memref<320000x16xf32, #tpu.memory_space<hbm>> -> memref<80x16xf32, #tpu.memory_space<hbm>>
      %dma_wait3A_89 = arith.constant 0 : i32
      %dma_wait3A_90 = tpu.memref_slice %arg7[%add3A_44, %dma_wait3A_89] : memref<320000x16xf32, #tpu.memory_space<hbm>> -> memref<80x16xf32, #tpu.memory_space<hbm>>
      tpu.wait_dma2 semaphore(%arg21 : memref<!tpu.dma_semaphore, #tpu.memory_space<semaphore_mem>>) src(%arg15 : memref<80x16xf32, #tpu.memory_space<vmem>>) dst(%dma_wait3A_90 : memref<80x16xf32, #tpu.memory_space<hbm>>)
      %dma_wait3A_91 = arith.constant 0 : i32
      %dma_wait3A_92 = arith.constant 0 : i32
      %dma_wait3A_93 = tpu.memref_slice %arg17[%dma_wait3A_91, %dma_wait3A_92] : memref<10240x16xf32, #tpu.memory_space<vmem_shared>> -> memref<10240x16xf32, #tpu.memory_space<vmem_shared>>
      tpu.wait_indirect_dma semaphore(%arg22 : memref<!tpu.dma_semaphore, #tpu.memory_space<semaphore_mem>>) src(%arg15 : memref<80x16xf32, #tpu.memory_space<vmem>>) dst(%dma_wait3A_93 : memref<10240x16xf32, #tpu.memory_space<vmem_shared>>)
      %dma_wait3A_94 = arith.constant 0 : i32
      %dma_wait3A_95 = arith.constant 0 : i32
      %dma_wait3A_96 = tpu.memref_slice %arg24[%dma_wait3A_94, %dma_wait3A_95] : memref<10240x16xf32, #tpu.memory_space<vmem_shared>> -> memref<10240x16xf32, #tpu.memory_space<vmem_shared>>
      tpu.wait_indirect_dma semaphore(%arg20 : memref<!tpu.dma_semaphore, #tpu.memory_space<semaphore_mem>>) src(%arg23 : memref<80x16xf32, #tpu.memory_space<vmem>>) dst(%dma_wait3A_96 : memref<10240x16xf32, #tpu.memory_space<vmem_shared>>)
    }
    %scan3A_29 = arith.constant 125 : i32
    %barrier3A_30 = arith.constant 0 : index
    tpu.barrier barrier_id(%barrier3A_30)
    %mul3A_31 = arith.constant 640 : i32
    %mul3A_32 = arith.muli %arg1, %mul3A_31 : i32
    "tpu.region"() ({
      %run_scoped3A = tpu.sem_alloc : memref<!tpu.dma_semaphore, #tpu.memory_space<semaphore_mem>>
      %dma_start3A = arith.constant 0 : i32
      %dma_start3A_39 = tpu.memref_slice %arg17[%mul3A_32, %dma_start3A] : memref<10240x16xf32, #tpu.memory_space<vmem_shared>> -> memref<640x16xf32, #tpu.memory_space<vmem_shared>>
      %dma_start3A_40 = arith.constant 0 : i32
      %dma_start3A_41 = tpu.memref_slice %arg17[%mul3A_32, %dma_start3A_40] : memref<10240x16xf32, #tpu.memory_space<vmem_shared>> -> memref<640x16xf32, #tpu.memory_space<vmem_shared>>
      tpu.enqueue_dma source(%dma_start3A_41 : memref<640x16xf32, #tpu.memory_space<vmem_shared>>) target(%arg16 : memref<640x16xf32, #tpu.memory_space<vmem>>) target_semaphore(%run_scoped3A : memref<!tpu.dma_semaphore, #tpu.memory_space<semaphore_mem>>)
      %dma_wait3A = arith.constant 0 : i32
      %dma_wait3A_42 = tpu.memref_slice %arg17[%mul3A_32, %dma_wait3A] : memref<10240x16xf32, #tpu.memory_space<vmem_shared>> -> memref<640x16xf32, #tpu.memory_space<vmem_shared>>
      %dma_wait3A_43 = arith.constant 0 : i32
      %dma_wait3A_44 = tpu.memref_slice %arg17[%mul3A_32, %dma_wait3A_43] : memref<10240x16xf32, #tpu.memory_space<vmem_shared>> -> memref<640x16xf32, #tpu.memory_space<vmem_shared>>
      tpu.wait_dma2 semaphore(%run_scoped3A : memref<!tpu.dma_semaphore, #tpu.memory_space<semaphore_mem>>) src(%dma_wait3A_44 : memref<640x16xf32, #tpu.memory_space<vmem_shared>>) dst(%arg16 : memref<640x16xf32, #tpu.memory_space<vmem>>)
      tpu.yield
    }) : () -> ()
    %mul3A_33 = arith.constant 640 : i32
    %mul3A_34 = arith.muli %arg1, %mul3A_33 : i32
    "tpu.region"() ({
      %run_scoped3A = tpu.sem_alloc : memref<!tpu.dma_semaphore, #tpu.memory_space<semaphore_mem>>
      %dma_start3A = arith.constant 0 : i32
      %dma_start3A_39 = tpu.memref_slice %arg8[%arg0, %mul3A_34, %dma_start3A] : memref<2x10240x16xf32, #tpu.memory_space<hbm>> -> memref<1x640x16xf32, #tpu.memory_space<hbm>>
      %dma_start3A_40 = tpu.memref_squeeze %dma_start3A_39 : memref<1x640x16xf32, #tpu.memory_space<hbm>> -> memref<640x16xf32, #tpu.memory_space<hbm>>
      %dma_start3A_41 = arith.constant 0 : i32
      %dma_start3A_42 = tpu.memref_slice %arg8[%arg0, %mul3A_34, %dma_start3A_41] : memref<2x10240x16xf32, #tpu.memory_space<hbm>> -> memref<1x640x16xf32, #tpu.memory_space<hbm>>
      %dma_start3A_43 = tpu.memref_squeeze %dma_start3A_42 : memref<1x640x16xf32, #tpu.memory_space<hbm>> -> memref<640x16xf32, #tpu.memory_space<hbm>>
      tpu.enqueue_dma source(%arg16 : memref<640x16xf32, #tpu.memory_space<vmem>>) target(%dma_start3A_43 : memref<640x16xf32, #tpu.memory_space<hbm>>) target_semaphore(%run_scoped3A : memref<!tpu.dma_semaphore, #tpu.memory_space<semaphore_mem>>)
      %dma_wait3A = arith.constant 0 : i32
      %dma_wait3A_44 = tpu.memref_slice %arg8[%arg0, %mul3A_34, %dma_wait3A] : memref<2x10240x16xf32, #tpu.memory_space<hbm>> -> memref<1x640x16xf32, #tpu.memory_space<hbm>>
      %dma_wait3A_45 = tpu.memref_squeeze %dma_wait3A_44 : memref<1x640x16xf32, #tpu.memory_space<hbm>> -> memref<640x16xf32, #tpu.memory_space<hbm>>
      %dma_wait3A_46 = arith.constant 0 : i32
      %dma_wait3A_47 = tpu.memref_slice %arg8[%arg0, %mul3A_34, %dma_wait3A_46] : memref<2x10240x16xf32, #tpu.memory_space<hbm>> -> memref<1x640x16xf32, #tpu.memory_space<hbm>>
      %dma_wait3A_48 = tpu.memref_squeeze %dma_wait3A_47 : memref<1x640x16xf32, #tpu.memory_space<hbm>> -> memref<640x16xf32, #tpu.memory_space<hbm>>
      tpu.wait_dma2 semaphore(%run_scoped3A : memref<!tpu.dma_semaphore, #tpu.memory_space<semaphore_mem>>) src(%arg16 : memref<640x16xf32, #tpu.memory_space<vmem>>) dst(%dma_wait3A_48 : memref<640x16xf32, #tpu.memory_space<hbm>>)
      tpu.yield
    }) : () -> ()
    %mul3A_35 = arith.constant 640 : i32
    %mul3A_36 = arith.muli %arg1, %mul3A_35 : i32
    "tpu.region"() ({
      %run_scoped3A = tpu.sem_alloc : memref<!tpu.dma_semaphore, #tpu.memory_space<semaphore_mem>>
      %dma_start3A = arith.constant 0 : i32
      %dma_start3A_39 = tpu.memref_slice %arg24[%mul3A_36, %dma_start3A] : memref<10240x16xf32, #tpu.memory_space<vmem_shared>> -> memref<640x16xf32, #tpu.memory_space<vmem_shared>>
      %dma_start3A_40 = arith.constant 0 : i32
      %dma_start3A_41 = tpu.memref_slice %arg24[%mul3A_36, %dma_start3A_40] : memref<10240x16xf32, #tpu.memory_space<vmem_shared>> -> memref<640x16xf32, #tpu.memory_space<vmem_shared>>
      tpu.enqueue_dma source(%dma_start3A_41 : memref<640x16xf32, #tpu.memory_space<vmem_shared>>) target(%arg16 : memref<640x16xf32, #tpu.memory_space<vmem>>) target_semaphore(%run_scoped3A : memref<!tpu.dma_semaphore, #tpu.memory_space<semaphore_mem>>)
      %dma_wait3A = arith.constant 0 : i32
      %dma_wait3A_42 = tpu.memref_slice %arg24[%mul3A_36, %dma_wait3A] : memref<10240x16xf32, #tpu.memory_space<vmem_shared>> -> memref<640x16xf32, #tpu.memory_space<vmem_shared>>
      %dma_wait3A_43 = arith.constant 0 : i32
      %dma_wait3A_44 = tpu.memref_slice %arg24[%mul3A_36, %dma_wait3A_43] : memref<10240x16xf32, #tpu.memory_space<vmem_shared>> -> memref<640x16xf32, #tpu.memory_space<vmem_shared>>
      tpu.wait_dma2 semaphore(%run_scoped3A : memref<!tpu.dma_semaphore, #tpu.memory_space<semaphore_mem>>) src(%dma_wait3A_44 : memref<640x16xf32, #tpu.memory_space<vmem_shared>>) dst(%arg16 : memref<640x16xf32, #tpu.memory_space<vmem>>)
      tpu.yield
    }) : () -> ()
    %mul3A_37 = arith.constant 640 : i32
    %mul3A_38 = arith.muli %arg1, %mul3A_37 : i32
    "tpu.region"() ({
      %run_scoped3A = tpu.sem_alloc : memref<!tpu.dma_semaphore, #tpu.memory_space<semaphore_mem>>
      %dma_start3A = arith.constant 0 : i32
      %dma_start3A_39 = tpu.memref_slice %arg9[%arg0, %mul3A_38, %dma_start3A] : memref<2x10240x16xf32, #tpu.memory_space<hbm>> -> memref<1x640x16xf32, #tpu.memory_space<hbm>>
      %dma_start3A_40 = tpu.memref_squeeze %dma_start3A_39 : memref<1x640x16xf32, #tpu.memory_space<hbm>> -> memref<640x16xf32, #tpu.memory_space<hbm>>
      %dma_start3A_41 = arith.constant 0 : i32
      %dma_start3A_42 = tpu.memref_slice %arg9[%arg0, %mul3A_38, %dma_start3A_41] : memref<2x10240x16xf32, #tpu.memory_space<hbm>> -> memref<1x640x16xf32, #tpu.memory_space<hbm>>
      %dma_start3A_43 = tpu.memref_squeeze %dma_start3A_42 : memref<1x640x16xf32, #tpu.memory_space<hbm>> -> memref<640x16xf32, #tpu.memory_space<hbm>>
      tpu.enqueue_dma source(%arg16 : memref<640x16xf32, #tpu.memory_space<vmem>>) target(%dma_start3A_43 : memref<640x16xf32, #tpu.memory_space<hbm>>) target_semaphore(%run_scoped3A : memref<!tpu.dma_semaphore, #tpu.memory_space<semaphore_mem>>)
      %dma_wait3A = arith.constant 0 : i32
      %dma_wait3A_44 = tpu.memref_slice %arg9[%arg0, %mul3A_38, %dma_wait3A] : memref<2x10240x16xf32, #tpu.memory_space<hbm>> -> memref<1x640x16xf32, #tpu.memory_space<hbm>>
      %dma_wait3A_45 = tpu.memref_squeeze %dma_wait3A_44 : memref<1x640x16xf32, #tpu.memory_space<hbm>> -> memref<640x16xf32, #tpu.memory_space<hbm>>
      %dma_wait3A_46 = arith.constant 0 : i32
      %dma_wait3A_47 = tpu.memref_slice %arg9[%arg0, %mul3A_38, %dma_wait3A_46] : memref<2x10240x16xf32, #tpu.memory_space<hbm>> -> memref<1x640x16xf32, #tpu.memory_space<hbm>>
      %dma_wait3A_48 = tpu.memref_squeeze %dma_wait3A_47 : memref<1x640x16xf32, #tpu.memory_space<hbm>> -> memref<640x16xf32, #tpu.memory_space<hbm>>
      tpu.wait_dma2 semaphore(%run_scoped3A : memref<!tpu.dma_semaphore, #tpu.memory_space<semaphore_mem>>) src(%arg16 : memref<640x16xf32, #tpu.memory_space<vmem>>) dst(%dma_wait3A_48 : memref<640x16xf32, #tpu.memory_space<hbm>>)
      tpu.yield
    }) : () -> ()
    return
  }
}

#map = affine_map<(d0, d1) -> (0, 0)>
#map1 = affine_map<(d0, d1) -> (0)>
#map2 = affine_map<(d0, d1) -> (0, 0, 0)>
module attributes {stable_mosaic.version = 14 : i64} {
  func.func @body(%arg0: i32, %arg1: i32, %arg2: memref<320000x16xf32, #tpu.memory_space<hbm>>, %arg3: memref<320000xi32, #tpu.memory_space<hbm>>, %arg4: memref<320000xi32, #tpu.memory_space<hbm>>, %arg5: memref<10000x16xf32, #tpu.memory_space<hbm>>, %arg6: memref<10000x16xf32, #tpu.memory_space<hbm>>, %arg7: memref<320000x16xf32, #tpu.memory_space<hbm>>, %arg8: memref<2x10240x16xf32, #tpu.memory_space<hbm>>, %arg9: memref<80xi32, #tpu.memory_space<vmem>>, %arg10: memref<80xi32, #tpu.memory_space<vmem>>, %arg11: memref<80x16xf32, #tpu.memory_space<vmem>>, %arg12: memref<80x16xf32, #tpu.memory_space<vmem>>, %arg13: memref<80x16xf32, #tpu.memory_space<vmem>>, %arg14: memref<80x16xf32, #tpu.memory_space<vmem>>, %arg15: memref<640x16xf32, #tpu.memory_space<vmem>>, %arg16: memref<10240x16xf32, #tpu.memory_space<vmem_shared>>, %arg17: memref<10000x16xf32, #tpu.memory_space<vmem_shared>>, %arg18: memref<10000x16xf32, #tpu.memory_space<vmem_shared>>, %arg19: memref<!tpu.dma_semaphore, #tpu.memory_space<semaphore_mem>>, %arg20: memref<!tpu.dma_semaphore, #tpu.memory_space<semaphore_mem>>, %arg21: memref<!tpu.dma_semaphore, #tpu.memory_space<semaphore_mem>>) attributes {dimension_semantics = [#tpu.dimension_semantics<core_parallel>, #tpu.dimension_semantics<subcore_parallel>], iteration_bounds = array<i64: 2, 16>, scalar_prefetch = 0 : i64, scratch_operands = 13 : i64, tpu.core_type = #tpu.core_type<sc_vector_subcore>, window_params = [{transform_indices = #map}, {transform_indices = #map1}, {transform_indices = #map1}, {transform_indices = #map}, {transform_indices = #map}, {transform_indices = #map}, {transform_indices = #map2}]} {
    %mul3A = arith.constant 16 : i32
    %mul3A_0 = arith.muli %arg0, %mul3A : i32
    %add3A = arith.addi %mul3A_0, %arg1 : i32
    %scan3A = arith.constant 0 : i32
    %scan3A_1 = arith.constant 0 : i32
    %scan3A_2 = arith.constant 640 : i32
    %scan3A_3 = arith.addi %scan3A_1, %scan3A_2 : i32
    %scan3A_4 = arith.constant 1 : i32
    scf.for %scan3A_27 = %scan3A_1 to %scan3A_3 step %scan3A_4  : i32 {
      %broadcast_in_dim3A = arith.constant 0.000000e+00 : f32
      %broadcast_in_dim3A_28 = vector.broadcast %broadcast_in_dim3A : f32 to vector<16xf32>
      %swap3A = arith.index_cast %scan3A_27 : i32 to index
      %swap3A_29 = arith.constant 0 : index
      %swap3A_30 = tpu.vector_load %arg15[%swap3A, %swap3A_29] {strides = array<i32>} : memref<640x16xf32, #tpu.memory_space<vmem>>, vector<1x16xf32>,
      %swap3A_31 = vector.shape_cast %swap3A_30 : vector<1x16xf32> to vector<16xf32>
      %swap3A_32 = vector.shape_cast %broadcast_in_dim3A_28 : vector<16xf32> to vector<1x16xf32>
      tpu.vector_store %arg15[%swap3A, %swap3A_29], %swap3A_32 {strides = array<i32>} : memref<640x16xf32, #tpu.memory_space<vmem>>, vector<1x16xf32>,
    }
    %scan3A_5 = arith.constant 640 : i32
    %mul3A_6 = arith.constant 640 : i32
    %mul3A_7 = arith.muli %arg1, %mul3A_6 : i32
    "tpu.region"() ({
      %run_scoped3A = tpu.sem_alloc : memref<!tpu.dma_semaphore, #tpu.memory_space<semaphore_mem>>
      %dma_start3A = arith.constant 0 : i32
      %dma_start3A_27 = tpu.memref_slice %arg16[%mul3A_7, %dma_start3A] : memref<10240x16xf32, #tpu.memory_space<vmem_shared>> -> memref<640x16xf32, #tpu.memory_space<vmem_shared>>
      %dma_start3A_28 = arith.constant 0 : i32
      %dma_start3A_29 = tpu.memref_slice %arg16[%mul3A_7, %dma_start3A_28] : memref<10240x16xf32, #tpu.memory_space<vmem_shared>> -> memref<640x16xf32, #tpu.memory_space<vmem_shared>>
      tpu.enqueue_dma source(%arg15 : memref<640x16xf32, #tpu.memory_space<vmem>>) target(%dma_start3A_29 : memref<640x16xf32, #tpu.memory_space<vmem_shared>>) target_semaphore(%run_scoped3A : memref<!tpu.dma_semaphore, #tpu.memory_space<semaphore_mem>>)
      %dma_wait3A = arith.constant 0 : i32
      %dma_wait3A_30 = tpu.memref_slice %arg16[%mul3A_7, %dma_wait3A] : memref<10240x16xf32, #tpu.memory_space<vmem_shared>> -> memref<640x16xf32, #tpu.memory_space<vmem_shared>>
      %dma_wait3A_31 = arith.constant 0 : i32
      %dma_wait3A_32 = tpu.memref_slice %arg16[%mul3A_7, %dma_wait3A_31] : memref<10240x16xf32, #tpu.memory_space<vmem_shared>> -> memref<640x16xf32, #tpu.memory_space<vmem_shared>>
      tpu.wait_dma2 semaphore(%run_scoped3A : memref<!tpu.dma_semaphore, #tpu.memory_space<semaphore_mem>>) src(%arg15 : memref<640x16xf32, #tpu.memory_space<vmem>>) dst(%dma_wait3A_32 : memref<640x16xf32, #tpu.memory_space<vmem_shared>>)
      tpu.yield
    }) : () -> ()
    %mul3A_8 = arith.constant 625 : i32
    %mul3A_9 = arith.muli %arg1, %mul3A_8 : i32
    "tpu.region"() ({
      %run_scoped3A = tpu.sem_alloc : memref<!tpu.dma_semaphore, #tpu.memory_space<semaphore_mem>>
      %dma_start3A = arith.constant 0 : i32
      %dma_start3A_27 = arith.constant 0 : i32
      %dma_start3A_28 = tpu.memref_slice %arg15[%dma_start3A, %dma_start3A_27] : memref<640x16xf32, #tpu.memory_space<vmem>> -> memref<625x16xf32, #tpu.memory_space<vmem>>
      %dma_start3A_29 = arith.constant 0 : i32
      %dma_start3A_30 = tpu.memref_slice %arg5[%mul3A_9, %dma_start3A_29] : memref<10000x16xf32, #tpu.memory_space<hbm>> -> memref<625x16xf32, #tpu.memory_space<hbm>>
      %dma_start3A_31 = arith.constant 0 : i32
      %dma_start3A_32 = arith.constant 0 : i32
      %dma_start3A_33 = tpu.memref_slice %arg15[%dma_start3A_31, %dma_start3A_32] : memref<640x16xf32, #tpu.memory_space<vmem>> -> memref<625x16xf32, #tpu.memory_space<vmem>>
      %dma_start3A_34 = arith.constant 0 : i32
      %dma_start3A_35 = tpu.memref_slice %arg5[%mul3A_9, %dma_start3A_34] : memref<10000x16xf32, #tpu.memory_space<hbm>> -> memref<625x16xf32, #tpu.memory_space<hbm>>
      tpu.enqueue_dma source(%dma_start3A_35 : memref<625x16xf32, #tpu.memory_space<hbm>>) target(%dma_start3A_33 : memref<625x16xf32, #tpu.memory_space<vmem>>) target_semaphore(%run_scoped3A : memref<!tpu.dma_semaphore, #tpu.memory_space<semaphore_mem>>)
      %dma_wait3A = arith.constant 0 : i32
      %dma_wait3A_36 = arith.constant 0 : i32
      %dma_wait3A_37 = tpu.memref_slice %arg15[%dma_wait3A, %dma_wait3A_36] : memref<640x16xf32, #tpu.memory_space<vmem>> -> memref<625x16xf32, #tpu.memory_space<vmem>>
      %dma_wait3A_38 = arith.constant 0 : i32
      %dma_wait3A_39 = tpu.memref_slice %arg5[%mul3A_9, %dma_wait3A_38] : memref<10000x16xf32, #tpu.memory_space<hbm>> -> memref<625x16xf32, #tpu.memory_space<hbm>>
      %dma_wait3A_40 = arith.constant 0 : i32
      %dma_wait3A_41 = arith.constant 0 : i32
      %dma_wait3A_42 = tpu.memref_slice %arg15[%dma_wait3A_40, %dma_wait3A_41] : memref<640x16xf32, #tpu.memory_space<vmem>> -> memref<625x16xf32, #tpu.memory_space<vmem>>
      %dma_wait3A_43 = arith.constant 0 : i32
      %dma_wait3A_44 = tpu.memref_slice %arg5[%mul3A_9, %dma_wait3A_43] : memref<10000x16xf32, #tpu.memory_space<hbm>> -> memref<625x16xf32, #tpu.memory_space<hbm>>
      tpu.wait_dma2 semaphore(%run_scoped3A : memref<!tpu.dma_semaphore, #tpu.memory_space<semaphore_mem>>) src(%dma_wait3A_44 : memref<625x16xf32, #tpu.memory_space<hbm>>) dst(%dma_wait3A_42 : memref<625x16xf32, #tpu.memory_space<vmem>>)
      tpu.yield
    }) : () -> ()
    %mul3A_10 = arith.constant 625 : i32
    %mul3A_11 = arith.muli %arg1, %mul3A_10 : i32
    "tpu.region"() ({
      %run_scoped3A = tpu.sem_alloc : memref<!tpu.dma_semaphore, #tpu.memory_space<semaphore_mem>>
      %dma_start3A = arith.constant 0 : i32
      %dma_start3A_27 = arith.constant 0 : i32
      %dma_start3A_28 = tpu.memref_slice %arg15[%dma_start3A, %dma_start3A_27] : memref<640x16xf32, #tpu.memory_space<vmem>> -> memref<625x16xf32, #tpu.memory_space<vmem>>
      %dma_start3A_29 = arith.constant 0 : i32
      %dma_start3A_30 = tpu.memref_slice %arg17[%mul3A_11, %dma_start3A_29] : memref<10000x16xf32, #tpu.memory_space<vmem_shared>> -> memref<625x16xf32, #tpu.memory_space<vmem_shared>>
      %dma_start3A_31 = arith.constant 0 : i32
      %dma_start3A_32 = tpu.memref_slice %arg17[%mul3A_11, %dma_start3A_31] : memref<10000x16xf32, #tpu.memory_space<vmem_shared>> -> memref<625x16xf32, #tpu.memory_space<vmem_shared>>
      %dma_start3A_33 = arith.constant 0 : i32
      %dma_start3A_34 = arith.constant 0 : i32
      %dma_start3A_35 = tpu.memref_slice %arg15[%dma_start3A_33, %dma_start3A_34] : memref<640x16xf32, #tpu.memory_space<vmem>> -> memref<625x16xf32, #tpu.memory_space<vmem>>
      tpu.enqueue_dma source(%dma_start3A_35 : memref<625x16xf32, #tpu.memory_space<vmem>>) target(%dma_start3A_32 : memref<625x16xf32, #tpu.memory_space<vmem_shared>>) target_semaphore(%run_scoped3A : memref<!tpu.dma_semaphore, #tpu.memory_space<semaphore_mem>>)
      %dma_wait3A = arith.constant 0 : i32
      %dma_wait3A_36 = arith.constant 0 : i32
      %dma_wait3A_37 = tpu.memref_slice %arg15[%dma_wait3A, %dma_wait3A_36] : memref<640x16xf32, #tpu.memory_space<vmem>> -> memref<625x16xf32, #tpu.memory_space<vmem>>
      %dma_wait3A_38 = arith.constant 0 : i32
      %dma_wait3A_39 = tpu.memref_slice %arg17[%mul3A_11, %dma_wait3A_38] : memref<10000x16xf32, #tpu.memory_space<vmem_shared>> -> memref<625x16xf32, #tpu.memory_space<vmem_shared>>
      %dma_wait3A_40 = arith.constant 0 : i32
      %dma_wait3A_41 = tpu.memref_slice %arg17[%mul3A_11, %dma_wait3A_40] : memref<10000x16xf32, #tpu.memory_space<vmem_shared>> -> memref<625x16xf32, #tpu.memory_space<vmem_shared>>
      %dma_wait3A_42 = arith.constant 0 : i32
      %dma_wait3A_43 = arith.constant 0 : i32
      %dma_wait3A_44 = tpu.memref_slice %arg15[%dma_wait3A_42, %dma_wait3A_43] : memref<640x16xf32, #tpu.memory_space<vmem>> -> memref<625x16xf32, #tpu.memory_space<vmem>>
      tpu.wait_dma2 semaphore(%run_scoped3A : memref<!tpu.dma_semaphore, #tpu.memory_space<semaphore_mem>>) src(%dma_wait3A_44 : memref<625x16xf32, #tpu.memory_space<vmem>>) dst(%dma_wait3A_41 : memref<625x16xf32, #tpu.memory_space<vmem_shared>>)
      tpu.yield
    }) : () -> ()
    %mul3A_12 = arith.constant 625 : i32
    %mul3A_13 = arith.muli %arg1, %mul3A_12 : i32
    "tpu.region"() ({
      %run_scoped3A = tpu.sem_alloc : memref<!tpu.dma_semaphore, #tpu.memory_space<semaphore_mem>>
      %dma_start3A = arith.constant 0 : i32
      %dma_start3A_27 = arith.constant 0 : i32
      %dma_start3A_28 = tpu.memref_slice %arg15[%dma_start3A, %dma_start3A_27] : memref<640x16xf32, #tpu.memory_space<vmem>> -> memref<625x16xf32, #tpu.memory_space<vmem>>
      %dma_start3A_29 = arith.constant 0 : i32
      %dma_start3A_30 = tpu.memref_slice %arg6[%mul3A_13, %dma_start3A_29] : memref<10000x16xf32, #tpu.memory_space<hbm>> -> memref<625x16xf32, #tpu.memory_space<hbm>>
      %dma_start3A_31 = arith.constant 0 : i32
      %dma_start3A_32 = arith.constant 0 : i32
      %dma_start3A_33 = tpu.memref_slice %arg15[%dma_start3A_31, %dma_start3A_32] : memref<640x16xf32, #tpu.memory_space<vmem>> -> memref<625x16xf32, #tpu.memory_space<vmem>>
      %dma_start3A_34 = arith.constant 0 : i32
      %dma_start3A_35 = tpu.memref_slice %arg6[%mul3A_13, %dma_start3A_34] : memref<10000x16xf32, #tpu.memory_space<hbm>> -> memref<625x16xf32, #tpu.memory_space<hbm>>
      tpu.enqueue_dma source(%dma_start3A_35 : memref<625x16xf32, #tpu.memory_space<hbm>>) target(%dma_start3A_33 : memref<625x16xf32, #tpu.memory_space<vmem>>) target_semaphore(%run_scoped3A : memref<!tpu.dma_semaphore, #tpu.memory_space<semaphore_mem>>)
      %dma_wait3A = arith.constant 0 : i32
      %dma_wait3A_36 = arith.constant 0 : i32
      %dma_wait3A_37 = tpu.memref_slice %arg15[%dma_wait3A, %dma_wait3A_36] : memref<640x16xf32, #tpu.memory_space<vmem>> -> memref<625x16xf32, #tpu.memory_space<vmem>>
      %dma_wait3A_38 = arith.constant 0 : i32
      %dma_wait3A_39 = tpu.memref_slice %arg6[%mul3A_13, %dma_wait3A_38] : memref<10000x16xf32, #tpu.memory_space<hbm>> -> memref<625x16xf32, #tpu.memory_space<hbm>>
      %dma_wait3A_40 = arith.constant 0 : i32
      %dma_wait3A_41 = arith.constant 0 : i32
      %dma_wait3A_42 = tpu.memref_slice %arg15[%dma_wait3A_40, %dma_wait3A_41] : memref<640x16xf32, #tpu.memory_space<vmem>> -> memref<625x16xf32, #tpu.memory_space<vmem>>
      %dma_wait3A_43 = arith.constant 0 : i32
      %dma_wait3A_44 = tpu.memref_slice %arg6[%mul3A_13, %dma_wait3A_43] : memref<10000x16xf32, #tpu.memory_space<hbm>> -> memref<625x16xf32, #tpu.memory_space<hbm>>
      tpu.wait_dma2 semaphore(%run_scoped3A : memref<!tpu.dma_semaphore, #tpu.memory_space<semaphore_mem>>) src(%dma_wait3A_44 : memref<625x16xf32, #tpu.memory_space<hbm>>) dst(%dma_wait3A_42 : memref<625x16xf32, #tpu.memory_space<vmem>>)
      tpu.yield
    }) : () -> ()
    %mul3A_14 = arith.constant 625 : i32
    %mul3A_15 = arith.muli %arg1, %mul3A_14 : i32
    "tpu.region"() ({
      %run_scoped3A = tpu.sem_alloc : memref<!tpu.dma_semaphore, #tpu.memory_space<semaphore_mem>>
      %dma_start3A = arith.constant 0 : i32
      %dma_start3A_27 = arith.constant 0 : i32
      %dma_start3A_28 = tpu.memref_slice %arg15[%dma_start3A, %dma_start3A_27] : memref<640x16xf32, #tpu.memory_space<vmem>> -> memref<625x16xf32, #tpu.memory_space<vmem>>
      %dma_start3A_29 = arith.constant 0 : i32
      %dma_start3A_30 = tpu.memref_slice %arg18[%mul3A_15, %dma_start3A_29] : memref<10000x16xf32, #tpu.memory_space<vmem_shared>> -> memref<625x16xf32, #tpu.memory_space<vmem_shared>>
      %dma_start3A_31 = arith.constant 0 : i32
      %dma_start3A_32 = tpu.memref_slice %arg18[%mul3A_15, %dma_start3A_31] : memref<10000x16xf32, #tpu.memory_space<vmem_shared>> -> memref<625x16xf32, #tpu.memory_space<vmem_shared>>
      %dma_start3A_33 = arith.constant 0 : i32
      %dma_start3A_34 = arith.constant 0 : i32
      %dma_start3A_35 = tpu.memref_slice %arg15[%dma_start3A_33, %dma_start3A_34] : memref<640x16xf32, #tpu.memory_space<vmem>> -> memref<625x16xf32, #tpu.memory_space<vmem>>
      tpu.enqueue_dma source(%dma_start3A_35 : memref<625x16xf32, #tpu.memory_space<vmem>>) target(%dma_start3A_32 : memref<625x16xf32, #tpu.memory_space<vmem_shared>>) target_semaphore(%run_scoped3A : memref<!tpu.dma_semaphore, #tpu.memory_space<semaphore_mem>>)
      %dma_wait3A = arith.constant 0 : i32
      %dma_wait3A_36 = arith.constant 0 : i32
      %dma_wait3A_37 = tpu.memref_slice %arg15[%dma_wait3A, %dma_wait3A_36] : memref<640x16xf32, #tpu.memory_space<vmem>> -> memref<625x16xf32, #tpu.memory_space<vmem>>
      %dma_wait3A_38 = arith.constant 0 : i32
      %dma_wait3A_39 = tpu.memref_slice %arg18[%mul3A_15, %dma_wait3A_38] : memref<10000x16xf32, #tpu.memory_space<vmem_shared>> -> memref<625x16xf32, #tpu.memory_space<vmem_shared>>
      %dma_wait3A_40 = arith.constant 0 : i32
      %dma_wait3A_41 = tpu.memref_slice %arg18[%mul3A_15, %dma_wait3A_40] : memref<10000x16xf32, #tpu.memory_space<vmem_shared>> -> memref<625x16xf32, #tpu.memory_space<vmem_shared>>
      %dma_wait3A_42 = arith.constant 0 : i32
      %dma_wait3A_43 = arith.constant 0 : i32
      %dma_wait3A_44 = tpu.memref_slice %arg15[%dma_wait3A_42, %dma_wait3A_43] : memref<640x16xf32, #tpu.memory_space<vmem>> -> memref<625x16xf32, #tpu.memory_space<vmem>>
      tpu.wait_dma2 semaphore(%run_scoped3A : memref<!tpu.dma_semaphore, #tpu.memory_space<semaphore_mem>>) src(%dma_wait3A_44 : memref<625x16xf32, #tpu.memory_space<vmem>>) dst(%dma_wait3A_41 : memref<625x16xf32, #tpu.memory_space<vmem_shared>>)
      tpu.yield
    }) : () -> ()
    %barrier3A = arith.constant 0 : index
    tpu.barrier barrier_id(%barrier3A)
    %scan3A_16 = arith.constant 0 : i32
    %scan3A_17 = arith.constant 0 : i32
    %scan3A_18 = arith.constant 125 : i32
    %scan3A_19 = arith.addi %scan3A_17, %scan3A_18 : i32
    %scan3A_20 = arith.constant 1 : i32
    scf.for %scan3A_27 = %scan3A_17 to %scan3A_19 step %scan3A_20  : i32 {
      %mul3A_28 = arith.constant 10000 : i32
      %mul3A_29 = arith.muli %add3A, %mul3A_28 : i32
      %mul3A_30 = arith.constant 80 : i32
      %mul3A_31 = arith.muli %scan3A_27, %mul3A_30 : i32
      %add3A_32 = arith.addi %mul3A_29, %mul3A_31 : i32
      %dma_start3A = tpu.memref_slice %arg3[%add3A_32] : memref<320000xi32, #tpu.memory_space<hbm>> -> memref<80xi32, #tpu.memory_space<hbm>>
      %dma_start3A_33 = tpu.memref_slice %arg3[%add3A_32] : memref<320000xi32, #tpu.memory_space<hbm>> -> memref<80xi32, #tpu.memory_space<hbm>>
      tpu.enqueue_dma source(%dma_start3A_33 : memref<80xi32, #tpu.memory_space<hbm>>) target(%arg9 : memref<80xi32, #tpu.memory_space<vmem>>) target_semaphore(%arg19 : memref<!tpu.dma_semaphore, #tpu.memory_space<semaphore_mem>>)
      %dma_start3A_34 = tpu.memref_slice %arg4[%add3A_32] : memref<320000xi32, #tpu.memory_space<hbm>> -> memref<80xi32, #tpu.memory_space<hbm>>
      %dma_start3A_35 = tpu.memref_slice %arg4[%add3A_32] : memref<320000xi32, #tpu.memory_space<hbm>> -> memref<80xi32, #tpu.memory_space<hbm>>
      tpu.enqueue_dma source(%dma_start3A_35 : memref<80xi32, #tpu.memory_space<hbm>>) target(%arg10 : memref<80xi32, #tpu.memory_space<vmem>>) target_semaphore(%arg19 : memref<!tpu.dma_semaphore, #tpu.memory_space<semaphore_mem>>)
      %dma_start3A_36 = arith.constant 0 : i32
      %dma_start3A_37 = tpu.memref_slice %arg2[%add3A_32, %dma_start3A_36] : memref<320000x16xf32, #tpu.memory_space<hbm>> -> memref<80x16xf32, #tpu.memory_space<hbm>>
      %dma_start3A_38 = arith.constant 0 : i32
      %dma_start3A_39 = tpu.memref_slice %arg2[%add3A_32, %dma_start3A_38] : memref<320000x16xf32, #tpu.memory_space<hbm>> -> memref<80x16xf32, #tpu.memory_space<hbm>>
      tpu.enqueue_dma source(%dma_start3A_39 : memref<80x16xf32, #tpu.memory_space<hbm>>) target(%arg11 : memref<80x16xf32, #tpu.memory_space<vmem>>) target_semaphore(%arg19 : memref<!tpu.dma_semaphore, #tpu.memory_space<semaphore_mem>>)
      %dma_wait3A = tpu.memref_slice %arg3[%add3A_32] : memref<320000xi32, #tpu.memory_space<hbm>> -> memref<80xi32, #tpu.memory_space<hbm>>
      %dma_wait3A_40 = tpu.memref_slice %arg3[%add3A_32] : memref<320000xi32, #tpu.memory_space<hbm>> -> memref<80xi32, #tpu.memory_space<hbm>>
      tpu.wait_dma2 semaphore(%arg19 : memref<!tpu.dma_semaphore, #tpu.memory_space<semaphore_mem>>) src(%dma_wait3A_40 : memref<80xi32, #tpu.memory_space<hbm>>) dst(%arg9 : memref<80xi32, #tpu.memory_space<vmem>>)
      %dma_wait3A_41 = tpu.memref_slice %arg4[%add3A_32] : memref<320000xi32, #tpu.memory_space<hbm>> -> memref<80xi32, #tpu.memory_space<hbm>>
      %dma_wait3A_42 = tpu.memref_slice %arg4[%add3A_32] : memref<320000xi32, #tpu.memory_space<hbm>> -> memref<80xi32, #tpu.memory_space<hbm>>
      tpu.wait_dma2 semaphore(%arg19 : memref<!tpu.dma_semaphore, #tpu.memory_space<semaphore_mem>>) src(%dma_wait3A_42 : memref<80xi32, #tpu.memory_space<hbm>>) dst(%arg10 : memref<80xi32, #tpu.memory_space<vmem>>)
      %dma_wait3A_43 = arith.constant 0 : i32
      %dma_wait3A_44 = tpu.memref_slice %arg2[%add3A_32, %dma_wait3A_43] : memref<320000x16xf32, #tpu.memory_space<hbm>> -> memref<80x16xf32, #tpu.memory_space<hbm>>
      %dma_wait3A_45 = arith.constant 0 : i32
      %dma_wait3A_46 = tpu.memref_slice %arg2[%add3A_32, %dma_wait3A_45] : memref<320000x16xf32, #tpu.memory_space<hbm>> -> memref<80x16xf32, #tpu.memory_space<hbm>>
      tpu.wait_dma2 semaphore(%arg19 : memref<!tpu.dma_semaphore, #tpu.memory_space<semaphore_mem>>) src(%dma_wait3A_46 : memref<80x16xf32, #tpu.memory_space<hbm>>) dst(%arg11 : memref<80x16xf32, #tpu.memory_space<vmem>>)
      %dma_start3A_47 = arith.constant 0 : i32
      %dma_start3A_48 = arith.constant 0 : i32
      %dma_start3A_49 = tpu.memref_slice %arg17[%dma_start3A_47, %dma_start3A_48] : memref<10000x16xf32, #tpu.memory_space<vmem_shared>> -> memref<10000x16xf32, #tpu.memory_space<vmem_shared>>
      tpu.enqueue_indirect_dma source(%dma_start3A_49 : memref<10000x16xf32, #tpu.memory_space<vmem_shared>>) target(%arg12 : memref<80x16xf32, #tpu.memory_space<vmem>>) offsets(%arg9 : memref<80xi32, #tpu.memory_space<vmem>>) semaphore(%arg20 : memref<!tpu.dma_semaphore, #tpu.memory_space<semaphore_mem>>)
      %dma_start3A_50 = arith.constant 0 : i32
      %dma_start3A_51 = arith.constant 0 : i32
      %dma_start3A_52 = tpu.memref_slice %arg18[%dma_start3A_50, %dma_start3A_51] : memref<10000x16xf32, #tpu.memory_space<vmem_shared>> -> memref<10000x16xf32, #tpu.memory_space<vmem_shared>>
      tpu.enqueue_indirect_dma source(%dma_start3A_52 : memref<10000x16xf32, #tpu.memory_space<vmem_shared>>) target(%arg13 : memref<80x16xf32, #tpu.memory_space<vmem>>) offsets(%arg10 : memref<80xi32, #tpu.memory_space<vmem>>) semaphore(%arg21 : memref<!tpu.dma_semaphore, #tpu.memory_space<semaphore_mem>>)
      %dma_wait3A_53 = arith.constant 0 : i32
      %dma_wait3A_54 = arith.constant 0 : i32
      %dma_wait3A_55 = tpu.memref_slice %arg17[%dma_wait3A_53, %dma_wait3A_54] : memref<10000x16xf32, #tpu.memory_space<vmem_shared>> -> memref<10000x16xf32, #tpu.memory_space<vmem_shared>>
      tpu.wait_indirect_dma semaphore(%arg20 : memref<!tpu.dma_semaphore, #tpu.memory_space<semaphore_mem>>) src(%dma_wait3A_55 : memref<10000x16xf32, #tpu.memory_space<vmem_shared>>) dst(%arg12 : memref<80x16xf32, #tpu.memory_space<vmem>>)
      %dma_wait3A_56 = arith.constant 0 : i32
      %dma_wait3A_57 = arith.constant 0 : i32
      %dma_wait3A_58 = tpu.memref_slice %arg18[%dma_wait3A_56, %dma_wait3A_57] : memref<10000x16xf32, #tpu.memory_space<vmem_shared>> -> memref<10000x16xf32, #tpu.memory_space<vmem_shared>>
      tpu.wait_indirect_dma semaphore(%arg21 : memref<!tpu.dma_semaphore, #tpu.memory_space<semaphore_mem>>) src(%dma_wait3A_58 : memref<10000x16xf32, #tpu.memory_space<vmem_shared>>) dst(%arg13 : memref<80x16xf32, #tpu.memory_space<vmem>>)
      %scan3A_59 = arith.constant 0 : i32
      %scan3A_60 = arith.constant 0 : i32
      %scan3A_61 = arith.constant 80 : i32
      %scan3A_62 = arith.addi %scan3A_60, %scan3A_61 : i32
      %scan3A_63 = arith.constant 8 : i32
      scf.for %scan3A_79 = %scan3A_60 to %scan3A_62 step %scan3A_63  : i32 {
        %get3A = arith.index_cast %scan3A_79 : i32 to index
        %get3A_80 = arith.constant 0 : index
        %get3A_81 = tpu.vector_load %arg11[%get3A, %get3A_80] {strides = array<i32>} : memref<80x16xf32, #tpu.memory_space<vmem>>, vector<1x16xf32>,
        %get3A_82 = vector.shape_cast %get3A_81 : vector<1x16xf32> to vector<16xf32>
        %get3A_83 = arith.index_cast %scan3A_79 : i32 to index
        %get3A_84 = arith.constant 0 : index
        %get3A_85 = tpu.vector_load %arg12[%get3A_83, %get3A_84] {strides = array<i32>} : memref<80x16xf32, #tpu.memory_space<vmem>>, vector<1x16xf32>,
        %get3A_86 = vector.shape_cast %get3A_85 : vector<1x16xf32> to vector<16xf32>
        %add3A_87 = arith.addf %get3A_82, %get3A_86 : vector<16xf32>
        %get3A_88 = arith.index_cast %scan3A_79 : i32 to index
        %get3A_89 = arith.constant 0 : index
        %get3A_90 = tpu.vector_load %arg13[%get3A_88, %get3A_89] {strides = array<i32>} : memref<80x16xf32, #tpu.memory_space<vmem>>, vector<1x16xf32>,
        %get3A_91 = vector.shape_cast %get3A_90 : vector<1x16xf32> to vector<16xf32>
        %add3A_92 = arith.addf %add3A_87, %get3A_91 : vector<16xf32>
        %max3A = arith.constant 0.000000e+00 : f32
        %max3A_93 = vector.broadcast %max3A : f32 to vector<16xf32>
        %max3A_94 = arith.maximumf %add3A_92, %max3A_93 : vector<16xf32>
        %swap3A = arith.index_cast %scan3A_79 : i32 to index
        %swap3A_95 = arith.constant 0 : index
        %swap3A_96 = tpu.vector_load %arg14[%swap3A, %swap3A_95] {strides = array<i32>} : memref<80x16xf32, #tpu.memory_space<vmem>>, vector<1x16xf32>,
        %swap3A_97 = vector.shape_cast %swap3A_96 : vector<1x16xf32> to vector<16xf32>
        %swap3A_98 = vector.shape_cast %max3A_94 : vector<16xf32> to vector<1x16xf32>
        tpu.vector_store %arg14[%swap3A, %swap3A_95], %swap3A_98 {strides = array<i32>} : memref<80x16xf32, #tpu.memory_space<vmem>>, vector<1x16xf32>,
        %scan3A_99 = arith.constant 1 : i32
        %scan3A_100 = arith.addi %scan3A_79, %scan3A_99 : i32
        %get3A_101 = arith.index_cast %scan3A_100 : i32 to index
        %get3A_102 = arith.constant 0 : index
        %get3A_103 = tpu.vector_load %arg11[%get3A_101, %get3A_102] {strides = array<i32>} : memref<80x16xf32, #tpu.memory_space<vmem>>, vector<1x16xf32>,
        %get3A_104 = vector.shape_cast %get3A_103 : vector<1x16xf32> to vector<16xf32>
        %get3A_105 = arith.index_cast %scan3A_100 : i32 to index
        %get3A_106 = arith.constant 0 : index
        %get3A_107 = tpu.vector_load %arg12[%get3A_105, %get3A_106] {strides = array<i32>} : memref<80x16xf32, #tpu.memory_space<vmem>>, vector<1x16xf32>,
        %get3A_108 = vector.shape_cast %get3A_107 : vector<1x16xf32> to vector<16xf32>
        %add3A_109 = arith.addf %get3A_104, %get3A_108 : vector<16xf32>
        %get3A_110 = arith.index_cast %scan3A_100 : i32 to index
        %get3A_111 = arith.constant 0 : index
        %get3A_112 = tpu.vector_load %arg13[%get3A_110, %get3A_111] {strides = array<i32>} : memref<80x16xf32, #tpu.memory_space<vmem>>, vector<1x16xf32>,
        %get3A_113 = vector.shape_cast %get3A_112 : vector<1x16xf32> to vector<16xf32>
        %add3A_114 = arith.addf %add3A_109, %get3A_113 : vector<16xf32>
        %max3A_115 = arith.constant 0.000000e+00 : f32
        %max3A_116 = vector.broadcast %max3A_115 : f32 to vector<16xf32>
        %max3A_117 = arith.maximumf %add3A_114, %max3A_116 : vector<16xf32>
        %swap3A_118 = arith.index_cast %scan3A_100 : i32 to index
        %swap3A_119 = arith.constant 0 : index
        %swap3A_120 = tpu.vector_load %arg14[%swap3A_118, %swap3A_119] {strides = array<i32>} : memref<80x16xf32, #tpu.memory_space<vmem>>, vector<1x16xf32>,
        %swap3A_121 = vector.shape_cast %swap3A_120 : vector<1x16xf32> to vector<16xf32>
        %swap3A_122 = vector.shape_cast %max3A_117 : vector<16xf32> to vector<1x16xf32>
        tpu.vector_store %arg14[%swap3A_118, %swap3A_119], %swap3A_122 {strides = array<i32>} : memref<80x16xf32, #tpu.memory_space<vmem>>, vector<1x16xf32>,
        %scan3A_123 = arith.constant 2 : i32
        %scan3A_124 = arith.addi %scan3A_79, %scan3A_123 : i32
        %get3A_125 = arith.index_cast %scan3A_124 : i32 to index
        %get3A_126 = arith.constant 0 : index
        %get3A_127 = tpu.vector_load %arg11[%get3A_125, %get3A_126] {strides = array<i32>} : memref<80x16xf32, #tpu.memory_space<vmem>>, vector<1x16xf32>,
        %get3A_128 = vector.shape_cast %get3A_127 : vector<1x16xf32> to vector<16xf32>
        %get3A_129 = arith.index_cast %scan3A_124 : i32 to index
        %get3A_130 = arith.constant 0 : index
        %get3A_131 = tpu.vector_load %arg12[%get3A_129, %get3A_130] {strides = array<i32>} : memref<80x16xf32, #tpu.memory_space<vmem>>, vector<1x16xf32>,
        %get3A_132 = vector.shape_cast %get3A_131 : vector<1x16xf32> to vector<16xf32>
        %add3A_133 = arith.addf %get3A_128, %get3A_132 : vector<16xf32>
        %get3A_134 = arith.index_cast %scan3A_124 : i32 to index
        %get3A_135 = arith.constant 0 : index
        %get3A_136 = tpu.vector_load %arg13[%get3A_134, %get3A_135] {strides = array<i32>} : memref<80x16xf32, #tpu.memory_space<vmem>>, vector<1x16xf32>,
        %get3A_137 = vector.shape_cast %get3A_136 : vector<1x16xf32> to vector<16xf32>
        %add3A_138 = arith.addf %add3A_133, %get3A_137 : vector<16xf32>
        %max3A_139 = arith.constant 0.000000e+00 : f32
        %max3A_140 = vector.broadcast %max3A_139 : f32 to vector<16xf32>
        %max3A_141 = arith.maximumf %add3A_138, %max3A_140 : vector<16xf32>
        %swap3A_142 = arith.index_cast %scan3A_124 : i32 to index
        %swap3A_143 = arith.constant 0 : index
        %swap3A_144 = tpu.vector_load %arg14[%swap3A_142, %swap3A_143] {strides = array<i32>} : memref<80x16xf32, #tpu.memory_space<vmem>>, vector<1x16xf32>,
        %swap3A_145 = vector.shape_cast %swap3A_144 : vector<1x16xf32> to vector<16xf32>
        %swap3A_146 = vector.shape_cast %max3A_141 : vector<16xf32> to vector<1x16xf32>
        tpu.vector_store %arg14[%swap3A_142, %swap3A_143], %swap3A_146 {strides = array<i32>} : memref<80x16xf32, #tpu.memory_space<vmem>>, vector<1x16xf32>,
        %scan3A_147 = arith.constant 3 : i32
        %scan3A_148 = arith.addi %scan3A_79, %scan3A_147 : i32
        %get3A_149 = arith.index_cast %scan3A_148 : i32 to index
        %get3A_150 = arith.constant 0 : index
        %get3A_151 = tpu.vector_load %arg11[%get3A_149, %get3A_150] {strides = array<i32>} : memref<80x16xf32, #tpu.memory_space<vmem>>, vector<1x16xf32>,
        %get3A_152 = vector.shape_cast %get3A_151 : vector<1x16xf32> to vector<16xf32>
        %get3A_153 = arith.index_cast %scan3A_148 : i32 to index
        %get3A_154 = arith.constant 0 : index
        %get3A_155 = tpu.vector_load %arg12[%get3A_153, %get3A_154] {strides = array<i32>} : memref<80x16xf32, #tpu.memory_space<vmem>>, vector<1x16xf32>,
        %get3A_156 = vector.shape_cast %get3A_155 : vector<1x16xf32> to vector<16xf32>
        %add3A_157 = arith.addf %get3A_152, %get3A_156 : vector<16xf32>
        %get3A_158 = arith.index_cast %scan3A_148 : i32 to index
        %get3A_159 = arith.constant 0 : index
        %get3A_160 = tpu.vector_load %arg13[%get3A_158, %get3A_159] {strides = array<i32>} : memref<80x16xf32, #tpu.memory_space<vmem>>, vector<1x16xf32>,
        %get3A_161 = vector.shape_cast %get3A_160 : vector<1x16xf32> to vector<16xf32>
        %add3A_162 = arith.addf %add3A_157, %get3A_161 : vector<16xf32>
        %max3A_163 = arith.constant 0.000000e+00 : f32
        %max3A_164 = vector.broadcast %max3A_163 : f32 to vector<16xf32>
        %max3A_165 = arith.maximumf %add3A_162, %max3A_164 : vector<16xf32>
        %swap3A_166 = arith.index_cast %scan3A_148 : i32 to index
        %swap3A_167 = arith.constant 0 : index
        %swap3A_168 = tpu.vector_load %arg14[%swap3A_166, %swap3A_167] {strides = array<i32>} : memref<80x16xf32, #tpu.memory_space<vmem>>, vector<1x16xf32>,
        %swap3A_169 = vector.shape_cast %swap3A_168 : vector<1x16xf32> to vector<16xf32>
        %swap3A_170 = vector.shape_cast %max3A_165 : vector<16xf32> to vector<1x16xf32>
        tpu.vector_store %arg14[%swap3A_166, %swap3A_167], %swap3A_170 {strides = array<i32>} : memref<80x16xf32, #tpu.memory_space<vmem>>, vector<1x16xf32>,
        %scan3A_171 = arith.constant 4 : i32
        %scan3A_172 = arith.addi %scan3A_79, %scan3A_171 : i32
        %get3A_173 = arith.index_cast %scan3A_172 : i32 to index
        %get3A_174 = arith.constant 0 : index
        %get3A_175 = tpu.vector_load %arg11[%get3A_173, %get3A_174] {strides = array<i32>} : memref<80x16xf32, #tpu.memory_space<vmem>>, vector<1x16xf32>,
        %get3A_176 = vector.shape_cast %get3A_175 : vector<1x16xf32> to vector<16xf32>
        %get3A_177 = arith.index_cast %scan3A_172 : i32 to index
        %get3A_178 = arith.constant 0 : index
        %get3A_179 = tpu.vector_load %arg12[%get3A_177, %get3A_178] {strides = array<i32>} : memref<80x16xf32, #tpu.memory_space<vmem>>, vector<1x16xf32>,
        %get3A_180 = vector.shape_cast %get3A_179 : vector<1x16xf32> to vector<16xf32>
        %add3A_181 = arith.addf %get3A_176, %get3A_180 : vector<16xf32>
        %get3A_182 = arith.index_cast %scan3A_172 : i32 to index
        %get3A_183 = arith.constant 0 : index
        %get3A_184 = tpu.vector_load %arg13[%get3A_182, %get3A_183] {strides = array<i32>} : memref<80x16xf32, #tpu.memory_space<vmem>>, vector<1x16xf32>,
        %get3A_185 = vector.shape_cast %get3A_184 : vector<1x16xf32> to vector<16xf32>
        %add3A_186 = arith.addf %add3A_181, %get3A_185 : vector<16xf32>
        %max3A_187 = arith.constant 0.000000e+00 : f32
        %max3A_188 = vector.broadcast %max3A_187 : f32 to vector<16xf32>
        %max3A_189 = arith.maximumf %add3A_186, %max3A_188 : vector<16xf32>
        %swap3A_190 = arith.index_cast %scan3A_172 : i32 to index
        %swap3A_191 = arith.constant 0 : index
        %swap3A_192 = tpu.vector_load %arg14[%swap3A_190, %swap3A_191] {strides = array<i32>} : memref<80x16xf32, #tpu.memory_space<vmem>>, vector<1x16xf32>,
        %swap3A_193 = vector.shape_cast %swap3A_192 : vector<1x16xf32> to vector<16xf32>
        %swap3A_194 = vector.shape_cast %max3A_189 : vector<16xf32> to vector<1x16xf32>
        tpu.vector_store %arg14[%swap3A_190, %swap3A_191], %swap3A_194 {strides = array<i32>} : memref<80x16xf32, #tpu.memory_space<vmem>>, vector<1x16xf32>,
        %scan3A_195 = arith.constant 5 : i32
        %scan3A_196 = arith.addi %scan3A_79, %scan3A_195 : i32
        %get3A_197 = arith.index_cast %scan3A_196 : i32 to index
        %get3A_198 = arith.constant 0 : index
        %get3A_199 = tpu.vector_load %arg11[%get3A_197, %get3A_198] {strides = array<i32>} : memref<80x16xf32, #tpu.memory_space<vmem>>, vector<1x16xf32>,
        %get3A_200 = vector.shape_cast %get3A_199 : vector<1x16xf32> to vector<16xf32>
        %get3A_201 = arith.index_cast %scan3A_196 : i32 to index
        %get3A_202 = arith.constant 0 : index
        %get3A_203 = tpu.vector_load %arg12[%get3A_201, %get3A_202] {strides = array<i32>} : memref<80x16xf32, #tpu.memory_space<vmem>>, vector<1x16xf32>,
        %get3A_204 = vector.shape_cast %get3A_203 : vector<1x16xf32> to vector<16xf32>
        %add3A_205 = arith.addf %get3A_200, %get3A_204 : vector<16xf32>
        %get3A_206 = arith.index_cast %scan3A_196 : i32 to index
        %get3A_207 = arith.constant 0 : index
        %get3A_208 = tpu.vector_load %arg13[%get3A_206, %get3A_207] {strides = array<i32>} : memref<80x16xf32, #tpu.memory_space<vmem>>, vector<1x16xf32>,
        %get3A_209 = vector.shape_cast %get3A_208 : vector<1x16xf32> to vector<16xf32>
        %add3A_210 = arith.addf %add3A_205, %get3A_209 : vector<16xf32>
        %max3A_211 = arith.constant 0.000000e+00 : f32
        %max3A_212 = vector.broadcast %max3A_211 : f32 to vector<16xf32>
        %max3A_213 = arith.maximumf %add3A_210, %max3A_212 : vector<16xf32>
        %swap3A_214 = arith.index_cast %scan3A_196 : i32 to index
        %swap3A_215 = arith.constant 0 : index
        %swap3A_216 = tpu.vector_load %arg14[%swap3A_214, %swap3A_215] {strides = array<i32>} : memref<80x16xf32, #tpu.memory_space<vmem>>, vector<1x16xf32>,
        %swap3A_217 = vector.shape_cast %swap3A_216 : vector<1x16xf32> to vector<16xf32>
        %swap3A_218 = vector.shape_cast %max3A_213 : vector<16xf32> to vector<1x16xf32>
        tpu.vector_store %arg14[%swap3A_214, %swap3A_215], %swap3A_218 {strides = array<i32>} : memref<80x16xf32, #tpu.memory_space<vmem>>, vector<1x16xf32>,
        %scan3A_219 = arith.constant 6 : i32
        %scan3A_220 = arith.addi %scan3A_79, %scan3A_219 : i32
        %get3A_221 = arith.index_cast %scan3A_220 : i32 to index
        %get3A_222 = arith.constant 0 : index
        %get3A_223 = tpu.vector_load %arg11[%get3A_221, %get3A_222] {strides = array<i32>} : memref<80x16xf32, #tpu.memory_space<vmem>>, vector<1x16xf32>,
        %get3A_224 = vector.shape_cast %get3A_223 : vector<1x16xf32> to vector<16xf32>
        %get3A_225 = arith.index_cast %scan3A_220 : i32 to index
        %get3A_226 = arith.constant 0 : index
        %get3A_227 = tpu.vector_load %arg12[%get3A_225, %get3A_226] {strides = array<i32>} : memref<80x16xf32, #tpu.memory_space<vmem>>, vector<1x16xf32>,
        %get3A_228 = vector.shape_cast %get3A_227 : vector<1x16xf32> to vector<16xf32>
        %add3A_229 = arith.addf %get3A_224, %get3A_228 : vector<16xf32>
        %get3A_230 = arith.index_cast %scan3A_220 : i32 to index
        %get3A_231 = arith.constant 0 : index
        %get3A_232 = tpu.vector_load %arg13[%get3A_230, %get3A_231] {strides = array<i32>} : memref<80x16xf32, #tpu.memory_space<vmem>>, vector<1x16xf32>,
        %get3A_233 = vector.shape_cast %get3A_232 : vector<1x16xf32> to vector<16xf32>
        %add3A_234 = arith.addf %add3A_229, %get3A_233 : vector<16xf32>
        %max3A_235 = arith.constant 0.000000e+00 : f32
        %max3A_236 = vector.broadcast %max3A_235 : f32 to vector<16xf32>
        %max3A_237 = arith.maximumf %add3A_234, %max3A_236 : vector<16xf32>
        %swap3A_238 = arith.index_cast %scan3A_220 : i32 to index
        %swap3A_239 = arith.constant 0 : index
        %swap3A_240 = tpu.vector_load %arg14[%swap3A_238, %swap3A_239] {strides = array<i32>} : memref<80x16xf32, #tpu.memory_space<vmem>>, vector<1x16xf32>,
        %swap3A_241 = vector.shape_cast %swap3A_240 : vector<1x16xf32> to vector<16xf32>
        %swap3A_242 = vector.shape_cast %max3A_237 : vector<16xf32> to vector<1x16xf32>
        tpu.vector_store %arg14[%swap3A_238, %swap3A_239], %swap3A_242 {strides = array<i32>} : memref<80x16xf32, #tpu.memory_space<vmem>>, vector<1x16xf32>,
        %scan3A_243 = arith.constant 7 : i32
        %scan3A_244 = arith.addi %scan3A_79, %scan3A_243 : i32
        %get3A_245 = arith.index_cast %scan3A_244 : i32 to index
        %get3A_246 = arith.constant 0 : index
        %get3A_247 = tpu.vector_load %arg11[%get3A_245, %get3A_246] {strides = array<i32>} : memref<80x16xf32, #tpu.memory_space<vmem>>, vector<1x16xf32>,
        %get3A_248 = vector.shape_cast %get3A_247 : vector<1x16xf32> to vector<16xf32>
        %get3A_249 = arith.index_cast %scan3A_244 : i32 to index
        %get3A_250 = arith.constant 0 : index
        %get3A_251 = tpu.vector_load %arg12[%get3A_249, %get3A_250] {strides = array<i32>} : memref<80x16xf32, #tpu.memory_space<vmem>>, vector<1x16xf32>,
        %get3A_252 = vector.shape_cast %get3A_251 : vector<1x16xf32> to vector<16xf32>
        %add3A_253 = arith.addf %get3A_248, %get3A_252 : vector<16xf32>
        %get3A_254 = arith.index_cast %scan3A_244 : i32 to index
        %get3A_255 = arith.constant 0 : index
        %get3A_256 = tpu.vector_load %arg13[%get3A_254, %get3A_255] {strides = array<i32>} : memref<80x16xf32, #tpu.memory_space<vmem>>, vector<1x16xf32>,
        %get3A_257 = vector.shape_cast %get3A_256 : vector<1x16xf32> to vector<16xf32>
        %add3A_258 = arith.addf %add3A_253, %get3A_257 : vector<16xf32>
        %max3A_259 = arith.constant 0.000000e+00 : f32
        %max3A_260 = vector.broadcast %max3A_259 : f32 to vector<16xf32>
        %max3A_261 = arith.maximumf %add3A_258, %max3A_260 : vector<16xf32>
        %swap3A_262 = arith.index_cast %scan3A_244 : i32 to index
        %swap3A_263 = arith.constant 0 : index
        %swap3A_264 = tpu.vector_load %arg14[%swap3A_262, %swap3A_263] {strides = array<i32>} : memref<80x16xf32, #tpu.memory_space<vmem>>, vector<1x16xf32>,
        %swap3A_265 = vector.shape_cast %swap3A_264 : vector<1x16xf32> to vector<16xf32>
        %swap3A_266 = vector.shape_cast %max3A_261 : vector<16xf32> to vector<1x16xf32>
        tpu.vector_store %arg14[%swap3A_262, %swap3A_263], %swap3A_266 {strides = array<i32>} : memref<80x16xf32, #tpu.memory_space<vmem>>, vector<1x16xf32>,
      }
      %scan3A_64 = arith.constant 80 : i32
      %dma_start3A_65 = arith.constant 0 : i32
      %dma_start3A_66 = tpu.memref_slice %arg7[%add3A_32, %dma_start3A_65] : memref<320000x16xf32, #tpu.memory_space<hbm>> -> memref<80x16xf32, #tpu.memory_space<hbm>>
      %dma_start3A_67 = arith.constant 0 : i32
      %dma_start3A_68 = tpu.memref_slice %arg7[%add3A_32, %dma_start3A_67] : memref<320000x16xf32, #tpu.memory_space<hbm>> -> memref<80x16xf32, #tpu.memory_space<hbm>>
      tpu.enqueue_dma source(%arg14 : memref<80x16xf32, #tpu.memory_space<vmem>>) target(%dma_start3A_68 : memref<80x16xf32, #tpu.memory_space<hbm>>) target_semaphore(%arg20 : memref<!tpu.dma_semaphore, #tpu.memory_space<semaphore_mem>>)
      %dma_start3A_69 = arith.constant 0 : i32
      %dma_start3A_70 = arith.constant 0 : i32
      %dma_start3A_71 = tpu.memref_slice %arg16[%dma_start3A_69, %dma_start3A_70] : memref<10240x16xf32, #tpu.memory_space<vmem_shared>> -> memref<10240x16xf32, #tpu.memory_space<vmem_shared>>
      tpu.enqueue_indirect_dma source(%arg14 : memref<80x16xf32, #tpu.memory_space<vmem>>) target(%dma_start3A_71 : memref<10240x16xf32, #tpu.memory_space<vmem_shared>>) offsets(%arg10 : memref<80xi32, #tpu.memory_space<vmem>>) semaphore(%arg21 : memref<!tpu.dma_semaphore, #tpu.memory_space<semaphore_mem>>) {add = true}
      %dma_wait3A_72 = arith.constant 0 : i32
      %dma_wait3A_73 = tpu.memref_slice %arg7[%add3A_32, %dma_wait3A_72] : memref<320000x16xf32, #tpu.memory_space<hbm>> -> memref<80x16xf32, #tpu.memory_space<hbm>>
      %dma_wait3A_74 = arith.constant 0 : i32
      %dma_wait3A_75 = tpu.memref_slice %arg7[%add3A_32, %dma_wait3A_74] : memref<320000x16xf32, #tpu.memory_space<hbm>> -> memref<80x16xf32, #tpu.memory_space<hbm>>
      tpu.wait_dma2 semaphore(%arg20 : memref<!tpu.dma_semaphore, #tpu.memory_space<semaphore_mem>>) src(%arg14 : memref<80x16xf32, #tpu.memory_space<vmem>>) dst(%dma_wait3A_75 : memref<80x16xf32, #tpu.memory_space<hbm>>)
      %dma_wait3A_76 = arith.constant 0 : i32
      %dma_wait3A_77 = arith.constant 0 : i32
      %dma_wait3A_78 = tpu.memref_slice %arg16[%dma_wait3A_76, %dma_wait3A_77] : memref<10240x16xf32, #tpu.memory_space<vmem_shared>> -> memref<10240x16xf32, #tpu.memory_space<vmem_shared>>
      tpu.wait_indirect_dma semaphore(%arg21 : memref<!tpu.dma_semaphore, #tpu.memory_space<semaphore_mem>>) src(%arg14 : memref<80x16xf32, #tpu.memory_space<vmem>>) dst(%dma_wait3A_78 : memref<10240x16xf32, #tpu.memory_space<vmem_shared>>)
    }
    %scan3A_21 = arith.constant 125 : i32
    %barrier3A_22 = arith.constant 0 : index
    tpu.barrier barrier_id(%barrier3A_22)
    %mul3A_23 = arith.constant 640 : i32
    %mul3A_24 = arith.muli %arg1, %mul3A_23 : i32
    "tpu.region"() ({
      %run_scoped3A = tpu.sem_alloc : memref<!tpu.dma_semaphore, #tpu.memory_space<semaphore_mem>>
      %dma_start3A = arith.constant 0 : i32
      %dma_start3A_27 = tpu.memref_slice %arg16[%mul3A_24, %dma_start3A] : memref<10240x16xf32, #tpu.memory_space<vmem_shared>> -> memref<640x16xf32, #tpu.memory_space<vmem_shared>>
      %dma_start3A_28 = arith.constant 0 : i32
      %dma_start3A_29 = tpu.memref_slice %arg16[%mul3A_24, %dma_start3A_28] : memref<10240x16xf32, #tpu.memory_space<vmem_shared>> -> memref<640x16xf32, #tpu.memory_space<vmem_shared>>
      tpu.enqueue_dma source(%dma_start3A_29 : memref<640x16xf32, #tpu.memory_space<vmem_shared>>) target(%arg15 : memref<640x16xf32, #tpu.memory_space<vmem>>) target_semaphore(%run_scoped3A : memref<!tpu.dma_semaphore, #tpu.memory_space<semaphore_mem>>)
      %dma_wait3A = arith.constant 0 : i32
      %dma_wait3A_30 = tpu.memref_slice %arg16[%mul3A_24, %dma_wait3A] : memref<10240x16xf32, #tpu.memory_space<vmem_shared>> -> memref<640x16xf32, #tpu.memory_space<vmem_shared>>
      %dma_wait3A_31 = arith.constant 0 : i32
      %dma_wait3A_32 = tpu.memref_slice %arg16[%mul3A_24, %dma_wait3A_31] : memref<10240x16xf32, #tpu.memory_space<vmem_shared>> -> memref<640x16xf32, #tpu.memory_space<vmem_shared>>
      tpu.wait_dma2 semaphore(%run_scoped3A : memref<!tpu.dma_semaphore, #tpu.memory_space<semaphore_mem>>) src(%dma_wait3A_32 : memref<640x16xf32, #tpu.memory_space<vmem_shared>>) dst(%arg15 : memref<640x16xf32, #tpu.memory_space<vmem>>)
      tpu.yield
    }) : () -> ()
    %mul3A_25 = arith.constant 640 : i32
    %mul3A_26 = arith.muli %arg1, %mul3A_25 : i32
    "tpu.region"() ({
      %run_scoped3A = tpu.sem_alloc : memref<!tpu.dma_semaphore, #tpu.memory_space<semaphore_mem>>
      %dma_start3A = arith.constant 0 : i32
      %dma_start3A_27 = tpu.memref_slice %arg8[%arg0, %mul3A_26, %dma_start3A] : memref<2x10240x16xf32, #tpu.memory_space<hbm>> -> memref<1x640x16xf32, #tpu.memory_space<hbm>>
      %dma_start3A_28 = tpu.memref_squeeze %dma_start3A_27 : memref<1x640x16xf32, #tpu.memory_space<hbm>> -> memref<640x16xf32, #tpu.memory_space<hbm>>
      %dma_start3A_29 = arith.constant 0 : i32
      %dma_start3A_30 = tpu.memref_slice %arg8[%arg0, %mul3A_26, %dma_start3A_29] : memref<2x10240x16xf32, #tpu.memory_space<hbm>> -> memref<1x640x16xf32, #tpu.memory_space<hbm>>
      %dma_start3A_31 = tpu.memref_squeeze %dma_start3A_30 : memref<1x640x16xf32, #tpu.memory_space<hbm>> -> memref<640x16xf32, #tpu.memory_space<hbm>>
      tpu.enqueue_dma source(%arg15 : memref<640x16xf32, #tpu.memory_space<vmem>>) target(%dma_start3A_31 : memref<640x16xf32, #tpu.memory_space<hbm>>) target_semaphore(%run_scoped3A : memref<!tpu.dma_semaphore, #tpu.memory_space<semaphore_mem>>)
      %dma_wait3A = arith.constant 0 : i32
      %dma_wait3A_32 = tpu.memref_slice %arg8[%arg0, %mul3A_26, %dma_wait3A] : memref<2x10240x16xf32, #tpu.memory_space<hbm>> -> memref<1x640x16xf32, #tpu.memory_space<hbm>>
      %dma_wait3A_33 = tpu.memref_squeeze %dma_wait3A_32 : memref<1x640x16xf32, #tpu.memory_space<hbm>> -> memref<640x16xf32, #tpu.memory_space<hbm>>
      %dma_wait3A_34 = arith.constant 0 : i32
      %dma_wait3A_35 = tpu.memref_slice %arg8[%arg0, %mul3A_26, %dma_wait3A_34] : memref<2x10240x16xf32, #tpu.memory_space<hbm>> -> memref<1x640x16xf32, #tpu.memory_space<hbm>>
      %dma_wait3A_36 = tpu.memref_squeeze %dma_wait3A_35 : memref<1x640x16xf32, #tpu.memory_space<hbm>> -> memref<640x16xf32, #tpu.memory_space<hbm>>
      tpu.wait_dma2 semaphore(%run_scoped3A : memref<!tpu.dma_semaphore, #tpu.memory_space<semaphore_mem>>) src(%arg15 : memref<640x16xf32, #tpu.memory_space<vmem>>) dst(%dma_wait3A_36 : memref<640x16xf32, #tpu.memory_space<hbm>>)
      tpu.yield
    }) : () -> ()
    return
  }
}

#map = affine_map<(d0, d1) -> (0, 0)>
#map1 = affine_map<(d0, d1) -> (0)>
#map2 = affine_map<(d0, d1) -> (0, 0, 0)>
module attributes {stable_mosaic.version = 14 : i64} {
  func.func @body(%arg0: i32, %arg1: i32, %arg2: memref<320000x16xf32, #tpu.memory_space<hbm>>, %arg3: memref<320000xi32, #tpu.memory_space<hbm>>, %arg4: memref<320000xi32, #tpu.memory_space<hbm>>, %arg5: memref<10000x16xf32, #tpu.memory_space<hbm>>, %arg6: memref<10000x16xf32, #tpu.memory_space<hbm>>, %arg7: memref<320000x16xf32, #tpu.memory_space<hbm>>, %arg8: memref<2x10240x16xf32, #tpu.memory_space<hbm>>, %arg9: memref<80xi32, #tpu.memory_space<vmem>>, %arg10: memref<80xi32, #tpu.memory_space<vmem>>, %arg11: memref<80x16xf32, #tpu.memory_space<vmem>>, %arg12: memref<80x16xf32, #tpu.memory_space<vmem>>, %arg13: memref<80x16xf32, #tpu.memory_space<vmem>>, %arg14: memref<80x16xf32, #tpu.memory_space<vmem>>, %arg15: memref<640x16xf32, #tpu.memory_space<vmem>>, %arg16: memref<10240x16xf32, #tpu.memory_space<vmem_shared>>, %arg17: memref<10000x16xf32, #tpu.memory_space<vmem_shared>>, %arg18: memref<10000x16xf32, #tpu.memory_space<vmem_shared>>, %arg19: memref<!tpu.dma_semaphore, #tpu.memory_space<semaphore_mem>>, %arg20: memref<!tpu.dma_semaphore, #tpu.memory_space<semaphore_mem>>, %arg21: memref<!tpu.dma_semaphore, #tpu.memory_space<semaphore_mem>>) attributes {dimension_semantics = [#tpu.dimension_semantics<core_parallel>, #tpu.dimension_semantics<subcore_parallel>], iteration_bounds = array<i64: 2, 16>, scalar_prefetch = 0 : i64, scratch_operands = 13 : i64, tpu.core_type = #tpu.core_type<sc_vector_subcore>, window_params = [{transform_indices = #map}, {transform_indices = #map1}, {transform_indices = #map1}, {transform_indices = #map}, {transform_indices = #map}, {transform_indices = #map}, {transform_indices = #map2}]} {
    %mul3A = arith.constant 16 : i32
    %mul3A_0 = arith.muli %arg0, %mul3A : i32
    %add3A = arith.addi %mul3A_0, %arg1 : i32
    %scan3A = arith.constant 0 : i32
    %scan3A_1 = arith.constant 0 : i32
    %scan3A_2 = arith.constant 640 : i32
    %scan3A_3 = arith.addi %scan3A_1, %scan3A_2 : i32
    %scan3A_4 = arith.constant 1 : i32
    scf.for %scan3A_27 = %scan3A_1 to %scan3A_3 step %scan3A_4  : i32 {
      %broadcast_in_dim3A = arith.constant 0.000000e+00 : f32
      %broadcast_in_dim3A_28 = vector.broadcast %broadcast_in_dim3A : f32 to vector<16xf32>
      %swap3A = arith.index_cast %scan3A_27 : i32 to index
      %swap3A_29 = arith.constant 0 : index
      %swap3A_30 = tpu.vector_load %arg15[%swap3A, %swap3A_29] {strides = array<i32>} : memref<640x16xf32, #tpu.memory_space<vmem>>, vector<1x16xf32>,
      %swap3A_31 = vector.shape_cast %swap3A_30 : vector<1x16xf32> to vector<16xf32>
      %swap3A_32 = vector.shape_cast %broadcast_in_dim3A_28 : vector<16xf32> to vector<1x16xf32>
      tpu.vector_store %arg15[%swap3A, %swap3A_29], %swap3A_32 {strides = array<i32>} : memref<640x16xf32, #tpu.memory_space<vmem>>, vector<1x16xf32>,
    }
    %scan3A_5 = arith.constant 640 : i32
    %mul3A_6 = arith.constant 640 : i32
    %mul3A_7 = arith.muli %arg1, %mul3A_6 : i32
    "tpu.region"() ({
      %run_scoped3A = tpu.sem_alloc : memref<!tpu.dma_semaphore, #tpu.memory_space<semaphore_mem>>
      %dma_start3A = arith.constant 0 : i32
      %dma_start3A_27 = tpu.memref_slice %arg16[%mul3A_7, %dma_start3A] : memref<10240x16xf32, #tpu.memory_space<vmem_shared>> -> memref<640x16xf32, #tpu.memory_space<vmem_shared>>
      %dma_start3A_28 = arith.constant 0 : i32
      %dma_start3A_29 = tpu.memref_slice %arg16[%mul3A_7, %dma_start3A_28] : memref<10240x16xf32, #tpu.memory_space<vmem_shared>> -> memref<640x16xf32, #tpu.memory_space<vmem_shared>>
      tpu.enqueue_dma source(%arg15 : memref<640x16xf32, #tpu.memory_space<vmem>>) target(%dma_start3A_29 : memref<640x16xf32, #tpu.memory_space<vmem_shared>>) target_semaphore(%run_scoped3A : memref<!tpu.dma_semaphore, #tpu.memory_space<semaphore_mem>>)
      %dma_wait3A = arith.constant 0 : i32
      %dma_wait3A_30 = tpu.memref_slice %arg16[%mul3A_7, %dma_wait3A] : memref<10240x16xf32, #tpu.memory_space<vmem_shared>> -> memref<640x16xf32, #tpu.memory_space<vmem_shared>>
      %dma_wait3A_31 = arith.constant 0 : i32
      %dma_wait3A_32 = tpu.memref_slice %arg16[%mul3A_7, %dma_wait3A_31] : memref<10240x16xf32, #tpu.memory_space<vmem_shared>> -> memref<640x16xf32, #tpu.memory_space<vmem_shared>>
      tpu.wait_dma2 semaphore(%run_scoped3A : memref<!tpu.dma_semaphore, #tpu.memory_space<semaphore_mem>>) src(%arg15 : memref<640x16xf32, #tpu.memory_space<vmem>>) dst(%dma_wait3A_32 : memref<640x16xf32, #tpu.memory_space<vmem_shared>>)
      tpu.yield
    }) : () -> ()
    %mul3A_8 = arith.constant 625 : i32
    %mul3A_9 = arith.muli %arg1, %mul3A_8 : i32
    "tpu.region"() ({
      %run_scoped3A = tpu.sem_alloc : memref<!tpu.dma_semaphore, #tpu.memory_space<semaphore_mem>>
      %dma_start3A = arith.constant 0 : i32
      %dma_start3A_27 = arith.constant 0 : i32
      %dma_start3A_28 = tpu.memref_slice %arg15[%dma_start3A, %dma_start3A_27] : memref<640x16xf32, #tpu.memory_space<vmem>> -> memref<625x16xf32, #tpu.memory_space<vmem>>
      %dma_start3A_29 = arith.constant 0 : i32
      %dma_start3A_30 = tpu.memref_slice %arg5[%mul3A_9, %dma_start3A_29] : memref<10000x16xf32, #tpu.memory_space<hbm>> -> memref<625x16xf32, #tpu.memory_space<hbm>>
      %dma_start3A_31 = arith.constant 0 : i32
      %dma_start3A_32 = arith.constant 0 : i32
      %dma_start3A_33 = tpu.memref_slice %arg15[%dma_start3A_31, %dma_start3A_32] : memref<640x16xf32, #tpu.memory_space<vmem>> -> memref<625x16xf32, #tpu.memory_space<vmem>>
      %dma_start3A_34 = arith.constant 0 : i32
      %dma_start3A_35 = tpu.memref_slice %arg5[%mul3A_9, %dma_start3A_34] : memref<10000x16xf32, #tpu.memory_space<hbm>> -> memref<625x16xf32, #tpu.memory_space<hbm>>
      tpu.enqueue_dma source(%dma_start3A_35 : memref<625x16xf32, #tpu.memory_space<hbm>>) target(%dma_start3A_33 : memref<625x16xf32, #tpu.memory_space<vmem>>) target_semaphore(%run_scoped3A : memref<!tpu.dma_semaphore, #tpu.memory_space<semaphore_mem>>)
      %dma_wait3A = arith.constant 0 : i32
      %dma_wait3A_36 = arith.constant 0 : i32
      %dma_wait3A_37 = tpu.memref_slice %arg15[%dma_wait3A, %dma_wait3A_36] : memref<640x16xf32, #tpu.memory_space<vmem>> -> memref<625x16xf32, #tpu.memory_space<vmem>>
      %dma_wait3A_38 = arith.constant 0 : i32
      %dma_wait3A_39 = tpu.memref_slice %arg5[%mul3A_9, %dma_wait3A_38] : memref<10000x16xf32, #tpu.memory_space<hbm>> -> memref<625x16xf32, #tpu.memory_space<hbm>>
      %dma_wait3A_40 = arith.constant 0 : i32
      %dma_wait3A_41 = arith.constant 0 : i32
      %dma_wait3A_42 = tpu.memref_slice %arg15[%dma_wait3A_40, %dma_wait3A_41] : memref<640x16xf32, #tpu.memory_space<vmem>> -> memref<625x16xf32, #tpu.memory_space<vmem>>
      %dma_wait3A_43 = arith.constant 0 : i32
      %dma_wait3A_44 = tpu.memref_slice %arg5[%mul3A_9, %dma_wait3A_43] : memref<10000x16xf32, #tpu.memory_space<hbm>> -> memref<625x16xf32, #tpu.memory_space<hbm>>
      tpu.wait_dma2 semaphore(%run_scoped3A : memref<!tpu.dma_semaphore, #tpu.memory_space<semaphore_mem>>) src(%dma_wait3A_44 : memref<625x16xf32, #tpu.memory_space<hbm>>) dst(%dma_wait3A_42 : memref<625x16xf32, #tpu.memory_space<vmem>>)
      tpu.yield
    }) : () -> ()
    %mul3A_10 = arith.constant 625 : i32
    %mul3A_11 = arith.muli %arg1, %mul3A_10 : i32
    "tpu.region"() ({
      %run_scoped3A = tpu.sem_alloc : memref<!tpu.dma_semaphore, #tpu.memory_space<semaphore_mem>>
      %dma_start3A = arith.constant 0 : i32
      %dma_start3A_27 = arith.constant 0 : i32
      %dma_start3A_28 = tpu.memref_slice %arg15[%dma_start3A, %dma_start3A_27] : memref<640x16xf32, #tpu.memory_space<vmem>> -> memref<625x16xf32, #tpu.memory_space<vmem>>
      %dma_start3A_29 = arith.constant 0 : i32
      %dma_start3A_30 = tpu.memref_slice %arg17[%mul3A_11, %dma_start3A_29] : memref<10000x16xf32, #tpu.memory_space<vmem_shared>> -> memref<625x16xf32, #tpu.memory_space<vmem_shared>>
      %dma_start3A_31 = arith.constant 0 : i32
      %dma_start3A_32 = tpu.memref_slice %arg17[%mul3A_11, %dma_start3A_31] : memref<10000x16xf32, #tpu.memory_space<vmem_shared>> -> memref<625x16xf32, #tpu.memory_space<vmem_shared>>
      %dma_start3A_33 = arith.constant 0 : i32
      %dma_start3A_34 = arith.constant 0 : i32
      %dma_start3A_35 = tpu.memref_slice %arg15[%dma_start3A_33, %dma_start3A_34] : memref<640x16xf32, #tpu.memory_space<vmem>> -> memref<625x16xf32, #tpu.memory_space<vmem>>
      tpu.enqueue_dma source(%dma_start3A_35 : memref<625x16xf32, #tpu.memory_space<vmem>>) target(%dma_start3A_32 : memref<625x16xf32, #tpu.memory_space<vmem_shared>>) target_semaphore(%run_scoped3A : memref<!tpu.dma_semaphore, #tpu.memory_space<semaphore_mem>>)
      %dma_wait3A = arith.constant 0 : i32
      %dma_wait3A_36 = arith.constant 0 : i32
      %dma_wait3A_37 = tpu.memref_slice %arg15[%dma_wait3A, %dma_wait3A_36] : memref<640x16xf32, #tpu.memory_space<vmem>> -> memref<625x16xf32, #tpu.memory_space<vmem>>
      %dma_wait3A_38 = arith.constant 0 : i32
      %dma_wait3A_39 = tpu.memref_slice %arg17[%mul3A_11, %dma_wait3A_38] : memref<10000x16xf32, #tpu.memory_space<vmem_shared>> -> memref<625x16xf32, #tpu.memory_space<vmem_shared>>
      %dma_wait3A_40 = arith.constant 0 : i32
      %dma_wait3A_41 = tpu.memref_slice %arg17[%mul3A_11, %dma_wait3A_40] : memref<10000x16xf32, #tpu.memory_space<vmem_shared>> -> memref<625x16xf32, #tpu.memory_space<vmem_shared>>
      %dma_wait3A_42 = arith.constant 0 : i32
      %dma_wait3A_43 = arith.constant 0 : i32
      %dma_wait3A_44 = tpu.memref_slice %arg15[%dma_wait3A_42, %dma_wait3A_43] : memref<640x16xf32, #tpu.memory_space<vmem>> -> memref<625x16xf32, #tpu.memory_space<vmem>>
      tpu.wait_dma2 semaphore(%run_scoped3A : memref<!tpu.dma_semaphore, #tpu.memory_space<semaphore_mem>>) src(%dma_wait3A_44 : memref<625x16xf32, #tpu.memory_space<vmem>>) dst(%dma_wait3A_41 : memref<625x16xf32, #tpu.memory_space<vmem_shared>>)
      tpu.yield
    }) : () -> ()
    %mul3A_12 = arith.constant 625 : i32
    %mul3A_13 = arith.muli %arg1, %mul3A_12 : i32
    "tpu.region"() ({
      %run_scoped3A = tpu.sem_alloc : memref<!tpu.dma_semaphore, #tpu.memory_space<semaphore_mem>>
      %dma_start3A = arith.constant 0 : i32
      %dma_start3A_27 = arith.constant 0 : i32
      %dma_start3A_28 = tpu.memref_slice %arg15[%dma_start3A, %dma_start3A_27] : memref<640x16xf32, #tpu.memory_space<vmem>> -> memref<625x16xf32, #tpu.memory_space<vmem>>
      %dma_start3A_29 = arith.constant 0 : i32
      %dma_start3A_30 = tpu.memref_slice %arg6[%mul3A_13, %dma_start3A_29] : memref<10000x16xf32, #tpu.memory_space<hbm>> -> memref<625x16xf32, #tpu.memory_space<hbm>>
      %dma_start3A_31 = arith.constant 0 : i32
      %dma_start3A_32 = arith.constant 0 : i32
      %dma_start3A_33 = tpu.memref_slice %arg15[%dma_start3A_31, %dma_start3A_32] : memref<640x16xf32, #tpu.memory_space<vmem>> -> memref<625x16xf32, #tpu.memory_space<vmem>>
      %dma_start3A_34 = arith.constant 0 : i32
      %dma_start3A_35 = tpu.memref_slice %arg6[%mul3A_13, %dma_start3A_34] : memref<10000x16xf32, #tpu.memory_space<hbm>> -> memref<625x16xf32, #tpu.memory_space<hbm>>
      tpu.enqueue_dma source(%dma_start3A_35 : memref<625x16xf32, #tpu.memory_space<hbm>>) target(%dma_start3A_33 : memref<625x16xf32, #tpu.memory_space<vmem>>) target_semaphore(%run_scoped3A : memref<!tpu.dma_semaphore, #tpu.memory_space<semaphore_mem>>)
      %dma_wait3A = arith.constant 0 : i32
      %dma_wait3A_36 = arith.constant 0 : i32
      %dma_wait3A_37 = tpu.memref_slice %arg15[%dma_wait3A, %dma_wait3A_36] : memref<640x16xf32, #tpu.memory_space<vmem>> -> memref<625x16xf32, #tpu.memory_space<vmem>>
      %dma_wait3A_38 = arith.constant 0 : i32
      %dma_wait3A_39 = tpu.memref_slice %arg6[%mul3A_13, %dma_wait3A_38] : memref<10000x16xf32, #tpu.memory_space<hbm>> -> memref<625x16xf32, #tpu.memory_space<hbm>>
      %dma_wait3A_40 = arith.constant 0 : i32
      %dma_wait3A_41 = arith.constant 0 : i32
      %dma_wait3A_42 = tpu.memref_slice %arg15[%dma_wait3A_40, %dma_wait3A_41] : memref<640x16xf32, #tpu.memory_space<vmem>> -> memref<625x16xf32, #tpu.memory_space<vmem>>
      %dma_wait3A_43 = arith.constant 0 : i32
      %dma_wait3A_44 = tpu.memref_slice %arg6[%mul3A_13, %dma_wait3A_43] : memref<10000x16xf32, #tpu.memory_space<hbm>> -> memref<625x16xf32, #tpu.memory_space<hbm>>
      tpu.wait_dma2 semaphore(%run_scoped3A : memref<!tpu.dma_semaphore, #tpu.memory_space<semaphore_mem>>) src(%dma_wait3A_44 : memref<625x16xf32, #tpu.memory_space<hbm>>) dst(%dma_wait3A_42 : memref<625x16xf32, #tpu.memory_space<vmem>>)
      tpu.yield
    }) : () -> ()
    %mul3A_14 = arith.constant 625 : i32
    %mul3A_15 = arith.muli %arg1, %mul3A_14 : i32
    "tpu.region"() ({
      %run_scoped3A = tpu.sem_alloc : memref<!tpu.dma_semaphore, #tpu.memory_space<semaphore_mem>>
      %dma_start3A = arith.constant 0 : i32
      %dma_start3A_27 = arith.constant 0 : i32
      %dma_start3A_28 = tpu.memref_slice %arg15[%dma_start3A, %dma_start3A_27] : memref<640x16xf32, #tpu.memory_space<vmem>> -> memref<625x16xf32, #tpu.memory_space<vmem>>
      %dma_start3A_29 = arith.constant 0 : i32
      %dma_start3A_30 = tpu.memref_slice %arg18[%mul3A_15, %dma_start3A_29] : memref<10000x16xf32, #tpu.memory_space<vmem_shared>> -> memref<625x16xf32, #tpu.memory_space<vmem_shared>>
      %dma_start3A_31 = arith.constant 0 : i32
      %dma_start3A_32 = tpu.memref_slice %arg18[%mul3A_15, %dma_start3A_31] : memref<10000x16xf32, #tpu.memory_space<vmem_shared>> -> memref<625x16xf32, #tpu.memory_space<vmem_shared>>
      %dma_start3A_33 = arith.constant 0 : i32
      %dma_start3A_34 = arith.constant 0 : i32
      %dma_start3A_35 = tpu.memref_slice %arg15[%dma_start3A_33, %dma_start3A_34] : memref<640x16xf32, #tpu.memory_space<vmem>> -> memref<625x16xf32, #tpu.memory_space<vmem>>
      tpu.enqueue_dma source(%dma_start3A_35 : memref<625x16xf32, #tpu.memory_space<vmem>>) target(%dma_start3A_32 : memref<625x16xf32, #tpu.memory_space<vmem_shared>>) target_semaphore(%run_scoped3A : memref<!tpu.dma_semaphore, #tpu.memory_space<semaphore_mem>>)
      %dma_wait3A = arith.constant 0 : i32
      %dma_wait3A_36 = arith.constant 0 : i32
      %dma_wait3A_37 = tpu.memref_slice %arg15[%dma_wait3A, %dma_wait3A_36] : memref<640x16xf32, #tpu.memory_space<vmem>> -> memref<625x16xf32, #tpu.memory_space<vmem>>
      %dma_wait3A_38 = arith.constant 0 : i32
      %dma_wait3A_39 = tpu.memref_slice %arg18[%mul3A_15, %dma_wait3A_38] : memref<10000x16xf32, #tpu.memory_space<vmem_shared>> -> memref<625x16xf32, #tpu.memory_space<vmem_shared>>
      %dma_wait3A_40 = arith.constant 0 : i32
      %dma_wait3A_41 = tpu.memref_slice %arg18[%mul3A_15, %dma_wait3A_40] : memref<10000x16xf32, #tpu.memory_space<vmem_shared>> -> memref<625x16xf32, #tpu.memory_space<vmem_shared>>
      %dma_wait3A_42 = arith.constant 0 : i32
      %dma_wait3A_43 = arith.constant 0 : i32
      %dma_wait3A_44 = tpu.memref_slice %arg15[%dma_wait3A_42, %dma_wait3A_43] : memref<640x16xf32, #tpu.memory_space<vmem>> -> memref<625x16xf32, #tpu.memory_space<vmem>>
      tpu.wait_dma2 semaphore(%run_scoped3A : memref<!tpu.dma_semaphore, #tpu.memory_space<semaphore_mem>>) src(%dma_wait3A_44 : memref<625x16xf32, #tpu.memory_space<vmem>>) dst(%dma_wait3A_41 : memref<625x16xf32, #tpu.memory_space<vmem_shared>>)
      tpu.yield
    }) : () -> ()
    %barrier3A = arith.constant 0 : index
    tpu.barrier barrier_id(%barrier3A)
    %scan3A_16 = arith.constant 0 : i32
    %scan3A_17 = arith.constant 0 : i32
    %scan3A_18 = arith.constant 125 : i32
    %scan3A_19 = arith.addi %scan3A_17, %scan3A_18 : i32
    %scan3A_20 = arith.constant 1 : i32
    scf.for %scan3A_27 = %scan3A_17 to %scan3A_19 step %scan3A_20  : i32 {
      %mul3A_28 = arith.constant 10000 : i32
      %mul3A_29 = arith.muli %add3A, %mul3A_28 : i32
      %mul3A_30 = arith.constant 80 : i32
      %mul3A_31 = arith.muli %scan3A_27, %mul3A_30 : i32
      %add3A_32 = arith.addi %mul3A_29, %mul3A_31 : i32
      %dma_start3A = tpu.memref_slice %arg3[%add3A_32] : memref<320000xi32, #tpu.memory_space<hbm>> -> memref<80xi32, #tpu.memory_space<hbm>>
      %dma_start3A_33 = tpu.memref_slice %arg3[%add3A_32] : memref<320000xi32, #tpu.memory_space<hbm>> -> memref<80xi32, #tpu.memory_space<hbm>>
      tpu.enqueue_dma source(%dma_start3A_33 : memref<80xi32, #tpu.memory_space<hbm>>) target(%arg9 : memref<80xi32, #tpu.memory_space<vmem>>) target_semaphore(%arg19 : memref<!tpu.dma_semaphore, #tpu.memory_space<semaphore_mem>>)
      %dma_start3A_34 = tpu.memref_slice %arg4[%add3A_32] : memref<320000xi32, #tpu.memory_space<hbm>> -> memref<80xi32, #tpu.memory_space<hbm>>
      %dma_start3A_35 = tpu.memref_slice %arg4[%add3A_32] : memref<320000xi32, #tpu.memory_space<hbm>> -> memref<80xi32, #tpu.memory_space<hbm>>
      tpu.enqueue_dma source(%dma_start3A_35 : memref<80xi32, #tpu.memory_space<hbm>>) target(%arg10 : memref<80xi32, #tpu.memory_space<vmem>>) target_semaphore(%arg19 : memref<!tpu.dma_semaphore, #tpu.memory_space<semaphore_mem>>)
      %dma_start3A_36 = arith.constant 0 : i32
      %dma_start3A_37 = tpu.memref_slice %arg2[%add3A_32, %dma_start3A_36] : memref<320000x16xf32, #tpu.memory_space<hbm>> -> memref<80x16xf32, #tpu.memory_space<hbm>>
      %dma_start3A_38 = arith.constant 0 : i32
      %dma_start3A_39 = tpu.memref_slice %arg2[%add3A_32, %dma_start3A_38] : memref<320000x16xf32, #tpu.memory_space<hbm>> -> memref<80x16xf32, #tpu.memory_space<hbm>>
      tpu.enqueue_dma source(%dma_start3A_39 : memref<80x16xf32, #tpu.memory_space<hbm>>) target(%arg11 : memref<80x16xf32, #tpu.memory_space<vmem>>) target_semaphore(%arg19 : memref<!tpu.dma_semaphore, #tpu.memory_space<semaphore_mem>>)
      %dma_wait3A = tpu.memref_slice %arg3[%add3A_32] : memref<320000xi32, #tpu.memory_space<hbm>> -> memref<80xi32, #tpu.memory_space<hbm>>
      %dma_wait3A_40 = tpu.memref_slice %arg3[%add3A_32] : memref<320000xi32, #tpu.memory_space<hbm>> -> memref<80xi32, #tpu.memory_space<hbm>>
      tpu.wait_dma2 semaphore(%arg19 : memref<!tpu.dma_semaphore, #tpu.memory_space<semaphore_mem>>) src(%dma_wait3A_40 : memref<80xi32, #tpu.memory_space<hbm>>) dst(%arg9 : memref<80xi32, #tpu.memory_space<vmem>>)
      %dma_wait3A_41 = tpu.memref_slice %arg4[%add3A_32] : memref<320000xi32, #tpu.memory_space<hbm>> -> memref<80xi32, #tpu.memory_space<hbm>>
      %dma_wait3A_42 = tpu.memref_slice %arg4[%add3A_32] : memref<320000xi32, #tpu.memory_space<hbm>> -> memref<80xi32, #tpu.memory_space<hbm>>
      tpu.wait_dma2 semaphore(%arg19 : memref<!tpu.dma_semaphore, #tpu.memory_space<semaphore_mem>>) src(%dma_wait3A_42 : memref<80xi32, #tpu.memory_space<hbm>>) dst(%arg10 : memref<80xi32, #tpu.memory_space<vmem>>)
      %dma_wait3A_43 = arith.constant 0 : i32
      %dma_wait3A_44 = tpu.memref_slice %arg2[%add3A_32, %dma_wait3A_43] : memref<320000x16xf32, #tpu.memory_space<hbm>> -> memref<80x16xf32, #tpu.memory_space<hbm>>
      %dma_wait3A_45 = arith.constant 0 : i32
      %dma_wait3A_46 = tpu.memref_slice %arg2[%add3A_32, %dma_wait3A_45] : memref<320000x16xf32, #tpu.memory_space<hbm>> -> memref<80x16xf32, #tpu.memory_space<hbm>>
      tpu.wait_dma2 semaphore(%arg19 : memref<!tpu.dma_semaphore, #tpu.memory_space<semaphore_mem>>) src(%dma_wait3A_46 : memref<80x16xf32, #tpu.memory_space<hbm>>) dst(%arg11 : memref<80x16xf32, #tpu.memory_space<vmem>>)
      %dma_start3A_47 = arith.constant 0 : i32
      %dma_start3A_48 = arith.constant 0 : i32
      %dma_start3A_49 = tpu.memref_slice %arg17[%dma_start3A_47, %dma_start3A_48] : memref<10000x16xf32, #tpu.memory_space<vmem_shared>> -> memref<10000x16xf32, #tpu.memory_space<vmem_shared>>
      tpu.enqueue_indirect_dma source(%dma_start3A_49 : memref<10000x16xf32, #tpu.memory_space<vmem_shared>>) target(%arg12 : memref<80x16xf32, #tpu.memory_space<vmem>>) offsets(%arg9 : memref<80xi32, #tpu.memory_space<vmem>>) semaphore(%arg20 : memref<!tpu.dma_semaphore, #tpu.memory_space<semaphore_mem>>)
      %dma_start3A_50 = arith.constant 0 : i32
      %dma_start3A_51 = arith.constant 0 : i32
      %dma_start3A_52 = tpu.memref_slice %arg18[%dma_start3A_50, %dma_start3A_51] : memref<10000x16xf32, #tpu.memory_space<vmem_shared>> -> memref<10000x16xf32, #tpu.memory_space<vmem_shared>>
      tpu.enqueue_indirect_dma source(%dma_start3A_52 : memref<10000x16xf32, #tpu.memory_space<vmem_shared>>) target(%arg13 : memref<80x16xf32, #tpu.memory_space<vmem>>) offsets(%arg10 : memref<80xi32, #tpu.memory_space<vmem>>) semaphore(%arg21 : memref<!tpu.dma_semaphore, #tpu.memory_space<semaphore_mem>>)
      %dma_wait3A_53 = arith.constant 0 : i32
      %dma_wait3A_54 = arith.constant 0 : i32
      %dma_wait3A_55 = tpu.memref_slice %arg17[%dma_wait3A_53, %dma_wait3A_54] : memref<10000x16xf32, #tpu.memory_space<vmem_shared>> -> memref<10000x16xf32, #tpu.memory_space<vmem_shared>>
      tpu.wait_indirect_dma semaphore(%arg20 : memref<!tpu.dma_semaphore, #tpu.memory_space<semaphore_mem>>) src(%dma_wait3A_55 : memref<10000x16xf32, #tpu.memory_space<vmem_shared>>) dst(%arg12 : memref<80x16xf32, #tpu.memory_space<vmem>>)
      %dma_wait3A_56 = arith.constant 0 : i32
      %dma_wait3A_57 = arith.constant 0 : i32
      %dma_wait3A_58 = tpu.memref_slice %arg18[%dma_wait3A_56, %dma_wait3A_57] : memref<10000x16xf32, #tpu.memory_space<vmem_shared>> -> memref<10000x16xf32, #tpu.memory_space<vmem_shared>>
      tpu.wait_indirect_dma semaphore(%arg21 : memref<!tpu.dma_semaphore, #tpu.memory_space<semaphore_mem>>) src(%dma_wait3A_58 : memref<10000x16xf32, #tpu.memory_space<vmem_shared>>) dst(%arg13 : memref<80x16xf32, #tpu.memory_space<vmem>>)
      %scan3A_59 = arith.constant 0 : i32
      %scan3A_60 = arith.constant 0 : i32
      %scan3A_61 = arith.constant 80 : i32
      %scan3A_62 = arith.addi %scan3A_60, %scan3A_61 : i32
      %scan3A_63 = arith.constant 8 : i32
      scf.for %scan3A_79 = %scan3A_60 to %scan3A_62 step %scan3A_63  : i32 {
        %get3A = arith.index_cast %scan3A_79 : i32 to index
        %get3A_80 = arith.constant 0 : index
        %get3A_81 = tpu.vector_load %arg11[%get3A, %get3A_80] {strides = array<i32>} : memref<80x16xf32, #tpu.memory_space<vmem>>, vector<1x16xf32>,
        %get3A_82 = vector.shape_cast %get3A_81 : vector<1x16xf32> to vector<16xf32>
        %get3A_83 = arith.index_cast %scan3A_79 : i32 to index
        %get3A_84 = arith.constant 0 : index
        %get3A_85 = tpu.vector_load %arg12[%get3A_83, %get3A_84] {strides = array<i32>} : memref<80x16xf32, #tpu.memory_space<vmem>>, vector<1x16xf32>,
        %get3A_86 = vector.shape_cast %get3A_85 : vector<1x16xf32> to vector<16xf32>
        %add3A_87 = arith.addf %get3A_82, %get3A_86 : vector<16xf32>
        %get3A_88 = arith.index_cast %scan3A_79 : i32 to index
        %get3A_89 = arith.constant 0 : index
        %get3A_90 = tpu.vector_load %arg13[%get3A_88, %get3A_89] {strides = array<i32>} : memref<80x16xf32, #tpu.memory_space<vmem>>, vector<1x16xf32>,
        %get3A_91 = vector.shape_cast %get3A_90 : vector<1x16xf32> to vector<16xf32>
        %add3A_92 = arith.addf %add3A_87, %get3A_91 : vector<16xf32>
        %max3A = arith.constant 0.000000e+00 : f32
        %max3A_93 = vector.broadcast %max3A : f32 to vector<16xf32>
        %max3A_94 = arith.maximumf %add3A_92, %max3A_93 : vector<16xf32>
        %swap3A = arith.index_cast %scan3A_79 : i32 to index
        %swap3A_95 = arith.constant 0 : index
        %swap3A_96 = tpu.vector_load %arg14[%swap3A, %swap3A_95] {strides = array<i32>} : memref<80x16xf32, #tpu.memory_space<vmem>>, vector<1x16xf32>,
        %swap3A_97 = vector.shape_cast %swap3A_96 : vector<1x16xf32> to vector<16xf32>
        %swap3A_98 = vector.shape_cast %max3A_94 : vector<16xf32> to vector<1x16xf32>
        tpu.vector_store %arg14[%swap3A, %swap3A_95], %swap3A_98 {strides = array<i32>} : memref<80x16xf32, #tpu.memory_space<vmem>>, vector<1x16xf32>,
        %scan3A_99 = arith.constant 1 : i32
        %scan3A_100 = arith.addi %scan3A_79, %scan3A_99 : i32
        %get3A_101 = arith.index_cast %scan3A_100 : i32 to index
        %get3A_102 = arith.constant 0 : index
        %get3A_103 = tpu.vector_load %arg11[%get3A_101, %get3A_102] {strides = array<i32>} : memref<80x16xf32, #tpu.memory_space<vmem>>, vector<1x16xf32>,
        %get3A_104 = vector.shape_cast %get3A_103 : vector<1x16xf32> to vector<16xf32>
        %get3A_105 = arith.index_cast %scan3A_100 : i32 to index
        %get3A_106 = arith.constant 0 : index
        %get3A_107 = tpu.vector_load %arg12[%get3A_105, %get3A_106] {strides = array<i32>} : memref<80x16xf32, #tpu.memory_space<vmem>>, vector<1x16xf32>,
        %get3A_108 = vector.shape_cast %get3A_107 : vector<1x16xf32> to vector<16xf32>
        %add3A_109 = arith.addf %get3A_104, %get3A_108 : vector<16xf32>
        %get3A_110 = arith.index_cast %scan3A_100 : i32 to index
        %get3A_111 = arith.constant 0 : index
        %get3A_112 = tpu.vector_load %arg13[%get3A_110, %get3A_111] {strides = array<i32>} : memref<80x16xf32, #tpu.memory_space<vmem>>, vector<1x16xf32>,
        %get3A_113 = vector.shape_cast %get3A_112 : vector<1x16xf32> to vector<16xf32>
        %add3A_114 = arith.addf %add3A_109, %get3A_113 : vector<16xf32>
        %max3A_115 = arith.constant 0.000000e+00 : f32
        %max3A_116 = vector.broadcast %max3A_115 : f32 to vector<16xf32>
        %max3A_117 = arith.maximumf %add3A_114, %max3A_116 : vector<16xf32>
        %swap3A_118 = arith.index_cast %scan3A_100 : i32 to index
        %swap3A_119 = arith.constant 0 : index
        %swap3A_120 = tpu.vector_load %arg14[%swap3A_118, %swap3A_119] {strides = array<i32>} : memref<80x16xf32, #tpu.memory_space<vmem>>, vector<1x16xf32>,
        %swap3A_121 = vector.shape_cast %swap3A_120 : vector<1x16xf32> to vector<16xf32>
        %swap3A_122 = vector.shape_cast %max3A_117 : vector<16xf32> to vector<1x16xf32>
        tpu.vector_store %arg14[%swap3A_118, %swap3A_119], %swap3A_122 {strides = array<i32>} : memref<80x16xf32, #tpu.memory_space<vmem>>, vector<1x16xf32>,
        %scan3A_123 = arith.constant 2 : i32
        %scan3A_124 = arith.addi %scan3A_79, %scan3A_123 : i32
        %get3A_125 = arith.index_cast %scan3A_124 : i32 to index
        %get3A_126 = arith.constant 0 : index
        %get3A_127 = tpu.vector_load %arg11[%get3A_125, %get3A_126] {strides = array<i32>} : memref<80x16xf32, #tpu.memory_space<vmem>>, vector<1x16xf32>,
        %get3A_128 = vector.shape_cast %get3A_127 : vector<1x16xf32> to vector<16xf32>
        %get3A_129 = arith.index_cast %scan3A_124 : i32 to index
        %get3A_130 = arith.constant 0 : index
        %get3A_131 = tpu.vector_load %arg12[%get3A_129, %get3A_130] {strides = array<i32>} : memref<80x16xf32, #tpu.memory_space<vmem>>, vector<1x16xf32>,
        %get3A_132 = vector.shape_cast %get3A_131 : vector<1x16xf32> to vector<16xf32>
        %add3A_133 = arith.addf %get3A_128, %get3A_132 : vector<16xf32>
        %get3A_134 = arith.index_cast %scan3A_124 : i32 to index
        %get3A_135 = arith.constant 0 : index
        %get3A_136 = tpu.vector_load %arg13[%get3A_134, %get3A_135] {strides = array<i32>} : memref<80x16xf32, #tpu.memory_space<vmem>>, vector<1x16xf32>,
        %get3A_137 = vector.shape_cast %get3A_136 : vector<1x16xf32> to vector<16xf32>
        %add3A_138 = arith.addf %add3A_133, %get3A_137 : vector<16xf32>
        %max3A_139 = arith.constant 0.000000e+00 : f32
        %max3A_140 = vector.broadcast %max3A_139 : f32 to vector<16xf32>
        %max3A_141 = arith.maximumf %add3A_138, %max3A_140 : vector<16xf32>
        %swap3A_142 = arith.index_cast %scan3A_124 : i32 to index
        %swap3A_143 = arith.constant 0 : index
        %swap3A_144 = tpu.vector_load %arg14[%swap3A_142, %swap3A_143] {strides = array<i32>} : memref<80x16xf32, #tpu.memory_space<vmem>>, vector<1x16xf32>,
        %swap3A_145 = vector.shape_cast %swap3A_144 : vector<1x16xf32> to vector<16xf32>
        %swap3A_146 = vector.shape_cast %max3A_141 : vector<16xf32> to vector<1x16xf32>
        tpu.vector_store %arg14[%swap3A_142, %swap3A_143], %swap3A_146 {strides = array<i32>} : memref<80x16xf32, #tpu.memory_space<vmem>>, vector<1x16xf32>,
        %scan3A_147 = arith.constant 3 : i32
        %scan3A_148 = arith.addi %scan3A_79, %scan3A_147 : i32
        %get3A_149 = arith.index_cast %scan3A_148 : i32 to index
        %get3A_150 = arith.constant 0 : index
        %get3A_151 = tpu.vector_load %arg11[%get3A_149, %get3A_150] {strides = array<i32>} : memref<80x16xf32, #tpu.memory_space<vmem>>, vector<1x16xf32>,
        %get3A_152 = vector.shape_cast %get3A_151 : vector<1x16xf32> to vector<16xf32>
        %get3A_153 = arith.index_cast %scan3A_148 : i32 to index
        %get3A_154 = arith.constant 0 : index
        %get3A_155 = tpu.vector_load %arg12[%get3A_153, %get3A_154] {strides = array<i32>} : memref<80x16xf32, #tpu.memory_space<vmem>>, vector<1x16xf32>,
        %get3A_156 = vector.shape_cast %get3A_155 : vector<1x16xf32> to vector<16xf32>
        %add3A_157 = arith.addf %get3A_152, %get3A_156 : vector<16xf32>
        %get3A_158 = arith.index_cast %scan3A_148 : i32 to index
        %get3A_159 = arith.constant 0 : index
        %get3A_160 = tpu.vector_load %arg13[%get3A_158, %get3A_159] {strides = array<i32>} : memref<80x16xf32, #tpu.memory_space<vmem>>, vector<1x16xf32>,
        %get3A_161 = vector.shape_cast %get3A_160 : vector<1x16xf32> to vector<16xf32>
        %add3A_162 = arith.addf %add3A_157, %get3A_161 : vector<16xf32>
        %max3A_163 = arith.constant 0.000000e+00 : f32
        %max3A_164 = vector.broadcast %max3A_163 : f32 to vector<16xf32>
        %max3A_165 = arith.maximumf %add3A_162, %max3A_164 : vector<16xf32>
        %swap3A_166 = arith.index_cast %scan3A_148 : i32 to index
        %swap3A_167 = arith.constant 0 : index
        %swap3A_168 = tpu.vector_load %arg14[%swap3A_166, %swap3A_167] {strides = array<i32>} : memref<80x16xf32, #tpu.memory_space<vmem>>, vector<1x16xf32>,
        %swap3A_169 = vector.shape_cast %swap3A_168 : vector<1x16xf32> to vector<16xf32>
        %swap3A_170 = vector.shape_cast %max3A_165 : vector<16xf32> to vector<1x16xf32>
        tpu.vector_store %arg14[%swap3A_166, %swap3A_167], %swap3A_170 {strides = array<i32>} : memref<80x16xf32, #tpu.memory_space<vmem>>, vector<1x16xf32>,
        %scan3A_171 = arith.constant 4 : i32
        %scan3A_172 = arith.addi %scan3A_79, %scan3A_171 : i32
        %get3A_173 = arith.index_cast %scan3A_172 : i32 to index
        %get3A_174 = arith.constant 0 : index
        %get3A_175 = tpu.vector_load %arg11[%get3A_173, %get3A_174] {strides = array<i32>} : memref<80x16xf32, #tpu.memory_space<vmem>>, vector<1x16xf32>,
        %get3A_176 = vector.shape_cast %get3A_175 : vector<1x16xf32> to vector<16xf32>
        %get3A_177 = arith.index_cast %scan3A_172 : i32 to index
        %get3A_178 = arith.constant 0 : index
        %get3A_179 = tpu.vector_load %arg12[%get3A_177, %get3A_178] {strides = array<i32>} : memref<80x16xf32, #tpu.memory_space<vmem>>, vector<1x16xf32>,
        %get3A_180 = vector.shape_cast %get3A_179 : vector<1x16xf32> to vector<16xf32>
        %add3A_181 = arith.addf %get3A_176, %get3A_180 : vector<16xf32>
        %get3A_182 = arith.index_cast %scan3A_172 : i32 to index
        %get3A_183 = arith.constant 0 : index
        %get3A_184 = tpu.vector_load %arg13[%get3A_182, %get3A_183] {strides = array<i32>} : memref<80x16xf32, #tpu.memory_space<vmem>>, vector<1x16xf32>,
        %get3A_185 = vector.shape_cast %get3A_184 : vector<1x16xf32> to vector<16xf32>
        %add3A_186 = arith.addf %add3A_181, %get3A_185 : vector<16xf32>
        %max3A_187 = arith.constant 0.000000e+00 : f32
        %max3A_188 = vector.broadcast %max3A_187 : f32 to vector<16xf32>
        %max3A_189 = arith.maximumf %add3A_186, %max3A_188 : vector<16xf32>
        %swap3A_190 = arith.index_cast %scan3A_172 : i32 to index
        %swap3A_191 = arith.constant 0 : index
        %swap3A_192 = tpu.vector_load %arg14[%swap3A_190, %swap3A_191] {strides = array<i32>} : memref<80x16xf32, #tpu.memory_space<vmem>>, vector<1x16xf32>,
        %swap3A_193 = vector.shape_cast %swap3A_192 : vector<1x16xf32> to vector<16xf32>
        %swap3A_194 = vector.shape_cast %max3A_189 : vector<16xf32> to vector<1x16xf32>
        tpu.vector_store %arg14[%swap3A_190, %swap3A_191], %swap3A_194 {strides = array<i32>} : memref<80x16xf32, #tpu.memory_space<vmem>>, vector<1x16xf32>,
        %scan3A_195 = arith.constant 5 : i32
        %scan3A_196 = arith.addi %scan3A_79, %scan3A_195 : i32
        %get3A_197 = arith.index_cast %scan3A_196 : i32 to index
        %get3A_198 = arith.constant 0 : index
        %get3A_199 = tpu.vector_load %arg11[%get3A_197, %get3A_198] {strides = array<i32>} : memref<80x16xf32, #tpu.memory_space<vmem>>, vector<1x16xf32>,
        %get3A_200 = vector.shape_cast %get3A_199 : vector<1x16xf32> to vector<16xf32>
        %get3A_201 = arith.index_cast %scan3A_196 : i32 to index
        %get3A_202 = arith.constant 0 : index
        %get3A_203 = tpu.vector_load %arg12[%get3A_201, %get3A_202] {strides = array<i32>} : memref<80x16xf32, #tpu.memory_space<vmem>>, vector<1x16xf32>,
        %get3A_204 = vector.shape_cast %get3A_203 : vector<1x16xf32> to vector<16xf32>
        %add3A_205 = arith.addf %get3A_200, %get3A_204 : vector<16xf32>
        %get3A_206 = arith.index_cast %scan3A_196 : i32 to index
        %get3A_207 = arith.constant 0 : index
        %get3A_208 = tpu.vector_load %arg13[%get3A_206, %get3A_207] {strides = array<i32>} : memref<80x16xf32, #tpu.memory_space<vmem>>, vector<1x16xf32>,
        %get3A_209 = vector.shape_cast %get3A_208 : vector<1x16xf32> to vector<16xf32>
        %add3A_210 = arith.addf %add3A_205, %get3A_209 : vector<16xf32>
        %max3A_211 = arith.constant 0.000000e+00 : f32
        %max3A_212 = vector.broadcast %max3A_211 : f32 to vector<16xf32>
        %max3A_213 = arith.maximumf %add3A_210, %max3A_212 : vector<16xf32>
        %swap3A_214 = arith.index_cast %scan3A_196 : i32 to index
        %swap3A_215 = arith.constant 0 : index
        %swap3A_216 = tpu.vector_load %arg14[%swap3A_214, %swap3A_215] {strides = array<i32>} : memref<80x16xf32, #tpu.memory_space<vmem>>, vector<1x16xf32>,
        %swap3A_217 = vector.shape_cast %swap3A_216 : vector<1x16xf32> to vector<16xf32>
        %swap3A_218 = vector.shape_cast %max3A_213 : vector<16xf32> to vector<1x16xf32>
        tpu.vector_store %arg14[%swap3A_214, %swap3A_215], %swap3A_218 {strides = array<i32>} : memref<80x16xf32, #tpu.memory_space<vmem>>, vector<1x16xf32>,
        %scan3A_219 = arith.constant 6 : i32
        %scan3A_220 = arith.addi %scan3A_79, %scan3A_219 : i32
        %get3A_221 = arith.index_cast %scan3A_220 : i32 to index
        %get3A_222 = arith.constant 0 : index
        %get3A_223 = tpu.vector_load %arg11[%get3A_221, %get3A_222] {strides = array<i32>} : memref<80x16xf32, #tpu.memory_space<vmem>>, vector<1x16xf32>,
        %get3A_224 = vector.shape_cast %get3A_223 : vector<1x16xf32> to vector<16xf32>
        %get3A_225 = arith.index_cast %scan3A_220 : i32 to index
        %get3A_226 = arith.constant 0 : index
        %get3A_227 = tpu.vector_load %arg12[%get3A_225, %get3A_226] {strides = array<i32>} : memref<80x16xf32, #tpu.memory_space<vmem>>, vector<1x16xf32>,
        %get3A_228 = vector.shape_cast %get3A_227 : vector<1x16xf32> to vector<16xf32>
        %add3A_229 = arith.addf %get3A_224, %get3A_228 : vector<16xf32>
        %get3A_230 = arith.index_cast %scan3A_220 : i32 to index
        %get3A_231 = arith.constant 0 : index
        %get3A_232 = tpu.vector_load %arg13[%get3A_230, %get3A_231] {strides = array<i32>} : memref<80x16xf32, #tpu.memory_space<vmem>>, vector<1x16xf32>,
        %get3A_233 = vector.shape_cast %get3A_232 : vector<1x16xf32> to vector<16xf32>
        %add3A_234 = arith.addf %add3A_229, %get3A_233 : vector<16xf32>
        %max3A_235 = arith.constant 0.000000e+00 : f32
        %max3A_236 = vector.broadcast %max3A_235 : f32 to vector<16xf32>
        %max3A_237 = arith.maximumf %add3A_234, %max3A_236 : vector<16xf32>
        %swap3A_238 = arith.index_cast %scan3A_220 : i32 to index
        %swap3A_239 = arith.constant 0 : index
        %swap3A_240 = tpu.vector_load %arg14[%swap3A_238, %swap3A_239] {strides = array<i32>} : memref<80x16xf32, #tpu.memory_space<vmem>>, vector<1x16xf32>,
        %swap3A_241 = vector.shape_cast %swap3A_240 : vector<1x16xf32> to vector<16xf32>
        %swap3A_242 = vector.shape_cast %max3A_237 : vector<16xf32> to vector<1x16xf32>
        tpu.vector_store %arg14[%swap3A_238, %swap3A_239], %swap3A_242 {strides = array<i32>} : memref<80x16xf32, #tpu.memory_space<vmem>>, vector<1x16xf32>,
        %scan3A_243 = arith.constant 7 : i32
        %scan3A_244 = arith.addi %scan3A_79, %scan3A_243 : i32
        %get3A_245 = arith.index_cast %scan3A_244 : i32 to index
        %get3A_246 = arith.constant 0 : index
        %get3A_247 = tpu.vector_load %arg11[%get3A_245, %get3A_246] {strides = array<i32>} : memref<80x16xf32, #tpu.memory_space<vmem>>, vector<1x16xf32>,
        %get3A_248 = vector.shape_cast %get3A_247 : vector<1x16xf32> to vector<16xf32>
        %get3A_249 = arith.index_cast %scan3A_244 : i32 to index
        %get3A_250 = arith.constant 0 : index
        %get3A_251 = tpu.vector_load %arg12[%get3A_249, %get3A_250] {strides = array<i32>} : memref<80x16xf32, #tpu.memory_space<vmem>>, vector<1x16xf32>,
        %get3A_252 = vector.shape_cast %get3A_251 : vector<1x16xf32> to vector<16xf32>
        %add3A_253 = arith.addf %get3A_248, %get3A_252 : vector<16xf32>
        %get3A_254 = arith.index_cast %scan3A_244 : i32 to index
        %get3A_255 = arith.constant 0 : index
        %get3A_256 = tpu.vector_load %arg13[%get3A_254, %get3A_255] {strides = array<i32>} : memref<80x16xf32, #tpu.memory_space<vmem>>, vector<1x16xf32>,
        %get3A_257 = vector.shape_cast %get3A_256 : vector<1x16xf32> to vector<16xf32>
        %add3A_258 = arith.addf %add3A_253, %get3A_257 : vector<16xf32>
        %max3A_259 = arith.constant 0.000000e+00 : f32
        %max3A_260 = vector.broadcast %max3A_259 : f32 to vector<16xf32>
        %max3A_261 = arith.maximumf %add3A_258, %max3A_260 : vector<16xf32>
        %swap3A_262 = arith.index_cast %scan3A_244 : i32 to index
        %swap3A_263 = arith.constant 0 : index
        %swap3A_264 = tpu.vector_load %arg14[%swap3A_262, %swap3A_263] {strides = array<i32>} : memref<80x16xf32, #tpu.memory_space<vmem>>, vector<1x16xf32>,
        %swap3A_265 = vector.shape_cast %swap3A_264 : vector<1x16xf32> to vector<16xf32>
        %swap3A_266 = vector.shape_cast %max3A_261 : vector<16xf32> to vector<1x16xf32>
        tpu.vector_store %arg14[%swap3A_262, %swap3A_263], %swap3A_266 {strides = array<i32>} : memref<80x16xf32, #tpu.memory_space<vmem>>, vector<1x16xf32>,
      }
      %scan3A_64 = arith.constant 80 : i32
      %dma_start3A_65 = arith.constant 0 : i32
      %dma_start3A_66 = tpu.memref_slice %arg7[%add3A_32, %dma_start3A_65] : memref<320000x16xf32, #tpu.memory_space<hbm>> -> memref<80x16xf32, #tpu.memory_space<hbm>>
      %dma_start3A_67 = arith.constant 0 : i32
      %dma_start3A_68 = tpu.memref_slice %arg7[%add3A_32, %dma_start3A_67] : memref<320000x16xf32, #tpu.memory_space<hbm>> -> memref<80x16xf32, #tpu.memory_space<hbm>>
      tpu.enqueue_dma source(%arg14 : memref<80x16xf32, #tpu.memory_space<vmem>>) target(%dma_start3A_68 : memref<80x16xf32, #tpu.memory_space<hbm>>) target_semaphore(%arg20 : memref<!tpu.dma_semaphore, #tpu.memory_space<semaphore_mem>>)
      %dma_start3A_69 = arith.constant 0 : i32
      %dma_start3A_70 = arith.constant 0 : i32
      %dma_start3A_71 = tpu.memref_slice %arg16[%dma_start3A_69, %dma_start3A_70] : memref<10240x16xf32, #tpu.memory_space<vmem_shared>> -> memref<10240x16xf32, #tpu.memory_space<vmem_shared>>
      tpu.enqueue_indirect_dma source(%arg14 : memref<80x16xf32, #tpu.memory_space<vmem>>) target(%dma_start3A_71 : memref<10240x16xf32, #tpu.memory_space<vmem_shared>>) offsets(%arg10 : memref<80xi32, #tpu.memory_space<vmem>>) semaphore(%arg21 : memref<!tpu.dma_semaphore, #tpu.memory_space<semaphore_mem>>) {add = true}
      %dma_wait3A_72 = arith.constant 0 : i32
      %dma_wait3A_73 = tpu.memref_slice %arg7[%add3A_32, %dma_wait3A_72] : memref<320000x16xf32, #tpu.memory_space<hbm>> -> memref<80x16xf32, #tpu.memory_space<hbm>>
      %dma_wait3A_74 = arith.constant 0 : i32
      %dma_wait3A_75 = tpu.memref_slice %arg7[%add3A_32, %dma_wait3A_74] : memref<320000x16xf32, #tpu.memory_space<hbm>> -> memref<80x16xf32, #tpu.memory_space<hbm>>
      tpu.wait_dma2 semaphore(%arg20 : memref<!tpu.dma_semaphore, #tpu.memory_space<semaphore_mem>>) src(%arg14 : memref<80x16xf32, #tpu.memory_space<vmem>>) dst(%dma_wait3A_75 : memref<80x16xf32, #tpu.memory_space<hbm>>)
      %dma_wait3A_76 = arith.constant 0 : i32
      %dma_wait3A_77 = arith.constant 0 : i32
      %dma_wait3A_78 = tpu.memref_slice %arg16[%dma_wait3A_76, %dma_wait3A_77] : memref<10240x16xf32, #tpu.memory_space<vmem_shared>> -> memref<10240x16xf32, #tpu.memory_space<vmem_shared>>
      tpu.wait_indirect_dma semaphore(%arg21 : memref<!tpu.dma_semaphore, #tpu.memory_space<semaphore_mem>>) src(%arg14 : memref<80x16xf32, #tpu.memory_space<vmem>>) dst(%dma_wait3A_78 : memref<10240x16xf32, #tpu.memory_space<vmem_shared>>)
    }
    %scan3A_21 = arith.constant 125 : i32
    %barrier3A_22 = arith.constant 0 : index
    tpu.barrier barrier_id(%barrier3A_22)
    %mul3A_23 = arith.constant 640 : i32
    %mul3A_24 = arith.muli %arg1, %mul3A_23 : i32
    "tpu.region"() ({
      %run_scoped3A = tpu.sem_alloc : memref<!tpu.dma_semaphore, #tpu.memory_space<semaphore_mem>>
      %dma_start3A = arith.constant 0 : i32
      %dma_start3A_27 = tpu.memref_slice %arg16[%mul3A_24, %dma_start3A] : memref<10240x16xf32, #tpu.memory_space<vmem_shared>> -> memref<640x16xf32, #tpu.memory_space<vmem_shared>>
      %dma_start3A_28 = arith.constant 0 : i32
      %dma_start3A_29 = tpu.memref_slice %arg16[%mul3A_24, %dma_start3A_28] : memref<10240x16xf32, #tpu.memory_space<vmem_shared>> -> memref<640x16xf32, #tpu.memory_space<vmem_shared>>
      tpu.enqueue_dma source(%dma_start3A_29 : memref<640x16xf32, #tpu.memory_space<vmem_shared>>) target(%arg15 : memref<640x16xf32, #tpu.memory_space<vmem>>) target_semaphore(%run_scoped3A : memref<!tpu.dma_semaphore, #tpu.memory_space<semaphore_mem>>)
      %dma_wait3A = arith.constant 0 : i32
      %dma_wait3A_30 = tpu.memref_slice %arg16[%mul3A_24, %dma_wait3A] : memref<10240x16xf32, #tpu.memory_space<vmem_shared>> -> memref<640x16xf32, #tpu.memory_space<vmem_shared>>
      %dma_wait3A_31 = arith.constant 0 : i32
      %dma_wait3A_32 = tpu.memref_slice %arg16[%mul3A_24, %dma_wait3A_31] : memref<10240x16xf32, #tpu.memory_space<vmem_shared>> -> memref<640x16xf32, #tpu.memory_space<vmem_shared>>
      tpu.wait_dma2 semaphore(%run_scoped3A : memref<!tpu.dma_semaphore, #tpu.memory_space<semaphore_mem>>) src(%dma_wait3A_32 : memref<640x16xf32, #tpu.memory_space<vmem_shared>>) dst(%arg15 : memref<640x16xf32, #tpu.memory_space<vmem>>)
      tpu.yield
    }) : () -> ()
    %mul3A_25 = arith.constant 640 : i32
    %mul3A_26 = arith.muli %arg1, %mul3A_25 : i32
    "tpu.region"() ({
      %run_scoped3A = tpu.sem_alloc : memref<!tpu.dma_semaphore, #tpu.memory_space<semaphore_mem>>
      %dma_start3A = arith.constant 0 : i32
      %dma_start3A_27 = tpu.memref_slice %arg8[%arg0, %mul3A_26, %dma_start3A] : memref<2x10240x16xf32, #tpu.memory_space<hbm>> -> memref<1x640x16xf32, #tpu.memory_space<hbm>>
      %dma_start3A_28 = tpu.memref_squeeze %dma_start3A_27 : memref<1x640x16xf32, #tpu.memory_space<hbm>> -> memref<640x16xf32, #tpu.memory_space<hbm>>
      %dma_start3A_29 = arith.constant 0 : i32
      %dma_start3A_30 = tpu.memref_slice %arg8[%arg0, %mul3A_26, %dma_start3A_29] : memref<2x10240x16xf32, #tpu.memory_space<hbm>> -> memref<1x640x16xf32, #tpu.memory_space<hbm>>
      %dma_start3A_31 = tpu.memref_squeeze %dma_start3A_30 : memref<1x640x16xf32, #tpu.memory_space<hbm>> -> memref<640x16xf32, #tpu.memory_space<hbm>>
      tpu.enqueue_dma source(%arg15 : memref<640x16xf32, #tpu.memory_space<vmem>>) target(%dma_start3A_31 : memref<640x16xf32, #tpu.memory_space<hbm>>) target_semaphore(%run_scoped3A : memref<!tpu.dma_semaphore, #tpu.memory_space<semaphore_mem>>)
      %dma_wait3A = arith.constant 0 : i32
      %dma_wait3A_32 = tpu.memref_slice %arg8[%arg0, %mul3A_26, %dma_wait3A] : memref<2x10240x16xf32, #tpu.memory_space<hbm>> -> memref<1x640x16xf32, #tpu.memory_space<hbm>>
      %dma_wait3A_33 = tpu.memref_squeeze %dma_wait3A_32 : memref<1x640x16xf32, #tpu.memory_space<hbm>> -> memref<640x16xf32, #tpu.memory_space<hbm>>
      %dma_wait3A_34 = arith.constant 0 : i32
      %dma_wait3A_35 = tpu.memref_slice %arg8[%arg0, %mul3A_26, %dma_wait3A_34] : memref<2x10240x16xf32, #tpu.memory_space<hbm>> -> memref<1x640x16xf32, #tpu.memory_space<hbm>>
      %dma_wait3A_36 = tpu.memref_squeeze %dma_wait3A_35 : memref<1x640x16xf32, #tpu.memory_space<hbm>> -> memref<640x16xf32, #tpu.memory_space<hbm>>
      tpu.wait_dma2 semaphore(%run_scoped3A : memref<!tpu.dma_semaphore, #tpu.memory_space<semaphore_mem>>) src(%arg15 : memref<640x16xf32, #tpu.memory_space<vmem>>) dst(%dma_wait3A_36 : memref<640x16xf32, #tpu.memory_space<hbm>>)
      tpu.yield
    }) : () -> ()
    return
  }
}

module attributes {stable_mosaic.version = 14 : i64} {
  func.func @_enc_nodes_body(%arg0: memref<10000x128xf32, #tpu.memory_space<vmem>>, %arg1: memref<1x16xf32, #tpu.memory_space<vmem>>, %arg2: memref<128x16xf32, #tpu.memory_space<vmem>>, %arg3: memref<1x16xf32, #tpu.memory_space<vmem>>, %arg4: memref<16x16xf32, #tpu.memory_space<vmem>>, %arg5: memref<1x16xf32, #tpu.memory_space<vmem>>, %arg6: memref<16x16xf32, #tpu.memory_space<vmem>>, %arg7: memref<1x16xf32, #tpu.memory_space<vmem>>, %arg8: memref<16x16xf32, #tpu.memory_space<vmem>>, %arg9: memref<1x16xf32, #tpu.memory_space<vmem>>, %arg10: memref<16x16xf32, #tpu.memory_space<vmem>>, %arg11: memref<16x16xf32, #tpu.memory_space<vmem>>, %arg12: memref<16x16xf32, #tpu.memory_space<vmem>>, %arg13: memref<1x16xf32, #tpu.memory_space<vmem>>, %arg14: memref<10000x16xf32, #tpu.memory_space<vmem>>, %arg15: memref<1x16xf32, #tpu.memory_space<vmem>>, %arg16: memref<10000x16xf32, #tpu.memory_space<vmem>>, %arg17: memref<10000x16xf32, #tpu.memory_space<vmem>>, %arg18: memref<1x16xf32, #tpu.memory_space<vmem>>) attributes {dimension_semantics = [], scalar_prefetch = 0 : i64, scratch_operands = 0 : i64, tpu.core_type = #tpu.core_type<tc>} {
    %get3A = arith.constant 0 : index
    %get3A_0 = arith.constant 0 : index
    %get3A_1 = vector.load %arg0[%get3A, %get3A_0] : memref<10000x128xf32, #tpu.memory_space<vmem>>, vector<10000x128xf32>
    %get3A_2 = arith.constant 0 : index
    %get3A_3 = arith.constant 0 : index
    %get3A_4 = vector.load %arg2[%get3A_2, %get3A_3] : memref<128x16xf32, #tpu.memory_space<vmem>>, vector<128x16xf32>
    %dot_general3A = arith.constant dense<0.000000e+00> : vector<10000x16xf32>
    %dot_general3A_5 = tpu.matmul %get3A_1, %get3A_4, %dot_general3A {dimension_numbers = #tpu.dot_dimension_numbers<[1], [0], [0], [1], [0, 0, 1, 1], [], []>, transpose_lhs_hint = false} : vector<10000x128xf32>, vector<128x16xf32>, vector<10000x16xf32> -> vector<10000x16xf32>
    %get3A_6 = arith.constant 0 : index
    %get3A_7 = arith.constant 0 : index
    %get3A_8 = vector.load %arg3[%get3A_6, %get3A_7] : memref<1x16xf32, #tpu.memory_space<vmem>>, vector<1x16xf32>
    %add3A = vector.broadcast %get3A_8 : vector<1x16xf32> to vector<10000x16xf32>
    %add3A_9 = arith.addf %dot_general3A_5, %add3A : vector<10000x16xf32>
    %max3A = arith.constant 0.000000e+00 : f32
    %max3A_10 = vector.broadcast %max3A : f32 to vector<10000x16xf32>
    %max3A_11 = arith.maximumf %add3A_9, %max3A_10 : vector<10000x16xf32>
    %get3A_12 = arith.constant 0 : index
    %get3A_13 = arith.constant 0 : index
    %get3A_14 = vector.load %arg4[%get3A_12, %get3A_13] : memref<16x16xf32, #tpu.memory_space<vmem>>, vector<16x16xf32>
    %dot_general3A_15 = arith.constant dense<0.000000e+00> : vector<10000x16xf32>
    %dot_general3A_16 = tpu.matmul %max3A_11, %get3A_14, %dot_general3A_15 {dimension_numbers = #tpu.dot_dimension_numbers<[1], [0], [0], [1], [0, 0, 1, 1], [], []>, transpose_lhs_hint = false} : vector<10000x16xf32>, vector<16x16xf32>, vector<10000x16xf32> -> vector<10000x16xf32>
    %get3A_17 = arith.constant 0 : index
    %get3A_18 = arith.constant 0 : index
    %get3A_19 = vector.load %arg5[%get3A_17, %get3A_18] : memref<1x16xf32, #tpu.memory_space<vmem>>, vector<1x16xf32>
    %add3A_20 = vector.broadcast %get3A_19 : vector<1x16xf32> to vector<10000x16xf32>
    %add3A_21 = arith.addf %dot_general3A_16, %add3A_20 : vector<10000x16xf32>
    %get3A_22 = arith.constant 0 : index
    %get3A_23 = arith.constant 0 : index
    %get3A_24 = vector.load %arg1[%get3A_22, %get3A_23] : memref<1x16xf32, #tpu.memory_space<vmem>>, vector<1x16xf32>
    %get3A_25 = arith.constant 0 : index
    %get3A_26 = arith.constant 0 : index
    %get3A_27 = vector.load %arg6[%get3A_25, %get3A_26] : memref<16x16xf32, #tpu.memory_space<vmem>>, vector<16x16xf32>
    %dot_general3A_28 = arith.constant dense<0.000000e+00> : vector<1x16xf32>
    %dot_general3A_29 = tpu.matmul %get3A_24, %get3A_27, %dot_general3A_28 {dimension_numbers = #tpu.dot_dimension_numbers<[1], [0], [0], [1], [0, 0, 1, 1], [], []>, transpose_lhs_hint = false} : vector<1x16xf32>, vector<16x16xf32>, vector<1x16xf32> -> vector<1x16xf32>
    %get3A_30 = arith.constant 0 : index
    %get3A_31 = arith.constant 0 : index
    %get3A_32 = vector.load %arg7[%get3A_30, %get3A_31] : memref<1x16xf32, #tpu.memory_space<vmem>>, vector<1x16xf32>
    %add3A_33 = arith.addf %dot_general3A_29, %get3A_32 : vector<1x16xf32>
    %max3A_34 = arith.constant 0.000000e+00 : f32
    %max3A_35 = vector.broadcast %max3A_34 : f32 to vector<1x16xf32>
    %max3A_36 = arith.maximumf %add3A_33, %max3A_35 : vector<1x16xf32>
    %get3A_37 = arith.constant 0 : index
    %get3A_38 = arith.constant 0 : index
    %get3A_39 = vector.load %arg8[%get3A_37, %get3A_38] : memref<16x16xf32, #tpu.memory_space<vmem>>, vector<16x16xf32>
    %dot_general3A_40 = arith.constant dense<0.000000e+00> : vector<1x16xf32>
    %dot_general3A_41 = tpu.matmul %max3A_36, %get3A_39, %dot_general3A_40 {dimension_numbers = #tpu.dot_dimension_numbers<[1], [0], [0], [1], [0, 0, 1, 1], [], []>, transpose_lhs_hint = false} : vector<1x16xf32>, vector<16x16xf32>, vector<1x16xf32> -> vector<1x16xf32>
    %get3A_42 = arith.constant 0 : index
    %get3A_43 = arith.constant 0 : index
    %get3A_44 = vector.load %arg9[%get3A_42, %get3A_43] : memref<1x16xf32, #tpu.memory_space<vmem>>, vector<1x16xf32>
    %add3A_45 = arith.addf %dot_general3A_41, %get3A_44 : vector<1x16xf32>
    %swap3A = arith.constant 0 : index
    %swap3A_46 = arith.constant 0 : index
    %swap3A_47 = vector.load %arg14[%swap3A, %swap3A_46] : memref<10000x16xf32, #tpu.memory_space<vmem>>, vector<10000x16xf32>
    tpu.vector_store %arg14[%swap3A, %swap3A_46], %add3A_21 {strides = array<i32>} : memref<10000x16xf32, #tpu.memory_space<vmem>>, vector<10000x16xf32>,
    %swap3A_48 = arith.constant 0 : index
    %swap3A_49 = arith.constant 0 : index
    %swap3A_50 = vector.load %arg15[%swap3A_48, %swap3A_49] : memref<1x16xf32, #tpu.memory_space<vmem>>, vector<1x16xf32>
    tpu.vector_store %arg15[%swap3A_48, %swap3A_49], %add3A_45 {strides = array<i32>} : memref<1x16xf32, #tpu.memory_space<vmem>>, vector<1x16xf32>,
    %get3A_51 = arith.constant 0 : index
    %get3A_52 = arith.constant 0 : index
    %get3A_53 = vector.load %arg10[%get3A_51, %get3A_52] : memref<16x16xf32, #tpu.memory_space<vmem>>, vector<16x16xf32>
    %dot_general3A_54 = arith.constant dense<0.000000e+00> : vector<10000x16xf32>
    %dot_general3A_55 = tpu.matmul %add3A_21, %get3A_53, %dot_general3A_54 {dimension_numbers = #tpu.dot_dimension_numbers<[1], [0], [0], [1], [0, 0, 1, 1], [], []>, transpose_lhs_hint = false} : vector<10000x16xf32>, vector<16x16xf32>, vector<10000x16xf32> -> vector<10000x16xf32>
    %swap3A_56 = arith.constant 0 : index
    %swap3A_57 = arith.constant 0 : index
    %swap3A_58 = vector.load %arg16[%swap3A_56, %swap3A_57] : memref<10000x16xf32, #tpu.memory_space<vmem>>, vector<10000x16xf32>
    tpu.vector_store %arg16[%swap3A_56, %swap3A_57], %dot_general3A_55 {strides = array<i32>} : memref<10000x16xf32, #tpu.memory_space<vmem>>, vector<10000x16xf32>,
    %get3A_59 = arith.constant 0 : index
    %get3A_60 = arith.constant 0 : index
    %get3A_61 = vector.load %arg11[%get3A_59, %get3A_60] : memref<16x16xf32, #tpu.memory_space<vmem>>, vector<16x16xf32>
    %dot_general3A_62 = arith.constant dense<0.000000e+00> : vector<10000x16xf32>
    %dot_general3A_63 = tpu.matmul %add3A_21, %get3A_61, %dot_general3A_62 {dimension_numbers = #tpu.dot_dimension_numbers<[1], [0], [0], [1], [0, 0, 1, 1], [], []>, transpose_lhs_hint = false} : vector<10000x16xf32>, vector<16x16xf32>, vector<10000x16xf32> -> vector<10000x16xf32>
    %swap3A_64 = arith.constant 0 : index
    %swap3A_65 = arith.constant 0 : index
    %swap3A_66 = vector.load %arg17[%swap3A_64, %swap3A_65] : memref<10000x16xf32, #tpu.memory_space<vmem>>, vector<10000x16xf32>
    tpu.vector_store %arg17[%swap3A_64, %swap3A_65], %dot_general3A_63 {strides = array<i32>} : memref<10000x16xf32, #tpu.memory_space<vmem>>, vector<10000x16xf32>,
    %get3A_67 = arith.constant 0 : index
    %get3A_68 = arith.constant 0 : index
    %get3A_69 = vector.load %arg12[%get3A_67, %get3A_68] : memref<16x16xf32, #tpu.memory_space<vmem>>, vector<16x16xf32>
    %dot_general3A_70 = arith.constant dense<0.000000e+00> : vector<1x16xf32>
    %dot_general3A_71 = tpu.matmul %add3A_45, %get3A_69, %dot_general3A_70 {dimension_numbers = #tpu.dot_dimension_numbers<[1], [0], [0], [1], [0, 0, 1, 1], [], []>, transpose_lhs_hint = false} : vector<1x16xf32>, vector<16x16xf32>, vector<1x16xf32> -> vector<1x16xf32>
    %get3A_72 = arith.constant 0 : index
    %get3A_73 = arith.constant 0 : index
    %get3A_74 = vector.load %arg13[%get3A_72, %get3A_73] : memref<1x16xf32, #tpu.memory_space<vmem>>, vector<1x16xf32>
    %add3A_75 = arith.addf %dot_general3A_71, %get3A_74 : vector<1x16xf32>
    %swap3A_76 = arith.constant 0 : index
    %swap3A_77 = arith.constant 0 : index
    %swap3A_78 = vector.load %arg18[%swap3A_76, %swap3A_77] : memref<1x16xf32, #tpu.memory_space<vmem>>, vector<1x16xf32>
    tpu.vector_store %arg18[%swap3A_76, %swap3A_77], %add3A_75 {strides = array<i32>} : memref<1x16xf32, #tpu.memory_space<vmem>>, vector<1x16xf32>,
    return
  }
}

module attributes {stable_mosaic.version = 14 : i64} {
  func.func @_enc_edges_body(%arg0: i32, %arg1: memref<2000x128xf32, #tpu.memory_space<vmem>>, %arg2: memref<128x128xf32, #tpu.memory_space<vmem>>, %arg3: memref<1x128xf32, #tpu.memory_space<vmem>>, %arg4: memref<128x128xf32, #tpu.memory_space<vmem>>, %arg5: memref<1x128xf32, #tpu.memory_space<vmem>>, %arg6: memref<128x128xf32, #tpu.memory_space<vmem>>, %arg7: memref<1x128xf32, #tpu.memory_space<vmem>>, %arg8: memref<2000x128xf32, #tpu.memory_space<vmem>>, %arg9: memref<2000x128xf32, #tpu.memory_space<vmem>>) attributes {dimension_semantics = [#tpu.dimension_semantics<arbitrary>], iteration_bounds = array<i64: 20>, scalar_prefetch = 0 : i64, scratch_operands = 0 : i64, tpu.core_type = #tpu.core_type<tc>, window_params = [{transform_indices = @transform_0, window_bounds = array<i64: 2000, 128>}, {pipeline_mode = #tpu.pipeline_mode<synchronous>, transform_indices = @transform_1, window_bounds = array<i64: 128, 128>}, {pipeline_mode = #tpu.pipeline_mode<synchronous>, transform_indices = @transform_2, window_bounds = array<i64: 1, 128>}, {pipeline_mode = #tpu.pipeline_mode<synchronous>, transform_indices = @transform_3, window_bounds = array<i64: 128, 128>}, {pipeline_mode = #tpu.pipeline_mode<synchronous>, transform_indices = @transform_4, window_bounds = array<i64: 1, 128>}, {pipeline_mode = #tpu.pipeline_mode<synchronous>, transform_indices = @transform_5, window_bounds = array<i64: 128, 128>}, {pipeline_mode = #tpu.pipeline_mode<synchronous>, transform_indices = @transform_6, window_bounds = array<i64: 1, 128>}, {transform_indices = @transform_7, window_bounds = array<i64: 2000, 128>}, {transform_indices = @transform_8, window_bounds = array<i64: 2000, 128>}]} {
    %get3A = arith.constant 0 : index
    %get3A_0 = arith.constant 0 : index
    %get3A_1 = vector.load %arg1[%get3A, %get3A_0] : memref<2000x128xf32, #tpu.memory_space<vmem>>, vector<2000x128xf32>
    %get3A_2 = arith.constant 0 : index
    %get3A_3 = arith.constant 0 : index
    %get3A_4 = vector.load %arg2[%get3A_2, %get3A_3] : memref<128x128xf32, #tpu.memory_space<vmem>>, vector<128x128xf32>
    %dot_general3A = arith.constant dense<0.000000e+00> : vector<2000x128xf32>
    %dot_general3A_5 = tpu.matmul %get3A_1, %get3A_4, %dot_general3A {dimension_numbers = #tpu.dot_dimension_numbers<[1], [0], [0], [1], [0, 0, 1, 1], [], []>, transpose_lhs_hint = false} : vector<2000x128xf32>, vector<128x128xf32>, vector<2000x128xf32> -> vector<2000x128xf32>
    %get3A_6 = arith.constant 0 : index
    %get3A_7 = arith.constant 0 : index
    %get3A_8 = vector.load %arg3[%get3A_6, %get3A_7] : memref<1x128xf32, #tpu.memory_space<vmem>>, vector<1x128xf32>
    %add3A = vector.broadcast %get3A_8 : vector<1x128xf32> to vector<2000x128xf32>
    %add3A_9 = arith.addf %dot_general3A_5, %add3A : vector<2000x128xf32>
    %max3A = arith.constant 0.000000e+00 : f32
    %max3A_10 = vector.broadcast %max3A : f32 to vector<2000x128xf32>
    %max3A_11 = arith.maximumf %add3A_9, %max3A_10 : vector<2000x128xf32>
    %get3A_12 = arith.constant 0 : index
    %get3A_13 = arith.constant 0 : index
    %get3A_14 = vector.load %arg4[%get3A_12, %get3A_13] : memref<128x128xf32, #tpu.memory_space<vmem>>, vector<128x128xf32>
    %dot_general3A_15 = arith.constant dense<0.000000e+00> : vector<2000x128xf32>
    %dot_general3A_16 = tpu.matmul %max3A_11, %get3A_14, %dot_general3A_15 {dimension_numbers = #tpu.dot_dimension_numbers<[1], [0], [0], [1], [0, 0, 1, 1], [], []>, transpose_lhs_hint = false} : vector<2000x128xf32>, vector<128x128xf32>, vector<2000x128xf32> -> vector<2000x128xf32>
    %get3A_17 = arith.constant 0 : index
    %get3A_18 = arith.constant 0 : index
    %get3A_19 = vector.load %arg5[%get3A_17, %get3A_18] : memref<1x128xf32, #tpu.memory_space<vmem>>, vector<1x128xf32>
    %add3A_20 = vector.broadcast %get3A_19 : vector<1x128xf32> to vector<2000x128xf32>
    %add3A_21 = arith.addf %dot_general3A_16, %add3A_20 : vector<2000x128xf32>
    %swap3A = arith.constant 0 : index
    %swap3A_22 = arith.constant 0 : index
    %swap3A_23 = vector.load %arg8[%swap3A, %swap3A_22] : memref<2000x128xf32, #tpu.memory_space<vmem>>, vector<2000x128xf32>
    tpu.vector_store %arg8[%swap3A, %swap3A_22], %add3A_21 {strides = array<i32>} : memref<2000x128xf32, #tpu.memory_space<vmem>>, vector<2000x128xf32>,
    %get3A_24 = arith.constant 0 : index
    %get3A_25 = arith.constant 0 : index
    %get3A_26 = vector.load %arg6[%get3A_24, %get3A_25] : memref<128x128xf32, #tpu.memory_space<vmem>>, vector<128x128xf32>
    %dot_general3A_27 = arith.constant dense<0.000000e+00> : vector<2000x128xf32>
    %dot_general3A_28 = tpu.matmul %add3A_21, %get3A_26, %dot_general3A_27 {dimension_numbers = #tpu.dot_dimension_numbers<[1], [0], [0], [1], [0, 0, 1, 1], [], []>, transpose_lhs_hint = false} : vector<2000x128xf32>, vector<128x128xf32>, vector<2000x128xf32> -> vector<2000x128xf32>
    %get3A_29 = arith.constant 0 : index
    %get3A_30 = arith.constant 0 : index
    %get3A_31 = vector.load %arg7[%get3A_29, %get3A_30] : memref<1x128xf32, #tpu.memory_space<vmem>>, vector<1x128xf32>
    %add3A_32 = vector.broadcast %get3A_31 : vector<1x128xf32> to vector<2000x128xf32>
    %add3A_33 = arith.addf %dot_general3A_28, %add3A_32 : vector<2000x128xf32>
    %swap3A_34 = arith.constant 0 : index
    %swap3A_35 = arith.constant 0 : index
    %swap3A_36 = vector.load %arg9[%swap3A_34, %swap3A_35] : memref<2000x128xf32, #tpu.memory_space<vmem>>, vector<2000x128xf32>
    tpu.vector_store %arg9[%swap3A_34, %swap3A_35], %add3A_33 {strides = array<i32>} : memref<2000x128xf32, #tpu.memory_space<vmem>>, vector<2000x128xf32>,
    return
  }
  func.func @transform_0(%arg0: i32) -> (i32, i32) {
    %c0_i32 = arith.constant 0 : i32
    %c0_i32_0 = arith.constant 0 : i32
    return %arg0, %c0_i32 : i32, i32
  }
  func.func @transform_1(%arg0: i32) -> (i32, i32) {
    %c0_i32 = arith.constant 0 : i32
    %c0_i32_0 = arith.constant 0 : i32
    %c0_i32_1 = arith.constant 0 : i32
    return %c0_i32, %c0_i32_0 : i32, i32
  }
  func.func @transform_2(%arg0: i32) -> (i32, i32) {
    %c0_i32 = arith.constant 0 : i32
    %c0_i32_0 = arith.constant 0 : i32
    %c0_i32_1 = arith.constant 0 : i32
    return %c0_i32, %c0_i32_0 : i32, i32
  }
  func.func @transform_3(%arg0: i32) -> (i32, i32) {
    %c0_i32 = arith.constant 0 : i32
    %c0_i32_0 = arith.constant 0 : i32
    %c0_i32_1 = arith.constant 0 : i32
    return %c0_i32, %c0_i32_0 : i32, i32
  }
  func.func @transform_4(%arg0: i32) -> (i32, i32) {
    %c0_i32 = arith.constant 0 : i32
    %c0_i32_0 = arith.constant 0 : i32
    %c0_i32_1 = arith.constant 0 : i32
    return %c0_i32, %c0_i32_0 : i32, i32
  }
  func.func @transform_5(%arg0: i32) -> (i32, i32) {
    %c0_i32 = arith.constant 0 : i32
    %c0_i32_0 = arith.constant 0 : i32
    %c0_i32_1 = arith.constant 0 : i32
    return %c0_i32, %c0_i32_0 : i32, i32
  }
  func.func @transform_6(%arg0: i32) -> (i32, i32) {
    %c0_i32 = arith.constant 0 : i32
    %c0_i32_0 = arith.constant 0 : i32
    %c0_i32_1 = arith.constant 0 : i32
    return %c0_i32, %c0_i32_0 : i32, i32
  }
  func.func @transform_7(%arg0: i32) -> (i32, i32) {
    %c0_i32 = arith.constant 0 : i32
    %c0_i32_0 = arith.constant 0 : i32
    return %arg0, %c0_i32 : i32, i32
  }
  func.func @transform_8(%arg0: i32) -> (i32, i32) {
    %c0_i32 = arith.constant 0 : i32
    %c0_i32_0 = arith.constant 0 : i32
    return %arg0, %c0_i32 : i32, i32
  }
}

module attributes {stable_mosaic.version = 14 : i64} {
  func.func @_stage01_body(%arg0: memref<2x10240x16xf32, #tpu.memory_space<vmem>>, %arg1: memref<2x10240x16xf32, #tpu.memory_space<vmem>>, %arg2: memref<10000x16xf32, #tpu.memory_space<vmem>>, %arg3: memref<10000x16xf32, #tpu.memory_space<vmem>>, %arg4: memref<1x16xf32, #tpu.memory_space<vmem>>, %arg5: memref<1x16xf32, #tpu.memory_space<vmem>>, %arg6: memref<16x16xf32, #tpu.memory_space<vmem>>, %arg7: memref<1x16xf32, #tpu.memory_space<vmem>>, %arg8: memref<48x16xf32, #tpu.memory_space<vmem>>, %arg9: memref<1x16xf32, #tpu.memory_space<vmem>>, %arg10: memref<16x16xf32, #tpu.memory_space<vmem>>, %arg11: memref<1x16xf32, #tpu.memory_space<vmem>>, %arg12: memref<48x16xf32, #tpu.memory_space<vmem>>, %arg13: memref<1x16xf32, #tpu.memory_space<vmem>>, %arg14: memref<16x16xf32, #tpu.memory_space<vmem>>, %arg15: memref<1x16xf32, #tpu.memory_space<vmem>>, %arg16: memref<16x16xf32, #tpu.memory_space<vmem>>, %arg17: memref<16x16xf32, #tpu.memory_space<vmem>>, %arg18: memref<16x16xf32, #tpu.memory_space<vmem>>, %arg19: memref<16x16xf32, #tpu.memory_space<vmem>>, %arg20: memref<16x16xf32, #tpu.memory_space<vmem>>, %arg21: memref<16x16xf32, #tpu.memory_space<vmem>>, %arg22: memref<1x16xf32, #tpu.memory_space<vmem>>, %arg23: memref<10000x16xf32, #tpu.memory_space<vmem>>, %arg24: memref<1x16xf32, #tpu.memory_space<vmem>>, %arg25: memref<10000x1xf32, #tpu.memory_space<vmem>>, %arg26: memref<10000x16xf32, #tpu.memory_space<vmem>>, %arg27: memref<10000x16xf32, #tpu.memory_space<vmem>>, %arg28: memref<1x16xf32, #tpu.memory_space<vmem>>) attributes {dimension_semantics = [], scalar_prefetch = 0 : i64, scratch_operands = 0 : i64, tpu.core_type = #tpu.core_type<tc>} {
    %get3A = arith.constant 0 : index
    %get3A_0 = arith.constant 0 : index
    %get3A_1 = arith.constant 0 : index
    %get3A_2 = vector.load %arg0[%get3A, %get3A_0, %get3A_1] : memref<2x10240x16xf32, #tpu.memory_space<vmem>>, vector<1x10240x16xf32>
    %get3A_3 = vector.shape_cast %get3A_2 : vector<1x10240x16xf32> to vector<10240x16xf32>
    %get3A_4 = arith.constant 1 : index
    %get3A_5 = arith.constant 0 : index
    %get3A_6 = arith.constant 0 : index
    %get3A_7 = vector.load %arg0[%get3A_4, %get3A_5, %get3A_6] : memref<2x10240x16xf32, #tpu.memory_space<vmem>>, vector<1x10240x16xf32>
    %get3A_8 = vector.shape_cast %get3A_7 : vector<1x10240x16xf32> to vector<10240x16xf32>
    %add3A = arith.addf %get3A_3, %get3A_8 : vector<10240x16xf32>
    %slice3A = vector.extract_strided_slice %add3A {offsets = [0, 0], sizes = [10000, 16], strides = [1, 1]} : vector<10240x16xf32> to vector<10000x16xf32>
    %get3A_9 = arith.constant 0 : index
    %get3A_10 = arith.constant 0 : index
    %get3A_11 = arith.constant 0 : index
    %get3A_12 = vector.load %arg1[%get3A_9, %get3A_10, %get3A_11] : memref<2x10240x16xf32, #tpu.memory_space<vmem>>, vector<1x10240x16xf32>
    %get3A_13 = vector.shape_cast %get3A_12 : vector<1x10240x16xf32> to vector<10240x16xf32>
    %get3A_14 = arith.constant 1 : index
    %get3A_15 = arith.constant 0 : index
    %get3A_16 = arith.constant 0 : index
    %get3A_17 = vector.load %arg1[%get3A_14, %get3A_15, %get3A_16] : memref<2x10240x16xf32, #tpu.memory_space<vmem>>, vector<1x10240x16xf32>
    %get3A_18 = vector.shape_cast %get3A_17 : vector<1x10240x16xf32> to vector<10240x16xf32>
    %add3A_19 = arith.addf %get3A_13, %get3A_18 : vector<10240x16xf32>
    %slice3A_20 = vector.extract_strided_slice %add3A_19 {offsets = [0, 0], sizes = [10000, 1], strides = [1, 1]} : vector<10240x16xf32> to vector<10000x1xf32>
    %get3A_21 = arith.constant 0 : index
    %get3A_22 = arith.constant 0 : index
    %get3A_23 = vector.load %arg2[%get3A_21, %get3A_22] : memref<10000x16xf32, #tpu.memory_space<vmem>>, vector<10000x16xf32>
    %get3A_24 = arith.constant 0 : index
    %get3A_25 = arith.constant 0 : index
    %get3A_26 = vector.load %arg4[%get3A_24, %get3A_25] : memref<1x16xf32, #tpu.memory_space<vmem>>, vector<1x16xf32>
    %get3A_27 = arith.constant 0 : index
    %get3A_28 = arith.constant 0 : index
    %get3A_29 = vector.load %arg6[%get3A_27, %get3A_28] : memref<16x16xf32, #tpu.memory_space<vmem>>, vector<16x16xf32>
    %get3A_30 = arith.constant 0 : index
    %get3A_31 = arith.constant 0 : index
    %get3A_32 = vector.load %arg7[%get3A_30, %get3A_31] : memref<1x16xf32, #tpu.memory_space<vmem>>, vector<1x16xf32>
    %get3A_33 = arith.constant 0 : index
    %get3A_34 = arith.constant 0 : index
    %get3A_35 = vector.load %arg8[%get3A_33, %get3A_34] : memref<48x16xf32, #tpu.memory_space<vmem>>, vector<48x16xf32>
    %get3A_36 = arith.constant 0 : index
    %get3A_37 = arith.constant 0 : index
    %get3A_38 = vector.load %arg9[%get3A_36, %get3A_37] : memref<1x16xf32, #tpu.memory_space<vmem>>, vector<1x16xf32>
    %get3A_39 = arith.constant 0 : index
    %get3A_40 = arith.constant 0 : index
    %get3A_41 = vector.load %arg10[%get3A_39, %get3A_40] : memref<16x16xf32, #tpu.memory_space<vmem>>, vector<16x16xf32>
    %get3A_42 = arith.constant 0 : index
    %get3A_43 = arith.constant 0 : index
    %get3A_44 = vector.load %arg11[%get3A_42, %get3A_43] : memref<1x16xf32, #tpu.memory_space<vmem>>, vector<1x16xf32>
    %get3A_45 = arith.constant 0 : index
    %get3A_46 = arith.constant 0 : index
    %get3A_47 = vector.load %arg12[%get3A_45, %get3A_46] : memref<48x16xf32, #tpu.memory_space<vmem>>, vector<48x16xf32>
    %get3A_48 = arith.constant 0 : index
    %get3A_49 = arith.constant 0 : index
    %get3A_50 = vector.load %arg13[%get3A_48, %get3A_49] : memref<1x16xf32, #tpu.memory_space<vmem>>, vector<1x16xf32>
    %get3A_51 = arith.constant 0 : index
    %get3A_52 = arith.constant 0 : index
    %get3A_53 = vector.load %arg14[%get3A_51, %get3A_52] : memref<16x16xf32, #tpu.memory_space<vmem>>, vector<16x16xf32>
    %get3A_54 = arith.constant 0 : index
    %get3A_55 = arith.constant 0 : index
    %get3A_56 = vector.load %arg15[%get3A_54, %get3A_55] : memref<1x16xf32, #tpu.memory_space<vmem>>, vector<1x16xf32>
    %max3A = arith.constant 1.000000e+00 : f32
    %max3A_57 = vector.broadcast %max3A : f32 to vector<10000x1xf32>
    %max3A_58 = arith.maximumf %slice3A_20, %max3A_57 : vector<10000x1xf32>
    %gt3A = arith.constant 0.000000e+00 : f32
    %gt3A_59 = vector.broadcast %gt3A : f32 to vector<10000x1xf32>
    %gt3A_60 = arith.cmpf ogt, %slice3A_20, %gt3A_59 : vector<10000x1xf32>
    %convert_element_type3A = arith.extui %gt3A_60 : vector<10000x1xi1> to vector<10000x1xi32>
    %convert_element_type3A_61 = arith.sitofp %convert_element_type3A : vector<10000x1xi32> to vector<10000x1xf32>
    %dot_general3A = arith.constant dense<0.000000e+00> : vector<10000x16xf32>
    %dot_general3A_62 = tpu.matmul %slice3A, %get3A_29, %dot_general3A {dimension_numbers = #tpu.dot_dimension_numbers<[1], [0], [0], [1], [0, 0, 1, 1], [], []>, transpose_lhs_hint = false} : vector<10000x16xf32>, vector<16x16xf32>, vector<10000x16xf32> -> vector<10000x16xf32>
    %div3A = vector.broadcast %max3A_58 : vector<10000x1xf32> to vector<10000x16xf32>
    %div3A_63 = arith.divf %dot_general3A_62, %div3A : vector<10000x16xf32>
    %mul3A = vector.broadcast %convert_element_type3A_61 : vector<10000x1xf32> to vector<10000x16xf32>
    %mul3A_64 = vector.broadcast %get3A_32 : vector<1x16xf32> to vector<10000x16xf32>
    %mul3A_65 = arith.mulf %mul3A, %mul3A_64 : vector<10000x16xf32>
    %add3A_66 = arith.addf %div3A_63, %mul3A_65 : vector<10000x16xf32>
    %broadcast_in_dim3A = vector.shape_cast %get3A_26 : vector<1x16xf32> to vector<1x16xf32>
    %broadcast_in_dim3A_67 = vector.broadcast %broadcast_in_dim3A : vector<1x16xf32> to vector<10000x16xf32>
    %concatenate3A = tpu.concatenate %add3A_66, %get3A_23, %broadcast_in_dim3A_67 in 1 : vector<10000x16xf32>, vector<10000x16xf32>, vector<10000x16xf32> -> vector<10000x48xf32>
    %dot_general3A_68 = arith.constant dense<0.000000e+00> : vector<10000x16xf32>
    %dot_general3A_69 = tpu.matmul %concatenate3A, %get3A_35, %dot_general3A_68 {dimension_numbers = #tpu.dot_dimension_numbers<[1], [0], [0], [1], [0, 0, 1, 1], [], []>, transpose_lhs_hint = false} : vector<10000x48xf32>, vector<48x16xf32>, vector<10000x16xf32> -> vector<10000x16xf32>
    %add3A_70 = vector.broadcast %get3A_38 : vector<1x16xf32> to vector<10000x16xf32>
    %add3A_71 = arith.addf %dot_general3A_69, %add3A_70 : vector<10000x16xf32>
    %max3A_72 = arith.constant 0.000000e+00 : f32
    %max3A_73 = vector.broadcast %max3A_72 : f32 to vector<10000x16xf32>
    %max3A_74 = arith.maximumf %add3A_71, %max3A_73 : vector<10000x16xf32>
    %dot_general3A_75 = arith.constant dense<0.000000e+00> : vector<10000x16xf32>
    %dot_general3A_76 = tpu.matmul %max3A_74, %get3A_41, %dot_general3A_75 {dimension_numbers = #tpu.dot_dimension_numbers<[1], [0], [0], [1], [0, 0, 1, 1], [], []>, transpose_lhs_hint = false} : vector<10000x16xf32>, vector<16x16xf32>, vector<10000x16xf32> -> vector<10000x16xf32>
    %add3A_77 = vector.broadcast %get3A_44 : vector<1x16xf32> to vector<10000x16xf32>
    %add3A_78 = arith.addf %dot_general3A_76, %add3A_77 : vector<10000x16xf32>
    %reduce_sum3A = arith.constant dense<0.000000e+00> : vector<16xf32>
    %reduce_sum3A_79 = vector.multi_reduction <add>, %slice3A, %reduce_sum3A [0] : vector<10000x16xf32> to vector<16xf32>
    %broadcast_in_dim3A_80 = vector.shape_cast %reduce_sum3A_79 : vector<16xf32> to vector<1x16xf32>
    %mul3A_81 = arith.constant 3.125000e-06 : f32
    %mul3A_82 = vector.broadcast %mul3A_81 : f32 to vector<1x16xf32>
    %mul3A_83 = arith.mulf %broadcast_in_dim3A_80, %mul3A_82 : vector<1x16xf32>
    %dot_general3A_84 = arith.constant dense<0.000000e+00> : vector<1x16xf32>
    %dot_general3A_85 = tpu.matmul %mul3A_83, %get3A_29, %dot_general3A_84 {dimension_numbers = #tpu.dot_dimension_numbers<[1], [0], [0], [1], [0, 0, 1, 1], [], []>, transpose_lhs_hint = false} : vector<1x16xf32>, vector<16x16xf32>, vector<1x16xf32> -> vector<1x16xf32>
    %add3A_86 = arith.addf %dot_general3A_85, %get3A_32 : vector<1x16xf32>
    %reduce_sum3A_87 = arith.constant dense<0.000000e+00> : vector<16xf32>
    %reduce_sum3A_88 = vector.multi_reduction <add>, %add3A_78, %reduce_sum3A_87 [0] : vector<10000x16xf32> to vector<16xf32>
    %broadcast_in_dim3A_89 = vector.shape_cast %reduce_sum3A_88 : vector<16xf32> to vector<1x16xf32>
    %mul3A_90 = arith.constant 9.99999974E-5 : f32
    %mul3A_91 = vector.broadcast %mul3A_90 : f32 to vector<1x16xf32>
    %mul3A_92 = arith.mulf %broadcast_in_dim3A_89, %mul3A_91 : vector<1x16xf32>
    %concatenate3A_93 = tpu.concatenate %add3A_86, %mul3A_92, %get3A_26 in 1 : vector<1x16xf32>, vector<1x16xf32>, vector<1x16xf32> -> vector<1x48xf32>
    %dot_general3A_94 = arith.constant dense<0.000000e+00> : vector<1x16xf32>
    %dot_general3A_95 = tpu.matmul %concatenate3A_93, %get3A_47, %dot_general3A_94 {dimension_numbers = #tpu.dot_dimension_numbers<[1], [0], [0], [1], [0, 0, 1, 1], [], []>, transpose_lhs_hint = false} : vector<1x48xf32>, vector<48x16xf32>, vector<1x16xf32> -> vector<1x16xf32>
    %add3A_96 = arith.addf %dot_general3A_95, %get3A_50 : vector<1x16xf32>
    %max3A_97 = arith.constant 0.000000e+00 : f32
    %max3A_98 = vector.broadcast %max3A_97 : f32 to vector<1x16xf32>
    %max3A_99 = arith.maximumf %add3A_96, %max3A_98 : vector<1x16xf32>
    %dot_general3A_100 = arith.constant dense<0.000000e+00> : vector<1x16xf32>
    %dot_general3A_101 = tpu.matmul %max3A_99, %get3A_53, %dot_general3A_100 {dimension_numbers = #tpu.dot_dimension_numbers<[1], [0], [0], [1], [0, 0, 1, 1], [], []>, transpose_lhs_hint = false} : vector<1x16xf32>, vector<16x16xf32>, vector<1x16xf32> -> vector<1x16xf32>
    %add3A_102 = arith.addf %dot_general3A_101, %get3A_56 : vector<1x16xf32>
    %swap3A = arith.constant 0 : index
    %swap3A_103 = arith.constant 0 : index
    %swap3A_104 = vector.load %arg23[%swap3A, %swap3A_103] : memref<10000x16xf32, #tpu.memory_space<vmem>>, vector<10000x16xf32>
    tpu.vector_store %arg23[%swap3A, %swap3A_103], %add3A_78 {strides = array<i32>} : memref<10000x16xf32, #tpu.memory_space<vmem>>, vector<10000x16xf32>,
    %swap3A_105 = arith.constant 0 : index
    %swap3A_106 = arith.constant 0 : index
    %swap3A_107 = vector.load %arg24[%swap3A_105, %swap3A_106] : memref<1x16xf32, #tpu.memory_space<vmem>>, vector<1x16xf32>
    tpu.vector_store %arg24[%swap3A_105, %swap3A_106], %add3A_102 {strides = array<i32>} : memref<1x16xf32, #tpu.memory_space<vmem>>, vector<1x16xf32>,
    %swap3A_108 = arith.constant 0 : index
    %swap3A_109 = arith.constant 0 : index
    %swap3A_110 = vector.load %arg25[%swap3A_108, %swap3A_109] : memref<10000x1xf32, #tpu.memory_space<vmem>>, vector<10000x1xf32>
    tpu.vector_store %arg25[%swap3A_108, %swap3A_109], %slice3A_20 {strides = array<i32>} : memref<10000x1xf32, #tpu.memory_space<vmem>>, vector<10000x1xf32>,
    %get3A_111 = arith.constant 0 : index
    %get3A_112 = arith.constant 0 : index
    %get3A_113 = vector.load %arg16[%get3A_111, %get3A_112] : memref<16x16xf32, #tpu.memory_space<vmem>>, vector<16x16xf32>
    %dot_general3A_114 = arith.constant dense<0.000000e+00> : vector<10000x16xf32>
    %dot_general3A_115 = tpu.matmul %add3A_78, %get3A_113, %dot_general3A_114 {dimension_numbers = #tpu.dot_dimension_numbers<[1], [0], [0], [1], [0, 0, 1, 1], [], []>, transpose_lhs_hint = false} : vector<10000x16xf32>, vector<16x16xf32>, vector<10000x16xf32> -> vector<10000x16xf32>
    %get3A_116 = arith.constant 0 : index
    %get3A_117 = arith.constant 0 : index
    %get3A_118 = vector.load %arg3[%get3A_116, %get3A_117] : memref<10000x16xf32, #tpu.memory_space<vmem>>, vector<10000x16xf32>
    %get3A_119 = arith.constant 0 : index
    %get3A_120 = arith.constant 0 : index
    %get3A_121 = vector.load %arg17[%get3A_119, %get3A_120] : memref<16x16xf32, #tpu.memory_space<vmem>>, vector<16x16xf32>
    %dot_general3A_122 = arith.constant dense<0.000000e+00> : vector<10000x16xf32>
    %dot_general3A_123 = tpu.matmul %get3A_118, %get3A_121, %dot_general3A_122 {dimension_numbers = #tpu.dot_dimension_numbers<[1], [0], [0], [1], [0, 0, 1, 1], [], []>, transpose_lhs_hint = false} : vector<10000x16xf32>, vector<16x16xf32>, vector<10000x16xf32> -> vector<10000x16xf32>
    %add3A_124 = arith.addf %dot_general3A_115, %dot_general3A_123 : vector<10000x16xf32>
    %swap3A_125 = arith.constant 0 : index
    %swap3A_126 = arith.constant 0 : index
    %swap3A_127 = vector.load %arg26[%swap3A_125, %swap3A_126] : memref<10000x16xf32, #tpu.memory_space<vmem>>, vector<10000x16xf32>
    tpu.vector_store %arg26[%swap3A_125, %swap3A_126], %add3A_124 {strides = array<i32>} : memref<10000x16xf32, #tpu.memory_space<vmem>>, vector<10000x16xf32>,
    %get3A_128 = arith.constant 0 : index
    %get3A_129 = arith.constant 0 : index
    %get3A_130 = vector.load %arg18[%get3A_128, %get3A_129] : memref<16x16xf32, #tpu.memory_space<vmem>>, vector<16x16xf32>
    %dot_general3A_131 = arith.constant dense<0.000000e+00> : vector<10000x16xf32>
    %dot_general3A_132 = tpu.matmul %add3A_78, %get3A_130, %dot_general3A_131 {dimension_numbers = #tpu.dot_dimension_numbers<[1], [0], [0], [1], [0, 0, 1, 1], [], []>, transpose_lhs_hint = false} : vector<10000x16xf32>, vector<16x16xf32>, vector<10000x16xf32> -> vector<10000x16xf32>
    %get3A_133 = arith.constant 0 : index
    %get3A_134 = arith.constant 0 : index
    %get3A_135 = vector.load %arg3[%get3A_133, %get3A_134] : memref<10000x16xf32, #tpu.memory_space<vmem>>, vector<10000x16xf32>
    %get3A_136 = arith.constant 0 : index
    %get3A_137 = arith.constant 0 : index
    %get3A_138 = vector.load %arg19[%get3A_136, %get3A_137] : memref<16x16xf32, #tpu.memory_space<vmem>>, vector<16x16xf32>
    %dot_general3A_139 = arith.constant dense<0.000000e+00> : vector<10000x16xf32>
    %dot_general3A_140 = tpu.matmul %get3A_135, %get3A_138, %dot_general3A_139 {dimension_numbers = #tpu.dot_dimension_numbers<[1], [0], [0], [1], [0, 0, 1, 1], [], []>, transpose_lhs_hint = false} : vector<10000x16xf32>, vector<16x16xf32>, vector<10000x16xf32> -> vector<10000x16xf32>
    %add3A_141 = arith.addf %dot_general3A_132, %dot_general3A_140 : vector<10000x16xf32>
    %swap3A_142 = arith.constant 0 : index
    %swap3A_143 = arith.constant 0 : index
    %swap3A_144 = vector.load %arg27[%swap3A_142, %swap3A_143] : memref<10000x16xf32, #tpu.memory_space<vmem>>, vector<10000x16xf32>
    tpu.vector_store %arg27[%swap3A_142, %swap3A_143], %add3A_141 {strides = array<i32>} : memref<10000x16xf32, #tpu.memory_space<vmem>>, vector<10000x16xf32>,
    %get3A_145 = arith.constant 0 : index
    %get3A_146 = arith.constant 0 : index
    %get3A_147 = vector.load %arg20[%get3A_145, %get3A_146] : memref<16x16xf32, #tpu.memory_space<vmem>>, vector<16x16xf32>
    %dot_general3A_148 = arith.constant dense<0.000000e+00> : vector<1x16xf32>
    %dot_general3A_149 = tpu.matmul %add3A_102, %get3A_147, %dot_general3A_148 {dimension_numbers = #tpu.dot_dimension_numbers<[1], [0], [0], [1], [0, 0, 1, 1], [], []>, transpose_lhs_hint = false} : vector<1x16xf32>, vector<16x16xf32>, vector<1x16xf32> -> vector<1x16xf32>
    %get3A_150 = arith.constant 0 : index
    %get3A_151 = arith.constant 0 : index
    %get3A_152 = vector.load %arg5[%get3A_150, %get3A_151] : memref<1x16xf32, #tpu.memory_space<vmem>>, vector<1x16xf32>
    %get3A_153 = arith.constant 0 : index
    %get3A_154 = arith.constant 0 : index
    %get3A_155 = vector.load %arg21[%get3A_153, %get3A_154] : memref<16x16xf32, #tpu.memory_space<vmem>>, vector<16x16xf32>
    %dot_general3A_156 = arith.constant dense<0.000000e+00> : vector<1x16xf32>
    %dot_general3A_157 = tpu.matmul %get3A_152, %get3A_155, %dot_general3A_156 {dimension_numbers = #tpu.dot_dimension_numbers<[1], [0], [0], [1], [0, 0, 1, 1], [], []>, transpose_lhs_hint = false} : vector<1x16xf32>, vector<16x16xf32>, vector<1x16xf32> -> vector<1x16xf32>
    %add3A_158 = arith.addf %dot_general3A_149, %dot_general3A_157 : vector<1x16xf32>
    %get3A_159 = arith.constant 0 : index
    %get3A_160 = arith.constant 0 : index
    %get3A_161 = vector.load %arg22[%get3A_159, %get3A_160] : memref<1x16xf32, #tpu.memory_space<vmem>>, vector<1x16xf32>
    %add3A_162 = arith.addf %add3A_158, %get3A_161 : vector<1x16xf32>
    %swap3A_163 = arith.constant 0 : index
    %swap3A_164 = arith.constant 0 : index
    %swap3A_165 = vector.load %arg28[%swap3A_163, %swap3A_164] : memref<1x16xf32, #tpu.memory_space<vmem>>, vector<1x16xf32>
    tpu.vector_store %arg28[%swap3A_163, %swap3A_164], %add3A_162 {strides = array<i32>} : memref<1x16xf32, #tpu.memory_space<vmem>>, vector<1x16xf32>,
    return
  }
}

module attributes {stable_mosaic.version = 14 : i64} {
  func.func @_pre_body(%arg0: i32, %arg1: memref<2000x128xf32, #tpu.memory_space<vmem>>, %arg2: memref<2000x128xf32, #tpu.memory_space<vmem>>, %arg3: memref<128x128xf32, #tpu.memory_space<vmem>>, %arg4: memref<1x128xf32, #tpu.memory_space<vmem>>, %arg5: memref<128x128xf32, #tpu.memory_space<vmem>>, %arg6: memref<128x128xf32, #tpu.memory_space<vmem>>, %arg7: memref<1x128xf32, #tpu.memory_space<vmem>>, %arg8: memref<2000x128xf32, #tpu.memory_space<vmem>>) attributes {dimension_semantics = [#tpu.dimension_semantics<arbitrary>], iteration_bounds = array<i64: 20>, scalar_prefetch = 0 : i64, scratch_operands = 0 : i64, tpu.core_type = #tpu.core_type<tc>, window_params = [{transform_indices = @transform_0, window_bounds = array<i64: 2000, 128>}, {transform_indices = @transform_1, window_bounds = array<i64: 2000, 128>}, {pipeline_mode = #tpu.pipeline_mode<synchronous>, transform_indices = @transform_2, window_bounds = array<i64: 128, 128>}, {pipeline_mode = #tpu.pipeline_mode<synchronous>, transform_indices = @transform_3, window_bounds = array<i64: 1, 128>}, {pipeline_mode = #tpu.pipeline_mode<synchronous>, transform_indices = @transform_4, window_bounds = array<i64: 128, 128>}, {pipeline_mode = #tpu.pipeline_mode<synchronous>, transform_indices = @transform_5, window_bounds = array<i64: 128, 128>}, {pipeline_mode = #tpu.pipeline_mode<synchronous>, transform_indices = @transform_6, window_bounds = array<i64: 1, 128>}, {transform_indices = @transform_7, window_bounds = array<i64: 2000, 128>}]} {
    %get3A = arith.constant 0 : index
    %get3A_0 = arith.constant 0 : index
    %get3A_1 = vector.load %arg1[%get3A, %get3A_0] : memref<2000x128xf32, #tpu.memory_space<vmem>>, vector<2000x128xf32>
    %get3A_2 = arith.constant 0 : index
    %get3A_3 = arith.constant 0 : index
    %get3A_4 = vector.load %arg3[%get3A_2, %get3A_3] : memref<128x128xf32, #tpu.memory_space<vmem>>, vector<128x128xf32>
    %dot_general3A = arith.constant dense<0.000000e+00> : vector<2000x128xf32>
    %dot_general3A_5 = tpu.matmul %get3A_1, %get3A_4, %dot_general3A {dimension_numbers = #tpu.dot_dimension_numbers<[1], [0], [0], [1], [0, 0, 1, 1], [], []>, transpose_lhs_hint = false} : vector<2000x128xf32>, vector<128x128xf32>, vector<2000x128xf32> -> vector<2000x128xf32>
    %get3A_6 = arith.constant 0 : index
    %get3A_7 = arith.constant 0 : index
    %get3A_8 = vector.load %arg4[%get3A_6, %get3A_7] : memref<1x128xf32, #tpu.memory_space<vmem>>, vector<1x128xf32>
    %add3A = vector.broadcast %get3A_8 : vector<1x128xf32> to vector<2000x128xf32>
    %add3A_9 = arith.addf %dot_general3A_5, %add3A : vector<2000x128xf32>
    %get3A_10 = arith.constant 0 : index
    %get3A_11 = arith.constant 0 : index
    %get3A_12 = vector.load %arg5[%get3A_10, %get3A_11] : memref<128x128xf32, #tpu.memory_space<vmem>>, vector<128x128xf32>
    %dot_general3A_13 = arith.constant dense<0.000000e+00> : vector<2000x128xf32>
    %dot_general3A_14 = tpu.matmul %add3A_9, %get3A_12, %dot_general3A_13 {dimension_numbers = #tpu.dot_dimension_numbers<[1], [0], [0], [1], [0, 0, 1, 1], [], []>, transpose_lhs_hint = false} : vector<2000x128xf32>, vector<128x128xf32>, vector<2000x128xf32> -> vector<2000x128xf32>
    %get3A_15 = arith.constant 0 : index
    %get3A_16 = arith.constant 0 : index
    %get3A_17 = vector.load %arg2[%get3A_15, %get3A_16] : memref<2000x128xf32, #tpu.memory_space<vmem>>, vector<2000x128xf32>
    %get3A_18 = arith.constant 0 : index
    %get3A_19 = arith.constant 0 : index
    %get3A_20 = vector.load %arg6[%get3A_18, %get3A_19] : memref<128x128xf32, #tpu.memory_space<vmem>>, vector<128x128xf32>
    %dot_general3A_21 = arith.constant dense<0.000000e+00> : vector<2000x128xf32>
    %dot_general3A_22 = tpu.matmul %get3A_17, %get3A_20, %dot_general3A_21 {dimension_numbers = #tpu.dot_dimension_numbers<[1], [0], [0], [1], [0, 0, 1, 1], [], []>, transpose_lhs_hint = false} : vector<2000x128xf32>, vector<128x128xf32>, vector<2000x128xf32> -> vector<2000x128xf32>
    %add3A_23 = arith.addf %dot_general3A_14, %dot_general3A_22 : vector<2000x128xf32>
    %get3A_24 = arith.constant 0 : index
    %get3A_25 = arith.constant 0 : index
    %get3A_26 = vector.load %arg7[%get3A_24, %get3A_25] : memref<1x128xf32, #tpu.memory_space<vmem>>, vector<1x128xf32>
    %add3A_27 = vector.broadcast %get3A_26 : vector<1x128xf32> to vector<2000x128xf32>
    %add3A_28 = arith.addf %add3A_23, %add3A_27 : vector<2000x128xf32>
    %swap3A = arith.constant 0 : index
    %swap3A_29 = arith.constant 0 : index
    %swap3A_30 = vector.load %arg8[%swap3A, %swap3A_29] : memref<2000x128xf32, #tpu.memory_space<vmem>>, vector<2000x128xf32>
    tpu.vector_store %arg8[%swap3A, %swap3A_29], %add3A_28 {strides = array<i32>} : memref<2000x128xf32, #tpu.memory_space<vmem>>, vector<2000x128xf32>,
    return
  }
  func.func @transform_0(%arg0: i32) -> (i32, i32) {
    %c0_i32 = arith.constant 0 : i32
    %c0_i32_0 = arith.constant 0 : i32
    return %arg0, %c0_i32 : i32, i32
  }
  func.func @transform_1(%arg0: i32) -> (i32, i32) {
    %c0_i32 = arith.constant 0 : i32
    %c0_i32_0 = arith.constant 0 : i32
    return %arg0, %c0_i32 : i32, i32
  }
  func.func @transform_2(%arg0: i32) -> (i32, i32) {
    %c0_i32 = arith.constant 0 : i32
    %c0_i32_0 = arith.constant 0 : i32
    %c0_i32_1 = arith.constant 0 : i32
    return %c0_i32, %c0_i32_0 : i32, i32
  }
  func.func @transform_3(%arg0: i32) -> (i32, i32) {
    %c0_i32 = arith.constant 0 : i32
    %c0_i32_0 = arith.constant 0 : i32
    %c0_i32_1 = arith.constant 0 : i32
    return %c0_i32, %c0_i32_0 : i32, i32
  }
  func.func @transform_4(%arg0: i32) -> (i32, i32) {
    %c0_i32 = arith.constant 0 : i32
    %c0_i32_0 = arith.constant 0 : i32
    %c0_i32_1 = arith.constant 0 : i32
    return %c0_i32, %c0_i32_0 : i32, i32
  }
  func.func @transform_5(%arg0: i32) -> (i32, i32) {
    %c0_i32 = arith.constant 0 : i32
    %c0_i32_0 = arith.constant 0 : i32
    %c0_i32_1 = arith.constant 0 : i32
    return %c0_i32, %c0_i32_0 : i32, i32
  }
  func.func @transform_6(%arg0: i32) -> (i32, i32) {
    %c0_i32 = arith.constant 0 : i32
    %c0_i32_0 = arith.constant 0 : i32
    %c0_i32_1 = arith.constant 0 : i32
    return %c0_i32, %c0_i32_0 : i32, i32
  }
  func.func @transform_7(%arg0: i32) -> (i32, i32) {
    %c0_i32 = arith.constant 0 : i32
    %c0_i32_0 = arith.constant 0 : i32
    return %arg0, %c0_i32 : i32, i32
  }
}

module attributes {stable_mosaic.version = 14 : i64} {
  func.func @_stage01_body(%arg0: memref<2x10240x16xf32, #tpu.memory_space<vmem>>, %arg1: memref<10000x1xf32, #tpu.memory_space<vmem>>, %arg2: memref<10000x16xf32, #tpu.memory_space<vmem>>, %arg3: memref<10000x16xf32, #tpu.memory_space<vmem>>, %arg4: memref<1x16xf32, #tpu.memory_space<vmem>>, %arg5: memref<1x16xf32, #tpu.memory_space<vmem>>, %arg6: memref<16x16xf32, #tpu.memory_space<vmem>>, %arg7: memref<1x16xf32, #tpu.memory_space<vmem>>, %arg8: memref<80x16xf32, #tpu.memory_space<vmem>>, %arg9: memref<1x16xf32, #tpu.memory_space<vmem>>, %arg10: memref<16x16xf32, #tpu.memory_space<vmem>>, %arg11: memref<1x16xf32, #tpu.memory_space<vmem>>, %arg12: memref<64x16xf32, #tpu.memory_space<vmem>>, %arg13: memref<1x16xf32, #tpu.memory_space<vmem>>, %arg14: memref<16x16xf32, #tpu.memory_space<vmem>>, %arg15: memref<1x16xf32, #tpu.memory_space<vmem>>, %arg16: memref<16x16xf32, #tpu.memory_space<vmem>>, %arg17: memref<16x16xf32, #tpu.memory_space<vmem>>, %arg18: memref<16x16xf32, #tpu.memory_space<vmem>>, %arg19: memref<16x16xf32, #tpu.memory_space<vmem>>, %arg20: memref<16x16xf32, #tpu.memory_space<vmem>>, %arg21: memref<16x16xf32, #tpu.memory_space<vmem>>, %arg22: memref<1x16xf32, #tpu.memory_space<vmem>>, %arg23: memref<10000x16xf32, #tpu.memory_space<vmem>>, %arg24: memref<1x16xf32, #tpu.memory_space<vmem>>, %arg25: memref<10000x1xf32, #tpu.memory_space<vmem>>, %arg26: memref<10000x16xf32, #tpu.memory_space<vmem>>, %arg27: memref<10000x16xf32, #tpu.memory_space<vmem>>, %arg28: memref<1x16xf32, #tpu.memory_space<vmem>>) attributes {dimension_semantics = [], scalar_prefetch = 0 : i64, scratch_operands = 0 : i64, tpu.core_type = #tpu.core_type<tc>} {
    %get3A = arith.constant 0 : index
    %get3A_0 = arith.constant 0 : index
    %get3A_1 = arith.constant 0 : index
    %get3A_2 = vector.load %arg0[%get3A, %get3A_0, %get3A_1] : memref<2x10240x16xf32, #tpu.memory_space<vmem>>, vector<1x10240x16xf32>
    %get3A_3 = vector.shape_cast %get3A_2 : vector<1x10240x16xf32> to vector<10240x16xf32>
    %get3A_4 = arith.constant 1 : index
    %get3A_5 = arith.constant 0 : index
    %get3A_6 = arith.constant 0 : index
    %get3A_7 = vector.load %arg0[%get3A_4, %get3A_5, %get3A_6] : memref<2x10240x16xf32, #tpu.memory_space<vmem>>, vector<1x10240x16xf32>
    %get3A_8 = vector.shape_cast %get3A_7 : vector<1x10240x16xf32> to vector<10240x16xf32>
    %add3A = arith.addf %get3A_3, %get3A_8 : vector<10240x16xf32>
    %slice3A = vector.extract_strided_slice %add3A {offsets = [0, 0], sizes = [10000, 16], strides = [1, 1]} : vector<10240x16xf32> to vector<10000x16xf32>
    %get3A_9 = arith.constant 0 : index
    %get3A_10 = arith.constant 0 : index
    %get3A_11 = vector.load %arg1[%get3A_9, %get3A_10] : memref<10000x1xf32, #tpu.memory_space<vmem>>, vector<10000x1xf32>
    %get3A_12 = arith.constant 0 : index
    %get3A_13 = arith.constant 0 : index
    %get3A_14 = vector.load %arg2[%get3A_12, %get3A_13] : memref<10000x16xf32, #tpu.memory_space<vmem>>, vector<10000x16xf32>
    %get3A_15 = arith.constant 0 : index
    %get3A_16 = arith.constant 0 : index
    %get3A_17 = vector.load %arg3[%get3A_15, %get3A_16] : memref<10000x16xf32, #tpu.memory_space<vmem>>, vector<10000x16xf32>
    %concatenate3A = tpu.concatenate %get3A_14, %get3A_17 in 1 : vector<10000x16xf32>, vector<10000x16xf32> -> vector<10000x32xf32>
    %get3A_18 = arith.constant 0 : index
    %get3A_19 = arith.constant 0 : index
    %get3A_20 = vector.load %arg4[%get3A_18, %get3A_19] : memref<1x16xf32, #tpu.memory_space<vmem>>, vector<1x16xf32>
    %get3A_21 = arith.constant 0 : index
    %get3A_22 = arith.constant 0 : index
    %get3A_23 = vector.load %arg5[%get3A_21, %get3A_22] : memref<1x16xf32, #tpu.memory_space<vmem>>, vector<1x16xf32>
    %concatenate3A_24 = tpu.concatenate %get3A_20, %get3A_23 in 1 : vector<1x16xf32>, vector<1x16xf32> -> vector<1x32xf32>
    %get3A_25 = arith.constant 0 : index
    %get3A_26 = arith.constant 0 : index
    %get3A_27 = vector.load %arg6[%get3A_25, %get3A_26] : memref<16x16xf32, #tpu.memory_space<vmem>>, vector<16x16xf32>
    %get3A_28 = arith.constant 0 : index
    %get3A_29 = arith.constant 0 : index
    %get3A_30 = vector.load %arg7[%get3A_28, %get3A_29] : memref<1x16xf32, #tpu.memory_space<vmem>>, vector<1x16xf32>
    %get3A_31 = arith.constant 0 : index
    %get3A_32 = arith.constant 0 : index
    %get3A_33 = vector.load %arg8[%get3A_31, %get3A_32] : memref<80x16xf32, #tpu.memory_space<vmem>>, vector<80x16xf32>
    %get3A_34 = arith.constant 0 : index
    %get3A_35 = arith.constant 0 : index
    %get3A_36 = vector.load %arg9[%get3A_34, %get3A_35] : memref<1x16xf32, #tpu.memory_space<vmem>>, vector<1x16xf32>
    %get3A_37 = arith.constant 0 : index
    %get3A_38 = arith.constant 0 : index
    %get3A_39 = vector.load %arg10[%get3A_37, %get3A_38] : memref<16x16xf32, #tpu.memory_space<vmem>>, vector<16x16xf32>
    %get3A_40 = arith.constant 0 : index
    %get3A_41 = arith.constant 0 : index
    %get3A_42 = vector.load %arg11[%get3A_40, %get3A_41] : memref<1x16xf32, #tpu.memory_space<vmem>>, vector<1x16xf32>
    %get3A_43 = arith.constant 0 : index
    %get3A_44 = arith.constant 0 : index
    %get3A_45 = vector.load %arg12[%get3A_43, %get3A_44] : memref<64x16xf32, #tpu.memory_space<vmem>>, vector<64x16xf32>
    %get3A_46 = arith.constant 0 : index
    %get3A_47 = arith.constant 0 : index
    %get3A_48 = vector.load %arg13[%get3A_46, %get3A_47] : memref<1x16xf32, #tpu.memory_space<vmem>>, vector<1x16xf32>
    %get3A_49 = arith.constant 0 : index
    %get3A_50 = arith.constant 0 : index
    %get3A_51 = vector.load %arg14[%get3A_49, %get3A_50] : memref<16x16xf32, #tpu.memory_space<vmem>>, vector<16x16xf32>
    %get3A_52 = arith.constant 0 : index
    %get3A_53 = arith.constant 0 : index
    %get3A_54 = vector.load %arg15[%get3A_52, %get3A_53] : memref<1x16xf32, #tpu.memory_space<vmem>>, vector<1x16xf32>
    %max3A = arith.constant 1.000000e+00 : f32
    %max3A_55 = vector.broadcast %max3A : f32 to vector<10000x1xf32>
    %max3A_56 = arith.maximumf %get3A_11, %max3A_55 : vector<10000x1xf32>
    %gt3A = arith.constant 0.000000e+00 : f32
    %gt3A_57 = vector.broadcast %gt3A : f32 to vector<10000x1xf32>
    %gt3A_58 = arith.cmpf ogt, %get3A_11, %gt3A_57 : vector<10000x1xf32>
    %convert_element_type3A = arith.extui %gt3A_58 : vector<10000x1xi1> to vector<10000x1xi32>
    %convert_element_type3A_59 = arith.sitofp %convert_element_type3A : vector<10000x1xi32> to vector<10000x1xf32>
    %dot_general3A = arith.constant dense<0.000000e+00> : vector<10000x16xf32>
    %dot_general3A_60 = tpu.matmul %slice3A, %get3A_27, %dot_general3A {dimension_numbers = #tpu.dot_dimension_numbers<[1], [0], [0], [1], [0, 0, 1, 1], [], []>, transpose_lhs_hint = false} : vector<10000x16xf32>, vector<16x16xf32>, vector<10000x16xf32> -> vector<10000x16xf32>
    %div3A = vector.broadcast %max3A_56 : vector<10000x1xf32> to vector<10000x16xf32>
    %div3A_61 = arith.divf %dot_general3A_60, %div3A : vector<10000x16xf32>
    %mul3A = vector.broadcast %convert_element_type3A_59 : vector<10000x1xf32> to vector<10000x16xf32>
    %mul3A_62 = vector.broadcast %get3A_30 : vector<1x16xf32> to vector<10000x16xf32>
    %mul3A_63 = arith.mulf %mul3A, %mul3A_62 : vector<10000x16xf32>
    %add3A_64 = arith.addf %div3A_61, %mul3A_63 : vector<10000x16xf32>
    %broadcast_in_dim3A = vector.shape_cast %concatenate3A_24 : vector<1x32xf32> to vector<1x32xf32>
    %broadcast_in_dim3A_65 = vector.broadcast %broadcast_in_dim3A : vector<1x32xf32> to vector<10000x32xf32>
    %concatenate3A_66 = tpu.concatenate %add3A_64, %concatenate3A, %broadcast_in_dim3A_65 in 1 : vector<10000x16xf32>, vector<10000x32xf32>, vector<10000x32xf32> -> vector<10000x80xf32>
    %dot_general3A_67 = arith.constant dense<0.000000e+00> : vector<10000x16xf32>
    %dot_general3A_68 = tpu.matmul %concatenate3A_66, %get3A_33, %dot_general3A_67 {dimension_numbers = #tpu.dot_dimension_numbers<[1], [0], [0], [1], [0, 0, 1, 1], [], []>, transpose_lhs_hint = false} : vector<10000x80xf32>, vector<80x16xf32>, vector<10000x16xf32> -> vector<10000x16xf32>
    %add3A_69 = vector.broadcast %get3A_36 : vector<1x16xf32> to vector<10000x16xf32>
    %add3A_70 = arith.addf %dot_general3A_68, %add3A_69 : vector<10000x16xf32>
    %max3A_71 = arith.constant 0.000000e+00 : f32
    %max3A_72 = vector.broadcast %max3A_71 : f32 to vector<10000x16xf32>
    %max3A_73 = arith.maximumf %add3A_70, %max3A_72 : vector<10000x16xf32>
    %dot_general3A_74 = arith.constant dense<0.000000e+00> : vector<10000x16xf32>
    %dot_general3A_75 = tpu.matmul %max3A_73, %get3A_39, %dot_general3A_74 {dimension_numbers = #tpu.dot_dimension_numbers<[1], [0], [0], [1], [0, 0, 1, 1], [], []>, transpose_lhs_hint = false} : vector<10000x16xf32>, vector<16x16xf32>, vector<10000x16xf32> -> vector<10000x16xf32>
    %add3A_76 = vector.broadcast %get3A_42 : vector<1x16xf32> to vector<10000x16xf32>
    %add3A_77 = arith.addf %dot_general3A_75, %add3A_76 : vector<10000x16xf32>
    %reduce_sum3A = arith.constant dense<0.000000e+00> : vector<16xf32>
    %reduce_sum3A_78 = vector.multi_reduction <add>, %slice3A, %reduce_sum3A [0] : vector<10000x16xf32> to vector<16xf32>
    %broadcast_in_dim3A_79 = vector.shape_cast %reduce_sum3A_78 : vector<16xf32> to vector<1x16xf32>
    %mul3A_80 = arith.constant 3.125000e-06 : f32
    %mul3A_81 = vector.broadcast %mul3A_80 : f32 to vector<1x16xf32>
    %mul3A_82 = arith.mulf %broadcast_in_dim3A_79, %mul3A_81 : vector<1x16xf32>
    %dot_general3A_83 = arith.constant dense<0.000000e+00> : vector<1x16xf32>
    %dot_general3A_84 = tpu.matmul %mul3A_82, %get3A_27, %dot_general3A_83 {dimension_numbers = #tpu.dot_dimension_numbers<[1], [0], [0], [1], [0, 0, 1, 1], [], []>, transpose_lhs_hint = false} : vector<1x16xf32>, vector<16x16xf32>, vector<1x16xf32> -> vector<1x16xf32>
    %add3A_85 = arith.addf %dot_general3A_84, %get3A_30 : vector<1x16xf32>
    %reduce_sum3A_86 = arith.constant dense<0.000000e+00> : vector<16xf32>
    %reduce_sum3A_87 = vector.multi_reduction <add>, %add3A_77, %reduce_sum3A_86 [0] : vector<10000x16xf32> to vector<16xf32>
    %broadcast_in_dim3A_88 = vector.shape_cast %reduce_sum3A_87 : vector<16xf32> to vector<1x16xf32>
    %mul3A_89 = arith.constant 9.99999974E-5 : f32
    %mul3A_90 = vector.broadcast %mul3A_89 : f32 to vector<1x16xf32>
    %mul3A_91 = arith.mulf %broadcast_in_dim3A_88, %mul3A_90 : vector<1x16xf32>
    %concatenate3A_92 = tpu.concatenate %add3A_85, %mul3A_91, %concatenate3A_24 in 1 : vector<1x16xf32>, vector<1x16xf32>, vector<1x32xf32> -> vector<1x64xf32>
    %dot_general3A_93 = arith.constant dense<0.000000e+00> : vector<1x16xf32>
    %dot_general3A_94 = tpu.matmul %concatenate3A_92, %get3A_45, %dot_general3A_93 {dimension_numbers = #tpu.dot_dimension_numbers<[1], [0], [0], [1], [0, 0, 1, 1], [], []>, transpose_lhs_hint = false} : vector<1x64xf32>, vector<64x16xf32>, vector<1x16xf32> -> vector<1x16xf32>
    %add3A_95 = arith.addf %dot_general3A_94, %get3A_48 : vector<1x16xf32>
    %max3A_96 = arith.constant 0.000000e+00 : f32
    %max3A_97 = vector.broadcast %max3A_96 : f32 to vector<1x16xf32>
    %max3A_98 = arith.maximumf %add3A_95, %max3A_97 : vector<1x16xf32>
    %dot_general3A_99 = arith.constant dense<0.000000e+00> : vector<1x16xf32>
    %dot_general3A_100 = tpu.matmul %max3A_98, %get3A_51, %dot_general3A_99 {dimension_numbers = #tpu.dot_dimension_numbers<[1], [0], [0], [1], [0, 0, 1, 1], [], []>, transpose_lhs_hint = false} : vector<1x16xf32>, vector<16x16xf32>, vector<1x16xf32> -> vector<1x16xf32>
    %add3A_101 = arith.addf %dot_general3A_100, %get3A_54 : vector<1x16xf32>
    %swap3A = arith.constant 0 : index
    %swap3A_102 = arith.constant 0 : index
    %swap3A_103 = vector.load %arg23[%swap3A, %swap3A_102] : memref<10000x16xf32, #tpu.memory_space<vmem>>, vector<10000x16xf32>
    tpu.vector_store %arg23[%swap3A, %swap3A_102], %add3A_77 {strides = array<i32>} : memref<10000x16xf32, #tpu.memory_space<vmem>>, vector<10000x16xf32>,
    %swap3A_104 = arith.constant 0 : index
    %swap3A_105 = arith.constant 0 : index
    %swap3A_106 = vector.load %arg24[%swap3A_104, %swap3A_105] : memref<1x16xf32, #tpu.memory_space<vmem>>, vector<1x16xf32>
    tpu.vector_store %arg24[%swap3A_104, %swap3A_105], %add3A_101 {strides = array<i32>} : memref<1x16xf32, #tpu.memory_space<vmem>>, vector<1x16xf32>,
    %swap3A_107 = arith.constant 0 : index
    %swap3A_108 = arith.constant 0 : index
    %swap3A_109 = vector.load %arg25[%swap3A_107, %swap3A_108] : memref<10000x1xf32, #tpu.memory_space<vmem>>, vector<10000x1xf32>
    tpu.vector_store %arg25[%swap3A_107, %swap3A_108], %get3A_11 {strides = array<i32>} : memref<10000x1xf32, #tpu.memory_space<vmem>>, vector<10000x1xf32>,
    %get3A_110 = arith.constant 0 : index
    %get3A_111 = arith.constant 0 : index
    %get3A_112 = vector.load %arg16[%get3A_110, %get3A_111] : memref<16x16xf32, #tpu.memory_space<vmem>>, vector<16x16xf32>
    %dot_general3A_113 = arith.constant dense<0.000000e+00> : vector<10000x16xf32>
    %dot_general3A_114 = tpu.matmul %add3A_77, %get3A_112, %dot_general3A_113 {dimension_numbers = #tpu.dot_dimension_numbers<[1], [0], [0], [1], [0, 0, 1, 1], [], []>, transpose_lhs_hint = false} : vector<10000x16xf32>, vector<16x16xf32>, vector<10000x16xf32> -> vector<10000x16xf32>
    %get3A_115 = arith.constant 0 : index
    %get3A_116 = arith.constant 0 : index
    %get3A_117 = vector.load %arg3[%get3A_115, %get3A_116] : memref<10000x16xf32, #tpu.memory_space<vmem>>, vector<10000x16xf32>
    %get3A_118 = arith.constant 0 : index
    %get3A_119 = arith.constant 0 : index
    %get3A_120 = vector.load %arg17[%get3A_118, %get3A_119] : memref<16x16xf32, #tpu.memory_space<vmem>>, vector<16x16xf32>
    %dot_general3A_121 = arith.constant dense<0.000000e+00> : vector<10000x16xf32>
    %dot_general3A_122 = tpu.matmul %get3A_117, %get3A_120, %dot_general3A_121 {dimension_numbers = #tpu.dot_dimension_numbers<[1], [0], [0], [1], [0, 0, 1, 1], [], []>, transpose_lhs_hint = false} : vector<10000x16xf32>, vector<16x16xf32>, vector<10000x16xf32> -> vector<10000x16xf32>
    %add3A_123 = arith.addf %dot_general3A_114, %dot_general3A_122 : vector<10000x16xf32>
    %swap3A_124 = arith.constant 0 : index
    %swap3A_125 = arith.constant 0 : index
    %swap3A_126 = vector.load %arg26[%swap3A_124, %swap3A_125] : memref<10000x16xf32, #tpu.memory_space<vmem>>, vector<10000x16xf32>
    tpu.vector_store %arg26[%swap3A_124, %swap3A_125], %add3A_123 {strides = array<i32>} : memref<10000x16xf32, #tpu.memory_space<vmem>>, vector<10000x16xf32>,
    %get3A_127 = arith.constant 0 : index
    %get3A_128 = arith.constant 0 : index
    %get3A_129 = vector.load %arg18[%get3A_127, %get3A_128] : memref<16x16xf32, #tpu.memory_space<vmem>>, vector<16x16xf32>
    %dot_general3A_130 = arith.constant dense<0.000000e+00> : vector<10000x16xf32>
    %dot_general3A_131 = tpu.matmul %add3A_77, %get3A_129, %dot_general3A_130 {dimension_numbers = #tpu.dot_dimension_numbers<[1], [0], [0], [1], [0, 0, 1, 1], [], []>, transpose_lhs_hint = false} : vector<10000x16xf32>, vector<16x16xf32>, vector<10000x16xf32> -> vector<10000x16xf32>
    %get3A_132 = arith.constant 0 : index
    %get3A_133 = arith.constant 0 : index
    %get3A_134 = vector.load %arg3[%get3A_132, %get3A_133] : memref<10000x16xf32, #tpu.memory_space<vmem>>, vector<10000x16xf32>
    %get3A_135 = arith.constant 0 : index
    %get3A_136 = arith.constant 0 : index
    %get3A_137 = vector.load %arg19[%get3A_135, %get3A_136] : memref<16x16xf32, #tpu.memory_space<vmem>>, vector<16x16xf32>
    %dot_general3A_138 = arith.constant dense<0.000000e+00> : vector<10000x16xf32>
    %dot_general3A_139 = tpu.matmul %get3A_134, %get3A_137, %dot_general3A_138 {dimension_numbers = #tpu.dot_dimension_numbers<[1], [0], [0], [1], [0, 0, 1, 1], [], []>, transpose_lhs_hint = false} : vector<10000x16xf32>, vector<16x16xf32>, vector<10000x16xf32> -> vector<10000x16xf32>
    %add3A_140 = arith.addf %dot_general3A_131, %dot_general3A_139 : vector<10000x16xf32>
    %swap3A_141 = arith.constant 0 : index
    %swap3A_142 = arith.constant 0 : index
    %swap3A_143 = vector.load %arg27[%swap3A_141, %swap3A_142] : memref<10000x16xf32, #tpu.memory_space<vmem>>, vector<10000x16xf32>
    tpu.vector_store %arg27[%swap3A_141, %swap3A_142], %add3A_140 {strides = array<i32>} : memref<10000x16xf32, #tpu.memory_space<vmem>>, vector<10000x16xf32>,
    %get3A_144 = arith.constant 0 : index
    %get3A_145 = arith.constant 0 : index
    %get3A_146 = vector.load %arg20[%get3A_144, %get3A_145] : memref<16x16xf32, #tpu.memory_space<vmem>>, vector<16x16xf32>
    %dot_general3A_147 = arith.constant dense<0.000000e+00> : vector<1x16xf32>
    %dot_general3A_148 = tpu.matmul %add3A_101, %get3A_146, %dot_general3A_147 {dimension_numbers = #tpu.dot_dimension_numbers<[1], [0], [0], [1], [0, 0, 1, 1], [], []>, transpose_lhs_hint = false} : vector<1x16xf32>, vector<16x16xf32>, vector<1x16xf32> -> vector<1x16xf32>
    %get3A_149 = arith.constant 0 : index
    %get3A_150 = arith.constant 0 : index
    %get3A_151 = vector.load %arg5[%get3A_149, %get3A_150] : memref<1x16xf32, #tpu.memory_space<vmem>>, vector<1x16xf32>
    %get3A_152 = arith.constant 0 : index
    %get3A_153 = arith.constant 0 : index
    %get3A_154 = vector.load %arg21[%get3A_152, %get3A_153] : memref<16x16xf32, #tpu.memory_space<vmem>>, vector<16x16xf32>
    %dot_general3A_155 = arith.constant dense<0.000000e+00> : vector<1x16xf32>
    %dot_general3A_156 = tpu.matmul %get3A_151, %get3A_154, %dot_general3A_155 {dimension_numbers = #tpu.dot_dimension_numbers<[1], [0], [0], [1], [0, 0, 1, 1], [], []>, transpose_lhs_hint = false} : vector<1x16xf32>, vector<16x16xf32>, vector<1x16xf32> -> vector<1x16xf32>
    %add3A_157 = arith.addf %dot_general3A_148, %dot_general3A_156 : vector<1x16xf32>
    %get3A_158 = arith.constant 0 : index
    %get3A_159 = arith.constant 0 : index
    %get3A_160 = vector.load %arg22[%get3A_158, %get3A_159] : memref<1x16xf32, #tpu.memory_space<vmem>>, vector<1x16xf32>
    %add3A_161 = arith.addf %add3A_157, %get3A_160 : vector<1x16xf32>
    %swap3A_162 = arith.constant 0 : index
    %swap3A_163 = arith.constant 0 : index
    %swap3A_164 = vector.load %arg28[%swap3A_162, %swap3A_163] : memref<1x16xf32, #tpu.memory_space<vmem>>, vector<1x16xf32>
    tpu.vector_store %arg28[%swap3A_162, %swap3A_163], %add3A_161 {strides = array<i32>} : memref<1x16xf32, #tpu.memory_space<vmem>>, vector<1x16xf32>,
    return
  }
}

module attributes {stable_mosaic.version = 14 : i64} {
  func.func @_stage2_body(%arg0: memref<2x10240x16xf32, #tpu.memory_space<vmem>>, %arg1: memref<10000x1xf32, #tpu.memory_space<vmem>>, %arg2: memref<10000x16xf32, #tpu.memory_space<vmem>>, %arg3: memref<10000x16xf32, #tpu.memory_space<vmem>>, %arg4: memref<1x16xf32, #tpu.memory_space<vmem>>, %arg5: memref<1x16xf32, #tpu.memory_space<vmem>>, %arg6: memref<16x16xf32, #tpu.memory_space<vmem>>, %arg7: memref<1x16xf32, #tpu.memory_space<vmem>>, %arg8: memref<80x16xf32, #tpu.memory_space<vmem>>, %arg9: memref<1x16xf32, #tpu.memory_space<vmem>>, %arg10: memref<16x16xf32, #tpu.memory_space<vmem>>, %arg11: memref<1x16xf32, #tpu.memory_space<vmem>>, %arg12: memref<64x16xf32, #tpu.memory_space<vmem>>, %arg13: memref<1x16xf32, #tpu.memory_space<vmem>>, %arg14: memref<16x16xf32, #tpu.memory_space<vmem>>, %arg15: memref<1x16xf32, #tpu.memory_space<vmem>>, %arg16: memref<16x16xf32, #tpu.memory_space<vmem>>, %arg17: memref<1x16xf32, #tpu.memory_space<vmem>>, %arg18: memref<16x16xf32, #tpu.memory_space<vmem>>, %arg19: memref<1x16xf32, #tpu.memory_space<vmem>>, %arg20: memref<16x2xf32, #tpu.memory_space<vmem>>, %arg21: memref<1x2xf32, #tpu.memory_space<vmem>>, %arg22: memref<16x16xf32, #tpu.memory_space<vmem>>, %arg23: memref<1x16xf32, #tpu.memory_space<vmem>>, %arg24: memref<16x16xf32, #tpu.memory_space<vmem>>, %arg25: memref<1x16xf32, #tpu.memory_space<vmem>>, %arg26: memref<16x1xf32, #tpu.memory_space<vmem>>, %arg27: memref<1x1xf32, #tpu.memory_space<vmem>>, %arg28: memref<10000x2xf32, #tpu.memory_space<vmem>>, %arg29: memref<1x1xf32, #tpu.memory_space<vmem>>) attributes {dimension_semantics = [], scalar_prefetch = 0 : i64, scratch_operands = 0 : i64, tpu.core_type = #tpu.core_type<tc>} {
    %get3A = arith.constant 0 : index
    %get3A_0 = arith.constant 0 : index
    %get3A_1 = arith.constant 0 : index
    %get3A_2 = vector.load %arg0[%get3A, %get3A_0, %get3A_1] : memref<2x10240x16xf32, #tpu.memory_space<vmem>>, vector<1x10240x16xf32>
    %get3A_3 = vector.shape_cast %get3A_2 : vector<1x10240x16xf32> to vector<10240x16xf32>
    %get3A_4 = arith.constant 1 : index
    %get3A_5 = arith.constant 0 : index
    %get3A_6 = arith.constant 0 : index
    %get3A_7 = vector.load %arg0[%get3A_4, %get3A_5, %get3A_6] : memref<2x10240x16xf32, #tpu.memory_space<vmem>>, vector<1x10240x16xf32>
    %get3A_8 = vector.shape_cast %get3A_7 : vector<1x10240x16xf32> to vector<10240x16xf32>
    %add3A = arith.addf %get3A_3, %get3A_8 : vector<10240x16xf32>
    %slice3A = vector.extract_strided_slice %add3A {offsets = [0, 0], sizes = [10000, 16], strides = [1, 1]} : vector<10240x16xf32> to vector<10000x16xf32>
    %get3A_9 = arith.constant 0 : index
    %get3A_10 = arith.constant 0 : index
    %get3A_11 = vector.load %arg1[%get3A_9, %get3A_10] : memref<10000x1xf32, #tpu.memory_space<vmem>>, vector<10000x1xf32>
    %get3A_12 = arith.constant 0 : index
    %get3A_13 = arith.constant 0 : index
    %get3A_14 = vector.load %arg2[%get3A_12, %get3A_13] : memref<10000x16xf32, #tpu.memory_space<vmem>>, vector<10000x16xf32>
    %get3A_15 = arith.constant 0 : index
    %get3A_16 = arith.constant 0 : index
    %get3A_17 = vector.load %arg3[%get3A_15, %get3A_16] : memref<10000x16xf32, #tpu.memory_space<vmem>>, vector<10000x16xf32>
    %concatenate3A = tpu.concatenate %get3A_14, %get3A_17 in 1 : vector<10000x16xf32>, vector<10000x16xf32> -> vector<10000x32xf32>
    %get3A_18 = arith.constant 0 : index
    %get3A_19 = arith.constant 0 : index
    %get3A_20 = vector.load %arg4[%get3A_18, %get3A_19] : memref<1x16xf32, #tpu.memory_space<vmem>>, vector<1x16xf32>
    %get3A_21 = arith.constant 0 : index
    %get3A_22 = arith.constant 0 : index
    %get3A_23 = vector.load %arg5[%get3A_21, %get3A_22] : memref<1x16xf32, #tpu.memory_space<vmem>>, vector<1x16xf32>
    %concatenate3A_24 = tpu.concatenate %get3A_20, %get3A_23 in 1 : vector<1x16xf32>, vector<1x16xf32> -> vector<1x32xf32>
    %get3A_25 = arith.constant 0 : index
    %get3A_26 = arith.constant 0 : index
    %get3A_27 = vector.load %arg6[%get3A_25, %get3A_26] : memref<16x16xf32, #tpu.memory_space<vmem>>, vector<16x16xf32>
    %get3A_28 = arith.constant 0 : index
    %get3A_29 = arith.constant 0 : index
    %get3A_30 = vector.load %arg7[%get3A_28, %get3A_29] : memref<1x16xf32, #tpu.memory_space<vmem>>, vector<1x16xf32>
    %get3A_31 = arith.constant 0 : index
    %get3A_32 = arith.constant 0 : index
    %get3A_33 = vector.load %arg8[%get3A_31, %get3A_32] : memref<80x16xf32, #tpu.memory_space<vmem>>, vector<80x16xf32>
    %get3A_34 = arith.constant 0 : index
    %get3A_35 = arith.constant 0 : index
    %get3A_36 = vector.load %arg9[%get3A_34, %get3A_35] : memref<1x16xf32, #tpu.memory_space<vmem>>, vector<1x16xf32>
    %get3A_37 = arith.constant 0 : index
    %get3A_38 = arith.constant 0 : index
    %get3A_39 = vector.load %arg10[%get3A_37, %get3A_38] : memref<16x16xf32, #tpu.memory_space<vmem>>, vector<16x16xf32>
    %get3A_40 = arith.constant 0 : index
    %get3A_41 = arith.constant 0 : index
    %get3A_42 = vector.load %arg11[%get3A_40, %get3A_41] : memref<1x16xf32, #tpu.memory_space<vmem>>, vector<1x16xf32>
    %get3A_43 = arith.constant 0 : index
    %get3A_44 = arith.constant 0 : index
    %get3A_45 = vector.load %arg12[%get3A_43, %get3A_44] : memref<64x16xf32, #tpu.memory_space<vmem>>, vector<64x16xf32>
    %get3A_46 = arith.constant 0 : index
    %get3A_47 = arith.constant 0 : index
    %get3A_48 = vector.load %arg13[%get3A_46, %get3A_47] : memref<1x16xf32, #tpu.memory_space<vmem>>, vector<1x16xf32>
    %get3A_49 = arith.constant 0 : index
    %get3A_50 = arith.constant 0 : index
    %get3A_51 = vector.load %arg14[%get3A_49, %get3A_50] : memref<16x16xf32, #tpu.memory_space<vmem>>, vector<16x16xf32>
    %get3A_52 = arith.constant 0 : index
    %get3A_53 = arith.constant 0 : index
    %get3A_54 = vector.load %arg15[%get3A_52, %get3A_53] : memref<1x16xf32, #tpu.memory_space<vmem>>, vector<1x16xf32>
    %max3A = arith.constant 1.000000e+00 : f32
    %max3A_55 = vector.broadcast %max3A : f32 to vector<10000x1xf32>
    %max3A_56 = arith.maximumf %get3A_11, %max3A_55 : vector<10000x1xf32>
    %gt3A = arith.constant 0.000000e+00 : f32
    %gt3A_57 = vector.broadcast %gt3A : f32 to vector<10000x1xf32>
    %gt3A_58 = arith.cmpf ogt, %get3A_11, %gt3A_57 : vector<10000x1xf32>
    %convert_element_type3A = arith.extui %gt3A_58 : vector<10000x1xi1> to vector<10000x1xi32>
    %convert_element_type3A_59 = arith.sitofp %convert_element_type3A : vector<10000x1xi32> to vector<10000x1xf32>
    %dot_general3A = arith.constant dense<0.000000e+00> : vector<10000x16xf32>
    %dot_general3A_60 = tpu.matmul %slice3A, %get3A_27, %dot_general3A {dimension_numbers = #tpu.dot_dimension_numbers<[1], [0], [0], [1], [0, 0, 1, 1], [], []>, transpose_lhs_hint = false} : vector<10000x16xf32>, vector<16x16xf32>, vector<10000x16xf32> -> vector<10000x16xf32>
    %div3A = vector.broadcast %max3A_56 : vector<10000x1xf32> to vector<10000x16xf32>
    %div3A_61 = arith.divf %dot_general3A_60, %div3A : vector<10000x16xf32>
    %mul3A = vector.broadcast %convert_element_type3A_59 : vector<10000x1xf32> to vector<10000x16xf32>
    %mul3A_62 = vector.broadcast %get3A_30 : vector<1x16xf32> to vector<10000x16xf32>
    %mul3A_63 = arith.mulf %mul3A, %mul3A_62 : vector<10000x16xf32>
    %add3A_64 = arith.addf %div3A_61, %mul3A_63 : vector<10000x16xf32>
    %broadcast_in_dim3A = vector.shape_cast %concatenate3A_24 : vector<1x32xf32> to vector<1x32xf32>
    %broadcast_in_dim3A_65 = vector.broadcast %broadcast_in_dim3A : vector<1x32xf32> to vector<10000x32xf32>
    %concatenate3A_66 = tpu.concatenate %add3A_64, %concatenate3A, %broadcast_in_dim3A_65 in 1 : vector<10000x16xf32>, vector<10000x32xf32>, vector<10000x32xf32> -> vector<10000x80xf32>
    %dot_general3A_67 = arith.constant dense<0.000000e+00> : vector<10000x16xf32>
    %dot_general3A_68 = tpu.matmul %concatenate3A_66, %get3A_33, %dot_general3A_67 {dimension_numbers = #tpu.dot_dimension_numbers<[1], [0], [0], [1], [0, 0, 1, 1], [], []>, transpose_lhs_hint = false} : vector<10000x80xf32>, vector<80x16xf32>, vector<10000x16xf32> -> vector<10000x16xf32>
    %add3A_69 = vector.broadcast %get3A_36 : vector<1x16xf32> to vector<10000x16xf32>
    %add3A_70 = arith.addf %dot_general3A_68, %add3A_69 : vector<10000x16xf32>
    %max3A_71 = arith.constant 0.000000e+00 : f32
    %max3A_72 = vector.broadcast %max3A_71 : f32 to vector<10000x16xf32>
    %max3A_73 = arith.maximumf %add3A_70, %max3A_72 : vector<10000x16xf32>
    %dot_general3A_74 = arith.constant dense<0.000000e+00> : vector<10000x16xf32>
    %dot_general3A_75 = tpu.matmul %max3A_73, %get3A_39, %dot_general3A_74 {dimension_numbers = #tpu.dot_dimension_numbers<[1], [0], [0], [1], [0, 0, 1, 1], [], []>, transpose_lhs_hint = false} : vector<10000x16xf32>, vector<16x16xf32>, vector<10000x16xf32> -> vector<10000x16xf32>
    %add3A_76 = vector.broadcast %get3A_42 : vector<1x16xf32> to vector<10000x16xf32>
    %add3A_77 = arith.addf %dot_general3A_75, %add3A_76 : vector<10000x16xf32>
    %reduce_sum3A = arith.constant dense<0.000000e+00> : vector<16xf32>
    %reduce_sum3A_78 = vector.multi_reduction <add>, %slice3A, %reduce_sum3A [0] : vector<10000x16xf32> to vector<16xf32>
    %broadcast_in_dim3A_79 = vector.shape_cast %reduce_sum3A_78 : vector<16xf32> to vector<1x16xf32>
    %mul3A_80 = arith.constant 3.125000e-06 : f32
    %mul3A_81 = vector.broadcast %mul3A_80 : f32 to vector<1x16xf32>
    %mul3A_82 = arith.mulf %broadcast_in_dim3A_79, %mul3A_81 : vector<1x16xf32>
    %dot_general3A_83 = arith.constant dense<0.000000e+00> : vector<1x16xf32>
    %dot_general3A_84 = tpu.matmul %mul3A_82, %get3A_27, %dot_general3A_83 {dimension_numbers = #tpu.dot_dimension_numbers<[1], [0], [0], [1], [0, 0, 1, 1], [], []>, transpose_lhs_hint = false} : vector<1x16xf32>, vector<16x16xf32>, vector<1x16xf32> -> vector<1x16xf32>
    %add3A_85 = arith.addf %dot_general3A_84, %get3A_30 : vector<1x16xf32>
    %reduce_sum3A_86 = arith.constant dense<0.000000e+00> : vector<16xf32>
    %reduce_sum3A_87 = vector.multi_reduction <add>, %add3A_77, %reduce_sum3A_86 [0] : vector<10000x16xf32> to vector<16xf32>
    %broadcast_in_dim3A_88 = vector.shape_cast %reduce_sum3A_87 : vector<16xf32> to vector<1x16xf32>
    %mul3A_89 = arith.constant 9.99999974E-5 : f32
    %mul3A_90 = vector.broadcast %mul3A_89 : f32 to vector<1x16xf32>
    %mul3A_91 = arith.mulf %broadcast_in_dim3A_88, %mul3A_90 : vector<1x16xf32>
    %concatenate3A_92 = tpu.concatenate %add3A_85, %mul3A_91, %concatenate3A_24 in 1 : vector<1x16xf32>, vector<1x16xf32>, vector<1x32xf32> -> vector<1x64xf32>
    %dot_general3A_93 = arith.constant dense<0.000000e+00> : vector<1x16xf32>
    %dot_general3A_94 = tpu.matmul %concatenate3A_92, %get3A_45, %dot_general3A_93 {dimension_numbers = #tpu.dot_dimension_numbers<[1], [0], [0], [1], [0, 0, 1, 1], [], []>, transpose_lhs_hint = false} : vector<1x64xf32>, vector<64x16xf32>, vector<1x16xf32> -> vector<1x16xf32>
    %add3A_95 = arith.addf %dot_general3A_94, %get3A_48 : vector<1x16xf32>
    %max3A_96 = arith.constant 0.000000e+00 : f32
    %max3A_97 = vector.broadcast %max3A_96 : f32 to vector<1x16xf32>
    %max3A_98 = arith.maximumf %add3A_95, %max3A_97 : vector<1x16xf32>
    %dot_general3A_99 = arith.constant dense<0.000000e+00> : vector<1x16xf32>
    %dot_general3A_100 = tpu.matmul %max3A_98, %get3A_51, %dot_general3A_99 {dimension_numbers = #tpu.dot_dimension_numbers<[1], [0], [0], [1], [0, 0, 1, 1], [], []>, transpose_lhs_hint = false} : vector<1x16xf32>, vector<16x16xf32>, vector<1x16xf32> -> vector<1x16xf32>
    %add3A_101 = arith.addf %dot_general3A_100, %get3A_54 : vector<1x16xf32>
    %get3A_102 = arith.constant 0 : index
    %get3A_103 = arith.constant 0 : index
    %get3A_104 = vector.load %arg16[%get3A_102, %get3A_103] : memref<16x16xf32, #tpu.memory_space<vmem>>, vector<16x16xf32>
    %dot_general3A_105 = arith.constant dense<0.000000e+00> : vector<10000x16xf32>
    %dot_general3A_106 = tpu.matmul %add3A_77, %get3A_104, %dot_general3A_105 {dimension_numbers = #tpu.dot_dimension_numbers<[1], [0], [0], [1], [0, 0, 1, 1], [], []>, transpose_lhs_hint = false} : vector<10000x16xf32>, vector<16x16xf32>, vector<10000x16xf32> -> vector<10000x16xf32>
    %get3A_107 = arith.constant 0 : index
    %get3A_108 = arith.constant 0 : index
    %get3A_109 = vector.load %arg17[%get3A_107, %get3A_108] : memref<1x16xf32, #tpu.memory_space<vmem>>, vector<1x16xf32>
    %add3A_110 = vector.broadcast %get3A_109 : vector<1x16xf32> to vector<10000x16xf32>
    %add3A_111 = arith.addf %dot_general3A_106, %add3A_110 : vector<10000x16xf32>
    %max3A_112 = arith.constant 0.000000e+00 : f32
    %max3A_113 = vector.broadcast %max3A_112 : f32 to vector<10000x16xf32>
    %max3A_114 = arith.maximumf %add3A_111, %max3A_113 : vector<10000x16xf32>
    %get3A_115 = arith.constant 0 : index
    %get3A_116 = arith.constant 0 : index
    %get3A_117 = vector.load %arg18[%get3A_115, %get3A_116] : memref<16x16xf32, #tpu.memory_space<vmem>>, vector<16x16xf32>
    %dot_general3A_118 = arith.constant dense<0.000000e+00> : vector<10000x16xf32>
    %dot_general3A_119 = tpu.matmul %max3A_114, %get3A_117, %dot_general3A_118 {dimension_numbers = #tpu.dot_dimension_numbers<[1], [0], [0], [1], [0, 0, 1, 1], [], []>, transpose_lhs_hint = false} : vector<10000x16xf32>, vector<16x16xf32>, vector<10000x16xf32> -> vector<10000x16xf32>
    %get3A_120 = arith.constant 0 : index
    %get3A_121 = arith.constant 0 : index
    %get3A_122 = vector.load %arg19[%get3A_120, %get3A_121] : memref<1x16xf32, #tpu.memory_space<vmem>>, vector<1x16xf32>
    %add3A_123 = vector.broadcast %get3A_122 : vector<1x16xf32> to vector<10000x16xf32>
    %add3A_124 = arith.addf %dot_general3A_119, %add3A_123 : vector<10000x16xf32>
    %get3A_125 = arith.constant 0 : index
    %get3A_126 = arith.constant 0 : index
    %get3A_127 = vector.load %arg20[%get3A_125, %get3A_126] : memref<16x2xf32, #tpu.memory_space<vmem>>, vector<16x2xf32>
    %dot_general3A_128 = arith.constant dense<0.000000e+00> : vector<10000x2xf32>
    %dot_general3A_129 = tpu.matmul %add3A_124, %get3A_127, %dot_general3A_128 {dimension_numbers = #tpu.dot_dimension_numbers<[1], [0], [0], [1], [0, 0, 1, 1], [], []>, transpose_lhs_hint = false} : vector<10000x16xf32>, vector<16x2xf32>, vector<10000x2xf32> -> vector<10000x2xf32>
    %get3A_130 = arith.constant 0 : index
    %get3A_131 = arith.constant 0 : index
    %get3A_132 = vector.load %arg21[%get3A_130, %get3A_131] : memref<1x2xf32, #tpu.memory_space<vmem>>, vector<1x2xf32>
    %add3A_133 = vector.broadcast %get3A_132 : vector<1x2xf32> to vector<10000x2xf32>
    %add3A_134 = arith.addf %dot_general3A_129, %add3A_133 : vector<10000x2xf32>
    %swap3A = arith.constant 0 : index
    %swap3A_135 = arith.constant 0 : index
    %swap3A_136 = vector.load %arg28[%swap3A, %swap3A_135] : memref<10000x2xf32, #tpu.memory_space<vmem>>, vector<10000x2xf32>
    tpu.vector_store %arg28[%swap3A, %swap3A_135], %add3A_134 {strides = array<i32>} : memref<10000x2xf32, #tpu.memory_space<vmem>>, vector<10000x2xf32>,
    %get3A_137 = arith.constant 0 : index
    %get3A_138 = arith.constant 0 : index
    %get3A_139 = vector.load %arg22[%get3A_137, %get3A_138] : memref<16x16xf32, #tpu.memory_space<vmem>>, vector<16x16xf32>
    %dot_general3A_140 = arith.constant dense<0.000000e+00> : vector<1x16xf32>
    %dot_general3A_141 = tpu.matmul %add3A_101, %get3A_139, %dot_general3A_140 {dimension_numbers = #tpu.dot_dimension_numbers<[1], [0], [0], [1], [0, 0, 1, 1], [], []>, transpose_lhs_hint = false} : vector<1x16xf32>, vector<16x16xf32>, vector<1x16xf32> -> vector<1x16xf32>
    %get3A_142 = arith.constant 0 : index
    %get3A_143 = arith.constant 0 : index
    %get3A_144 = vector.load %arg23[%get3A_142, %get3A_143] : memref<1x16xf32, #tpu.memory_space<vmem>>, vector<1x16xf32>
    %add3A_145 = arith.addf %dot_general3A_141, %get3A_144 : vector<1x16xf32>
    %max3A_146 = arith.constant 0.000000e+00 : f32
    %max3A_147 = vector.broadcast %max3A_146 : f32 to vector<1x16xf32>
    %max3A_148 = arith.maximumf %add3A_145, %max3A_147 : vector<1x16xf32>
    %get3A_149 = arith.constant 0 : index
    %get3A_150 = arith.constant 0 : index
    %get3A_151 = vector.load %arg24[%get3A_149, %get3A_150] : memref<16x16xf32, #tpu.memory_space<vmem>>, vector<16x16xf32>
    %dot_general3A_152 = arith.constant dense<0.000000e+00> : vector<1x16xf32>
    %dot_general3A_153 = tpu.matmul %max3A_148, %get3A_151, %dot_general3A_152 {dimension_numbers = #tpu.dot_dimension_numbers<[1], [0], [0], [1], [0, 0, 1, 1], [], []>, transpose_lhs_hint = false} : vector<1x16xf32>, vector<16x16xf32>, vector<1x16xf32> -> vector<1x16xf32>
    %get3A_154 = arith.constant 0 : index
    %get3A_155 = arith.constant 0 : index
    %get3A_156 = vector.load %arg25[%get3A_154, %get3A_155] : memref<1x16xf32, #tpu.memory_space<vmem>>, vector<1x16xf32>
    %add3A_157 = arith.addf %dot_general3A_153, %get3A_156 : vector<1x16xf32>
    %get3A_158 = arith.constant 0 : index
    %get3A_159 = arith.constant 0 : index
    %get3A_160 = vector.load %arg26[%get3A_158, %get3A_159] : memref<16x1xf32, #tpu.memory_space<vmem>>, vector<16x1xf32>
    %dot_general3A_161 = arith.constant dense<0.000000e+00> : vector<1x1xf32>
    %dot_general3A_162 = tpu.matmul %add3A_157, %get3A_160, %dot_general3A_161 {dimension_numbers = #tpu.dot_dimension_numbers<[1], [0], [0], [1], [0, 0, 1, 1], [], []>, transpose_lhs_hint = false} : vector<1x16xf32>, vector<16x1xf32>, vector<1x1xf32> -> vector<1x1xf32>
    %get3A_163 = arith.constant 0 : index
    %get3A_164 = arith.constant 0 : index
    %get3A_165 = vector.load %arg27[%get3A_163, %get3A_164] : memref<1x1xf32, #tpu.memory_space<vmem>>, vector<1x1xf32>
    %add3A_166 = arith.addf %dot_general3A_162, %get3A_165 : vector<1x1xf32>
    %swap3A_167 = arith.constant 0 : index
    %swap3A_168 = arith.constant 0 : index
    %swap3A_169 = vector.load %arg29[%swap3A_167, %swap3A_168] : memref<1x1xf32, #tpu.memory_space<vmem>>, vector<1x1xf32>
    tpu.vector_store %arg29[%swap3A_167, %swap3A_168], %add3A_166 {strides = array<i32>} : memref<1x1xf32, #tpu.memory_space<vmem>>, vector<1x1xf32>,
    return
  }
}

module attributes {stable_mosaic.version = 14 : i64} {
  func.func @_dec_edges_body(%arg0: i32, %arg1: memref<2000x128xf32, #tpu.memory_space<vmem>>, %arg2: memref<128x128xf32, #tpu.memory_space<vmem>>, %arg3: memref<1x128xf32, #tpu.memory_space<vmem>>, %arg4: memref<128x128xf32, #tpu.memory_space<vmem>>, %arg5: memref<1x128xf32, #tpu.memory_space<vmem>>, %arg6: memref<128x128xf32, #tpu.memory_space<vmem>>, %arg7: memref<1x128xf32, #tpu.memory_space<vmem>>, %arg8: memref<128x8xf32, #tpu.memory_space<vmem>>, %arg9: memref<1x8xf32, #tpu.memory_space<vmem>>, %arg10: memref<2000x8xf32, #tpu.memory_space<vmem>>) attributes {dimension_semantics = [#tpu.dimension_semantics<arbitrary>], iteration_bounds = array<i64: 20>, scalar_prefetch = 0 : i64, scratch_operands = 0 : i64, tpu.core_type = #tpu.core_type<tc>, window_params = [{transform_indices = @transform_0, window_bounds = array<i64: 2000, 128>}, {pipeline_mode = #tpu.pipeline_mode<synchronous>, transform_indices = @transform_1, window_bounds = array<i64: 128, 128>}, {pipeline_mode = #tpu.pipeline_mode<synchronous>, transform_indices = @transform_2, window_bounds = array<i64: 1, 128>}, {pipeline_mode = #tpu.pipeline_mode<synchronous>, transform_indices = @transform_3, window_bounds = array<i64: 128, 128>}, {pipeline_mode = #tpu.pipeline_mode<synchronous>, transform_indices = @transform_4, window_bounds = array<i64: 1, 128>}, {pipeline_mode = #tpu.pipeline_mode<synchronous>, transform_indices = @transform_5, window_bounds = array<i64: 128, 128>}, {pipeline_mode = #tpu.pipeline_mode<synchronous>, transform_indices = @transform_6, window_bounds = array<i64: 1, 128>}, {pipeline_mode = #tpu.pipeline_mode<synchronous>, transform_indices = @transform_7, window_bounds = array<i64: 128, 8>}, {pipeline_mode = #tpu.pipeline_mode<synchronous>, transform_indices = @transform_8, window_bounds = array<i64: 1, 8>}, {transform_indices = @transform_9, window_bounds = array<i64: 2000, 8>}]} {
    %get3A = arith.constant 0 : index
    %get3A_0 = arith.constant 0 : index
    %get3A_1 = vector.load %arg1[%get3A, %get3A_0] : memref<2000x128xf32, #tpu.memory_space<vmem>>, vector<2000x128xf32>
    %get3A_2 = arith.constant 0 : index
    %get3A_3 = arith.constant 0 : index
    %get3A_4 = vector.load %arg2[%get3A_2, %get3A_3] : memref<128x128xf32, #tpu.memory_space<vmem>>, vector<128x128xf32>
    %dot_general3A = arith.constant dense<0.000000e+00> : vector<2000x128xf32>
    %dot_general3A_5 = tpu.matmul %get3A_1, %get3A_4, %dot_general3A {dimension_numbers = #tpu.dot_dimension_numbers<[1], [0], [0], [1], [0, 0, 1, 1], [], []>, transpose_lhs_hint = false} : vector<2000x128xf32>, vector<128x128xf32>, vector<2000x128xf32> -> vector<2000x128xf32>
    %get3A_6 = arith.constant 0 : index
    %get3A_7 = arith.constant 0 : index
    %get3A_8 = vector.load %arg3[%get3A_6, %get3A_7] : memref<1x128xf32, #tpu.memory_space<vmem>>, vector<1x128xf32>
    %add3A = vector.broadcast %get3A_8 : vector<1x128xf32> to vector<2000x128xf32>
    %add3A_9 = arith.addf %dot_general3A_5, %add3A : vector<2000x128xf32>
    %get3A_10 = arith.constant 0 : index
    %get3A_11 = arith.constant 0 : index
    %get3A_12 = vector.load %arg4[%get3A_10, %get3A_11] : memref<128x128xf32, #tpu.memory_space<vmem>>, vector<128x128xf32>
    %dot_general3A_13 = arith.constant dense<0.000000e+00> : vector<2000x128xf32>
    %dot_general3A_14 = tpu.matmul %add3A_9, %get3A_12, %dot_general3A_13 {dimension_numbers = #tpu.dot_dimension_numbers<[1], [0], [0], [1], [0, 0, 1, 1], [], []>, transpose_lhs_hint = false} : vector<2000x128xf32>, vector<128x128xf32>, vector<2000x128xf32> -> vector<2000x128xf32>
    %get3A_15 = arith.constant 0 : index
    %get3A_16 = arith.constant 0 : index
    %get3A_17 = vector.load %arg5[%get3A_15, %get3A_16] : memref<1x128xf32, #tpu.memory_space<vmem>>, vector<1x128xf32>
    %add3A_18 = vector.broadcast %get3A_17 : vector<1x128xf32> to vector<2000x128xf32>
    %add3A_19 = arith.addf %dot_general3A_14, %add3A_18 : vector<2000x128xf32>
    %max3A = arith.constant 0.000000e+00 : f32
    %max3A_20 = vector.broadcast %max3A : f32 to vector<2000x128xf32>
    %max3A_21 = arith.maximumf %add3A_19, %max3A_20 : vector<2000x128xf32>
    %get3A_22 = arith.constant 0 : index
    %get3A_23 = arith.constant 0 : index
    %get3A_24 = vector.load %arg6[%get3A_22, %get3A_23] : memref<128x128xf32, #tpu.memory_space<vmem>>, vector<128x128xf32>
    %dot_general3A_25 = arith.constant dense<0.000000e+00> : vector<2000x128xf32>
    %dot_general3A_26 = tpu.matmul %max3A_21, %get3A_24, %dot_general3A_25 {dimension_numbers = #tpu.dot_dimension_numbers<[1], [0], [0], [1], [0, 0, 1, 1], [], []>, transpose_lhs_hint = false} : vector<2000x128xf32>, vector<128x128xf32>, vector<2000x128xf32> -> vector<2000x128xf32>
    %get3A_27 = arith.constant 0 : index
    %get3A_28 = arith.constant 0 : index
    %get3A_29 = vector.load %arg7[%get3A_27, %get3A_28] : memref<1x128xf32, #tpu.memory_space<vmem>>, vector<1x128xf32>
    %add3A_30 = vector.broadcast %get3A_29 : vector<1x128xf32> to vector<2000x128xf32>
    %add3A_31 = arith.addf %dot_general3A_26, %add3A_30 : vector<2000x128xf32>
    %get3A_32 = arith.constant 0 : index
    %get3A_33 = arith.constant 0 : index
    %get3A_34 = vector.load %arg8[%get3A_32, %get3A_33] : memref<128x8xf32, #tpu.memory_space<vmem>>, vector<128x8xf32>
    %dot_general3A_35 = arith.constant dense<0.000000e+00> : vector<2000x8xf32>
    %dot_general3A_36 = tpu.matmul %add3A_31, %get3A_34, %dot_general3A_35 {dimension_numbers = #tpu.dot_dimension_numbers<[1], [0], [0], [1], [0, 0, 1, 1], [], []>, transpose_lhs_hint = false} : vector<2000x128xf32>, vector<128x8xf32>, vector<2000x8xf32> -> vector<2000x8xf32>
    %get3A_37 = arith.constant 0 : index
    %get3A_38 = arith.constant 0 : index
    %get3A_39 = vector.load %arg9[%get3A_37, %get3A_38] : memref<1x8xf32, #tpu.memory_space<vmem>>, vector<1x8xf32>
    %add3A_40 = vector.broadcast %get3A_39 : vector<1x8xf32> to vector<2000x8xf32>
    %add3A_41 = arith.addf %dot_general3A_36, %add3A_40 : vector<2000x8xf32>
    %swap3A = arith.constant 0 : index
    %swap3A_42 = arith.constant 0 : index
    %swap3A_43 = vector.load %arg10[%swap3A, %swap3A_42] : memref<2000x8xf32, #tpu.memory_space<vmem>>, vector<2000x8xf32>
    tpu.vector_store %arg10[%swap3A, %swap3A_42], %add3A_41 {strides = array<i32>} : memref<2000x8xf32, #tpu.memory_space<vmem>>, vector<2000x8xf32>,
    return
  }
  func.func @transform_0(%arg0: i32) -> (i32, i32) {
    %c0_i32 = arith.constant 0 : i32
    %c0_i32_0 = arith.constant 0 : i32
    return %arg0, %c0_i32 : i32, i32
  }
  func.func @transform_1(%arg0: i32) -> (i32, i32) {
    %c0_i32 = arith.constant 0 : i32
    %c0_i32_0 = arith.constant 0 : i32
    %c0_i32_1 = arith.constant 0 : i32
    return %c0_i32, %c0_i32_0 : i32, i32
  }
  func.func @transform_2(%arg0: i32) -> (i32, i32) {
    %c0_i32 = arith.constant 0 : i32
    %c0_i32_0 = arith.constant 0 : i32
    %c0_i32_1 = arith.constant 0 : i32
    return %c0_i32, %c0_i32_0 : i32, i32
  }
  func.func @transform_3(%arg0: i32) -> (i32, i32) {
    %c0_i32 = arith.constant 0 : i32
    %c0_i32_0 = arith.constant 0 : i32
    %c0_i32_1 = arith.constant 0 : i32
    return %c0_i32, %c0_i32_0 : i32, i32
  }
  func.func @transform_4(%arg0: i32) -> (i32, i32) {
    %c0_i32 = arith.constant 0 : i32
    %c0_i32_0 = arith.constant 0 : i32
    %c0_i32_1 = arith.constant 0 : i32
    return %c0_i32, %c0_i32_0 : i32, i32
  }
  func.func @transform_5(%arg0: i32) -> (i32, i32) {
    %c0_i32 = arith.constant 0 : i32
    %c0_i32_0 = arith.constant 0 : i32
    %c0_i32_1 = arith.constant 0 : i32
    return %c0_i32, %c0_i32_0 : i32, i32
  }
  func.func @transform_6(%arg0: i32) -> (i32, i32) {
    %c0_i32 = arith.constant 0 : i32
    %c0_i32_0 = arith.constant 0 : i32
    %c0_i32_1 = arith.constant 0 : i32
    return %c0_i32, %c0_i32_0 : i32, i32
  }
  func.func @transform_7(%arg0: i32) -> (i32, i32) {
    %c0_i32 = arith.constant 0 : i32
    %c0_i32_0 = arith.constant 0 : i32
    %c0_i32_1 = arith.constant 0 : i32
    return %c0_i32, %c0_i32_0 : i32, i32
  }
  func.func @transform_8(%arg0: i32) -> (i32, i32) {
    %c0_i32 = arith.constant 0 : i32
    %c0_i32_0 = arith.constant 0 : i32
    %c0_i32_1 = arith.constant 0 : i32
    return %c0_i32, %c0_i32_0 : i32, i32
  }
  func.func @transform_9(%arg0: i32) -> (i32, i32) {
    %c0_i32 = arith.constant 0 : i32
    %c0_i32_0 = arith.constant 0 : i32
    return %arg0, %c0_i32 : i32, i32
  }
}

</mosaic_0001>

<sc_bundles>
// kernel: kernel.13.cloned.1.call-start
scs
__scs_entry_jumppad:
0x0: {  	(pc) =	sbr.rel $0x88, $3  }
0x1: {  	(tag) =	ssettag $0x0;
	lr =	simm.s32 $0x1  }
0x2: {  	[smem:$0x3F5A] =	sst lr;
	_ =	strace $0xD0000000  }
0x3: {  	_ = 	snop  }
0x4: {  	_ = 	snop  }
0x5: {  	_ = 	snop  }
0x6: {  	_ = 	snop  }
0x7: {  	_ = 	snop  }
__scs_overlays_trampoline_lowered:
0x8: {  	[smem:$0x3F69] =	sst s0  }
0x9: {  	[smem:$0x3F6A] =	sst s1  }
0xa: {  	[smem:$0x3F6B] =	sst s2  }
0xb: {  	[smem:$0x3F6C] =	sst s3  }
0xc: {  	[smem:$0x3F6D] =	sst s4  }
0xd: {  	[smem:$0x3F6E] =	sst s5  }
0xe: {  	[smem:$0x3F6F] =	sst s6  }
0xf: {  	[smem:$0x3F70] =	sst s7  }
0x10: {  	[smem:$0x3F71] =	sst s8  }
0x11: {  	[smem:$0x3F72] =	sst s9;
	s0 =	simm.s32 @!p0 $0x0  }
0x12: {  	s1 =	sld [smem:$0x3F58];
	s0 =	simm.s32 @p0 $0x1  }
0x13: {  	[smem:$0x3F73] =	sst s0;
	s0 =	simm.s32 @!p1 $0x0  }
0x14: {  	s2 =	sld [smem:$0x3F57];
	s0 =	simm.s32 @p1 $0x1  }
0x15: {  	[smem:$0x3F74] =	sst s0;
	s0 =	simm.s32 @!p2 $0x0  }
0x16: {  	s3 =	sld [smem:$0x3FDB];
	s0 =	simm.s32 @p2 $0x1  }
0x17: {  	s4 =	simm.s32 $0x1BF5;
	[smem:$0x3F76] =	sst s0  }
0x18: {  	s0 =	sld [smem:$0x3F59];
	_ =	swait.ge [sflag:s4], $0x0  }
0x19: {  	s7 =	sld [smem:$0x3F5A]  }
0x1a: {  	s8 =	sadd.s32 $0xFFFFE003, lr  }
0x1b: {  	s9 =	sadd.s32 $0xFFFFFEF7, lr;
	s5 =	simm.s32 $0xFFFFFFFF;
	p2 =	slt.u32 s8, $0xFFFFF086  }
0x1c: {  	p1 =	slt.u32 s9, $0xF7A;
	s5 =	simm.s32 @!p2 $0x0  }
0x1d: {  	s5 =	simm.s32 @p1 $0x1;
	p0 =	seq.s32 s7, s2  }
0x1e: {  	s7 =	smul.u32 @!p0 $0xF7A, s2;
	p2 =	seq.s32 @!p0 s5, $0x0  }
0x1f: {  	s9 =	smul.u32 $0xF7A, s1;
	s8 =	simm.s32 @!p0 $0x1BF5;
	p2 =	por !p2, p0  }
0x20: {  	[sflag:s8] =	ssyncset.s32 @!p0 $0xFFFFF086;
	s6 =	sadd.s32 @!p0 s3, s7;
	s7 =	simm.s32 @!p0 $0x108  }
0x21: {  	s3 =	sadd.s32 s3, s9;
	s6 =	sadd.s32 @!p0 $0x88, s6;
	s7 =	simm.s32 @p2 $0x1082  }
0x22: {  	[simem:s7], [sflag:s8] =	dma.local @!p0 [hbm:s6], $0xF7A  }
0x23: {  	s9 =	sor.u32 $0xD0000000, s2;
	s6 =	simm.s32 $0x108;
	_ =	swait.ge @!p0 [sflag:s8], $0x0  }
0x24: {  	s3 =	sadd.s32 $0x88, s3;
	s6 =	simm.s32 @!p1 $0x1082;
	[sflag:s4] =	ssyncset.s32 $0xFFFFF086  }
0x25: {  	[simem:s6], [sflag:s4] =	dma.local [hbm:s3], $0xF7A  }
0x26: {  	[smem:$0x3F5A] =	sst s1;
	(tag) =	ssettag s2;
	_ =	strace s9  }
0x27: {  	s1 =	sld [smem:$0x3F6A]  }
0x28: {  	s2 =	sld [smem:$0x3F6B]  }
0x29: {  	s4 =	sld [smem:$0x3F6D]  }
0x2a: {  	p0 =	seq.s32 s5, $0x0;
	s5 =	sld [smem:$0x3F6E]  }
0x2b: {  	s6 =	sld [smem:$0x3F6F]  }
0x2c: {  	s7 =	sld [smem:$0x3F70]  }
0x2d: {  	s3 =	simm.s32 $0x108;
	s8 =	sld [smem:$0x3F71]  }
0x2e: {  	s3 =	simm.s32 @!p0 $0x1082;
	s9 =	sld [smem:$0x3F72]  }
0x2f: {  	lr =	sadd.s32 s0, s3;
	s0 =	sld [smem:$0x3F69]  }
0x30: {  	s3 =	sld [smem:$0x3F6C]  }
0x31: {  	[smem:$0x3F75] =	sst s10  }
0x32: {  	s10 =	sld [smem:$0x3F73];
	_ =	sdelay $0x3  }
0x33: {  	p0 =	seq.s32 s10, $0x1;
	s10 =	sld [smem:$0x3F75];
	_ =	sdelay $0x3  }
0x34: {  	[smem:$0x3F75] =	sst s10  }
0x35: {  	s10 =	sld [smem:$0x3F74];
	_ =	sdelay $0x3  }
0x36: {  	p1 =	seq.s32 s10, $0x1;
	s10 =	sld [smem:$0x3F75];
	_ =	sdelay $0x3  }
0x37: {  	[smem:$0x3F75] =	sst s10  }
0x38: {  	s10 =	sld [smem:$0x3F76]  }
0x39: {  	_ = 	snop;
	(pc) =	sbr.ind lr, $3  }
0x3a: {  	_ = 	snop  }
0x3b: {  	_ = 	snop  }
0x3c: {  	p2 =	seq.s32 s10, $0x1;
	s10 =	sld [smem:$0x3F75]  }
0x3d: {  	_ =	shalt  }
0x3e: {  	_ =	shalt  }
0x3f: {  	_ =	shalt  }
0x40: {  	_ =	shalt  }
0x41: {  	_ =	shalt  }
0x42: {  	_ =	shalt  }
0x43: {  	_ =	shalt  }
0x44: {  	_ =	shalt  }
0x45: {  	_ =	shalt  }
0x46: {  	_ =	shalt  }
0x47: {  	_ =	shalt  }
0x48: {  	_ =	shalt  }
0x49: {  	_ =	shalt  }
0x4a: {  	_ =	shalt  }
0x4b: {  	_ =	shalt  }
0x4c: {  	_ =	shalt  }
0x4d: {  	_ =	shalt  }
0x4e: {  	_ =	shalt  }
0x4f: {  	_ =	shalt  }
0x50: {  	_ =	shalt  }
0x51: {  	_ =	shalt  }
0x52: {  	_ =	shalt  }
0x53: {  	_ =	shalt  }
0x54: {  	_ =	shalt  }
0x55: {  	_ =	shalt  }
0x56: {  	_ =	shalt  }
0x57: {  	_ =	shalt  }
0x58: {  	_ =	shalt  }
0x59: {  	_ =	shalt  }
0x5a: {  	_ =	shalt  }
0x5b: {  	_ =	shalt  }
0x5c: {  	_ =	shalt  }
0x5d: {  	_ =	shalt  }
0x5e: {  	_ =	shalt  }
0x5f: {  	_ =	shalt  }
0x60: {  	_ =	shalt  }
0x61: {  	_ =	shalt  }
0x62: {  	_ =	shalt  }
0x63: {  	_ =	shalt  }
0x64: {  	_ =	shalt  }
0x65: {  	_ =	shalt  }
0x66: {  	_ =	shalt  }
0x67: {  	_ =	shalt  }
0x68: {  	_ =	shalt  }
0x69: {  	_ =	shalt  }
0x6a: {  	_ =	shalt  }
0x6b: {  	_ =	shalt  }
0x6c: {  	_ =	shalt  }
0x6d: {  	_ =	shalt  }
0x6e: {  	_ =	shalt  }
0x6f: {  	_ =	shalt  }
0x70: {  	_ =	shalt  }
0x71: {  	_ =	shalt  }
0x72: {  	_ =	shalt  }
0x73: {  	_ =	shalt  }
0x74: {  	_ =	shalt  }
0x75: {  	_ =	shalt  }
0x76: {  	_ =	shalt  }
0x77: {  	_ =	shalt  }
0x78: {  	_ =	shalt  }
0x79: {  	_ =	shalt  }
0x7a: {  	_ =	shalt  }
0x7b: {  	_ =	shalt  }
0x7c: {  	_ =	shalt  }
0x7d: {  	_ =	shalt  }
0x7e: {  	_ =	shalt  }
0x7f: {  	_ =	shalt  }
0x80: {  	_ =	shalt  }
0x81: {  	_ =	shalt  }
0x82: {  	_ =	shalt  }
0x83: {  	_ =	shalt  }
0x84: {  	_ =	shalt  }
0x85: {  	_ =	shalt  }
0x86: {  	_ =	shalt  }
0x87: {  	_ =	shalt  }
.Lfunc_end0:
.L_simem_size_0:
called_computation_lowered:
.L_overlay_start_0:
0x88: {  	s2 =	sld [smem:$0x3FD9]  }
0x89: {  	s3 =	sld [smem:$0x3FFE];
	_ =	sdelay $0x1  }
0x8a: {  	s1 =	srdreg.scid  }
0x8b: {  	s0 =	sand.u32 $0x1, s1  }
0x8c: {  	s14 =	sshll.u32 s0, $0xA;
	s2 =	sadd.s32 s3, s2  }
0x8d: {  	s2 =	sadd.s32 s2, s14  }
0x8e: {  	[smem:$0x3F81] =	sst s2  }
0x8f: {  	_ = 	snop  }
0x90: {  	s2 =	sld [smem:$0x3FD0];
	_ =	sdelay $0x1  }
0x91: {  	s15 =	sld [smem:$0x3FC6]  }
0x92: {  	s5 =	simm.s32 $0xA;
	s6 =	simm.s32 $0x10;
	s4 =	sld [smem:$0x3FC5]  }
0x93: {  	[smem:s6], [sflag:s5] =	dma.local [hbm:s2], $0x1  }
0x94: {  	_ =	swait.eq [sflag:s5], $0x1  }
0x95: {  	[sflag:s5] =	ssyncset.done $0x0  }
0x96: {  	[sflag:s5] =	ssyncadd.s32 $0xFFFFFFFF  }
0x97: {  	s16 =	sld [smem:$0x11];
	(tm) =	ssettm $0x1  }
0x98: {  	s17 =	sld [smem:$0x3FFB];
	_ =	sdelay $0x3  }
0x99: {  	_ =	strace s17  }
0x9a: {  	s5 =	sld [smem:$0x3FFC];
	_ =	sdelay $0x3  }
0x9b: {  	_ =	strace s5  }
0x9c: {  	s5 =	sld [smem:$0x3FFD];
	_ =	sdelay $0x3  }
0x9d: {  	_ =	strace s5  }
0x9e: {  	_ =	strace $0x8FFFFFFF  }
0x9f: {  	s18 =	sld [smem:$0x3FDB];
	_ =	sdelay $0x1  }
0xa0: {  	s19 =	simm.s32 $_scs_section_size  }
0xa1: {  	s7 =	simm.s32 $_size__tile_overlayer_lowered;
	s8 =	simm.s32 $_tile_overlayer_lowered  }
0xa2: {  	s22 =	simm.s32 $0x1BFF;
	s21 =	sshll.u32 s8, $0x1;
	s5 =	sadd.s32 s19, s18  }
0xa3: {  	s9 =	simm.s32 $0x0;
	s20 =	sshll.u32 s7, $0x1;
	s7 =	sadd.s32 s21, s5  }
0xa4: {  	[timem:s9], [sflag:s22] =	dma.local [hbm:s7], s20  }
0xa5: {  	_ =	swait.ge [sflag:s22], s20  }
0xa6: {  	s6 =	ssub.s32 $0x0, s20;
	[sflag:s22] =	ssyncset.done $0x0  }
0xa7: {  	[sflag:s22] =	ssyncadd.s32 s6;
	_ =	sdelay $0x1  }
0xa8: {  	s23 =	simm.s32 $0x1B8B  }
0xa9: {  	_ =	swait.ge [sflag:s23], $0x1  }
0xaa: {  	[sflag:s23] =	ssyncset.done $0x0  }
0xab: {  	s25 =	simm.s32 $0x1B8E;
	s24 =	sld [smem:$0x3FFE];
	[sflag:s23] =	ssyncadd.s32 $0xFFFFFFFF  }
0xac: {  	s26 =	simm.s32 $execute0_lowered;
	[smem:$0x3FD2] =	sst s25  }
0xad: {  	s7 =	sshll.u32 s26, $0x1;
	_ =	strace $0x80000046;
	[dreg:$0x1] =	wrdreg $0xFFFFFFFF  }
0xae: {  	s28 =	simm.s32 $_size_execute0_lowered;
	s5 =	sadd.s32 s5, s7;
	[dreg:$0x0] =	wrdreg $0x0  }
0xaf: {  	s7 =	sshll.u32 s28, $0x1;
	[dreg:$0x2] =	wrdreg s5  }
0xb0: {  	[dreg:$0x3] =	wrdreg s7  }
0xb1: {  	[dreg:$0x4] =	wrdreg $0xC0  }
0xb2: {  	_ =	task [dreg:s9], $0x5FFFF  }
0xb3: {  	[dreg:$0x1] =	wrdreg $0xFFFFFFFF  }
0xb4: {  	[dreg:$0x0] =	wrdreg $0x60  }
0xb5: {  	[dreg:$0x2] =	wrdreg s24  }
0xb6: {  	[dreg:$0x3] =	wrdreg s15  }
0xb7: {  	[dreg:$0x4] =	wrdreg s4  }
0xb8: {  	[dreg:$0x5] =	wrdreg s16  }
0xb9: {  	[dreg:$0x6] =	wrdreg $0x3CA00  }
0xba: {  	[dreg:$0x7] =	wrdreg $0xB7C00  }
0xbb: {  	[dreg:$0x8] =	wrdreg $0x64A00  }
0xbc: {  	[dreg:$0x9] =	wrdreg $0x8BB00  }
0xbd: {  	[dreg:$0xa] =	wrdreg $0x9  }
0xbe: {  	_ =	task.clear_ibuf [dreg:s9], $0xBFFFF;
	_ =	strace $0x90000046  }
0xbf: {  	s29 =	simm.s32 $0x9;
	_ =	strace $0x80000048  }
0xc0: {  	_ =	swait.ge [sflag:s29], $0x1  }
0xc1: {  	[sflag:s29] =	ssyncadd.s32 $0xFFFFFFFF  }
0xc2: {  	_ =	strace $0x90000048  }
0xc3: {  	_ =	sfence  }
0xc4: {  	s30 =	sld [smem:$0x0];
	_ =	sdelay $0x2  }
0xc5: {  	s31 =	sshll.u32 s1, $0xD;
	s1 =	sshrl.u32 s1, $0x2  }
0xc6: {  	s3 =	sand.u32 $0x4000, s31;
	s1 =	sadd.s32 s1, s30  }
0xc7: {  	s0 =	sor.u32 s3, s0;
	s1 =	sshll.u32 s1, $0x11  }
0xc8: {  	s0 =	sor.u32 s1, s0  }
0xc9: {  	s0 =	sadd.s32 $0x8F2B, s0  }
0xca: {  	[sflag:s0] =	ssyncadd.remote.s32 $0x1  }
0xcb: {  	_ =	sfence.sel $0xFFFF  }
0xcc: {  	[dreg:$0x0] =	wrdreg $0xFFFFFFFF;
	(pc) =	sbr.abs _section_cstart, $3  }
0xcd: {  	[dreg:$0x1] =	wrdreg $0xFFFFFFFF  }
0xce: {  	_ =	task.clear_ibuf [dreg:s9], $0x2FFFF;
	_ =	strace $0x9FFFFFFF  }
0xcf: {  	(tm) =	ssettm $0x7FFFFFFF  }
tec
execute0_lowered:
.L_overlay_start_1:
0x0: {  	(tag) =	ssettag $0x1  }
0x1: {  	s1 =	rddreg [dreg:$0x0]  }
0x2: {  	s0 =	rddreg [dreg:$0x1]  }
0x3: {  	s2 =	rddreg [dreg:$0x2]  }
0x4: {  	s4 =	rddreg [dreg:$0x3]  }
0x5: {  	s3 =	rddreg [dreg:$0x4]  }
0x6: {  	s5 =	rddreg [dreg:$0x5]  }
0x7: {  	s6 =	rddreg [dreg:$0x6]  }
0x8: {  	s7 =	rddreg [dreg:$0x7]  }
0x9: {  	s18 =	stileid.u32;
	s9 =	srdreg.scid;
	s8 =	simm.s32 $0x0  }
0xa: {  	s28 =	simm.s32 $0xAA0;
	s29 =	simm.s32 $0x2;
	s30 =	simm.s32 $0x3  }
0xb: {  	s31 =	simm.s32 $0xFA0;
	s11 =	smul.u32 $0x2710, s18;
	s12 =	sand.u32 $0x1, s9  }
0xc: {  	s13 =	smul.u32 $0x2800, s18;
	[smem:$0x7FF] =	sst s8;
	s9 =	sadd.s32 $0x51E00, s1  }
0xd: {  	s10 =	smul.u32 $0x28000, s12;
	_ =	strace $0x80000047;
	s17 =	ssub.s32 $0x2, s12  }
0xe: {  	s12 =	sshll.u32 s12, $0x4;
	s14 =	sshrl.u32 s11, $0x3;
	s20 =	sshrl.u32 s17, $0x1  }
0xf: {  	s21 =	sor.u32 s18, s12;
	s18 =	sadd.s32 s13, s3;
	s19 =	sadd.s32 s13, s5  }
0x10: {  	s22 =	sadd.s32 s11, s6;
	s24 =	sadd.s32 s11, s7;
	s15 =	sadd.s32 s14, s1  }
0x11: {  	s16 =	sadd.s32 s13, s10;
	s10 =	sadd.s32 $0x19E600, s1;
	[dreg:$0xb] =	wrdreg s22  }
0x12: {  	s4 =	sadd.s32 s4, s14;
	[dreg:$0xd] =	wrdreg s24;
	s22 =	simm.s32 $0x4  }
0x13: {  	s24 =	simm.s32 $0xA0;
	[dreg:$0x9] =	wrdreg s19;
	s16 =	sshrl.u32 s16, $0x3  }
0x14: {  	[dreg:$0xa] =	wrdreg s4;
	s23 =	sadd.s32 $0x4CE00, s15;
	s1 =	sadd.s32 s16, s1  }
0x15: {  	s4 =	simm.s32 $0x0;
	[dreg:$0xc] =	wrdreg s23;
	s25 =	sadd.s32 $0x18A600, s1  }
0x16: {  	s16 =	ssub.s32 s17, s20;
	s1 =	sadd.s32 $0x194600, s1;
	[dreg:$0xe] =	wrdreg s25  }
0x17: {  	s17 =	smul.u32 $0x2710, s21;
	s26 =	smax.u32 s16, $0x1;
	[dreg:$0xf] =	wrdreg s1  }
0x18: {  	s21 =	simm.s32 $0x14A0;
	s23 =	simm.s32 $0x50;
	[dreg:$0x10] =	wrdreg s26  }
0x19: {  	v0 =	vimm.f32 $0.0e+00;
	v1 =	vimm.f32 $1.000000000e+00;
	s25 =	simm.s32 $0x1;
	s26 =	simm.s32 $0x5A0;
	s1 =	simm.s32 $0xB2C0  }
.LBB2_1:
0x1a: {  	s11 =	simm.s32 $0x40;
	s13 =	simm.s32 $0x0  }
.LBB2_2:
0x1b: {  	p0 =	sne.s32 s11, $0x9FC0;
	[tilespmem:s13+$0x14A0] =	vst v0;
	s13 =	smov.u32 s11;
	s11 =	sadd.s32 $0x40, s11  }
.Ltmp0:
0x1c: {  	(pc) =	sbr.rel @p0 .LBB2_2-.Ltmp0, $2  }
0x1d: {  	_ =	sdelay $0x2  }
0x1e: {  	s13 =	sshra.s32 s13, $0x2  }
0x1f: {  	[tilespmem:s13+$0x14A0] =	vst v0  }
0x20: {  	[spmem:s18] =	stream.linear.scatter [tilespmem:s21], [sflag:$0x4], $0x2800, $0x38;
	[tilespmem:$0xDFC0] =	vst v63  }
0x21: {  	_ =	swait.ge [sflag:s22], $0x2800  }
0x22: {  	[sflag:s22] =	ssyncset.done $0x0  }
0x23: {  	[sflag:s22] =	ssyncadd.s32 $0xFFFFD800  }
0x24: {  	[spmem:s19] =	stream.linear.scatter [tilespmem:s21], [sflag:$0x4], $0x2800, $0x38;
	[tilespmem:$0xDFC0] =	vst v63  }
0x25: {  	_ =	swait.ge [sflag:s22], $0x2800  }
0x26: {  	s12 =	smov.u32 s18;
	[sflag:s22] =	ssyncset.done $0x0  }
0x27: {  	s11 =	simm.s32 $0x40;
	s13 =	simm.s32 $0x0;
	[sflag:s22] =	ssyncadd.s32 $0xFFFFD800  }
.LBB2_4:
0x28: {  	p0 =	sne.s32 s11, $0x13C0;
	[tilespmem:s13+$0xB2C0] =	vst v1;
	s13 =	smov.u32 s11;
	s11 =	sadd.s32 $0x40, s11  }
.Ltmp1:
0x29: {  	(pc) =	sbr.rel @p0 .LBB2_4-.Ltmp1, $2  }
0x2a: {  	_ =	sdelay $0x2  }
0x2b: {  	s13 =	sshra.s32 s13, $0x2  }
0x2c: {  	[tilespmem:s13+$0xB2C0] =	vst v1;
	s13 =	simm.s32 $0x0;
	s11 =	rddreg [dreg:$0xa]  }
0x2d: {  	[tilespmem:s21], [sflag:$0x4] =	stream.linear.gather [hbm4b:s11+s13], $0x2710, $0x38;
	[tilespmem:$0xDFC0] =	vst v63  }
0x2e: {  	_ =	swait.ge [sflag:s22], $0x2710  }
0x2f: {  	[sflag:s22] =	ssyncset.done $0x0  }
0x30: {  	s18 =	rddreg [dreg:$0xb];
	[sflag:s22] =	ssyncadd.s32 $0xFFFFD8F0  }
0x31: {  	[spmem:s18] =	stream.linear.scatter [tilespmem:s21], [sflag:$0x4], $0x2710, $0x38;
	[tilespmem:$0xDFC0] =	vst v63  }
0x32: {  	_ =	swait.ge [sflag:s22], $0x2710  }
0x33: {  	[sflag:s22] =	ssyncset.done $0x0  }
0x34: {  	s19 =	rddreg [dreg:$0xc];
	[sflag:s22] =	ssyncadd.s32 $0xFFFFD8F0  }
0x35: {  	[tilespmem:s21], [sflag:$0x4] =	stream.linear.gather [hbm4b:s19+s13], $0x2710, $0x38;
	[tilespmem:$0xDFC0] =	vst v63  }
0x36: {  	_ =	swait.ge [sflag:s22], $0x2710  }
0x37: {  	[sflag:s22] =	ssyncset.done $0x0  }
0x38: {  	s20 =	rddreg [dreg:$0xd];
	[sflag:s22] =	ssyncadd.s32 $0xFFFFD8F0  }
0x39: {  	[spmem:s20] =	stream.linear.scatter [tilespmem:s21], [sflag:$0x4], $0x2710, $0x38;
	[tilespmem:$0xDFC0] =	vst v63  }
0x3a: {  	_ =	swait.ge [sflag:s22], $0x2710  }
0x3b: {  	[sflag:s22] =	ssyncset.done $0x0  }
0x3c: {  	[sflag:s22] =	ssyncadd.s32 $0xFFFFD8F0  }
0x3d: {  	[bflag:$0x0] =	sbarrier.arrive $0xFFFF  }
.LBB2_6:
0x3e: {  	s11 =	smul.u32 $0x50, s13;
	_ =	sdelay $0x1  }
0x3f: {  	s11 =	sadd.s32 s17, s11  }
0x40: {  	s14 =	sshrl.u32 s11, $0x3  }
0x41: {  	s15 =	sadd.s32 s0, s14  }
0x42: {  	[tilespmem:s8], [sflag:$0x1] =	stream.linear.gather [hbm4b:s15+s8], $0x50, $0x38;
	[tilespmem:$0xDFC0] =	vst v63  }
0x43: {  	s14 =	sadd.s32 s2, s14  }
0x44: {  	[tilespmem:s23], [sflag:$0x1] =	stream.linear.gather [hbm4b:s14+s8], $0x50, $0x38;
	[tilespmem:$0xDFC0] =	vst v63  }
0x45: {  	s14 =	sshll.u32 s11, $0x1  }
0x46: {  	s11 =	sadd.s32 s9, s14  }
0x47: {  	[tilespmem:s24], [sflag:$0x1] =	stream.linear.gather [hbm4b:s11+s8], $0x500, $0x38;
	[tilespmem:$0xDFC0] =	vst v63  }
0x48: {  	_ =	swait.ge [sflag:s25], $0x50  }
0x49: {  	[sflag:s25] =	ssyncset.done $0x0  }
0x4a: {  	[sflag:s25] =	ssyncadd.s32 $0xFFFFFFB0  }
0x4b: {  	_ =	swait.ge [sflag:s25], $0x50  }
0x4c: {  	[sflag:s25] =	ssyncset.done $0x0  }
0x4d: {  	[sflag:s25] =	ssyncadd.s32 $0xFFFFFFB0  }
0x4e: {  	_ =	swait.ge [sflag:s25], $0x500  }
0x4f: {  	[sflag:s25] =	ssyncset.done $0x0  }
0x50: {  	[sflag:s25] =	ssyncadd.s32 $0xFFFFFB00  }
0x51: {  	[tilespmem:s26], [sflag:$0x2] =	stream.indirect.gather [spmem:s6], $0x10, s8, s23, $0xb8;
	[tilespmem:$0xDFC0] =	vst v63  }
0x52: {  	_ = 	snop  }
0x53: {  	[tilespmem:s28], [sflag:$0x3] =	stream.indirect.gather [spmem:s7], $0x10, s23, s23, $0xb8;
	[tilespmem:$0xDFC0] =	vst v63  }
0x54: {  	_ =	swait.ge [sflag:s29], $0x500  }
0x55: {  	[sflag:s29] =	ssyncset.done $0x0  }
0x56: {  	[sflag:s29] =	ssyncadd.s32 $0xFFFFFB00  }
0x57: {  	_ =	swait.ge [sflag:s30], $0x500  }
0x58: {  	[sflag:s30] =	ssyncset.done $0x0  }
0x59: {  	s20 =	simm.s32 $0x5E0;
	[sflag:s30] =	ssyncadd.s32 $0xFFFFFB00  }
0x5a: {  	s18 =	simm.s32 $0xE0;
	v2 =	vld [tilespmem:s20+$0xFFFFFFC0]  }
0x5b: {  	v3 =	vld [tilespmem:s18+$0xFFFFFFC0]  }
0x5c: {  	s15 =	simm.s32 $0xAE0  }
0x5d: {  	v4 =	vld [tilespmem:s15+$0xFFFFFFC0];
	_ =	sdelay $0x2  }
0x5e: {  	v2 =	vadd.f32 v2, v3;
	_ =	sdelay $0x1  }
0x5f: {  	v2 =	vadd.f32 v4, v2;
	_ =	sdelay $0x1  }
0x60: {  	s16 =	simm.s32 $0xFE0;
	v2 =	vmax.f32 v2, $0.0e+00  }
0x61: {  	[tilespmem:s16+$0xFFFFFFC0] =	vst v2  }
0x62: {  	v2 =	vld [tilespmem:s18+$0xFFFFFFD0]  }
0x63: {  	v3 =	vld [tilespmem:s20+$0xFFFFFFD0];
	_ =	sdelay $0x1  }
0x64: {  	v4 =	vld [tilespmem:s15+$0xFFFFFFD0];
	_ =	sdelay $0x2  }
0x65: {  	v2 =	vadd.f32 v3, v2;
	_ =	sdelay $0x1  }
0x66: {  	v2 =	vadd.f32 v4, v2;
	_ =	sdelay $0x1  }
0x67: {  	v2 =	vmax.f32 v2, $0.0e+00  }
0x68: {  	[tilespmem:s16+$0xFFFFFFD0] =	vst v2  }
0x69: {  	v2 =	vld [tilespmem:s18+$0xFFFFFFE0]  }
0x6a: {  	v3 =	vld [tilespmem:s20+$0xFFFFFFE0];
	_ =	sdelay $0x1  }
0x6b: {  	v4 =	vld [tilespmem:s15+$0xFFFFFFE0];
	_ =	sdelay $0x2  }
0x6c: {  	v2 =	vadd.f32 v3, v2;
	_ =	sdelay $0x1  }
0x6d: {  	v2 =	vadd.f32 v4, v2;
	_ =	sdelay $0x1  }
0x6e: {  	v2 =	vmax.f32 v2, $0.0e+00  }
0x6f: {  	[tilespmem:s16+$0xFFFFFFE0] =	vst v2  }
0x70: {  	v2 =	vld [tilespmem:s18+$0xFFFFFFF0]  }
0x71: {  	v3 =	vld [tilespmem:s20+$0xFFFFFFF0];
	_ =	sdelay $0x1  }
0x72: {  	v4 =	vld [tilespmem:s15+$0xFFFFFFF0];
	_ =	sdelay $0x2  }
0x73: {  	v2 =	vadd.f32 v3, v2;
	_ =	sdelay $0x1  }
0x74: {  	v2 =	vadd.f32 v4, v2;
	_ =	sdelay $0x1  }
0x75: {  	v2 =	vmax.f32 v2, $0.0e+00  }
0x76: {  	[tilespmem:s16+$0xFFFFFFF0] =	vst v2  }
0x77: {  	v2 =	vld [tilespmem:s18+$0x0]  }
0x78: {  	v3 =	vld [tilespmem:s20+$0x0];
	_ =	sdelay $0x1  }
0x79: {  	v4 =	vld [tilespmem:s15+$0x0];
	_ =	sdelay $0x2  }
0x7a: {  	v2 =	vadd.f32 v3, v2;
	_ =	sdelay $0x1  }
0x7b: {  	v2 =	vadd.f32 v4, v2;
	_ =	sdelay $0x1  }
0x7c: {  	v2 =	vmax.f32 v2, $0.0e+00  }
0x7d: {  	[tilespmem:s16+$0x0] =	vst v2  }
0x7e: {  	v2 =	vld [tilespmem:s18+$0x10]  }
0x7f: {  	v3 =	vld [tilespmem:s20+$0x10];
	_ =	sdelay $0x1  }
0x80: {  	v4 =	vld [tilespmem:s15+$0x10];
	_ =	sdelay $0x2  }
0x81: {  	v2 =	vadd.f32 v3, v2;
	_ =	sdelay $0x1  }
0x82: {  	v2 =	vadd.f32 v4, v2;
	_ =	sdelay $0x1  }
0x83: {  	v2 =	vmax.f32 v2, $0.0e+00  }
0x84: {  	[tilespmem:s16+$0x10] =	vst v2  }
0x85: {  	v2 =	vld [tilespmem:s18+$0x20]  }
0x86: {  	v3 =	vld [tilespmem:s20+$0x20];
	_ =	sdelay $0x1  }
0x87: {  	v4 =	vld [tilespmem:s15+$0x20];
	_ =	sdelay $0x2  }
0x88: {  	v2 =	vadd.f32 v3, v2;
	_ =	sdelay $0x1  }
0x89: {  	v2 =	vadd.f32 v4, v2;
	_ =	sdelay $0x1  }
0x8a: {  	v2 =	vmax.f32 v2, $0.0e+00  }
0x8b: {  	[tilespmem:s16+$0x20] =	vst v2  }
0x8c: {  	v2 =	vld [tilespmem:s18+$0x30]  }
0x8d: {  	s19 =	simm.s32 $0xFE0;
	v4 =	vld [tilespmem:s20+$0x30]  }
0x8e: {  	s11 =	simm.s32 $0x160;
	s18 =	simm.s32 $0x0;
	v3 =	vld [tilespmem:s15+$0x30];
	s20 =	simm.s32 $0x660  }
.LBB2_7:
0x8f: {  	s18 =	sadd.s32 $0x8, s18;
	s16 =	sadd.s32 $0x80, s16;
	s15 =	sadd.s32 $0x80, s15  }
0x90: {  	p0 =	slt.u32 s18, $0x48;
	_ =	sdelay $0x1  }
0x91: {  	v2 =	vadd.f32 v4, v2;
	_ =	sdelay $0x1  }
0x92: {  	v2 =	vadd.f32 v3, v2;
	_ =	sdelay $0x1  }
0x93: {  	v2 =	vmax.f32 v2, $0.0e+00  }
0x94: {  	[tilespmem:s19+$0x30] =	vst v2;
	s19 =	smov.u32 s16  }
0x95: {  	v2 =	vld [tilespmem:s20+$0xFFFFFFC0]  }
0x96: {  	v3 =	vld [tilespmem:s11+$0xFFFFFFC0]  }
0x97: {  	v4 =	vld [tilespmem:s15+$0xFFFFFFC0];
	_ =	sdelay $0x3  }
0x98: {  	v2 =	vadd.f32 v2, v3;
	_ =	sdelay $0x1  }
0x99: {  	v2 =	vadd.f32 v4, v2;
	_ =	sdelay $0x1  }
0x9a: {  	v2 =	vmax.f32 v2, $0.0e+00  }
0x9b: {  	[tilespmem:s16+$0xFFFFFFC0] =	vst v2  }
0x9c: {  	v2 =	vld [tilespmem:s11+$0xFFFFFFD0]  }
0x9d: {  	v3 =	vld [tilespmem:s20+$0xFFFFFFD0];
	_ =	sdelay $0x1  }
0x9e: {  	v4 =	vld [tilespmem:s15+$0xFFFFFFD0];
	_ =	sdelay $0x2  }
0x9f: {  	v2 =	vadd.f32 v3, v2;
	_ =	sdelay $0x1  }
0xa0: {  	v2 =	vadd.f32 v4, v2;
	_ =	sdelay $0x1  }
0xa1: {  	v2 =	vmax.f32 v2, $0.0e+00  }
0xa2: {  	[tilespmem:s16+$0xFFFFFFD0] =	vst v2  }
0xa3: {  	v2 =	vld [tilespmem:s11+$0xFFFFFFE0]  }
0xa4: {  	v3 =	vld [tilespmem:s20+$0xFFFFFFE0];
	_ =	sdelay $0x1  }
0xa5: {  	v4 =	vld [tilespmem:s15+$0xFFFFFFE0];
	_ =	sdelay $0x2  }
0xa6: {  	v2 =	vadd.f32 v3, v2;
	_ =	sdelay $0x1  }
0xa7: {  	v2 =	vadd.f32 v4, v2;
	_ =	sdelay $0x1  }
0xa8: {  	v2 =	vmax.f32 v2, $0.0e+00  }
0xa9: {  	[tilespmem:s16+$0xFFFFFFE0] =	vst v2  }
0xaa: {  	v2 =	vld [tilespmem:s11+$0xFFFFFFF0]  }
0xab: {  	v3 =	vld [tilespmem:s20+$0xFFFFFFF0];
	_ =	sdelay $0x1  }
0xac: {  	v4 =	vld [tilespmem:s15+$0xFFFFFFF0];
	_ =	sdelay $0x2  }
0xad: {  	v2 =	vadd.f32 v3, v2;
	_ =	sdelay $0x1  }
0xae: {  	v2 =	vadd.f32 v4, v2;
	_ =	sdelay $0x1  }
0xaf: {  	v2 =	vmax.f32 v2, $0.0e+00  }
0xb0: {  	[tilespmem:s16+$0xFFFFFFF0] =	vst v2  }
0xb1: {  	v2 =	vld [tilespmem:s11+$0x0]  }
0xb2: {  	v3 =	vld [tilespmem:s20+$0x0];
	_ =	sdelay $0x1  }
0xb3: {  	v4 =	vld [tilespmem:s15+$0x0];
	_ =	sdelay $0x2  }
0xb4: {  	v2 =	vadd.f32 v3, v2;
	_ =	sdelay $0x1  }
0xb5: {  	v2 =	vadd.f32 v4, v2;
	_ =	sdelay $0x1  }
0xb6: {  	v2 =	vmax.f32 v2, $0.0e+00  }
0xb7: {  	[tilespmem:s16+$0x0] =	vst v2  }
0xb8: {  	v2 =	vld [tilespmem:s11+$0x10]  }
0xb9: {  	v3 =	vld [tilespmem:s20+$0x10]  }
0xba: {  	v4 =	vld [tilespmem:s15+$0x10];
	_ =	sdelay $0x3  }
0xbb: {  	v2 =	vadd.f32 v3, v2;
	_ =	sdelay $0x1  }
0xbc: {  	v2 =	vadd.f32 v4, v2;
	_ =	sdelay $0x1  }
0xbd: {  	v2 =	vmax.f32 v2, $0.0e+00  }
0xbe: {  	[tilespmem:s16+$0x10] =	vst v2  }
0xbf: {  	v2 =	vld [tilespmem:s11+$0x20]  }
0xc0: {  	v3 =	vld [tilespmem:s20+$0x20]  }
0xc1: {  	v4 =	vld [tilespmem:s15+$0x20];
	_ =	sdelay $0x3  }
0xc2: {  	v2 =	vadd.f32 v3, v2;
	_ =	sdelay $0x1  }
0xc3: {  	v2 =	vadd.f32 v4, v2;
	_ =	sdelay $0x1  }
.Ltmp2:
0xc4: {  	v2 =	vmax.f32 v2, $0.0e+00;
	(pc) =	sbr.rel @p0 .LBB2_7-.Ltmp2, $4  }
0xc5: {  	[tilespmem:s16+$0x20] =	vst v2  }
0xc6: {  	v2 =	vld [tilespmem:s11+$0x30]  }
0xc7: {  	v4 =	vld [tilespmem:s20+$0x30]  }
0xc8: {  	s11 =	sadd.s32 $0x80, s11;
	s20 =	sadd.s32 $0x80, s20;
	v3 =	vld [tilespmem:s15+$0x30]  }
0xc9: {  	_ =	sdelay $0x2  }
0xca: {  	v2 =	vadd.f32 v4, v2;
	_ =	sdelay $0x1  }
0xcb: {  	v2 =	vadd.f32 v3, v2;
	_ =	sdelay $0x1  }
0xcc: {  	v2 =	vmax.f32 v2, $0.0e+00  }
0xcd: {  	s11 =	sadd.s32 s10, s14;
	[tilespmem:s19+$0x30] =	vst v2  }
0xce: {  	[hbm4b:s11+s8] =	stream.linear.scatter [tilespmem:s31], [sflag:$0x2], $0x500, $0x38;
	[tilespmem:$0xDFC0] =	vst v63  }
0xcf: {  	_ = 	snop  }
0xd0: {  	[spmem:s3] =	stream.indirect.scatter.add.f32 [tilespmem:s31], [sflag:$0x3], $0x10, s23, s23, $0xb8;
	[tilespmem:$0xDFC0] =	vst v63  }
0xd1: {  	_ = 	snop  }
0xd2: {  	[spmem:s5] =	stream.indirect.scatter.add.f32 [tilespmem:s1], [sflag:$0x1], $0x10, s23, s23, $0xb8;
	[tilespmem:$0xDFC0] =	vst v63  }
0xd3: {  	_ =	swait.ge [sflag:s29], $0x500  }
0xd4: {  	[sflag:s29] =	ssyncset.done $0x0  }
0xd5: {  	s13 =	sadd.s32 $0x1, s13;
	[sflag:s29] =	ssyncadd.s32 $0xFFFFFB00  }
0xd6: {  	p0 =	sne.s32 s13, $0x7D;
	_ =	swait.ge [sflag:s30], $0x500  }
.Ltmp3:
0xd7: {  	[sflag:s30] =	ssyncset.done $0x0;
	(pc) =	sbr.rel @p0 .LBB2_6-.Ltmp3, $4  }
0xd8: {  	[sflag:s30] =	ssyncadd.s32 $0xFFFFFB00  }
0xd9: {  	_ =	swait.ge [sflag:s25], $0x500  }
0xda: {  	[sflag:s25] =	ssyncset.done $0x0  }
0xdb: {  	[sflag:s25] =	ssyncadd.s32 $0xFFFFFB00  }
0xdc: {  	[bflag:$0x0] =	sbarrier.arrive $0xFFFF  }
0xdd: {  	[tilespmem:s21], [sflag:$0x4] =	stream.linear.gather [spmem:s12], $0x2800, $0x38;
	[tilespmem:$0xDFC0] =	vst v63  }
0xde: {  	_ =	swait.ge [sflag:s22], $0x2800  }
0xdf: {  	[sflag:s22] =	ssyncset.done $0x0  }
0xe0: {  	s11 =	rddreg [dreg:$0xe];
	[sflag:s22] =	ssyncadd.s32 $0xFFFFD800  }
0xe1: {  	[hbm4b:s11+s8] =	stream.linear.scatter [tilespmem:s21], [sflag:$0x4], $0x2800, $0x38;
	[tilespmem:$0xDFC0] =	vst v63  }
0xe2: {  	_ =	swait.ge [sflag:s22], $0x2800  }
0xe3: {  	[sflag:s22] =	ssyncset.done $0x0  }
0xe4: {  	s19 =	rddreg [dreg:$0x9];
	[sflag:s22] =	ssyncadd.s32 $0xFFFFD800  }
0xe5: {  	[tilespmem:s21], [sflag:$0x4] =	stream.linear.gather [spmem:s19], $0x2800, $0x38;
	[tilespmem:$0xDFC0] =	vst v63  }
0xe6: {  	_ =	swait.ge [sflag:s22], $0x2800  }
0xe7: {  	[sflag:s22] =	ssyncset.done $0x0  }
0xe8: {  	s16 =	rddreg [dreg:$0xf];
	[sflag:s22] =	ssyncadd.s32 $0xFFFFD800  }
0xe9: {  	[hbm4b:s16+s8] =	stream.linear.scatter [tilespmem:s21], [sflag:$0x4], $0x2800, $0x38;
	[tilespmem:$0xDFC0] =	vst v63  }
0xea: {  	_ =	swait.ge [sflag:s22], $0x2800  }
0xeb: {  	s4 =	sadd.s32 $0x1, s4;
	s20 =	rddreg [dreg:$0x10]  }
0xec: {  	p0 =	sne.s32 s4, s20  }
.Ltmp4:
0xed: {  	_ = 	snop;
	(pc) =	sbr.rel @p0 .LBB2_1-.Ltmp4, $3  }
0xee: {  	_ =	sdelay $0x1  }
0xef: {  	[sflag:s22] =	ssyncset.done $0x0  }
0xf0: {  	s18 =	smov.u32 s12;
	[sflag:s22] =	ssyncadd.s32 $0xFFFFD800  }
0xf1: {  	_ =	sfence.sel $0x180000  }
0xf2: {  	[bflag:$0x0] =	sbarrier.arrive $0xFFFF  }
0xf3: {  	_ =	strace $0x90000047  }
0xf4: {  	s0 =	stileid.u32;
	[bflag:$0x2] =	sbarrier.arrive $0xFFFF  }
0xf5: {  	p0 =	sne.s32 s0, $0x0;
	s0 =	rddreg [dreg:$0x8]  }
0xf6: {  	s0 =	sadd.s32 @!p0 $0x100000, s0  }
0xf7: {  	[sflag:s0] =	ssyncadd.tile.s32 @!p0 $0x1;
	_ =	shalt  }
.Lfunc_end2:
_tile_overlayer_lowered:
.L_overlay_start_2:
0xf8: {  	(tag) =	ssettag $0x2  }
0xf9: {  	s0 =	rddreg [dreg:$0x0];
	s2 =	stileid.u32  }
0xfa: {  	s1 =	rddreg [dreg:$0x1];
	p0 =	sne.s32 s2, $0x0  }
0xfb: {  	s3 =	rddreg [dreg:$0x2];
	[bflag:$0x3] =	sbarrier.arrive $0xFFFF;
	s2 =	simm.s32 @!p0 $0x1C04  }
0xfc: {  	[timem:s3], [sflag:s2] =	dma.local @!p0 [hbm:s0], s1  }
0xfd: {  	s0 =	simm.s32 @!p0 $0x4  }
0xfe: {  	_ =	swait.ge @!p0 [sflag:s0], s1  }
0xff: {  	s1 =	ssub.s32 @!p0 $0x0, s1;
	[sflag:s0] =	ssyncset.done @!p0 $0x0  }
0x100: {  	[sflag:s0] =	ssyncadd.s32 @!p0 s1  }
0x101: {  	[bflag:$0x3] =	sbarrier.arrive $0xFFFF  }
0x102: {  	_ =	shalt  }

// kernel: kernel.16.cloned.1.call-start
scs
__scs_entry_jumppad:
0x0: {  	(pc) =	sbr.rel $0x88, $3  }
0x1: {  	(tag) =	ssettag $0x0;
	lr =	simm.s32 $0x1  }
0x2: {  	[smem:$0x3F5A] =	sst lr;
	_ =	strace $0xD0000000  }
0x3: {  	_ = 	snop  }
0x4: {  	_ = 	snop  }
0x5: {  	_ = 	snop  }
0x6: {  	_ = 	snop  }
0x7: {  	_ = 	snop  }
__scs_overlays_trampoline_lowered:
0x8: {  	[smem:$0x3F69] =	sst s0  }
0x9: {  	[smem:$0x3F6A] =	sst s1  }
0xa: {  	[smem:$0x3F6B] =	sst s2  }
0xb: {  	[smem:$0x3F6C] =	sst s3  }
0xc: {  	[smem:$0x3F6D] =	sst s4  }
0xd: {  	[smem:$0x3F6E] =	sst s5  }
0xe: {  	[smem:$0x3F6F] =	sst s6  }
0xf: {  	[smem:$0x3F70] =	sst s7  }
0x10: {  	[smem:$0x3F71] =	sst s8  }
0x11: {  	[smem:$0x3F72] =	sst s9;
	s0 =	simm.s32 @!p0 $0x0  }
0x12: {  	s1 =	sld [smem:$0x3F58];
	s0 =	simm.s32 @p0 $0x1  }
0x13: {  	[smem:$0x3F73] =	sst s0;
	s0 =	simm.s32 @!p1 $0x0  }
0x14: {  	s2 =	sld [smem:$0x3F57];
	s0 =	simm.s32 @p1 $0x1  }
0x15: {  	[smem:$0x3F74] =	sst s0;
	s0 =	simm.s32 @!p2 $0x0  }
0x16: {  	s3 =	sld [smem:$0x3FDB];
	s0 =	simm.s32 @p2 $0x1  }
0x17: {  	s4 =	simm.s32 $0x1BF5;
	[smem:$0x3F76] =	sst s0  }
0x18: {  	s0 =	sld [smem:$0x3F59];
	_ =	swait.ge [sflag:s4], $0x0  }
0x19: {  	s7 =	sld [smem:$0x3F5A]  }
0x1a: {  	s8 =	sadd.s32 $0xFFFFE003, lr  }
0x1b: {  	s9 =	sadd.s32 $0xFFFFFEF7, lr;
	s5 =	simm.s32 $0xFFFFFFFF;
	p2 =	slt.u32 s8, $0xFFFFF086  }
0x1c: {  	p1 =	slt.u32 s9, $0xF7A;
	s5 =	simm.s32 @!p2 $0x0  }
0x1d: {  	s5 =	simm.s32 @p1 $0x1;
	p0 =	seq.s32 s7, s2  }
0x1e: {  	s7 =	smul.u32 @!p0 $0xF7A, s2;
	p2 =	seq.s32 @!p0 s5, $0x0  }
0x1f: {  	s9 =	smul.u32 $0xF7A, s1;
	s8 =	simm.s32 @!p0 $0x1BF5;
	p2 =	por !p2, p0  }
0x20: {  	[sflag:s8] =	ssyncset.s32 @!p0 $0xFFFFF086;
	s6 =	sadd.s32 @!p0 s3, s7;
	s7 =	simm.s32 @!p0 $0x108  }
0x21: {  	s3 =	sadd.s32 s3, s9;
	s6 =	sadd.s32 @!p0 $0x88, s6;
	s7 =	simm.s32 @p2 $0x1082  }
0x22: {  	[simem:s7], [sflag:s8] =	dma.local @!p0 [hbm:s6], $0xF7A  }
0x23: {  	s9 =	sor.u32 $0xD0000000, s2;
	s6 =	simm.s32 $0x108;
	_ =	swait.ge @!p0 [sflag:s8], $0x0  }
0x24: {  	s3 =	sadd.s32 $0x88, s3;
	s6 =	simm.s32 @!p1 $0x1082;
	[sflag:s4] =	ssyncset.s32 $0xFFFFF086  }
0x25: {  	[simem:s6], [sflag:s4] =	dma.local [hbm:s3], $0xF7A  }
0x26: {  	[smem:$0x3F5A] =	sst s1;
	(tag) =	ssettag s2;
	_ =	strace s9  }
0x27: {  	s1 =	sld [smem:$0x3F6A]  }
0x28: {  	s2 =	sld [smem:$0x3F6B]  }
0x29: {  	s4 =	sld [smem:$0x3F6D]  }
0x2a: {  	p0 =	seq.s32 s5, $0x0;
	s5 =	sld [smem:$0x3F6E]  }
0x2b: {  	s6 =	sld [smem:$0x3F6F]  }
0x2c: {  	s7 =	sld [smem:$0x3F70]  }
0x2d: {  	s3 =	simm.s32 $0x108;
	s8 =	sld [smem:$0x3F71]  }
0x2e: {  	s3 =	simm.s32 @!p0 $0x1082;
	s9 =	sld [smem:$0x3F72]  }
0x2f: {  	lr =	sadd.s32 s0, s3;
	s0 =	sld [smem:$0x3F69]  }
0x30: {  	s3 =	sld [smem:$0x3F6C]  }
0x31: {  	[smem:$0x3F75] =	sst s10  }
0x32: {  	s10 =	sld [smem:$0x3F73];
	_ =	sdelay $0x3  }
0x33: {  	p0 =	seq.s32 s10, $0x1;
	s10 =	sld [smem:$0x3F75];
	_ =	sdelay $0x3  }
0x34: {  	[smem:$0x3F75] =	sst s10  }
0x35: {  	s10 =	sld [smem:$0x3F74];
	_ =	sdelay $0x3  }
0x36: {  	p1 =	seq.s32 s10, $0x1;
	s10 =	sld [smem:$0x3F75];
	_ =	sdelay $0x3  }
0x37: {  	[smem:$0x3F75] =	sst s10  }
0x38: {  	s10 =	sld [smem:$0x3F76]  }
0x39: {  	_ = 	snop;
	(pc) =	sbr.ind lr, $3  }
0x3a: {  	_ = 	snop  }
0x3b: {  	_ = 	snop  }
0x3c: {  	p2 =	seq.s32 s10, $0x1;
	s10 =	sld [smem:$0x3F75]  }
0x3d: {  	_ =	shalt  }
0x3e: {  	_ =	shalt  }
0x3f: {  	_ =	shalt  }
0x40: {  	_ =	shalt  }
0x41: {  	_ =	shalt  }
0x42: {  	_ =	shalt  }
0x43: {  	_ =	shalt  }
0x44: {  	_ =	shalt  }
0x45: {  	_ =	shalt  }
0x46: {  	_ =	shalt  }
0x47: {  	_ =	shalt  }
0x48: {  	_ =	shalt  }
0x49: {  	_ =	shalt  }
0x4a: {  	_ =	shalt  }
0x4b: {  	_ =	shalt  }
0x4c: {  	_ =	shalt  }
0x4d: {  	_ =	shalt  }
0x4e: {  	_ =	shalt  }
0x4f: {  	_ =	shalt  }
0x50: {  	_ =	shalt  }
0x51: {  	_ =	shalt  }
0x52: {  	_ =	shalt  }
0x53: {  	_ =	shalt  }
0x54: {  	_ =	shalt  }
0x55: {  	_ =	shalt  }
0x56: {  	_ =	shalt  }
0x57: {  	_ =	shalt  }
0x58: {  	_ =	shalt  }
0x59: {  	_ =	shalt  }
0x5a: {  	_ =	shalt  }
0x5b: {  	_ =	shalt  }
0x5c: {  	_ =	shalt  }
0x5d: {  	_ =	shalt  }
0x5e: {  	_ =	shalt  }
0x5f: {  	_ =	shalt  }
0x60: {  	_ =	shalt  }
0x61: {  	_ =	shalt  }
0x62: {  	_ =	shalt  }
0x63: {  	_ =	shalt  }
0x64: {  	_ =	shalt  }
0x65: {  	_ =	shalt  }
0x66: {  	_ =	shalt  }
0x67: {  	_ =	shalt  }
0x68: {  	_ =	shalt  }
0x69: {  	_ =	shalt  }
0x6a: {  	_ =	shalt  }
0x6b: {  	_ =	shalt  }
0x6c: {  	_ =	shalt  }
0x6d: {  	_ =	shalt  }
0x6e: {  	_ =	shalt  }
0x6f: {  	_ =	shalt  }
0x70: {  	_ =	shalt  }
0x71: {  	_ =	shalt  }
0x72: {  	_ =	shalt  }
0x73: {  	_ =	shalt  }
0x74: {  	_ =	shalt  }
0x75: {  	_ =	shalt  }
0x76: {  	_ =	shalt  }
0x77: {  	_ =	shalt  }
0x78: {  	_ =	shalt  }
0x79: {  	_ =	shalt  }
0x7a: {  	_ =	shalt  }
0x7b: {  	_ =	shalt  }
0x7c: {  	_ =	shalt  }
0x7d: {  	_ =	shalt  }
0x7e: {  	_ =	shalt  }
0x7f: {  	_ =	shalt  }
0x80: {  	_ =	shalt  }
0x81: {  	_ =	shalt  }
0x82: {  	_ =	shalt  }
0x83: {  	_ =	shalt  }
0x84: {  	_ =	shalt  }
0x85: {  	_ =	shalt  }
0x86: {  	_ =	shalt  }
0x87: {  	_ =	shalt  }
.Lfunc_end0:
.L_simem_size_0:
called_computation.1_lowered:
.L_overlay_start_0:
0x88: {  	s2 =	sld [smem:$0x3FD9]  }
0x89: {  	s3 =	sld [smem:$0x3FFE];
	_ =	sdelay $0x1  }
0x8a: {  	s1 =	srdreg.scid  }
0x8b: {  	s0 =	sand.u32 $0x1, s1  }
0x8c: {  	s14 =	sshll.u32 s0, $0xA;
	s2 =	sadd.s32 s3, s2  }
0x8d: {  	s2 =	sadd.s32 s2, s14  }
0x8e: {  	[smem:$0x3F81] =	sst s2  }
0x8f: {  	_ = 	snop  }
0x90: {  	s2 =	sld [smem:$0x3FD0];
	_ =	sdelay $0x1  }
0x91: {  	s15 =	sld [smem:$0x3FC6]  }
0x92: {  	s5 =	simm.s32 $0xA;
	s6 =	simm.s32 $0x10;
	s4 =	sld [smem:$0x3FC5]  }
0x93: {  	[smem:s6], [sflag:s5] =	dma.local [hbm:s2], $0x1  }
0x94: {  	_ =	swait.eq [sflag:s5], $0x1  }
0x95: {  	[sflag:s5] =	ssyncset.done $0x0  }
0x96: {  	[sflag:s5] =	ssyncadd.s32 $0xFFFFFFFF  }
0x97: {  	s16 =	sld [smem:$0x11];
	(tm) =	ssettm $0x1  }
0x98: {  	s17 =	sld [smem:$0x3FFB];
	_ =	sdelay $0x3  }
0x99: {  	_ =	strace s17  }
0x9a: {  	s5 =	sld [smem:$0x3FFC];
	_ =	sdelay $0x3  }
0x9b: {  	_ =	strace s5  }
0x9c: {  	s5 =	sld [smem:$0x3FFD];
	_ =	sdelay $0x3  }
0x9d: {  	_ =	strace s5  }
0x9e: {  	_ =	strace $0x8FFFFFFF  }
0x9f: {  	s18 =	sld [smem:$0x3FDB];
	_ =	sdelay $0x1  }
0xa0: {  	s19 =	simm.s32 $_scs_section_size  }
0xa1: {  	s7 =	simm.s32 $_size__tile_overlayer_lowered;
	s8 =	simm.s32 $_tile_overlayer_lowered  }
0xa2: {  	s22 =	simm.s32 $0x1BFF;
	s21 =	sshll.u32 s8, $0x1;
	s5 =	sadd.s32 s19, s18  }
0xa3: {  	s9 =	simm.s32 $0x0;
	s20 =	sshll.u32 s7, $0x1;
	s7 =	sadd.s32 s21, s5  }
0xa4: {  	[timem:s9], [sflag:s22] =	dma.local [hbm:s7], s20  }
0xa5: {  	_ =	swait.ge [sflag:s22], s20  }
0xa6: {  	s6 =	ssub.s32 $0x0, s20;
	[sflag:s22] =	ssyncset.done $0x0  }
0xa7: {  	[sflag:s22] =	ssyncadd.s32 s6;
	_ =	sdelay $0x1  }
0xa8: {  	s23 =	simm.s32 $0x1B8B  }
0xa9: {  	_ =	swait.ge [sflag:s23], $0x1  }
0xaa: {  	[sflag:s23] =	ssyncset.done $0x0  }
0xab: {  	s25 =	simm.s32 $0x1B8E;
	s24 =	sld [smem:$0x3FFE];
	[sflag:s23] =	ssyncadd.s32 $0xFFFFFFFF  }
0xac: {  	s26 =	simm.s32 $execute0_lowered;
	[smem:$0x3FD2] =	sst s25  }
0xad: {  	s7 =	sshll.u32 s26, $0x1;
	_ =	strace $0x80000049;
	[dreg:$0x1] =	wrdreg $0xFFFFFFFF  }
0xae: {  	s28 =	simm.s32 $_size_execute0_lowered;
	s5 =	sadd.s32 s5, s7;
	[dreg:$0x0] =	wrdreg $0x0  }
0xaf: {  	s7 =	sshll.u32 s28, $0x1;
	[dreg:$0x2] =	wrdreg s5  }
0xb0: {  	[dreg:$0x3] =	wrdreg s7  }
0xb1: {  	[dreg:$0x4] =	wrdreg $0xC0  }
0xb2: {  	_ =	task [dreg:s9], $0x5FFFF  }
0xb3: {  	[dreg:$0x1] =	wrdreg $0xFFFFFFFF  }
0xb4: {  	[dreg:$0x0] =	wrdreg $0x60  }
0xb5: {  	[dreg:$0x2] =	wrdreg s24  }
0xb6: {  	[dreg:$0x3] =	wrdreg s15  }
0xb7: {  	[dreg:$0x4] =	wrdreg s4  }
0xb8: {  	[dreg:$0x5] =	wrdreg s16  }
0xb9: {  	[dreg:$0x6] =	wrdreg $0x3CA00  }
0xba: {  	[dreg:$0x7] =	wrdreg $0x64A00  }
0xbb: {  	[dreg:$0x8] =	wrdreg $0x8BB00  }
0xbc: {  	[dreg:$0x9] =	wrdreg $0x9  }
0xbd: {  	_ =	task.clear_ibuf [dreg:s9], $0xAFFFF;
	_ =	strace $0x90000049  }
0xbe: {  	s29 =	simm.s32 $0x9;
	_ =	strace $0x8000004B  }
0xbf: {  	_ =	swait.ge [sflag:s29], $0x1  }
0xc0: {  	[sflag:s29] =	ssyncadd.s32 $0xFFFFFFFF  }
0xc1: {  	_ =	strace $0x9000004B  }
0xc2: {  	_ =	sfence  }
0xc3: {  	s30 =	sld [smem:$0x0];
	_ =	sdelay $0x2  }
0xc4: {  	s31 =	sshll.u32 s1, $0xD;
	s1 =	sshrl.u32 s1, $0x2  }
0xc5: {  	s3 =	sand.u32 $0x4000, s31;
	s1 =	sadd.s32 s1, s30  }
0xc6: {  	s0 =	sor.u32 s3, s0;
	s1 =	sshll.u32 s1, $0x11  }
0xc7: {  	s0 =	sor.u32 s1, s0  }
0xc8: {  	s0 =	sadd.s32 $0x8F2B, s0  }
0xc9: {  	[sflag:s0] =	ssyncadd.remote.s32 $0x1  }
0xca: {  	_ =	sfence.sel $0xFFFF  }
0xcb: {  	[dreg:$0x0] =	wrdreg $0xFFFFFFFF;
	(pc) =	sbr.abs _section_cstart, $3  }
0xcc: {  	[dreg:$0x1] =	wrdreg $0xFFFFFFFF  }
0xcd: {  	_ =	task.clear_ibuf [dreg:s9], $0x2FFFF;
	_ =	strace $0x9FFFFFFF  }
0xce: {  	(tm) =	ssettm $0x7FFFFFFF  }
0xcf: {  	_ =	shalt  }
tec
execute0_lowered:
.L_overlay_start_1:
0x0: {  	(tag) =	ssettag $0x1  }
0x1: {  	s0 =	rddreg [dreg:$0x0]  }
0x2: {  	s1 =	rddreg [dreg:$0x1]  }
0x3: {  	s2 =	rddreg [dreg:$0x2]  }
0x4: {  	s3 =	rddreg [dreg:$0x3]  }
0x5: {  	s4 =	rddreg [dreg:$0x4]  }
0x6: {  	s5 =	rddreg [dreg:$0x5]  }
0x7: {  	s6 =	rddreg [dreg:$0x6]  }
0x8: {  	s18 =	stileid.u32;
	s8 =	srdreg.scid  }
0x9: {  	s7 =	simm.s32 $0x0;
	s19 =	simm.s32 $0x4;
	s20 =	simm.s32 $0x50  }
0xa: {  	s21 =	simm.s32 $0xA0;
	s22 =	simm.s32 $0x1;
	s23 =	simm.s32 $0x5A0  }
0xb: {  	s28 =	simm.s32 $0xFA0;
	s29 =	simm.s32 $0x0;
	s11 =	smul.u32 $0x2710, s18  }
0xc: {  	s10 =	sand.u32 $0x1, s8;
	s12 =	smul.u32 $0x2800, s18;
	[smem:$0x7FF] =	sst s7  }
0xd: {  	s8 =	sadd.s32 $0x4CE00, s0;
	s9 =	smul.u32 $0x28000, s10;
	_ =	strace $0x8000004A  }
0xe: {  	s16 =	ssub.s32 $0x2, s10;
	s10 =	sshll.u32 s10, $0x4;
	s13 =	sshrl.u32 s11, $0x3  }
0xf: {  	s24 =	sshrl.u32 s16, $0x1;
	s25 =	sor.u32 s18, s10;
	s10 =	sadd.s32 s12, s4  }
0x10: {  	s26 =	sadd.s32 s11, s5;
	s31 =	sadd.s32 s11, s6;
	s18 =	simm.s32 $0x14A0  }
0x11: {  	s14 =	sadd.s32 s13, s0;
	s15 =	sadd.s32 s12, s9;
	s9 =	sadd.s32 $0x199600, s0  }
0x12: {  	s17 =	ssub.s32 s16, s24;
	s3 =	sadd.s32 s3, s13;
	[dreg:$0x9] =	wrdreg s26  }
0x13: {  	[dreg:$0xb] =	wrdreg s31;
	s24 =	simm.s32 $0xAA0;
	s26 =	simm.s32 $0x3  }
0x14: {  	s15 =	sshrl.u32 s15, $0x3;
	[dreg:$0x8] =	wrdreg s3;
	s30 =	sadd.s32 $0x18A600, s14  }
0x15: {  	s17 =	smax.u32 s17, $0x1;
	s0 =	sadd.s32 s15, s0;
	[dreg:$0xa] =	wrdreg s30  }
0x16: {  	v0 =	vimm.f32 $0.0e+00;
	s15 =	smul.u32 $0x2710, s25;
	s25 =	simm.s32 $0x2;
	s16 =	sadd.s32 $0x18F600, s0  }
.LBB2_1:
0x17: {  	s0 =	simm.s32 $0x40;
	s3 =	simm.s32 $0x0  }
.LBB2_2:
0x18: {  	p0 =	sne.s32 s0, $0x9FC0;
	[tilespmem:s3+$0x14A0] =	vst v0;
	s3 =	smov.u32 s0;
	s0 =	sadd.s32 $0x40, s0  }
.Ltmp0:
0x19: {  	(pc) =	sbr.rel @p0 .LBB2_2-.Ltmp0, $2  }
0x1a: {  	_ =	sdelay $0x2  }
0x1b: {  	s3 =	sshra.s32 s3, $0x2  }
0x1c: {  	[tilespmem:s3+$0x14A0] =	vst v0  }
0x1d: {  	[spmem:s10] =	stream.linear.scatter [tilespmem:s18], [sflag:$0x4], $0x2800, $0x38;
	[tilespmem:$0xB2C0] =	vst v63  }
0x1e: {  	_ =	swait.ge [sflag:s19], $0x2800  }
0x1f: {  	[sflag:s19] =	ssyncset.done $0x0  }
0x20: {  	s30 =	simm.s32 $0x0;
	s0 =	rddreg [dreg:$0x8];
	[sflag:s19] =	ssyncadd.s32 $0xFFFFD800  }
0x21: {  	[tilespmem:s18], [sflag:$0x4] =	stream.linear.gather [hbm4b:s0+s30], $0x2710, $0x38;
	[tilespmem:$0xB2C0] =	vst v63  }
0x22: {  	_ =	swait.ge [sflag:s19], $0x2710  }
0x23: {  	[sflag:s19] =	ssyncset.done $0x0  }
0x24: {  	s13 =	rddreg [dreg:$0x9];
	[sflag:s19] =	ssyncadd.s32 $0xFFFFD8F0  }
0x25: {  	[spmem:s13] =	stream.linear.scatter [tilespmem:s18], [sflag:$0x4], $0x2710, $0x38;
	[tilespmem:$0xB2C0] =	vst v63  }
0x26: {  	_ =	swait.ge [sflag:s19], $0x2710  }
0x27: {  	[sflag:s19] =	ssyncset.done $0x0  }
0x28: {  	s14 =	rddreg [dreg:$0xa];
	[sflag:s19] =	ssyncadd.s32 $0xFFFFD8F0  }
0x29: {  	[tilespmem:s18], [sflag:$0x4] =	stream.linear.gather [hbm4b:s14+s30], $0x2710, $0x38;
	[tilespmem:$0xB2C0] =	vst v63  }
0x2a: {  	_ =	swait.ge [sflag:s19], $0x2710  }
0x2b: {  	[sflag:s19] =	ssyncset.done $0x0  }
0x2c: {  	s31 =	rddreg [dreg:$0xb];
	[sflag:s19] =	ssyncadd.s32 $0xFFFFD8F0  }
0x2d: {  	[spmem:s31] =	stream.linear.scatter [tilespmem:s18], [sflag:$0x4], $0x2710, $0x38;
	[tilespmem:$0xB2C0] =	vst v63  }
0x2e: {  	_ =	swait.ge [sflag:s19], $0x2710  }
0x2f: {  	[sflag:s19] =	ssyncset.done $0x0  }
0x30: {  	[sflag:s19] =	ssyncadd.s32 $0xFFFFD8F0  }
0x31: {  	[bflag:$0x0] =	sbarrier.arrive $0xFFFF  }
.LBB2_4:
0x32: {  	s0 =	smul.u32 $0x50, s30;
	_ =	sdelay $0x1  }
0x33: {  	s0 =	sadd.s32 s15, s0  }
0x34: {  	s3 =	sshrl.u32 s0, $0x3  }
0x35: {  	s11 =	sadd.s32 s1, s3  }
0x36: {  	[tilespmem:s7], [sflag:$0x1] =	stream.linear.gather [hbm4b:s11+s7], $0x50, $0x38;
	[tilespmem:$0xB2C0] =	vst v63  }
0x37: {  	s31 =	sshll.u32 s0, $0x1;
	s3 =	sadd.s32 s2, s3  }
0x38: {  	[tilespmem:s20], [sflag:$0x1] =	stream.linear.gather [hbm4b:s3+s7], $0x50, $0x38;
	[tilespmem:$0xB2C0] =	vst v63  }
0x39: {  	s0 =	sadd.s32 s8, s31  }
0x3a: {  	[tilespmem:s21], [sflag:$0x1] =	stream.linear.gather [hbm4b:s0+s7], $0x500, $0x38;
	[tilespmem:$0xB2C0] =	vst v63  }
0x3b: {  	_ =	swait.ge [sflag:s22], $0x50  }
0x3c: {  	[sflag:s22] =	ssyncset.done $0x0  }
0x3d: {  	[sflag:s22] =	ssyncadd.s32 $0xFFFFFFB0  }
0x3e: {  	_ =	swait.ge [sflag:s22], $0x50  }
0x3f: {  	[sflag:s22] =	ssyncset.done $0x0  }
0x40: {  	[sflag:s22] =	ssyncadd.s32 $0xFFFFFFB0  }
0x41: {  	_ =	swait.ge [sflag:s22], $0x500  }
0x42: {  	[sflag:s22] =	ssyncset.done $0x0  }
0x43: {  	[sflag:s22] =	ssyncadd.s32 $0xFFFFFB00  }
0x44: {  	[tilespmem:s23], [sflag:$0x2] =	stream.indirect.gather [spmem:s5], $0x10, s7, s20, $0xb8;
	[tilespmem:$0xB2C0] =	vst v63  }
0x45: {  	_ = 	snop  }
0x46: {  	[tilespmem:s24], [sflag:$0x3] =	stream.indirect.gather [spmem:s6], $0x10, s20, s20, $0xb8;
	[tilespmem:$0xB2C0] =	vst v63  }
0x47: {  	_ =	swait.ge [sflag:s25], $0x500  }
0x48: {  	[sflag:s25] =	ssyncset.done $0x0  }
0x49: {  	[sflag:s25] =	ssyncadd.s32 $0xFFFFFB00  }
0x4a: {  	_ =	swait.ge [sflag:s26], $0x500  }
0x4b: {  	[sflag:s26] =	ssyncset.done $0x0  }
0x4c: {  	s12 =	simm.s32 $0x5E0;
	[sflag:s26] =	ssyncadd.s32 $0xFFFFFB00  }
0x4d: {  	s14 =	simm.s32 $0xE0;
	v1 =	vld [tilespmem:s12+$0xFFFFFFC0]  }
0x4e: {  	v2 =	vld [tilespmem:s14+$0xFFFFFFC0]  }
0x4f: {  	s0 =	simm.s32 $0xAE0  }
0x50: {  	v3 =	vld [tilespmem:s0+$0xFFFFFFC0];
	_ =	sdelay $0x2  }
0x51: {  	v1 =	vadd.f32 v1, v2;
	_ =	sdelay $0x1  }
0x52: {  	v1 =	vadd.f32 v3, v1;
	_ =	sdelay $0x1  }
0x53: {  	s3 =	simm.s32 $0xFE0;
	v1 =	vmax.f32 v1, $0.0e+00  }
0x54: {  	[tilespmem:s3+$0xFFFFFFC0] =	vst v1  }
0x55: {  	v1 =	vld [tilespmem:s14+$0xFFFFFFD0]  }
0x56: {  	v2 =	vld [tilespmem:s12+$0xFFFFFFD0];
	_ =	sdelay $0x1  }
0x57: {  	v3 =	vld [tilespmem:s0+$0xFFFFFFD0];
	_ =	sdelay $0x2  }
0x58: {  	v1 =	vadd.f32 v2, v1;
	_ =	sdelay $0x1  }
0x59: {  	v1 =	vadd.f32 v3, v1;
	_ =	sdelay $0x1  }
0x5a: {  	v1 =	vmax.f32 v1, $0.0e+00  }
0x5b: {  	[tilespmem:s3+$0xFFFFFFD0] =	vst v1  }
0x5c: {  	v1 =	vld [tilespmem:s14+$0xFFFFFFE0]  }
0x5d: {  	v2 =	vld [tilespmem:s12+$0xFFFFFFE0];
	_ =	sdelay $0x1  }
0x5e: {  	v3 =	vld [tilespmem:s0+$0xFFFFFFE0];
	_ =	sdelay $0x2  }
0x5f: {  	v1 =	vadd.f32 v2, v1;
	_ =	sdelay $0x1  }
0x60: {  	v1 =	vadd.f32 v3, v1;
	_ =	sdelay $0x1  }
0x61: {  	v1 =	vmax.f32 v1, $0.0e+00  }
0x62: {  	[tilespmem:s3+$0xFFFFFFE0] =	vst v1  }
0x63: {  	v1 =	vld [tilespmem:s14+$0xFFFFFFF0]  }
0x64: {  	v2 =	vld [tilespmem:s12+$0xFFFFFFF0];
	_ =	sdelay $0x1  }
0x65: {  	v3 =	vld [tilespmem:s0+$0xFFFFFFF0];
	_ =	sdelay $0x2  }
0x66: {  	v1 =	vadd.f32 v2, v1;
	_ =	sdelay $0x1  }
0x67: {  	v1 =	vadd.f32 v3, v1;
	_ =	sdelay $0x1  }
0x68: {  	v1 =	vmax.f32 v1, $0.0e+00  }
0x69: {  	[tilespmem:s3+$0xFFFFFFF0] =	vst v1  }
0x6a: {  	v1 =	vld [tilespmem:s14+$0x0]  }
0x6b: {  	v2 =	vld [tilespmem:s12+$0x0];
	_ =	sdelay $0x1  }
0x6c: {  	v3 =	vld [tilespmem:s0+$0x0];
	_ =	sdelay $0x2  }
0x6d: {  	v1 =	vadd.f32 v2, v1;
	_ =	sdelay $0x1  }
0x6e: {  	v1 =	vadd.f32 v3, v1;
	_ =	sdelay $0x1  }
0x6f: {  	v1 =	vmax.f32 v1, $0.0e+00  }
0x70: {  	[tilespmem:s3+$0x0] =	vst v1  }
0x71: {  	v1 =	vld [tilespmem:s14+$0x10]  }
0x72: {  	v2 =	vld [tilespmem:s12+$0x10];
	_ =	sdelay $0x1  }
0x73: {  	v3 =	vld [tilespmem:s0+$0x10];
	_ =	sdelay $0x2  }
0x74: {  	v1 =	vadd.f32 v2, v1;
	_ =	sdelay $0x1  }
0x75: {  	v1 =	vadd.f32 v3, v1;
	_ =	sdelay $0x1  }
0x76: {  	v1 =	vmax.f32 v1, $0.0e+00  }
0x77: {  	[tilespmem:s3+$0x10] =	vst v1  }
0x78: {  	v1 =	vld [tilespmem:s14+$0x20]  }
0x79: {  	v2 =	vld [tilespmem:s12+$0x20];
	_ =	sdelay $0x1  }
0x7a: {  	v3 =	vld [tilespmem:s0+$0x20];
	_ =	sdelay $0x2  }
0x7b: {  	v1 =	vadd.f32 v2, v1;
	_ =	sdelay $0x1  }
0x7c: {  	v1 =	vadd.f32 v3, v1;
	_ =	sdelay $0x1  }
0x7d: {  	v1 =	vmax.f32 v1, $0.0e+00  }
0x7e: {  	[tilespmem:s3+$0x20] =	vst v1  }
0x7f: {  	v1 =	vld [tilespmem:s14+$0x30]  }
0x80: {  	s13 =	simm.s32 $0x660;
	v3 =	vld [tilespmem:s12+$0x30]  }
0x81: {  	s11 =	simm.s32 $0x0;
	v2 =	vld [tilespmem:s0+$0x30];
	s14 =	simm.s32 $0x160;
	s12 =	simm.s32 $0xFE0  }
.LBB2_5:
0x82: {  	s11 =	sadd.s32 $0x8, s11;
	s3 =	sadd.s32 $0x80, s3;
	s0 =	sadd.s32 $0x80, s0  }
0x83: {  	p0 =	slt.u32 s11, $0x48;
	_ =	sdelay $0x1  }
0x84: {  	v1 =	vadd.f32 v3, v1;
	_ =	sdelay $0x1  }
0x85: {  	v1 =	vadd.f32 v2, v1;
	_ =	sdelay $0x1  }
0x86: {  	v1 =	vmax.f32 v1, $0.0e+00  }
0x87: {  	[tilespmem:s12+$0x30] =	vst v1;
	s12 =	smov.u32 s3  }
0x88: {  	v1 =	vld [tilespmem:s13+$0xFFFFFFC0]  }
0x89: {  	v2 =	vld [tilespmem:s14+$0xFFFFFFC0]  }
0x8a: {  	v3 =	vld [tilespmem:s0+$0xFFFFFFC0];
	_ =	sdelay $0x3  }
0x8b: {  	v1 =	vadd.f32 v1, v2;
	_ =	sdelay $0x1  }
0x8c: {  	v1 =	vadd.f32 v3, v1;
	_ =	sdelay $0x1  }
0x8d: {  	v1 =	vmax.f32 v1, $0.0e+00  }
0x8e: {  	[tilespmem:s3+$0xFFFFFFC0] =	vst v1  }
0x8f: {  	v1 =	vld [tilespmem:s14+$0xFFFFFFD0]  }
0x90: {  	v2 =	vld [tilespmem:s13+$0xFFFFFFD0];
	_ =	sdelay $0x1  }
0x91: {  	v3 =	vld [tilespmem:s0+$0xFFFFFFD0];
	_ =	sdelay $0x2  }
0x92: {  	v1 =	vadd.f32 v2, v1;
	_ =	sdelay $0x1  }
0x93: {  	v1 =	vadd.f32 v3, v1;
	_ =	sdelay $0x1  }
0x94: {  	v1 =	vmax.f32 v1, $0.0e+00  }
0x95: {  	[tilespmem:s3+$0xFFFFFFD0] =	vst v1  }
0x96: {  	v1 =	vld [tilespmem:s14+$0xFFFFFFE0]  }
0x97: {  	v2 =	vld [tilespmem:s13+$0xFFFFFFE0];
	_ =	sdelay $0x1  }
0x98: {  	v3 =	vld [tilespmem:s0+$0xFFFFFFE0];
	_ =	sdelay $0x2  }
0x99: {  	v1 =	vadd.f32 v2, v1;
	_ =	sdelay $0x1  }
0x9a: {  	v1 =	vadd.f32 v3, v1;
	_ =	sdelay $0x1  }
0x9b: {  	v1 =	vmax.f32 v1, $0.0e+00  }
0x9c: {  	[tilespmem:s3+$0xFFFFFFE0] =	vst v1  }
0x9d: {  	v1 =	vld [tilespmem:s14+$0xFFFFFFF0]  }
0x9e: {  	v2 =	vld [tilespmem:s13+$0xFFFFFFF0];
	_ =	sdelay $0x1  }
0x9f: {  	v3 =	vld [tilespmem:s0+$0xFFFFFFF0];
	_ =	sdelay $0x2  }
0xa0: {  	v1 =	vadd.f32 v2, v1;
	_ =	sdelay $0x1  }
0xa1: {  	v1 =	vadd.f32 v3, v1;
	_ =	sdelay $0x1  }
0xa2: {  	v1 =	vmax.f32 v1, $0.0e+00  }
0xa3: {  	[tilespmem:s3+$0xFFFFFFF0] =	vst v1  }
0xa4: {  	v1 =	vld [tilespmem:s14+$0x0]  }
0xa5: {  	v2 =	vld [tilespmem:s13+$0x0];
	_ =	sdelay $0x1  }
0xa6: {  	v3 =	vld [tilespmem:s0+$0x0];
	_ =	sdelay $0x2  }
0xa7: {  	v1 =	vadd.f32 v2, v1;
	_ =	sdelay $0x1  }
0xa8: {  	v1 =	vadd.f32 v3, v1;
	_ =	sdelay $0x1  }
0xa9: {  	v1 =	vmax.f32 v1, $0.0e+00  }
0xaa: {  	[tilespmem:s3+$0x0] =	vst v1  }
0xab: {  	v1 =	vld [tilespmem:s14+$0x10]  }
0xac: {  	v2 =	vld [tilespmem:s13+$0x10]  }
0xad: {  	v3 =	vld [tilespmem:s0+$0x10];
	_ =	sdelay $0x3  }
0xae: {  	v1 =	vadd.f32 v2, v1;
	_ =	sdelay $0x1  }
0xaf: {  	v1 =	vadd.f32 v3, v1;
	_ =	sdelay $0x1  }
0xb0: {  	v1 =	vmax.f32 v1, $0.0e+00  }
0xb1: {  	[tilespmem:s3+$0x10] =	vst v1  }
0xb2: {  	v1 =	vld [tilespmem:s14+$0x20]  }
0xb3: {  	v2 =	vld [tilespmem:s13+$0x20]  }
0xb4: {  	v3 =	vld [tilespmem:s0+$0x20];
	_ =	sdelay $0x3  }
0xb5: {  	v1 =	vadd.f32 v2, v1;
	_ =	sdelay $0x1  }
0xb6: {  	v1 =	vadd.f32 v3, v1;
	_ =	sdelay $0x1  }
.Ltmp1:
0xb7: {  	v1 =	vmax.f32 v1, $0.0e+00;
	(pc) =	sbr.rel @p0 .LBB2_5-.Ltmp1, $4  }
0xb8: {  	[tilespmem:s3+$0x20] =	vst v1  }
0xb9: {  	v1 =	vld [tilespmem:s14+$0x30]  }
0xba: {  	v3 =	vld [tilespmem:s13+$0x30]  }
0xbb: {  	s14 =	sadd.s32 $0x80, s14;
	s13 =	sadd.s32 $0x80, s13;
	v2 =	vld [tilespmem:s0+$0x30]  }
0xbc: {  	_ =	sdelay $0x2  }
0xbd: {  	v1 =	vadd.f32 v3, v1;
	_ =	sdelay $0x1  }
0xbe: {  	v1 =	vadd.f32 v2, v1;
	_ =	sdelay $0x1  }
0xbf: {  	v1 =	vmax.f32 v1, $0.0e+00  }
0xc0: {  	s0 =	sadd.s32 s9, s31;
	[tilespmem:s12+$0x30] =	vst v1  }
0xc1: {  	[hbm4b:s0+s7] =	stream.linear.scatter [tilespmem:s28], [sflag:$0x2], $0x500, $0x38;
	[tilespmem:$0xB2C0] =	vst v63  }
0xc2: {  	s30 =	sadd.s32 $0x1, s30  }
0xc3: {  	[spmem:s4] =	stream.indirect.scatter.add.f32 [tilespmem:s28], [sflag:$0x3], $0x10, s20, s20, $0xb8;
	[tilespmem:$0xB2C0] =	vst v63  }
0xc4: {  	p0 =	sne.s32 s30, $0x7D;
	_ =	swait.ge [sflag:s25], $0x500  }
.Ltmp2:
0xc5: {  	[sflag:s25] =	ssyncset.done $0x0;
	(pc) =	sbr.rel @p0 .LBB2_4-.Ltmp2, $4  }
0xc6: {  	[sflag:s25] =	ssyncadd.s32 $0xFFFFFB00  }
0xc7: {  	_ =	swait.ge [sflag:s26], $0x500  }
0xc8: {  	[sflag:s26] =	ssyncset.done $0x0  }
0xc9: {  	[sflag:s26] =	ssyncadd.s32 $0xFFFFFB00  }
0xca: {  	[bflag:$0x0] =	sbarrier.arrive $0xFFFF  }
0xcb: {  	[tilespmem:s18], [sflag:$0x4] =	stream.linear.gather [spmem:s10], $0x2800, $0x38;
	[tilespmem:$0xB2C0] =	vst v63  }
0xcc: {  	s29 =	sadd.s32 $0x1, s29;
	_ =	swait.ge [sflag:s19], $0x2800  }
0xcd: {  	p0 =	sne.s32 s29, s17;
	[sflag:s19] =	ssyncset.done $0x0  }
.Ltmp3:
0xce: {  	[sflag:s19] =	ssyncadd.s32 $0xFFFFD800;
	(pc) =	sbr.rel @p0 .LBB2_1-.Ltmp3, $4  }
0xcf: {  	[hbm4b:s16+s7] =	stream.linear.scatter [tilespmem:s18], [sflag:$0x4], $0x2800, $0x38;
	[tilespmem:$0xB2C0] =	vst v63  }
0xd0: {  	_ =	swait.ge [sflag:s19], $0x2800  }
0xd1: {  	[sflag:s19] =	ssyncset.done $0x0  }
0xd2: {  	[sflag:s19] =	ssyncadd.s32 $0xFFFFD800  }
0xd3: {  	_ =	sfence.sel $0x180000  }
0xd4: {  	[bflag:$0x0] =	sbarrier.arrive $0xFFFF  }
0xd5: {  	_ =	strace $0x9000004A  }
0xd6: {  	s0 =	stileid.u32;
	[bflag:$0x2] =	sbarrier.arrive $0xFFFF  }
0xd7: {  	p0 =	sne.s32 s0, $0x0;
	s0 =	rddreg [dreg:$0x7]  }
0xd8: {  	s0 =	sadd.s32 @!p0 $0x100000, s0  }
0xd9: {  	[sflag:s0] =	ssyncadd.tile.s32 @!p0 $0x1;
	_ =	shalt  }
.Lfunc_end2:
_tile_overlayer_lowered:
.L_overlay_start_2:
0xda: {  	(tag) =	ssettag $0x2  }
0xdb: {  	s0 =	rddreg [dreg:$0x0];
	s2 =	stileid.u32  }
0xdc: {  	s1 =	rddreg [dreg:$0x1];
	p0 =	sne.s32 s2, $0x0  }
0xdd: {  	s3 =	rddreg [dreg:$0x2];
	[bflag:$0x3] =	sbarrier.arrive $0xFFFF;
	s2 =	simm.s32 @!p0 $0x1C04  }
0xde: {  	[timem:s3], [sflag:s2] =	dma.local @!p0 [hbm:s0], s1  }
0xdf: {  	s0 =	simm.s32 @!p0 $0x4  }
0xe0: {  	_ =	swait.ge @!p0 [sflag:s0], s1  }
0xe1: {  	s1 =	ssub.s32 @!p0 $0x0, s1;
	[sflag:s0] =	ssyncset.done @!p0 $0x0  }
0xe2: {  	[sflag:s0] =	ssyncadd.s32 @!p0 s1  }
0xe3: {  	[bflag:$0x3] =	sbarrier.arrive $0xFFFF  }
0xe4: {  	_ =	shalt  }

// kernel: kernel.19.cloned.1.call-start
scs
__scs_entry_jumppad:
0x0: {  	(pc) =	sbr.rel $0x88, $3  }
0x1: {  	(tag) =	ssettag $0x0;
	lr =	simm.s32 $0x1  }
0x2: {  	[smem:$0x3F5A] =	sst lr;
	_ =	strace $0xD0000000  }
0x3: {  	_ = 	snop  }
0x4: {  	_ = 	snop  }
0x5: {  	_ = 	snop  }
0x6: {  	_ = 	snop  }
0x7: {  	_ = 	snop  }
__scs_overlays_trampoline_lowered:
0x8: {  	[smem:$0x3F69] =	sst s0  }
0x9: {  	[smem:$0x3F6A] =	sst s1  }
0xa: {  	[smem:$0x3F6B] =	sst s2  }
0xb: {  	[smem:$0x3F6C] =	sst s3  }
0xc: {  	[smem:$0x3F6D] =	sst s4  }
0xd: {  	[smem:$0x3F6E] =	sst s5  }
0xe: {  	[smem:$0x3F6F] =	sst s6  }
0xf: {  	[smem:$0x3F70] =	sst s7  }
0x10: {  	[smem:$0x3F71] =	sst s8  }
0x11: {  	[smem:$0x3F72] =	sst s9;
	s0 =	simm.s32 @!p0 $0x0  }
0x12: {  	s1 =	sld [smem:$0x3F58];
	s0 =	simm.s32 @p0 $0x1  }
0x13: {  	[smem:$0x3F73] =	sst s0;
	s0 =	simm.s32 @!p1 $0x0  }
0x14: {  	s2 =	sld [smem:$0x3F57];
	s0 =	simm.s32 @p1 $0x1  }
0x15: {  	[smem:$0x3F74] =	sst s0;
	s0 =	simm.s32 @!p2 $0x0  }
0x16: {  	s3 =	sld [smem:$0x3FDB];
	s0 =	simm.s32 @p2 $0x1  }
0x17: {  	s4 =	simm.s32 $0x1BF5;
	[smem:$0x3F76] =	sst s0  }
0x18: {  	s0 =	sld [smem:$0x3F59];
	_ =	swait.ge [sflag:s4], $0x0  }
0x19: {  	s7 =	sld [smem:$0x3F5A]  }
0x1a: {  	s8 =	sadd.s32 $0xFFFFE003, lr  }
0x1b: {  	s9 =	sadd.s32 $0xFFFFFEF7, lr;
	s5 =	simm.s32 $0xFFFFFFFF;
	p2 =	slt.u32 s8, $0xFFFFF086  }
0x1c: {  	p1 =	slt.u32 s9, $0xF7A;
	s5 =	simm.s32 @!p2 $0x0  }
0x1d: {  	s5 =	simm.s32 @p1 $0x1;
	p0 =	seq.s32 s7, s2  }
0x1e: {  	s7 =	smul.u32 @!p0 $0xF7A, s2;
	p2 =	seq.s32 @!p0 s5, $0x0  }
0x1f: {  	s9 =	smul.u32 $0xF7A, s1;
	s8 =	simm.s32 @!p0 $0x1BF5;
	p2 =	por !p2, p0  }
0x20: {  	[sflag:s8] =	ssyncset.s32 @!p0 $0xFFFFF086;
	s6 =	sadd.s32 @!p0 s3, s7;
	s7 =	simm.s32 @!p0 $0x108  }
0x21: {  	s3 =	sadd.s32 s3, s9;
	s6 =	sadd.s32 @!p0 $0x88, s6;
	s7 =	simm.s32 @p2 $0x1082  }
0x22: {  	[simem:s7], [sflag:s8] =	dma.local @!p0 [hbm:s6], $0xF7A  }
0x23: {  	s9 =	sor.u32 $0xD0000000, s2;
	s6 =	simm.s32 $0x108;
	_ =	swait.ge @!p0 [sflag:s8], $0x0  }
0x24: {  	s3 =	sadd.s32 $0x88, s3;
	s6 =	simm.s32 @!p1 $0x1082;
	[sflag:s4] =	ssyncset.s32 $0xFFFFF086  }
0x25: {  	[simem:s6], [sflag:s4] =	dma.local [hbm:s3], $0xF7A  }
0x26: {  	[smem:$0x3F5A] =	sst s1;
	(tag) =	ssettag s2;
	_ =	strace s9  }
0x27: {  	s1 =	sld [smem:$0x3F6A]  }
0x28: {  	s2 =	sld [smem:$0x3F6B]  }
0x29: {  	s4 =	sld [smem:$0x3F6D]  }
0x2a: {  	p0 =	seq.s32 s5, $0x0;
	s5 =	sld [smem:$0x3F6E]  }
0x2b: {  	s6 =	sld [smem:$0x3F6F]  }
0x2c: {  	s7 =	sld [smem:$0x3F70]  }
0x2d: {  	s3 =	simm.s32 $0x108;
	s8 =	sld [smem:$0x3F71]  }
0x2e: {  	s3 =	simm.s32 @!p0 $0x1082;
	s9 =	sld [smem:$0x3F72]  }
0x2f: {  	lr =	sadd.s32 s0, s3;
	s0 =	sld [smem:$0x3F69]  }
0x30: {  	s3 =	sld [smem:$0x3F6C]  }
0x31: {  	[smem:$0x3F75] =	sst s10  }
0x32: {  	s10 =	sld [smem:$0x3F73];
	_ =	sdelay $0x3  }
0x33: {  	p0 =	seq.s32 s10, $0x1;
	s10 =	sld [smem:$0x3F75];
	_ =	sdelay $0x3  }
0x34: {  	[smem:$0x3F75] =	sst s10  }
0x35: {  	s10 =	sld [smem:$0x3F74];
	_ =	sdelay $0x3  }
0x36: {  	p1 =	seq.s32 s10, $0x1;
	s10 =	sld [smem:$0x3F75];
	_ =	sdelay $0x3  }
0x37: {  	[smem:$0x3F75] =	sst s10  }
0x38: {  	s10 =	sld [smem:$0x3F76]  }
0x39: {  	_ = 	snop;
	(pc) =	sbr.ind lr, $3  }
0x3a: {  	_ = 	snop  }
0x3b: {  	_ = 	snop  }
0x3c: {  	p2 =	seq.s32 s10, $0x1;
	s10 =	sld [smem:$0x3F75]  }
0x3d: {  	_ =	shalt  }
0x3e: {  	_ =	shalt  }
0x3f: {  	_ =	shalt  }
0x40: {  	_ =	shalt  }
0x41: {  	_ =	shalt  }
0x42: {  	_ =	shalt  }
0x43: {  	_ =	shalt  }
0x44: {  	_ =	shalt  }
0x45: {  	_ =	shalt  }
0x46: {  	_ =	shalt  }
0x47: {  	_ =	shalt  }
0x48: {  	_ =	shalt  }
0x49: {  	_ =	shalt  }
0x4a: {  	_ =	shalt  }
0x4b: {  	_ =	shalt  }
0x4c: {  	_ =	shalt  }
0x4d: {  	_ =	shalt  }
0x4e: {  	_ =	shalt  }
0x4f: {  	_ =	shalt  }
0x50: {  	_ =	shalt  }
0x51: {  	_ =	shalt  }
0x52: {  	_ =	shalt  }
0x53: {  	_ =	shalt  }
0x54: {  	_ =	shalt  }
0x55: {  	_ =	shalt  }
0x56: {  	_ =	shalt  }
0x57: {  	_ =	shalt  }
0x58: {  	_ =	shalt  }
0x59: {  	_ =	shalt  }
0x5a: {  	_ =	shalt  }
0x5b: {  	_ =	shalt  }
0x5c: {  	_ =	shalt  }
0x5d: {  	_ =	shalt  }
0x5e: {  	_ =	shalt  }
0x5f: {  	_ =	shalt  }
0x60: {  	_ =	shalt  }
0x61: {  	_ =	shalt  }
0x62: {  	_ =	shalt  }
0x63: {  	_ =	shalt  }
0x64: {  	_ =	shalt  }
0x65: {  	_ =	shalt  }
0x66: {  	_ =	shalt  }
0x67: {  	_ =	shalt  }
0x68: {  	_ =	shalt  }
0x69: {  	_ =	shalt  }
0x6a: {  	_ =	shalt  }
0x6b: {  	_ =	shalt  }
0x6c: {  	_ =	shalt  }
0x6d: {  	_ =	shalt  }
0x6e: {  	_ =	shalt  }
0x6f: {  	_ =	shalt  }
0x70: {  	_ =	shalt  }
0x71: {  	_ =	shalt  }
0x72: {  	_ =	shalt  }
0x73: {  	_ =	shalt  }
0x74: {  	_ =	shalt  }
0x75: {  	_ =	shalt  }
0x76: {  	_ =	shalt  }
0x77: {  	_ =	shalt  }
0x78: {  	_ =	shalt  }
0x79: {  	_ =	shalt  }
0x7a: {  	_ =	shalt  }
0x7b: {  	_ =	shalt  }
0x7c: {  	_ =	shalt  }
0x7d: {  	_ =	shalt  }
0x7e: {  	_ =	shalt  }
0x7f: {  	_ =	shalt  }
0x80: {  	_ =	shalt  }
0x81: {  	_ =	shalt  }
0x82: {  	_ =	shalt  }
0x83: {  	_ =	shalt  }
0x84: {  	_ =	shalt  }
0x85: {  	_ =	shalt  }
0x86: {  	_ =	shalt  }
0x87: {  	_ =	shalt  }
.Lfunc_end0:
.L_simem_size_0:
called_computation.2_lowered:
.L_overlay_start_0:
0x88: {  	s2 =	sld [smem:$0x3FD9]  }
0x89: {  	s3 =	sld [smem:$0x3FFE];
	_ =	sdelay $0x1  }
0x8a: {  	s1 =	srdreg.scid  }
0x8b: {  	s0 =	sand.u32 $0x1, s1  }
0x8c: {  	s14 =	sshll.u32 s0, $0xA;
	s2 =	sadd.s32 s3, s2  }
0x8d: {  	s2 =	sadd.s32 s2, s14  }
0x8e: {  	[smem:$0x3F81] =	sst s2  }
0x8f: {  	_ = 	snop  }
0x90: {  	s2 =	sld [smem:$0x3FD0];
	_ =	sdelay $0x1  }
0x91: {  	s15 =	sld [smem:$0x3FC6]  }
0x92: {  	s5 =	simm.s32 $0xA;
	s6 =	simm.s32 $0x10;
	s4 =	sld [smem:$0x3FC5]  }
0x93: {  	[smem:s6], [sflag:s5] =	dma.local [hbm:s2], $0x1  }
0x94: {  	_ =	swait.eq [sflag:s5], $0x1  }
0x95: {  	[sflag:s5] =	ssyncset.done $0x0  }
0x96: {  	[sflag:s5] =	ssyncadd.s32 $0xFFFFFFFF  }
0x97: {  	s16 =	sld [smem:$0x11];
	(tm) =	ssettm $0x1  }
0x98: {  	s17 =	sld [smem:$0x3FFB];
	_ =	sdelay $0x3  }
0x99: {  	_ =	strace s17  }
0x9a: {  	s5 =	sld [smem:$0x3FFC];
	_ =	sdelay $0x3  }
0x9b: {  	_ =	strace s5  }
0x9c: {  	s5 =	sld [smem:$0x3FFD];
	_ =	sdelay $0x3  }
0x9d: {  	_ =	strace s5  }
0x9e: {  	_ =	strace $0x8FFFFFFF  }
0x9f: {  	s18 =	sld [smem:$0x3FDB];
	_ =	sdelay $0x1  }
0xa0: {  	s19 =	simm.s32 $_scs_section_size  }
0xa1: {  	s7 =	simm.s32 $_size__tile_overlayer_lowered;
	s8 =	simm.s32 $_tile_overlayer_lowered  }
0xa2: {  	s22 =	simm.s32 $0x1BFF;
	s21 =	sshll.u32 s8, $0x1;
	s5 =	sadd.s32 s19, s18  }
0xa3: {  	s9 =	simm.s32 $0x0;
	s20 =	sshll.u32 s7, $0x1;
	s7 =	sadd.s32 s21, s5  }
0xa4: {  	[timem:s9], [sflag:s22] =	dma.local [hbm:s7], s20  }
0xa5: {  	_ =	swait.ge [sflag:s22], s20  }
0xa6: {  	s6 =	ssub.s32 $0x0, s20;
	[sflag:s22] =	ssyncset.done $0x0  }
0xa7: {  	[sflag:s22] =	ssyncadd.s32 s6;
	_ =	sdelay $0x1  }
0xa8: {  	s23 =	simm.s32 $0x1B8B  }
0xa9: {  	_ =	swait.ge [sflag:s23], $0x1  }
0xaa: {  	[sflag:s23] =	ssyncset.done $0x0  }
0xab: {  	s25 =	simm.s32 $0x1B8E;
	s24 =	sld [smem:$0x3FFE];
	[sflag:s23] =	ssyncadd.s32 $0xFFFFFFFF  }
0xac: {  	s26 =	simm.s32 $execute0_lowered;
	[smem:$0x3FD2] =	sst s25  }
0xad: {  	s7 =	sshll.u32 s26, $0x1;
	_ =	strace $0x8000004C;
	[dreg:$0x1] =	wrdreg $0xFFFFFFFF  }
0xae: {  	s28 =	simm.s32 $_size_execute0_lowered;
	s5 =	sadd.s32 s5, s7;
	[dreg:$0x0] =	wrdreg $0x0  }
0xaf: {  	s7 =	sshll.u32 s28, $0x1;
	[dreg:$0x2] =	wrdreg s5  }
0xb0: {  	[dreg:$0x3] =	wrdreg s7  }
0xb1: {  	[dreg:$0x4] =	wrdreg $0xC0  }
0xb2: {  	_ =	task [dreg:s9], $0x5FFFF  }
0xb3: {  	[dreg:$0x1] =	wrdreg $0xFFFFFFFF  }
0xb4: {  	[dreg:$0x0] =	wrdreg $0x60  }
0xb5: {  	[dreg:$0x2] =	wrdreg s24  }
0xb6: {  	[dreg:$0x3] =	wrdreg s15  }
0xb7: {  	[dreg:$0x4] =	wrdreg s4  }
0xb8: {  	[dreg:$0x5] =	wrdreg s16  }
0xb9: {  	[dreg:$0x6] =	wrdreg $0x3CA00  }
0xba: {  	[dreg:$0x7] =	wrdreg $0x64A00  }
0xbb: {  	[dreg:$0x8] =	wrdreg $0x8BB00  }
0xbc: {  	[dreg:$0x9] =	wrdreg $0x9  }
0xbd: {  	_ =	task.clear_ibuf [dreg:s9], $0xAFFFF;
	_ =	strace $0x9000004C  }
0xbe: {  	s29 =	simm.s32 $0x9;
	_ =	strace $0x8000004E  }
0xbf: {  	_ =	swait.ge [sflag:s29], $0x1  }
0xc0: {  	[sflag:s29] =	ssyncadd.s32 $0xFFFFFFFF  }
0xc1: {  	_ =	strace $0x9000004E  }
0xc2: {  	_ =	sfence  }
0xc3: {  	s30 =	sld [smem:$0x0];
	_ =	sdelay $0x2  }
0xc4: {  	s31 =	sshll.u32 s1, $0xD;
	s1 =	sshrl.u32 s1, $0x2  }
0xc5: {  	s3 =	sand.u32 $0x4000, s31;
	s1 =	sadd.s32 s1, s30  }
0xc6: {  	s0 =	sor.u32 s3, s0;
	s1 =	sshll.u32 s1, $0x11  }
0xc7: {  	s0 =	sor.u32 s1, s0  }
0xc8: {  	s0 =	sadd.s32 $0x8F2B, s0  }
0xc9: {  	[sflag:s0] =	ssyncadd.remote.s32 $0x1  }
0xca: {  	_ =	sfence.sel $0xFFFF  }
0xcb: {  	[dreg:$0x0] =	wrdreg $0xFFFFFFFF;
	(pc) =	sbr.abs _section_cstart, $3  }
0xcc: {  	[dreg:$0x1] =	wrdreg $0xFFFFFFFF  }
0xcd: {  	_ =	task.clear_ibuf [dreg:s9], $0x2FFFF;
	_ =	strace $0x9FFFFFFF  }
0xce: {  	(tm) =	ssettm $0x7FFFFFFF  }
0xcf: {  	_ =	shalt  }
tec
execute0_lowered:
.L_overlay_start_1:
0x0: {  	(tag) =	ssettag $0x1  }
0x1: {  	s0 =	rddreg [dreg:$0x0]  }
0x2: {  	s1 =	rddreg [dreg:$0x1]  }
0x3: {  	s2 =	rddreg [dreg:$0x2]  }
0x4: {  	s3 =	rddreg [dreg:$0x3]  }
0x5: {  	s4 =	rddreg [dreg:$0x4]  }
0x6: {  	s5 =	rddreg [dreg:$0x5]  }
0x7: {  	s6 =	rddreg [dreg:$0x6]  }
0x8: {  	s18 =	stileid.u32;
	s8 =	srdreg.scid  }
0x9: {  	s7 =	simm.s32 $0x0;
	s19 =	simm.s32 $0x4;
	s20 =	simm.s32 $0x50  }
0xa: {  	s21 =	simm.s32 $0xA0;
	s22 =	simm.s32 $0x1;
	s23 =	simm.s32 $0x5A0  }
0xb: {  	s28 =	simm.s32 $0xFA0;
	s29 =	simm.s32 $0x0;
	s11 =	smul.u32 $0x2710, s18  }
0xc: {  	s10 =	sand.u32 $0x1, s8;
	s12 =	smul.u32 $0x2800, s18;
	[smem:$0x7FF] =	sst s7  }
0xd: {  	s8 =	sadd.s32 $0x4CE00, s0;
	s9 =	smul.u32 $0x28000, s10;
	_ =	strace $0x8000004D  }
0xe: {  	s16 =	ssub.s32 $0x2, s10;
	s10 =	sshll.u32 s10, $0x4;
	s13 =	sshrl.u32 s11, $0x3  }
0xf: {  	s24 =	sshrl.u32 s16, $0x1;
	s25 =	sor.u32 s18, s10;
	s10 =	sadd.s32 s12, s4  }
0x10: {  	s26 =	sadd.s32 s11, s5;
	s31 =	sadd.s32 s11, s6;
	s18 =	simm.s32 $0x14A0  }
0x11: {  	s14 =	sadd.s32 s13, s0;
	s15 =	sadd.s32 s12, s9;
	s9 =	sadd.s32 $0xF4000, s0  }
0x12: {  	s17 =	ssub.s32 s16, s24;
	s3 =	sadd.s32 s3, s13;
	[dreg:$0x9] =	wrdreg s26  }
0x13: {  	[dreg:$0xb] =	wrdreg s31;
	s24 =	simm.s32 $0xAA0;
	s26 =	simm.s32 $0x3  }
0x14: {  	s15 =	sshrl.u32 s15, $0x3;
	[dreg:$0x8] =	wrdreg s3;
	s30 =	sadd.s32 $0xCE00, s14  }
0x15: {  	s17 =	smax.u32 s17, $0x1;
	s0 =	sadd.s32 s15, s0;
	[dreg:$0xa] =	wrdreg s30  }
0x16: {  	v0 =	vimm.f32 $0.0e+00;
	s15 =	smul.u32 $0x2710, s25;
	s25 =	simm.s32 $0x2;
	s16 =	sadd.s32 $0xEA000, s0  }
.LBB2_1:
0x17: {  	s0 =	simm.s32 $0x40;
	s3 =	simm.s32 $0x0  }
.LBB2_2:
0x18: {  	p0 =	sne.s32 s0, $0x9FC0;
	[tilespmem:s3+$0x14A0] =	vst v0;
	s3 =	smov.u32 s0;
	s0 =	sadd.s32 $0x40, s0  }
.Ltmp0:
0x19: {  	(pc) =	sbr.rel @p0 .LBB2_2-.Ltmp0, $2  }
0x1a: {  	_ =	sdelay $0x2  }
0x1b: {  	s3 =	sshra.s32 s3, $0x2  }
0x1c: {  	[tilespmem:s3+$0x14A0] =	vst v0  }
0x1d: {  	[spmem:s10] =	stream.linear.scatter [tilespmem:s18], [sflag:$0x4], $0x2800, $0x38;
	[tilespmem:$0xB2C0] =	vst v63  }
0x1e: {  	_ =	swait.ge [sflag:s19], $0x2800  }
0x1f: {  	[sflag:s19] =	ssyncset.done $0x0  }
0x20: {  	s30 =	simm.s32 $0x0;
	s0 =	rddreg [dreg:$0x8];
	[sflag:s19] =	ssyncadd.s32 $0xFFFFD800  }
0x21: {  	[tilespmem:s18], [sflag:$0x4] =	stream.linear.gather [hbm4b:s0+s30], $0x2710, $0x38;
	[tilespmem:$0xB2C0] =	vst v63  }
0x22: {  	_ =	swait.ge [sflag:s19], $0x2710  }
0x23: {  	[sflag:s19] =	ssyncset.done $0x0  }
0x24: {  	s13 =	rddreg [dreg:$0x9];
	[sflag:s19] =	ssyncadd.s32 $0xFFFFD8F0  }
0x25: {  	[spmem:s13] =	stream.linear.scatter [tilespmem:s18], [sflag:$0x4], $0x2710, $0x38;
	[tilespmem:$0xB2C0] =	vst v63  }
0x26: {  	_ =	swait.ge [sflag:s19], $0x2710  }
0x27: {  	[sflag:s19] =	ssyncset.done $0x0  }
0x28: {  	s14 =	rddreg [dreg:$0xa];
	[sflag:s19] =	ssyncadd.s32 $0xFFFFD8F0  }
0x29: {  	[tilespmem:s18], [sflag:$0x4] =	stream.linear.gather [hbm4b:s14+s30], $0x2710, $0x38;
	[tilespmem:$0xB2C0] =	vst v63  }
0x2a: {  	_ =	swait.ge [sflag:s19], $0x2710  }
0x2b: {  	[sflag:s19] =	ssyncset.done $0x0  }
0x2c: {  	s31 =	rddreg [dreg:$0xb];
	[sflag:s19] =	ssyncadd.s32 $0xFFFFD8F0  }
0x2d: {  	[spmem:s31] =	stream.linear.scatter [tilespmem:s18], [sflag:$0x4], $0x2710, $0x38;
	[tilespmem:$0xB2C0] =	vst v63  }
0x2e: {  	_ =	swait.ge [sflag:s19], $0x2710  }
0x2f: {  	[sflag:s19] =	ssyncset.done $0x0  }
0x30: {  	[sflag:s19] =	ssyncadd.s32 $0xFFFFD8F0  }
0x31: {  	[bflag:$0x0] =	sbarrier.arrive $0xFFFF  }
.LBB2_4:
0x32: {  	s0 =	smul.u32 $0x50, s30;
	_ =	sdelay $0x1  }
0x33: {  	s0 =	sadd.s32 s15, s0  }
0x34: {  	s3 =	sshrl.u32 s0, $0x3  }
0x35: {  	s11 =	sadd.s32 s1, s3  }
0x36: {  	[tilespmem:s7], [sflag:$0x1] =	stream.linear.gather [hbm4b:s11+s7], $0x50, $0x38;
	[tilespmem:$0xB2C0] =	vst v63  }
0x37: {  	s31 =	sshll.u32 s0, $0x1;
	s3 =	sadd.s32 s2, s3  }
0x38: {  	[tilespmem:s20], [sflag:$0x1] =	stream.linear.gather [hbm4b:s3+s7], $0x50, $0x38;
	[tilespmem:$0xB2C0] =	vst v63  }
0x39: {  	s0 =	sadd.s32 s8, s31  }
0x3a: {  	[tilespmem:s21], [sflag:$0x1] =	stream.linear.gather [hbm4b:s0+s7], $0x500, $0x38;
	[tilespmem:$0xB2C0] =	vst v63  }
0x3b: {  	_ =	swait.ge [sflag:s22], $0x50  }
0x3c: {  	[sflag:s22] =	ssyncset.done $0x0  }
0x3d: {  	[sflag:s22] =	ssyncadd.s32 $0xFFFFFFB0  }
0x3e: {  	_ =	swait.ge [sflag:s22], $0x50  }
0x3f: {  	[sflag:s22] =	ssyncset.done $0x0  }
0x40: {  	[sflag:s22] =	ssyncadd.s32 $0xFFFFFFB0  }
0x41: {  	_ =	swait.ge [sflag:s22], $0x500  }
0x42: {  	[sflag:s22] =	ssyncset.done $0x0  }
0x43: {  	[sflag:s22] =	ssyncadd.s32 $0xFFFFFB00  }
0x44: {  	[tilespmem:s23], [sflag:$0x2] =	stream.indirect.gather [spmem:s5], $0x10, s7, s20, $0xb8;
	[tilespmem:$0xB2C0] =	vst v63  }
0x45: {  	_ = 	snop  }
0x46: {  	[tilespmem:s24], [sflag:$0x3] =	stream.indirect.gather [spmem:s6], $0x10, s20, s20, $0xb8;
	[tilespmem:$0xB2C0] =	vst v63  }
0x47: {  	_ =	swait.ge [sflag:s25], $0x500  }
0x48: {  	[sflag:s25] =	ssyncset.done $0x0  }
0x49: {  	[sflag:s25] =	ssyncadd.s32 $0xFFFFFB00  }
0x4a: {  	_ =	swait.ge [sflag:s26], $0x500  }
0x4b: {  	[sflag:s26] =	ssyncset.done $0x0  }
0x4c: {  	s12 =	simm.s32 $0x5E0;
	[sflag:s26] =	ssyncadd.s32 $0xFFFFFB00  }
0x4d: {  	s14 =	simm.s32 $0xE0;
	v1 =	vld [tilespmem:s12+$0xFFFFFFC0]  }
0x4e: {  	v2 =	vld [tilespmem:s14+$0xFFFFFFC0]  }
0x4f: {  	s0 =	simm.s32 $0xAE0  }
0x50: {  	v3 =	vld [tilespmem:s0+$0xFFFFFFC0];
	_ =	sdelay $0x2  }
0x51: {  	v1 =	vadd.f32 v1, v2;
	_ =	sdelay $0x1  }
0x52: {  	v1 =	vadd.f32 v3, v1;
	_ =	sdelay $0x1  }
0x53: {  	s3 =	simm.s32 $0xFE0;
	v1 =	vmax.f32 v1, $0.0e+00  }
0x54: {  	[tilespmem:s3+$0xFFFFFFC0] =	vst v1  }
0x55: {  	v1 =	vld [tilespmem:s14+$0xFFFFFFD0]  }
0x56: {  	v2 =	vld [tilespmem:s12+$0xFFFFFFD0];
	_ =	sdelay $0x1  }
0x57: {  	v3 =	vld [tilespmem:s0+$0xFFFFFFD0];
	_ =	sdelay $0x2  }
0x58: {  	v1 =	vadd.f32 v2, v1;
	_ =	sdelay $0x1  }
0x59: {  	v1 =	vadd.f32 v3, v1;
	_ =	sdelay $0x1  }
0x5a: {  	v1 =	vmax.f32 v1, $0.0e+00  }
0x5b: {  	[tilespmem:s3+$0xFFFFFFD0] =	vst v1  }
0x5c: {  	v1 =	vld [tilespmem:s14+$0xFFFFFFE0]  }
0x5d: {  	v2 =	vld [tilespmem:s12+$0xFFFFFFE0];
	_ =	sdelay $0x1  }
0x5e: {  	v3 =	vld [tilespmem:s0+$0xFFFFFFE0];
	_ =	sdelay $0x2  }
0x5f: {  	v1 =	vadd.f32 v2, v1;
	_ =	sdelay $0x1  }
0x60: {  	v1 =	vadd.f32 v3, v1;
	_ =	sdelay $0x1  }
0x61: {  	v1 =	vmax.f32 v1, $0.0e+00  }
0x62: {  	[tilespmem:s3+$0xFFFFFFE0] =	vst v1  }
0x63: {  	v1 =	vld [tilespmem:s14+$0xFFFFFFF0]  }
0x64: {  	v2 =	vld [tilespmem:s12+$0xFFFFFFF0];
	_ =	sdelay $0x1  }
0x65: {  	v3 =	vld [tilespmem:s0+$0xFFFFFFF0];
	_ =	sdelay $0x2  }
0x66: {  	v1 =	vadd.f32 v2, v1;
	_ =	sdelay $0x1  }
0x67: {  	v1 =	vadd.f32 v3, v1;
	_ =	sdelay $0x1  }
0x68: {  	v1 =	vmax.f32 v1, $0.0e+00  }
0x69: {  	[tilespmem:s3+$0xFFFFFFF0] =	vst v1  }
0x6a: {  	v1 =	vld [tilespmem:s14+$0x0]  }
0x6b: {  	v2 =	vld [tilespmem:s12+$0x0];
	_ =	sdelay $0x1  }
0x6c: {  	v3 =	vld [tilespmem:s0+$0x0];
	_ =	sdelay $0x2  }
0x6d: {  	v1 =	vadd.f32 v2, v1;
	_ =	sdelay $0x1  }
0x6e: {  	v1 =	vadd.f32 v3, v1;
	_ =	sdelay $0x1  }
0x6f: {  	v1 =	vmax.f32 v1, $0.0e+00  }
0x70: {  	[tilespmem:s3+$0x0] =	vst v1  }
0x71: {  	v1 =	vld [tilespmem:s14+$0x10]  }
0x72: {  	v2 =	vld [tilespmem:s12+$0x10];
	_ =	sdelay $0x1  }
0x73: {  	v3 =	vld [tilespmem:s0+$0x10];
	_ =	sdelay $0x2  }
0x74: {  	v1 =	vadd.f32 v2, v1;
	_ =	sdelay $0x1  }
0x75: {  	v1 =	vadd.f32 v3, v1;
	_ =	sdelay $0x1  }
0x76: {  	v1 =	vmax.f32 v1, $0.0e+00  }
0x77: {  	[tilespmem:s3+$0x10] =	vst v1  }
0x78: {  	v1 =	vld [tilespmem:s14+$0x20]  }
0x79: {  	v2 =	vld [tilespmem:s12+$0x20];
	_ =	sdelay $0x1  }
0x7a: {  	v3 =	vld [tilespmem:s0+$0x20];
	_ =	sdelay $0x2  }
0x7b: {  	v1 =	vadd.f32 v2, v1;
	_ =	sdelay $0x1  }
0x7c: {  	v1 =	vadd.f32 v3, v1;
	_ =	sdelay $0x1  }
0x7d: {  	v1 =	vmax.f32 v1, $0.0e+00  }
0x7e: {  	[tilespmem:s3+$0x20] =	vst v1  }
0x7f: {  	v1 =	vld [tilespmem:s14+$0x30]  }
0x80: {  	s13 =	simm.s32 $0x660;
	v3 =	vld [tilespmem:s12+$0x30]  }
0x81: {  	s11 =	simm.s32 $0x0;
	v2 =	vld [tilespmem:s0+$0x30];
	s14 =	simm.s32 $0x160;
	s12 =	simm.s32 $0xFE0  }
.LBB2_5:
0x82: {  	s11 =	sadd.s32 $0x8, s11;
	s3 =	sadd.s32 $0x80, s3;
	s0 =	sadd.s32 $0x80, s0  }
0x83: {  	p0 =	slt.u32 s11, $0x48;
	_ =	sdelay $0x1  }
0x84: {  	v1 =	vadd.f32 v3, v1;
	_ =	sdelay $0x1  }
0x85: {  	v1 =	vadd.f32 v2, v1;
	_ =	sdelay $0x1  }
0x86: {  	v1 =	vmax.f32 v1, $0.0e+00  }
0x87: {  	[tilespmem:s12+$0x30] =	vst v1;
	s12 =	smov.u32 s3  }
0x88: {  	v1 =	vld [tilespmem:s13+$0xFFFFFFC0]  }
0x89: {  	v2 =	vld [tilespmem:s14+$0xFFFFFFC0]  }
0x8a: {  	v3 =	vld [tilespmem:s0+$0xFFFFFFC0];
	_ =	sdelay $0x3  }
0x8b: {  	v1 =	vadd.f32 v1, v2;
	_ =	sdelay $0x1  }
0x8c: {  	v1 =	vadd.f32 v3, v1;
	_ =	sdelay $0x1  }
0x8d: {  	v1 =	vmax.f32 v1, $0.0e+00  }
0x8e: {  	[tilespmem:s3+$0xFFFFFFC0] =	vst v1  }
0x8f: {  	v1 =	vld [tilespmem:s14+$0xFFFFFFD0]  }
0x90: {  	v2 =	vld [tilespmem:s13+$0xFFFFFFD0];
	_ =	sdelay $0x1  }
0x91: {  	v3 =	vld [tilespmem:s0+$0xFFFFFFD0];
	_ =	sdelay $0x2  }
0x92: {  	v1 =	vadd.f32 v2, v1;
	_ =	sdelay $0x1  }
0x93: {  	v1 =	vadd.f32 v3, v1;
	_ =	sdelay $0x1  }
0x94: {  	v1 =	vmax.f32 v1, $0.0e+00  }
0x95: {  	[tilespmem:s3+$0xFFFFFFD0] =	vst v1  }
0x96: {  	v1 =	vld [tilespmem:s14+$0xFFFFFFE0]  }
0x97: {  	v2 =	vld [tilespmem:s13+$0xFFFFFFE0];
	_ =	sdelay $0x1  }
0x98: {  	v3 =	vld [tilespmem:s0+$0xFFFFFFE0];
	_ =	sdelay $0x2  }
0x99: {  	v1 =	vadd.f32 v2, v1;
	_ =	sdelay $0x1  }
0x9a: {  	v1 =	vadd.f32 v3, v1;
	_ =	sdelay $0x1  }
0x9b: {  	v1 =	vmax.f32 v1, $0.0e+00  }
0x9c: {  	[tilespmem:s3+$0xFFFFFFE0] =	vst v1  }
0x9d: {  	v1 =	vld [tilespmem:s14+$0xFFFFFFF0]  }
0x9e: {  	v2 =	vld [tilespmem:s13+$0xFFFFFFF0];
	_ =	sdelay $0x1  }
0x9f: {  	v3 =	vld [tilespmem:s0+$0xFFFFFFF0];
	_ =	sdelay $0x2  }
0xa0: {  	v1 =	vadd.f32 v2, v1;
	_ =	sdelay $0x1  }
0xa1: {  	v1 =	vadd.f32 v3, v1;
	_ =	sdelay $0x1  }
0xa2: {  	v1 =	vmax.f32 v1, $0.0e+00  }
0xa3: {  	[tilespmem:s3+$0xFFFFFFF0] =	vst v1  }
0xa4: {  	v1 =	vld [tilespmem:s14+$0x0]  }
0xa5: {  	v2 =	vld [tilespmem:s13+$0x0];
	_ =	sdelay $0x1  }
0xa6: {  	v3 =	vld [tilespmem:s0+$0x0];
	_ =	sdelay $0x2  }
0xa7: {  	v1 =	vadd.f32 v2, v1;
	_ =	sdelay $0x1  }
0xa8: {  	v1 =	vadd.f32 v3, v1;
	_ =	sdelay $0x1  }
0xa9: {  	v1 =	vmax.f32 v1, $0.0e+00  }
0xaa: {  	[tilespmem:s3+$0x0] =	vst v1  }
0xab: {  	v1 =	vld [tilespmem:s14+$0x10]  }
0xac: {  	v2 =	vld [tilespmem:s13+$0x10]  }
0xad: {  	v3 =	vld [tilespmem:s0+$0x10];
	_ =	sdelay $0x3  }
0xae: {  	v1 =	vadd.f32 v2, v1;
	_ =	sdelay $0x1  }
0xaf: {  	v1 =	vadd.f32 v3, v1;
	_ =	sdelay $0x1  }
0xb0: {  	v1 =	vmax.f32 v1, $0.0e+00  }
0xb1: {  	[tilespmem:s3+$0x10] =	vst v1  }
0xb2: {  	v1 =	vld [tilespmem:s14+$0x20]  }
0xb3: {  	v2 =	vld [tilespmem:s13+$0x20]  }
0xb4: {  	v3 =	vld [tilespmem:s0+$0x20];
	_ =	sdelay $0x3  }
0xb5: {  	v1 =	vadd.f32 v2, v1;
	_ =	sdelay $0x1  }
0xb6: {  	v1 =	vadd.f32 v3, v1;
	_ =	sdelay $0x1  }
.Ltmp1:
0xb7: {  	v1 =	vmax.f32 v1, $0.0e+00;
	(pc) =	sbr.rel @p0 .LBB2_5-.Ltmp1, $4  }
0xb8: {  	[tilespmem:s3+$0x20] =	vst v1  }
0xb9: {  	v1 =	vld [tilespmem:s14+$0x30]  }
0xba: {  	v3 =	vld [tilespmem:s13+$0x30]  }
0xbb: {  	s14 =	sadd.s32 $0x80, s14;
	s13 =	sadd.s32 $0x80, s13;
	v2 =	vld [tilespmem:s0+$0x30]  }
0xbc: {  	_ =	sdelay $0x2  }
0xbd: {  	v1 =	vadd.f32 v3, v1;
	_ =	sdelay $0x1  }
0xbe: {  	v1 =	vadd.f32 v2, v1;
	_ =	sdelay $0x1  }
0xbf: {  	v1 =	vmax.f32 v1, $0.0e+00  }
0xc0: {  	s0 =	sadd.s32 s9, s31;
	[tilespmem:s12+$0x30] =	vst v1  }
0xc1: {  	[hbm4b:s0+s7] =	stream.linear.scatter [tilespmem:s28], [sflag:$0x2], $0x500, $0x38;
	[tilespmem:$0xB2C0] =	vst v63  }
0xc2: {  	s30 =	sadd.s32 $0x1, s30  }
0xc3: {  	[spmem:s4] =	stream.indirect.scatter.add.f32 [tilespmem:s28], [sflag:$0x3], $0x10, s20, s20, $0xb8;
	[tilespmem:$0xB2C0] =	vst v63  }
0xc4: {  	p0 =	sne.s32 s30, $0x7D;
	_ =	swait.ge [sflag:s25], $0x500  }
.Ltmp2:
0xc5: {  	[sflag:s25] =	ssyncset.done $0x0;
	(pc) =	sbr.rel @p0 .LBB2_4-.Ltmp2, $4  }
0xc6: {  	[sflag:s25] =	ssyncadd.s32 $0xFFFFFB00  }
0xc7: {  	_ =	swait.ge [sflag:s26], $0x500  }
0xc8: {  	[sflag:s26] =	ssyncset.done $0x0  }
0xc9: {  	[sflag:s26] =	ssyncadd.s32 $0xFFFFFB00  }
0xca: {  	[bflag:$0x0] =	sbarrier.arrive $0xFFFF  }
0xcb: {  	[tilespmem:s18], [sflag:$0x4] =	stream.linear.gather [spmem:s10], $0x2800, $0x38;
	[tilespmem:$0xB2C0] =	vst v63  }
0xcc: {  	s29 =	sadd.s32 $0x1, s29;
	_ =	swait.ge [sflag:s19], $0x2800  }
0xcd: {  	p0 =	sne.s32 s29, s17;
	[sflag:s19] =	ssyncset.done $0x0  }
.Ltmp3:
0xce: {  	[sflag:s19] =	ssyncadd.s32 $0xFFFFD800;
	(pc) =	sbr.rel @p0 .LBB2_1-.Ltmp3, $4  }
0xcf: {  	[hbm4b:s16+s7] =	stream.linear.scatter [tilespmem:s18], [sflag:$0x4], $0x2800, $0x38;
	[tilespmem:$0xB2C0] =	vst v63  }
0xd0: {  	_ =	swait.ge [sflag:s19], $0x2800  }
0xd1: {  	[sflag:s19] =	ssyncset.done $0x0  }
0xd2: {  	[sflag:s19] =	ssyncadd.s32 $0xFFFFD800  }
0xd3: {  	_ =	sfence.sel $0x180000  }
0xd4: {  	[bflag:$0x0] =	sbarrier.arrive $0xFFFF  }
0xd5: {  	_ =	strace $0x9000004D  }
0xd6: {  	s0 =	stileid.u32;
	[bflag:$0x2] =	sbarrier.arrive $0xFFFF  }
0xd7: {  	p0 =	sne.s32 s0, $0x0;
	s0 =	rddreg [dreg:$0x7]  }
0xd8: {  	s0 =	sadd.s32 @!p0 $0x100000, s0  }
0xd9: {  	[sflag:s0] =	ssyncadd.tile.s32 @!p0 $0x1;
	_ =	shalt  }
.Lfunc_end2:
_tile_overlayer_lowered:
.L_overlay_start_2:
0xda: {  	(tag) =	ssettag $0x2  }
0xdb: {  	s0 =	rddreg [dreg:$0x0];
	s2 =	stileid.u32  }
0xdc: {  	s1 =	rddreg [dreg:$0x1];
	p0 =	sne.s32 s2, $0x0  }
0xdd: {  	s3 =	rddreg [dreg:$0x2];
	[bflag:$0x3] =	sbarrier.arrive $0xFFFF;
	s2 =	simm.s32 @!p0 $0x1C04  }
0xde: {  	[timem:s3], [sflag:s2] =	dma.local @!p0 [hbm:s0], s1  }
0xdf: {  	s0 =	simm.s32 @!p0 $0x4  }
0xe0: {  	_ =	swait.ge @!p0 [sflag:s0], s1  }
0xe1: {  	s1 =	ssub.s32 @!p0 $0x0, s1;
	[sflag:s0] =	ssyncset.done @!p0 $0x0  }
0xe2: {  	[sflag:s0] =	ssyncadd.s32 @!p0 s1  }
0xe3: {  	[bflag:$0x3] =	sbarrier.arrive $0xFFFF  }
0xe4: {  	_ =	shalt  }

</sc_bundles>
